<compile_context>
chip_gen: v7x
topology: tpu7x:2x2x1
jax: 0.10.2.dev20260603
libtpu: 0.0.44.dev20260713+nightly
codegen_flags: <defaults>
</compile_context>

<pallas_src>
import functools

import jax
import jax.numpy as jnp
from jax import lax
from jax.experimental import pallas as pl
from jax.experimental.pallas import tpu as pltpu
from jax.experimental.pallas import tpu_sc as plsc

_BN = 4000
_CH = 2512
_NW = 32



def _sc_body(anc_hbm, ann_hbm, out_hbm,
             ax1v, ay1v, ax2v, ay2v, annv,
             omaxv, og1v, og2v, og3v, og4v, olabv, *, m):
    wid = lax.axis_index("s") * 2 + lax.axis_index("c")
    b = wid // 8
    pltpu.sync_copy(anc_hbm.at[wid, 0], ax1v)
    pltpu.sync_copy(anc_hbm.at[wid, 1], ay1v)
    pltpu.sync_copy(anc_hbm.at[wid, 2], ax2v)
    pltpu.sync_copy(anc_hbm.at[wid, 3], ay2v)
    pltpu.sync_copy(ann_hbm.at[b], annv)

    def field(k):
        vs = [annv[pl.ds(k * m + h * 16, 16)] for h in range(m // 16)]
        return [vs[mm // 16][mm % 16] for mm in range(m)]

    bx1s = field(0)
    by1s = field(1)
    bx2s = field(2)
    by2s = field(3)
    labs = field(4)
    areab = [(bx2s[mm] - bx1s[mm]) * (by2s[mm] - by1s[mm]) for mm in range(m)]

    @plsc.parallel_loop(0, _CH // 16, unroll=4)
    def group(j):
        sl = pl.ds(j * 16, 16)
        ax1 = ax1v[sl]
        ay1 = ay1v[sl]
        ax2 = ax2v[sl]
        ay2 = ay2v[sl]
        area_a = (ax2 - ax1) * (ay2 - ay1)
        best = jnp.full((16,), -2.0, jnp.float32)
        barg = jnp.zeros((16,), jnp.int32)
        for mm in range(m):
            iw = jnp.maximum(jnp.minimum(ax2, bx2s[mm]) - jnp.maximum(ax1, bx1s[mm]), 0.0)
            ih = jnp.maximum(jnp.minimum(ay2, by2s[mm]) - jnp.maximum(ay1, by1s[mm]), 0.0)
            inter = iw * ih
            union = jnp.maximum(area_a + areab[mm] - inter, 1e-8)
            iou = inter / union
            iou = jnp.where(labs[mm] != -1.0, iou, -1.0)
            upd = iou > best
            barg = jnp.where(upd, mm, barg)
            best = jnp.where(upd, iou, best)
        omaxv[sl] = best
        og1v[sl] = plsc.load_gather(annv, [barg])
        og2v[sl] = plsc.load_gather(annv, [barg + m])
        og3v[sl] = plsc.load_gather(annv, [barg + 2 * m])
        og4v[sl] = plsc.load_gather(annv, [barg + 3 * m])
        olabv[sl] = plsc.load_gather(annv, [barg + 4 * m])

    pltpu.sync_copy(omaxv, out_hbm.at[wid, 0])
    pltpu.sync_copy(og1v, out_hbm.at[wid, 1])
    pltpu.sync_copy(og2v, out_hbm.at[wid, 2])
    pltpu.sync_copy(og3v, out_hbm.at[wid, 3])
    pltpu.sync_copy(og4v, out_hbm.at[wid, 4])
    pltpu.sync_copy(olabv, out_hbm.at[wid, 5])


def _sc_match(anc_pad, annotations, m):
    mesh = plsc.VectorSubcoreMesh(core_axis_name="c", subcore_axis_name="s")
    f32 = jnp.float32
    kern = functools.partial(
        pl.kernel,
        mesh=mesh,
        compiler_params=pltpu.CompilerParams(needs_layout_passes=False),
        out_type=jax.ShapeDtypeStruct((_NW, 6, _CH), f32),
        scratch_types=[
            pltpu.VMEM((_CH,), f32), pltpu.VMEM((_CH,), f32),
            pltpu.VMEM((_CH,), f32), pltpu.VMEM((_CH,), f32),
            pltpu.VMEM((5 * m,), f32),
            pltpu.VMEM((_CH,), f32), pltpu.VMEM((_CH,), f32),
            pltpu.VMEM((_CH,), f32), pltpu.VMEM((_CH,), f32),
            pltpu.VMEM((_CH,), f32), pltpu.VMEM((_CH,), f32),
        ],
    )(functools.partial(_sc_body, m=m))
    return kern(anc_pad, annotations)



def _tc_body(cls_ref, reg_ref, anc_ref, sc_ref, cls_o, npos_o, reg_o, *, bn, c):
    i = pl.program_id(1)

    @pl.when(i == 0)
    def _init():
        cls_o[...] = jnp.zeros_like(cls_o)
        npos_o[...] = jnp.zeros_like(npos_o)
        reg_o[...] = jnp.zeros_like(reg_o)

    sc = sc_ref[0, 0]
    iou_max = sc[0:1, :]
    gx1 = sc[1:2, :]
    gy1 = sc[2:3, :]
    gx2 = sc[3:4, :]
    gy2 = sc[4:5, :]
    glab = sc[5:6, :]
    anc = anc_ref[0, 0]
    ax1 = anc[0:1, :]
    ay1 = anc[1:2, :]
    ax2 = anc[2:3, :]
    ay2 = anc[3:4, :]

    pos = iou_max >= 0.5
    keep = jnp.logical_or(iou_max < 0.4, pos)
    npos_part = jnp.sum(pos.astype(jnp.float32))

    aw = ax2 - ax1
    ah = ay2 - ay1
    acx = ax1 + 0.5 * aw
    acy = ay1 + 0.5 * ah
    gw = gx2 - gx1
    gh = gy2 - gy1
    gcx = gx1 + 0.5 * gw
    gcy = gy1 + 0.5 * gh
    gw = jnp.maximum(gw, 1.0)
    gh = jnp.maximum(gh, 1.0)
    t0 = ((gcx - acx) / aw) / 0.1
    t1 = ((gcy - acy) / ah) / 0.1
    t2 = jnp.log(gw / aw) / 0.2
    t3 = jnp.log(gh / ah) / 0.2
    reg = reg_ref[0, 0]
    d0 = jnp.abs(t0 - reg[0:1, :])
    d1 = jnp.abs(t1 - reg[1:2, :])
    d2 = jnp.abs(t2 - reg[2:3, :])
    d3 = jnp.abs(t3 - reg[3:4, :])

    def smooth_l1(d):
        return jnp.where(d < 1.0 / 9.0, 0.5 * 9.0 * (d * d), d - 0.5 / 9.0)

    rl = smooth_l1(d0) + smooth_l1(d1) + smooth_l1(d2) + smooth_l1(d3)
    reg_part = jnp.sum(jnp.where(pos, rl, 0.0))

    glab_col = jnp.transpose(glab, (1, 0))

    cls = jnp.clip(cls_ref[0], 0.0001, 1.0 - 0.0001)
    logm = jnp.log(1.0 - cls)
    nege = (0.75 * (cls * cls)) * logm
    tot_c = jnp.dot(keep.astype(jnp.bfloat16), nege.astype(jnp.bfloat16),
                    preferred_element_type=jnp.float32)
    ci = lax.broadcasted_iota(jnp.int32, (bn, c), 1)
    g_col = jnp.sum(jnp.where(ci == glab_col.astype(jnp.int32), cls, 0.0),
                    axis=1, keepdims=True)
    g = jnp.transpose(g_col, (1, 0))
    pos_e = (0.25 * ((1.0 - g) * (1.0 - g))) * (-jnp.log(g))
    neg_e = (0.75 * (g * g)) * (-jnp.log(1.0 - g))
    corr = jnp.where(pos, pos_e - neg_e, 0.0)
    cls_part = jnp.sum(corr) - jnp.sum(tot_c)

    cls_o[...] += jnp.full(cls_o.shape, cls_part, jnp.float32)
    npos_o[...] += jnp.full(npos_o.shape, npos_part, jnp.float32)
    reg_o[...] += jnp.full(reg_o.shape, reg_part, jnp.float32)


@jax.jit
def kernel(classifications, regressions, anchors, annotations):
    b, n, c = classifications.shape
    m = annotations.shape[1]
    bn = _BN
    nb = n // bn
    per_w = (b * n) // _NW

    anc_pad = jnp.pad(anchors.reshape(_NW, per_w, 4),
                      ((0, 0), (0, _CH - per_w), (0, 0))).transpose(0, 2, 1)
    ann_sc = annotations.transpose(0, 2, 1).reshape(b, 5 * m)
    scm = _sc_match(anc_pad, ann_sc, m)
    scm = scm[:, :, :per_w].reshape(b, _NW // b, 6, per_w)
    scm = scm.transpose(0, 2, 1, 3).reshape(b, 6, nb, bn)
    scm = scm.transpose(0, 2, 1, 3)

    anc_t = anchors.reshape(b, nb, bn, 4).transpose(0, 1, 3, 2)
    reg_t = regressions.reshape(b, nb, bn, 4).transpose(0, 1, 3, 2)

    body = functools.partial(_tc_body, bn=bn, c=c)
    out_sds = jax.ShapeDtypeStruct((b, 1, 128), jnp.float32)
    cls_s, npos, reg_s = pl.pallas_call(
        body,
        grid=(b, nb),
        in_specs=[
            pl.BlockSpec((1, bn, c), lambda bb, ii: (bb, ii, 0)),
            pl.BlockSpec((1, 1, 4, bn), lambda bb, ii: (bb, ii, 0, 0)),
            pl.BlockSpec((1, 1, 4, bn), lambda bb, ii: (bb, ii, 0, 0)),
            pl.BlockSpec((1, 1, 6, bn), lambda bb, ii: (bb, ii, 0, 0)),
        ],
        out_specs=[
            pl.BlockSpec((1, 1, 128), lambda bb, ii: (bb, 0, 0)),
            pl.BlockSpec((1, 1, 128), lambda bb, ii: (bb, 0, 0)),
            pl.BlockSpec((1, 1, 128), lambda bb, ii: (bb, 0, 0)),
        ],
        out_shape=[out_sds, out_sds, out_sds],
    )(classifications, reg_t, anc_t, scm)

    cls_s = cls_s[:, 0, 0]
    npos = npos[:, 0, 0]
    reg_s = reg_s[:, 0, 0]
    cls_tot = jnp.where(npos > 0, cls_s / jnp.maximum(npos, 1.0), 0.0)
    reg_tot = jnp.where(npos > 0, reg_s / jnp.maximum(4.0 * npos, 1.0), 0.0)
    return jnp.mean(cls_tot), jnp.mean(reg_tot)

# --- scband reference (transcript-rebuilt; emitter-appended) ---
"""Pipeline reference for scband-sequence-focal-loss-79422535238404 (READ-ONLY COPY).

The authoritative reference and input builder live on the scoring server;
editing this copy changes nothing except your own understanding.
"""

import jax, jax.numpy as jnp
import numpy as np

B, N, M, C = 4, 20000, 32, 80


def _make_boxes(key, shape_prefix, scale, smin, smax):
    k1, k2 = jax.random.split(key)
    ctr = jax.random.uniform(k1, shape_prefix + (2,), minval=0.0, maxval=scale, dtype=jnp.float32)
    wh = jax.random.uniform(k2, shape_prefix + (2,), minval=smin, maxval=smax, dtype=jnp.float32)
    return jnp.concatenate([ctr - 0.5 * wh, ctr + 0.5 * wh], axis=-1)


def setup_inputs(seed: int = 0) -> dict:
    key = jax.random.key(seed)
    k1, k2, k3, k4, k5 = jax.random.split(key, 5)
    classifications = jax.random.uniform(k1, (B, N, C), dtype=jnp.float32)
    regressions = jax.random.normal(k2, (B, N, 4), dtype=jnp.float32)
    anchors = _make_boxes(k3, (B, N), 512.0, 8.0, 96.0)
    gt_boxes = _make_boxes(k4, (B, M), 512.0, 16.0, 128.0)
    labels = jax.random.randint(k5, (B, M, 1), 0, C).astype(jnp.float32)
    annotations = jnp.concatenate([gt_boxes, labels], axis=-1)
    return {"classifications": classifications, "regressions": regressions, "anchors": anchors, "annotations": annotations}


def _calc_iou(a, b):
    iw = jnp.minimum(a[:, None, 2], b[None, :, 2]) - jnp.maximum(a[:, None, 0], b[None, :, 0])
    ih = jnp.minimum(a[:, None, 3], b[None, :, 3]) - jnp.maximum(a[:, None, 1], b[None, :, 1])
    iw = jnp.maximum(iw, 0.0)
    ih = jnp.maximum(ih, 0.0)
    inter = iw * ih
    area_a = (a[:, 2] - a[:, 0]) * (a[:, 3] - a[:, 1])
    area_b = (b[:, 2] - b[:, 0]) * (b[:, 3] - b[:, 1])
    union = jnp.maximum(area_a[:, None] + area_b[None, :] - inter, 1e-8)
    return inter / union


def _per_image(classification, regression, anchor, annotation):
    alpha, gamma = 0.25, 2.0
    num_anchors, num_classes = classification.shape
    valid = annotation[:, 4] != -1.0
    IoU = _calc_iou(anchor, annotation[:, :4])
    IoU = jnp.where(valid[None, :], IoU, -1.0)
    IoU_max = jnp.max(IoU, axis=1)
    IoU_argmax = jnp.argmax(IoU, axis=1)
    targets = -jnp.ones((num_anchors, num_classes), dtype=classification.dtype)
    targets = jnp.where((IoU_max < 0.4)[:, None], 0.0, targets)
    pos = IoU_max >= 0.5
    num_pos = jnp.sum(pos.astype(jnp.float32))
    assigned = annotation[IoU_argmax]
    one_hot = jax.nn.one_hot(assigned[:, 4].astype(jnp.int32), num_classes, dtype=classification.dtype)
    targets = jnp.where(pos[:, None], one_hot, targets)
    cls = jnp.clip(classification, 0.0001, 1.0 - 0.0001)
    alpha_factor = jnp.where(targets == 1.0, alpha, 1.0 - alpha)
    focal_weight = jnp.where(targets == 1.0, 1.0 - cls, cls)
    focal_weight = alpha_factor * focal_weight ** gamma
    bce = -(targets * jnp.log(cls) + (1.0 - targets) * jnp.log(1.0 - cls))
    cls_loss = focal_weight * bce
    cls_loss = jnp.where(targets != -1.0, cls_loss, 0.0)
    cls_total = jnp.sum(cls_loss) / jnp.maximum(num_pos, 1.0)
    cls_total = jnp.where(num_pos > 0, cls_total, 0.0)
    aw = anchor[:, 2] - anchor[:, 0]
    ah = anchor[:, 3] - anchor[:, 1]
    acx = anchor[:, 0] + 0.5 * aw
    acy = anchor[:, 1] + 0.5 * ah
    gw = assigned[:, 2] - assigned[:, 0]
    gh = assigned[:, 3] - assigned[:, 1]
    gcx = assigned[:, 0] + 0.5 * gw
    gcy = assigned[:, 1] + 0.5 * gh
    gw = jnp.maximum(gw, 1.0)
    gh = jnp.maximum(gh, 1.0)
    tdx = (gcx - acx) / aw
    tdy = (gcy - acy) / ah
    tdw = jnp.log(gw / aw)
    tdh = jnp.log(gh / ah)
    reg_targets = jnp.stack([tdx, tdy, tdw, tdh], axis=1) / jnp.array([0.1, 0.1, 0.2, 0.2], dtype=classification.dtype)
    diff = jnp.abs(reg_targets - regression)
    reg_loss = jnp.where(diff < 1.0 / 9.0, 0.5 * 9.0 * diff ** 2, diff - 0.5 / 9.0)
    reg_loss = jnp.where(pos[:, None], reg_loss, 0.0)
    reg_total = jnp.sum(reg_loss) / jnp.maximum(4.0 * num_pos, 1.0)
    reg_total = jnp.where(num_pos > 0, reg_total, 0.0)
    return cls_total, reg_total


def reference(classifications, regressions, anchors, annotations):
    cls_losses = []
    reg_losses = []
    for b in range(classifications.shape[0]):
        c, r = _per_image(classifications[b], regressions[b], anchors[b], annotations[b])
        cls_losses.append(c)
        reg_losses.append(r)
    return (jnp.mean(jnp.stack(cls_losses)), jnp.mean(jnp.stack(reg_losses)))

if __name__ == "__main__":
    import jax
    _d = setup_inputs()
    print(jax.jit(kernel)(*tuple(_d.values())))

</pallas_src>

<mosaic_0001>
#map = affine_map<(d0, d1) -> (0, 0, 0)>
#map1 = affine_map<(d0, d1) -> (0, 0)>
module attributes {stable_mosaic.version = 14 : i64} {
  func.func @_sc_body(%arg0: i32, %arg1: i32, %arg2: memref<32x4x2512xf32, #tpu.memory_space<hbm>>, %arg3: memref<4x160xf32, #tpu.memory_space<hbm>>, %arg4: memref<32x6x2512xf32, #tpu.memory_space<hbm>>, %arg5: memref<2512xf32, #tpu.memory_space<vmem>>, %arg6: memref<2512xf32, #tpu.memory_space<vmem>>, %arg7: memref<2512xf32, #tpu.memory_space<vmem>>, %arg8: memref<2512xf32, #tpu.memory_space<vmem>>, %arg9: memref<160xf32, #tpu.memory_space<vmem>>, %arg10: memref<2512xf32, #tpu.memory_space<vmem>>, %arg11: memref<2512xf32, #tpu.memory_space<vmem>>, %arg12: memref<2512xf32, #tpu.memory_space<vmem>>, %arg13: memref<2512xf32, #tpu.memory_space<vmem>>, %arg14: memref<2512xf32, #tpu.memory_space<vmem>>, %arg15: memref<2512xf32, #tpu.memory_space<vmem>>) attributes {dimension_semantics = [#tpu.dimension_semantics<core_parallel>, #tpu.dimension_semantics<subcore_parallel>], iteration_bounds = array<i64: 2, 16>, scalar_prefetch = 0 : i64, scratch_operands = 11 : i64, tpu.core_type = #tpu.core_type<sc_vector_subcore>, window_params = [{transform_indices = #map}, {transform_indices = #map1}, {transform_indices = #map}]} {
    %mul3A = arith.constant 2 : i32
    %mul3A_0 = arith.muli %arg1, %mul3A : i32
    %add3A = arith.addi %mul3A_0, %arg0 : i32
    %jit3A = arith.constant 8 : i32
    %div3A = arith.divsi %add3A, %jit3A : i32
    %sign3A = arith.constant 0 : i32
    %sign3A_1 = arith.cmpi sgt, %add3A, %sign3A : i32
    %sign3A_2 = arith.extui %sign3A_1 : i1 to i32
    %sign3A_3 = arith.constant 0 : i32
    %sign3A_4 = arith.cmpi slt, %add3A, %sign3A_3 : i32
    %sign3A_5 = arith.extui %sign3A_4 : i1 to i32
    %sign3A_6 = arith.subi %sign3A_2, %sign3A_5 : i32
    %sign3A_7 = arith.constant 0 : i32
    %sign3A_8 = arith.cmpi sgt, %jit3A, %sign3A_7 : i32
    %sign3A_9 = arith.extui %sign3A_8 : i1 to i32
    %sign3A_10 = arith.constant 0 : i32
    %sign3A_11 = arith.cmpi slt, %jit3A, %sign3A_10 : i32
    %sign3A_12 = arith.extui %sign3A_11 : i1 to i32
    %sign3A_13 = arith.subi %sign3A_9, %sign3A_12 : i32
    %ne3A = arith.cmpi ne, %sign3A_6, %sign3A_13 : i32
    %rem3A = arith.remsi %add3A, %jit3A : i32
    %ne3A_14 = arith.constant 0 : i32
    %ne3A_15 = arith.cmpi ne, %rem3A, %ne3A_14 : i32
    %and3A = arith.andi %ne3A, %ne3A_15 : i1
    %sub3A = arith.constant 1 : i32
    %sub3A_16 = arith.subi %div3A, %sub3A : i32
    %select_n3A = arith.select %and3A, %sub3A_16, %div3A : i32
    %run_scoped3A = arith.constant 0 : i32
    "tpu.region"() ({
      %run_scoped3A_461 = tpu.sem_alloc : memref<!tpu.dma_semaphore, #tpu.memory_space<semaphore_mem>>
      %dma_start3A = arith.constant 0 : i32
      %dma_start3A_462 = tpu.memref_slice %arg2[%add3A, %run_scoped3A, %dma_start3A] : memref<32x4x2512xf32, #tpu.memory_space<hbm>> -> memref<1x1x2512xf32, #tpu.memory_space<hbm>>
      %dma_start3A_463 = tpu.memref_squeeze %dma_start3A_462 : memref<1x1x2512xf32, #tpu.memory_space<hbm>> -> memref<2512xf32, #tpu.memory_space<hbm>>
      %dma_start3A_464 = arith.constant 0 : i32
      %dma_start3A_465 = tpu.memref_slice %arg2[%add3A, %run_scoped3A, %dma_start3A_464] : memref<32x4x2512xf32, #tpu.memory_space<hbm>> -> memref<1x1x2512xf32, #tpu.memory_space<hbm>>
      %dma_start3A_466 = tpu.memref_squeeze %dma_start3A_465 : memref<1x1x2512xf32, #tpu.memory_space<hbm>> -> memref<2512xf32, #tpu.memory_space<hbm>>
      tpu.enqueue_dma source(%dma_start3A_466 : memref<2512xf32, #tpu.memory_space<hbm>>) target(%arg5 : memref<2512xf32, #tpu.memory_space<vmem>>) target_semaphore(%run_scoped3A_461 : memref<!tpu.dma_semaphore, #tpu.memory_space<semaphore_mem>>)
      %dma_wait3A = arith.constant 0 : i32
      %dma_wait3A_467 = tpu.memref_slice %arg2[%add3A, %run_scoped3A, %dma_wait3A] : memref<32x4x2512xf32, #tpu.memory_space<hbm>> -> memref<1x1x2512xf32, #tpu.memory_space<hbm>>
      %dma_wait3A_468 = tpu.memref_squeeze %dma_wait3A_467 : memref<1x1x2512xf32, #tpu.memory_space<hbm>> -> memref<2512xf32, #tpu.memory_space<hbm>>
      %dma_wait3A_469 = arith.constant 0 : i32
      %dma_wait3A_470 = tpu.memref_slice %arg2[%add3A, %run_scoped3A, %dma_wait3A_469] : memref<32x4x2512xf32, #tpu.memory_space<hbm>> -> memref<1x1x2512xf32, #tpu.memory_space<hbm>>
      %dma_wait3A_471 = tpu.memref_squeeze %dma_wait3A_470 : memref<1x1x2512xf32, #tpu.memory_space<hbm>> -> memref<2512xf32, #tpu.memory_space<hbm>>
      tpu.wait_dma2 semaphore(%run_scoped3A_461 : memref<!tpu.dma_semaphore, #tpu.memory_space<semaphore_mem>>) src(%dma_wait3A_471 : memref<2512xf32, #tpu.memory_space<hbm>>) dst(%arg5 : memref<2512xf32, #tpu.memory_space<vmem>>)
      tpu.yield
    }) : () -> ()
    %run_scoped3A_17 = arith.constant 1 : i32
    "tpu.region"() ({
      %run_scoped3A_461 = tpu.sem_alloc : memref<!tpu.dma_semaphore, #tpu.memory_space<semaphore_mem>>
      %dma_start3A = arith.constant 0 : i32
      %dma_start3A_462 = tpu.memref_slice %arg2[%add3A, %run_scoped3A_17, %dma_start3A] : memref<32x4x2512xf32, #tpu.memory_space<hbm>> -> memref<1x1x2512xf32, #tpu.memory_space<hbm>>
      %dma_start3A_463 = tpu.memref_squeeze %dma_start3A_462 : memref<1x1x2512xf32, #tpu.memory_space<hbm>> -> memref<2512xf32, #tpu.memory_space<hbm>>
      %dma_start3A_464 = arith.constant 0 : i32
      %dma_start3A_465 = tpu.memref_slice %arg2[%add3A, %run_scoped3A_17, %dma_start3A_464] : memref<32x4x2512xf32, #tpu.memory_space<hbm>> -> memref<1x1x2512xf32, #tpu.memory_space<hbm>>
      %dma_start3A_466 = tpu.memref_squeeze %dma_start3A_465 : memref<1x1x2512xf32, #tpu.memory_space<hbm>> -> memref<2512xf32, #tpu.memory_space<hbm>>
      tpu.enqueue_dma source(%dma_start3A_466 : memref<2512xf32, #tpu.memory_space<hbm>>) target(%arg6 : memref<2512xf32, #tpu.memory_space<vmem>>) target_semaphore(%run_scoped3A_461 : memref<!tpu.dma_semaphore, #tpu.memory_space<semaphore_mem>>)
      %dma_wait3A = arith.constant 0 : i32
      %dma_wait3A_467 = tpu.memref_slice %arg2[%add3A, %run_scoped3A_17, %dma_wait3A] : memref<32x4x2512xf32, #tpu.memory_space<hbm>> -> memref<1x1x2512xf32, #tpu.memory_space<hbm>>
      %dma_wait3A_468 = tpu.memref_squeeze %dma_wait3A_467 : memref<1x1x2512xf32, #tpu.memory_space<hbm>> -> memref<2512xf32, #tpu.memory_space<hbm>>
      %dma_wait3A_469 = arith.constant 0 : i32
      %dma_wait3A_470 = tpu.memref_slice %arg2[%add3A, %run_scoped3A_17, %dma_wait3A_469] : memref<32x4x2512xf32, #tpu.memory_space<hbm>> -> memref<1x1x2512xf32, #tpu.memory_space<hbm>>
      %dma_wait3A_471 = tpu.memref_squeeze %dma_wait3A_470 : memref<1x1x2512xf32, #tpu.memory_space<hbm>> -> memref<2512xf32, #tpu.memory_space<hbm>>
      tpu.wait_dma2 semaphore(%run_scoped3A_461 : memref<!tpu.dma_semaphore, #tpu.memory_space<semaphore_mem>>) src(%dma_wait3A_471 : memref<2512xf32, #tpu.memory_space<hbm>>) dst(%arg6 : memref<2512xf32, #tpu.memory_space<vmem>>)
      tpu.yield
    }) : () -> ()
    %run_scoped3A_18 = arith.constant 2 : i32
    "tpu.region"() ({
      %run_scoped3A_461 = tpu.sem_alloc : memref<!tpu.dma_semaphore, #tpu.memory_space<semaphore_mem>>
      %dma_start3A = arith.constant 0 : i32
      %dma_start3A_462 = tpu.memref_slice %arg2[%add3A, %run_scoped3A_18, %dma_start3A] : memref<32x4x2512xf32, #tpu.memory_space<hbm>> -> memref<1x1x2512xf32, #tpu.memory_space<hbm>>
      %dma_start3A_463 = tpu.memref_squeeze %dma_start3A_462 : memref<1x1x2512xf32, #tpu.memory_space<hbm>> -> memref<2512xf32, #tpu.memory_space<hbm>>
      %dma_start3A_464 = arith.constant 0 : i32
      %dma_start3A_465 = tpu.memref_slice %arg2[%add3A, %run_scoped3A_18, %dma_start3A_464] : memref<32x4x2512xf32, #tpu.memory_space<hbm>> -> memref<1x1x2512xf32, #tpu.memory_space<hbm>>
      %dma_start3A_466 = tpu.memref_squeeze %dma_start3A_465 : memref<1x1x2512xf32, #tpu.memory_space<hbm>> -> memref<2512xf32, #tpu.memory_space<hbm>>
      tpu.enqueue_dma source(%dma_start3A_466 : memref<2512xf32, #tpu.memory_space<hbm>>) target(%arg7 : memref<2512xf32, #tpu.memory_space<vmem>>) target_semaphore(%run_scoped3A_461 : memref<!tpu.dma_semaphore, #tpu.memory_space<semaphore_mem>>)
      %dma_wait3A = arith.constant 0 : i32
      %dma_wait3A_467 = tpu.memref_slice %arg2[%add3A, %run_scoped3A_18, %dma_wait3A] : memref<32x4x2512xf32, #tpu.memory_space<hbm>> -> memref<1x1x2512xf32, #tpu.memory_space<hbm>>
      %dma_wait3A_468 = tpu.memref_squeeze %dma_wait3A_467 : memref<1x1x2512xf32, #tpu.memory_space<hbm>> -> memref<2512xf32, #tpu.memory_space<hbm>>
      %dma_wait3A_469 = arith.constant 0 : i32
      %dma_wait3A_470 = tpu.memref_slice %arg2[%add3A, %run_scoped3A_18, %dma_wait3A_469] : memref<32x4x2512xf32, #tpu.memory_space<hbm>> -> memref<1x1x2512xf32, #tpu.memory_space<hbm>>
      %dma_wait3A_471 = tpu.memref_squeeze %dma_wait3A_470 : memref<1x1x2512xf32, #tpu.memory_space<hbm>> -> memref<2512xf32, #tpu.memory_space<hbm>>
      tpu.wait_dma2 semaphore(%run_scoped3A_461 : memref<!tpu.dma_semaphore, #tpu.memory_space<semaphore_mem>>) src(%dma_wait3A_471 : memref<2512xf32, #tpu.memory_space<hbm>>) dst(%arg7 : memref<2512xf32, #tpu.memory_space<vmem>>)
      tpu.yield
    }) : () -> ()
    %run_scoped3A_19 = arith.constant 3 : i32
    "tpu.region"() ({
      %run_scoped3A_461 = tpu.sem_alloc : memref<!tpu.dma_semaphore, #tpu.memory_space<semaphore_mem>>
      %dma_start3A = arith.constant 0 : i32
      %dma_start3A_462 = tpu.memref_slice %arg2[%add3A, %run_scoped3A_19, %dma_start3A] : memref<32x4x2512xf32, #tpu.memory_space<hbm>> -> memref<1x1x2512xf32, #tpu.memory_space<hbm>>
      %dma_start3A_463 = tpu.memref_squeeze %dma_start3A_462 : memref<1x1x2512xf32, #tpu.memory_space<hbm>> -> memref<2512xf32, #tpu.memory_space<hbm>>
      %dma_start3A_464 = arith.constant 0 : i32
      %dma_start3A_465 = tpu.memref_slice %arg2[%add3A, %run_scoped3A_19, %dma_start3A_464] : memref<32x4x2512xf32, #tpu.memory_space<hbm>> -> memref<1x1x2512xf32, #tpu.memory_space<hbm>>
      %dma_start3A_466 = tpu.memref_squeeze %dma_start3A_465 : memref<1x1x2512xf32, #tpu.memory_space<hbm>> -> memref<2512xf32, #tpu.memory_space<hbm>>
      tpu.enqueue_dma source(%dma_start3A_466 : memref<2512xf32, #tpu.memory_space<hbm>>) target(%arg8 : memref<2512xf32, #tpu.memory_space<vmem>>) target_semaphore(%run_scoped3A_461 : memref<!tpu.dma_semaphore, #tpu.memory_space<semaphore_mem>>)
      %dma_wait3A = arith.constant 0 : i32
      %dma_wait3A_467 = tpu.memref_slice %arg2[%add3A, %run_scoped3A_19, %dma_wait3A] : memref<32x4x2512xf32, #tpu.memory_space<hbm>> -> memref<1x1x2512xf32, #tpu.memory_space<hbm>>
      %dma_wait3A_468 = tpu.memref_squeeze %dma_wait3A_467 : memref<1x1x2512xf32, #tpu.memory_space<hbm>> -> memref<2512xf32, #tpu.memory_space<hbm>>
      %dma_wait3A_469 = arith.constant 0 : i32
      %dma_wait3A_470 = tpu.memref_slice %arg2[%add3A, %run_scoped3A_19, %dma_wait3A_469] : memref<32x4x2512xf32, #tpu.memory_space<hbm>> -> memref<1x1x2512xf32, #tpu.memory_space<hbm>>
      %dma_wait3A_471 = tpu.memref_squeeze %dma_wait3A_470 : memref<1x1x2512xf32, #tpu.memory_space<hbm>> -> memref<2512xf32, #tpu.memory_space<hbm>>
      tpu.wait_dma2 semaphore(%run_scoped3A_461 : memref<!tpu.dma_semaphore, #tpu.memory_space<semaphore_mem>>) src(%dma_wait3A_471 : memref<2512xf32, #tpu.memory_space<hbm>>) dst(%arg8 : memref<2512xf32, #tpu.memory_space<vmem>>)
      tpu.yield
    }) : () -> ()
    "tpu.region"() ({
      %run_scoped3A_461 = tpu.sem_alloc : memref<!tpu.dma_semaphore, #tpu.memory_space<semaphore_mem>>
      %dma_start3A = arith.constant 0 : i32
      %dma_start3A_462 = tpu.memref_slice %arg3[%select_n3A, %dma_start3A] : memref<4x160xf32, #tpu.memory_space<hbm>> -> memref<1x160xf32, #tpu.memory_space<hbm>>
      %dma_start3A_463 = tpu.memref_squeeze %dma_start3A_462 : memref<1x160xf32, #tpu.memory_space<hbm>> -> memref<160xf32, #tpu.memory_space<hbm>>
      %dma_start3A_464 = arith.constant 0 : i32
      %dma_start3A_465 = tpu.memref_slice %arg3[%select_n3A, %dma_start3A_464] : memref<4x160xf32, #tpu.memory_space<hbm>> -> memref<1x160xf32, #tpu.memory_space<hbm>>
      %dma_start3A_466 = tpu.memref_squeeze %dma_start3A_465 : memref<1x160xf32, #tpu.memory_space<hbm>> -> memref<160xf32, #tpu.memory_space<hbm>>
      tpu.enqueue_dma source(%dma_start3A_466 : memref<160xf32, #tpu.memory_space<hbm>>) target(%arg9 : memref<160xf32, #tpu.memory_space<vmem>>) target_semaphore(%run_scoped3A_461 : memref<!tpu.dma_semaphore, #tpu.memory_space<semaphore_mem>>)
      %dma_wait3A = arith.constant 0 : i32
      %dma_wait3A_467 = tpu.memref_slice %arg3[%select_n3A, %dma_wait3A] : memref<4x160xf32, #tpu.memory_space<hbm>> -> memref<1x160xf32, #tpu.memory_space<hbm>>
      %dma_wait3A_468 = tpu.memref_squeeze %dma_wait3A_467 : memref<1x160xf32, #tpu.memory_space<hbm>> -> memref<160xf32, #tpu.memory_space<hbm>>
      %dma_wait3A_469 = arith.constant 0 : i32
      %dma_wait3A_470 = tpu.memref_slice %arg3[%select_n3A, %dma_wait3A_469] : memref<4x160xf32, #tpu.memory_space<hbm>> -> memref<1x160xf32, #tpu.memory_space<hbm>>
      %dma_wait3A_471 = tpu.memref_squeeze %dma_wait3A_470 : memref<1x160xf32, #tpu.memory_space<hbm>> -> memref<160xf32, #tpu.memory_space<hbm>>
      tpu.wait_dma2 semaphore(%run_scoped3A_461 : memref<!tpu.dma_semaphore, #tpu.memory_space<semaphore_mem>>) src(%dma_wait3A_471 : memref<160xf32, #tpu.memory_space<hbm>>) dst(%arg9 : memref<160xf32, #tpu.memory_space<vmem>>)
      tpu.yield
    }) : () -> ()
    %get3A = arith.constant 0 : index
    %get3A_20 = tpu.vector_load %arg9[%get3A] {strides = array<i32>} : memref<160xf32, #tpu.memory_space<vmem>>, vector<16xf32>,
    %get3A_21 = arith.constant 16 : index
    %get3A_22 = tpu.vector_load %arg9[%get3A_21] {strides = array<i32>} : memref<160xf32, #tpu.memory_space<vmem>>, vector<16xf32>,
    %slice3A = vector.extract_strided_slice %get3A_20 {offsets = [0], sizes = [1], strides = [1]} : vector<16xf32> to vector<1xf32>
    %squeeze3A = vector.extract %slice3A[0] : f32 from vector<1xf32>
    %slice3A_23 = vector.extract_strided_slice %get3A_20 {offsets = [1], sizes = [1], strides = [1]} : vector<16xf32> to vector<1xf32>
    %squeeze3A_24 = vector.extract %slice3A_23[0] : f32 from vector<1xf32>
    %slice3A_25 = vector.extract_strided_slice %get3A_20 {offsets = [2], sizes = [1], strides = [1]} : vector<16xf32> to vector<1xf32>
    %squeeze3A_26 = vector.extract %slice3A_25[0] : f32 from vector<1xf32>
    %slice3A_27 = vector.extract_strided_slice %get3A_20 {offsets = [3], sizes = [1], strides = [1]} : vector<16xf32> to vector<1xf32>
    %squeeze3A_28 = vector.extract %slice3A_27[0] : f32 from vector<1xf32>
    %slice3A_29 = vector.extract_strided_slice %get3A_20 {offsets = [4], sizes = [1], strides = [1]} : vector<16xf32> to vector<1xf32>
    %squeeze3A_30 = vector.extract %slice3A_29[0] : f32 from vector<1xf32>
    %slice3A_31 = vector.extract_strided_slice %get3A_20 {offsets = [5], sizes = [1], strides = [1]} : vector<16xf32> to vector<1xf32>
    %squeeze3A_32 = vector.extract %slice3A_31[0] : f32 from vector<1xf32>
    %slice3A_33 = vector.extract_strided_slice %get3A_20 {offsets = [6], sizes = [1], strides = [1]} : vector<16xf32> to vector<1xf32>
    %squeeze3A_34 = vector.extract %slice3A_33[0] : f32 from vector<1xf32>
    %slice3A_35 = vector.extract_strided_slice %get3A_20 {offsets = [7], sizes = [1], strides = [1]} : vector<16xf32> to vector<1xf32>
    %squeeze3A_36 = vector.extract %slice3A_35[0] : f32 from vector<1xf32>
    %slice3A_37 = vector.extract_strided_slice %get3A_20 {offsets = [8], sizes = [1], strides = [1]} : vector<16xf32> to vector<1xf32>
    %squeeze3A_38 = vector.extract %slice3A_37[0] : f32 from vector<1xf32>
    %slice3A_39 = vector.extract_strided_slice %get3A_20 {offsets = [9], sizes = [1], strides = [1]} : vector<16xf32> to vector<1xf32>
    %squeeze3A_40 = vector.extract %slice3A_39[0] : f32 from vector<1xf32>
    %slice3A_41 = vector.extract_strided_slice %get3A_20 {offsets = [10], sizes = [1], strides = [1]} : vector<16xf32> to vector<1xf32>
    %squeeze3A_42 = vector.extract %slice3A_41[0] : f32 from vector<1xf32>
    %slice3A_43 = vector.extract_strided_slice %get3A_20 {offsets = [11], sizes = [1], strides = [1]} : vector<16xf32> to vector<1xf32>
    %squeeze3A_44 = vector.extract %slice3A_43[0] : f32 from vector<1xf32>
    %slice3A_45 = vector.extract_strided_slice %get3A_20 {offsets = [12], sizes = [1], strides = [1]} : vector<16xf32> to vector<1xf32>
    %squeeze3A_46 = vector.extract %slice3A_45[0] : f32 from vector<1xf32>
    %slice3A_47 = vector.extract_strided_slice %get3A_20 {offsets = [13], sizes = [1], strides = [1]} : vector<16xf32> to vector<1xf32>
    %squeeze3A_48 = vector.extract %slice3A_47[0] : f32 from vector<1xf32>
    %slice3A_49 = vector.extract_strided_slice %get3A_20 {offsets = [14], sizes = [1], strides = [1]} : vector<16xf32> to vector<1xf32>
    %squeeze3A_50 = vector.extract %slice3A_49[0] : f32 from vector<1xf32>
    %slice3A_51 = vector.extract_strided_slice %get3A_20 {offsets = [15], sizes = [1], strides = [1]} : vector<16xf32> to vector<1xf32>
    %squeeze3A_52 = vector.extract %slice3A_51[0] : f32 from vector<1xf32>
    %slice3A_53 = vector.extract_strided_slice %get3A_22 {offsets = [0], sizes = [1], strides = [1]} : vector<16xf32> to vector<1xf32>
    %squeeze3A_54 = vector.extract %slice3A_53[0] : f32 from vector<1xf32>
    %slice3A_55 = vector.extract_strided_slice %get3A_22 {offsets = [1], sizes = [1], strides = [1]} : vector<16xf32> to vector<1xf32>
    %squeeze3A_56 = vector.extract %slice3A_55[0] : f32 from vector<1xf32>
    %slice3A_57 = vector.extract_strided_slice %get3A_22 {offsets = [2], sizes = [1], strides = [1]} : vector<16xf32> to vector<1xf32>
    %squeeze3A_58 = vector.extract %slice3A_57[0] : f32 from vector<1xf32>
    %slice3A_59 = vector.extract_strided_slice %get3A_22 {offsets = [3], sizes = [1], strides = [1]} : vector<16xf32> to vector<1xf32>
    %squeeze3A_60 = vector.extract %slice3A_59[0] : f32 from vector<1xf32>
    %slice3A_61 = vector.extract_strided_slice %get3A_22 {offsets = [4], sizes = [1], strides = [1]} : vector<16xf32> to vector<1xf32>
    %squeeze3A_62 = vector.extract %slice3A_61[0] : f32 from vector<1xf32>
    %slice3A_63 = vector.extract_strided_slice %get3A_22 {offsets = [5], sizes = [1], strides = [1]} : vector<16xf32> to vector<1xf32>
    %squeeze3A_64 = vector.extract %slice3A_63[0] : f32 from vector<1xf32>
    %slice3A_65 = vector.extract_strided_slice %get3A_22 {offsets = [6], sizes = [1], strides = [1]} : vector<16xf32> to vector<1xf32>
    %squeeze3A_66 = vector.extract %slice3A_65[0] : f32 from vector<1xf32>
    %slice3A_67 = vector.extract_strided_slice %get3A_22 {offsets = [7], sizes = [1], strides = [1]} : vector<16xf32> to vector<1xf32>
    %squeeze3A_68 = vector.extract %slice3A_67[0] : f32 from vector<1xf32>
    %slice3A_69 = vector.extract_strided_slice %get3A_22 {offsets = [8], sizes = [1], strides = [1]} : vector<16xf32> to vector<1xf32>
    %squeeze3A_70 = vector.extract %slice3A_69[0] : f32 from vector<1xf32>
    %slice3A_71 = vector.extract_strided_slice %get3A_22 {offsets = [9], sizes = [1], strides = [1]} : vector<16xf32> to vector<1xf32>
    %squeeze3A_72 = vector.extract %slice3A_71[0] : f32 from vector<1xf32>
    %slice3A_73 = vector.extract_strided_slice %get3A_22 {offsets = [10], sizes = [1], strides = [1]} : vector<16xf32> to vector<1xf32>
    %squeeze3A_74 = vector.extract %slice3A_73[0] : f32 from vector<1xf32>
    %slice3A_75 = vector.extract_strided_slice %get3A_22 {offsets = [11], sizes = [1], strides = [1]} : vector<16xf32> to vector<1xf32>
    %squeeze3A_76 = vector.extract %slice3A_75[0] : f32 from vector<1xf32>
    %slice3A_77 = vector.extract_strided_slice %get3A_22 {offsets = [12], sizes = [1], strides = [1]} : vector<16xf32> to vector<1xf32>
    %squeeze3A_78 = vector.extract %slice3A_77[0] : f32 from vector<1xf32>
    %slice3A_79 = vector.extract_strided_slice %get3A_22 {offsets = [13], sizes = [1], strides = [1]} : vector<16xf32> to vector<1xf32>
    %squeeze3A_80 = vector.extract %slice3A_79[0] : f32 from vector<1xf32>
    %slice3A_81 = vector.extract_strided_slice %get3A_22 {offsets = [14], sizes = [1], strides = [1]} : vector<16xf32> to vector<1xf32>
    %squeeze3A_82 = vector.extract %slice3A_81[0] : f32 from vector<1xf32>
    %slice3A_83 = vector.extract_strided_slice %get3A_22 {offsets = [15], sizes = [1], strides = [1]} : vector<16xf32> to vector<1xf32>
    %squeeze3A_84 = vector.extract %slice3A_83[0] : f32 from vector<1xf32>
    %get3A_85 = arith.constant 32 : index
    %get3A_86 = tpu.vector_load %arg9[%get3A_85] {strides = array<i32>} : memref<160xf32, #tpu.memory_space<vmem>>, vector<16xf32>,
    %get3A_87 = arith.constant 48 : index
    %get3A_88 = tpu.vector_load %arg9[%get3A_87] {strides = array<i32>} : memref<160xf32, #tpu.memory_space<vmem>>, vector<16xf32>,
    %slice3A_89 = vector.extract_strided_slice %get3A_86 {offsets = [0], sizes = [1], strides = [1]} : vector<16xf32> to vector<1xf32>
    %squeeze3A_90 = vector.extract %slice3A_89[0] : f32 from vector<1xf32>
    %slice3A_91 = vector.extract_strided_slice %get3A_86 {offsets = [1], sizes = [1], strides = [1]} : vector<16xf32> to vector<1xf32>
    %squeeze3A_92 = vector.extract %slice3A_91[0] : f32 from vector<1xf32>
    %slice3A_93 = vector.extract_strided_slice %get3A_86 {offsets = [2], sizes = [1], strides = [1]} : vector<16xf32> to vector<1xf32>
    %squeeze3A_94 = vector.extract %slice3A_93[0] : f32 from vector<1xf32>
    %slice3A_95 = vector.extract_strided_slice %get3A_86 {offsets = [3], sizes = [1], strides = [1]} : vector<16xf32> to vector<1xf32>
    %squeeze3A_96 = vector.extract %slice3A_95[0] : f32 from vector<1xf32>
    %slice3A_97 = vector.extract_strided_slice %get3A_86 {offsets = [4], sizes = [1], strides = [1]} : vector<16xf32> to vector<1xf32>
    %squeeze3A_98 = vector.extract %slice3A_97[0] : f32 from vector<1xf32>
    %slice3A_99 = vector.extract_strided_slice %get3A_86 {offsets = [5], sizes = [1], strides = [1]} : vector<16xf32> to vector<1xf32>
    %squeeze3A_100 = vector.extract %slice3A_99[0] : f32 from vector<1xf32>
    %slice3A_101 = vector.extract_strided_slice %get3A_86 {offsets = [6], sizes = [1], strides = [1]} : vector<16xf32> to vector<1xf32>
    %squeeze3A_102 = vector.extract %slice3A_101[0] : f32 from vector<1xf32>
    %slice3A_103 = vector.extract_strided_slice %get3A_86 {offsets = [7], sizes = [1], strides = [1]} : vector<16xf32> to vector<1xf32>
    %squeeze3A_104 = vector.extract %slice3A_103[0] : f32 from vector<1xf32>
    %slice3A_105 = vector.extract_strided_slice %get3A_86 {offsets = [8], sizes = [1], strides = [1]} : vector<16xf32> to vector<1xf32>
    %squeeze3A_106 = vector.extract %slice3A_105[0] : f32 from vector<1xf32>
    %slice3A_107 = vector.extract_strided_slice %get3A_86 {offsets = [9], sizes = [1], strides = [1]} : vector<16xf32> to vector<1xf32>
    %squeeze3A_108 = vector.extract %slice3A_107[0] : f32 from vector<1xf32>
    %slice3A_109 = vector.extract_strided_slice %get3A_86 {offsets = [10], sizes = [1], strides = [1]} : vector<16xf32> to vector<1xf32>
    %squeeze3A_110 = vector.extract %slice3A_109[0] : f32 from vector<1xf32>
    %slice3A_111 = vector.extract_strided_slice %get3A_86 {offsets = [11], sizes = [1], strides = [1]} : vector<16xf32> to vector<1xf32>
    %squeeze3A_112 = vector.extract %slice3A_111[0] : f32 from vector<1xf32>
    %slice3A_113 = vector.extract_strided_slice %get3A_86 {offsets = [12], sizes = [1], strides = [1]} : vector<16xf32> to vector<1xf32>
    %squeeze3A_114 = vector.extract %slice3A_113[0] : f32 from vector<1xf32>
    %slice3A_115 = vector.extract_strided_slice %get3A_86 {offsets = [13], sizes = [1], strides = [1]} : vector<16xf32> to vector<1xf32>
    %squeeze3A_116 = vector.extract %slice3A_115[0] : f32 from vector<1xf32>
    %slice3A_117 = vector.extract_strided_slice %get3A_86 {offsets = [14], sizes = [1], strides = [1]} : vector<16xf32> to vector<1xf32>
    %squeeze3A_118 = vector.extract %slice3A_117[0] : f32 from vector<1xf32>
    %slice3A_119 = vector.extract_strided_slice %get3A_86 {offsets = [15], sizes = [1], strides = [1]} : vector<16xf32> to vector<1xf32>
    %squeeze3A_120 = vector.extract %slice3A_119[0] : f32 from vector<1xf32>
    %slice3A_121 = vector.extract_strided_slice %get3A_88 {offsets = [0], sizes = [1], strides = [1]} : vector<16xf32> to vector<1xf32>
    %squeeze3A_122 = vector.extract %slice3A_121[0] : f32 from vector<1xf32>
    %slice3A_123 = vector.extract_strided_slice %get3A_88 {offsets = [1], sizes = [1], strides = [1]} : vector<16xf32> to vector<1xf32>
    %squeeze3A_124 = vector.extract %slice3A_123[0] : f32 from vector<1xf32>
    %slice3A_125 = vector.extract_strided_slice %get3A_88 {offsets = [2], sizes = [1], strides = [1]} : vector<16xf32> to vector<1xf32>
    %squeeze3A_126 = vector.extract %slice3A_125[0] : f32 from vector<1xf32>
    %slice3A_127 = vector.extract_strided_slice %get3A_88 {offsets = [3], sizes = [1], strides = [1]} : vector<16xf32> to vector<1xf32>
    %squeeze3A_128 = vector.extract %slice3A_127[0] : f32 from vector<1xf32>
    %slice3A_129 = vector.extract_strided_slice %get3A_88 {offsets = [4], sizes = [1], strides = [1]} : vector<16xf32> to vector<1xf32>
    %squeeze3A_130 = vector.extract %slice3A_129[0] : f32 from vector<1xf32>
    %slice3A_131 = vector.extract_strided_slice %get3A_88 {offsets = [5], sizes = [1], strides = [1]} : vector<16xf32> to vector<1xf32>
    %squeeze3A_132 = vector.extract %slice3A_131[0] : f32 from vector<1xf32>
    %slice3A_133 = vector.extract_strided_slice %get3A_88 {offsets = [6], sizes = [1], strides = [1]} : vector<16xf32> to vector<1xf32>
    %squeeze3A_134 = vector.extract %slice3A_133[0] : f32 from vector<1xf32>
    %slice3A_135 = vector.extract_strided_slice %get3A_88 {offsets = [7], sizes = [1], strides = [1]} : vector<16xf32> to vector<1xf32>
    %squeeze3A_136 = vector.extract %slice3A_135[0] : f32 from vector<1xf32>
    %slice3A_137 = vector.extract_strided_slice %get3A_88 {offsets = [8], sizes = [1], strides = [1]} : vector<16xf32> to vector<1xf32>
    %squeeze3A_138 = vector.extract %slice3A_137[0] : f32 from vector<1xf32>
    %slice3A_139 = vector.extract_strided_slice %get3A_88 {offsets = [9], sizes = [1], strides = [1]} : vector<16xf32> to vector<1xf32>
    %squeeze3A_140 = vector.extract %slice3A_139[0] : f32 from vector<1xf32>
    %slice3A_141 = vector.extract_strided_slice %get3A_88 {offsets = [10], sizes = [1], strides = [1]} : vector<16xf32> to vector<1xf32>
    %squeeze3A_142 = vector.extract %slice3A_141[0] : f32 from vector<1xf32>
    %slice3A_143 = vector.extract_strided_slice %get3A_88 {offsets = [11], sizes = [1], strides = [1]} : vector<16xf32> to vector<1xf32>
    %squeeze3A_144 = vector.extract %slice3A_143[0] : f32 from vector<1xf32>
    %slice3A_145 = vector.extract_strided_slice %get3A_88 {offsets = [12], sizes = [1], strides = [1]} : vector<16xf32> to vector<1xf32>
    %squeeze3A_146 = vector.extract %slice3A_145[0] : f32 from vector<1xf32>
    %slice3A_147 = vector.extract_strided_slice %get3A_88 {offsets = [13], sizes = [1], strides = [1]} : vector<16xf32> to vector<1xf32>
    %squeeze3A_148 = vector.extract %slice3A_147[0] : f32 from vector<1xf32>
    %slice3A_149 = vector.extract_strided_slice %get3A_88 {offsets = [14], sizes = [1], strides = [1]} : vector<16xf32> to vector<1xf32>
    %squeeze3A_150 = vector.extract %slice3A_149[0] : f32 from vector<1xf32>
    %slice3A_151 = vector.extract_strided_slice %get3A_88 {offsets = [15], sizes = [1], strides = [1]} : vector<16xf32> to vector<1xf32>
    %squeeze3A_152 = vector.extract %slice3A_151[0] : f32 from vector<1xf32>
    %get3A_153 = arith.constant 64 : index
    %get3A_154 = tpu.vector_load %arg9[%get3A_153] {strides = array<i32>} : memref<160xf32, #tpu.memory_space<vmem>>, vector<16xf32>,
    %get3A_155 = arith.constant 80 : index
    %get3A_156 = tpu.vector_load %arg9[%get3A_155] {strides = array<i32>} : memref<160xf32, #tpu.memory_space<vmem>>, vector<16xf32>,
    %slice3A_157 = vector.extract_strided_slice %get3A_154 {offsets = [0], sizes = [1], strides = [1]} : vector<16xf32> to vector<1xf32>
    %squeeze3A_158 = vector.extract %slice3A_157[0] : f32 from vector<1xf32>
    %slice3A_159 = vector.extract_strided_slice %get3A_154 {offsets = [1], sizes = [1], strides = [1]} : vector<16xf32> to vector<1xf32>
    %squeeze3A_160 = vector.extract %slice3A_159[0] : f32 from vector<1xf32>
    %slice3A_161 = vector.extract_strided_slice %get3A_154 {offsets = [2], sizes = [1], strides = [1]} : vector<16xf32> to vector<1xf32>
    %squeeze3A_162 = vector.extract %slice3A_161[0] : f32 from vector<1xf32>
    %slice3A_163 = vector.extract_strided_slice %get3A_154 {offsets = [3], sizes = [1], strides = [1]} : vector<16xf32> to vector<1xf32>
    %squeeze3A_164 = vector.extract %slice3A_163[0] : f32 from vector<1xf32>
    %slice3A_165 = vector.extract_strided_slice %get3A_154 {offsets = [4], sizes = [1], strides = [1]} : vector<16xf32> to vector<1xf32>
    %squeeze3A_166 = vector.extract %slice3A_165[0] : f32 from vector<1xf32>
    %slice3A_167 = vector.extract_strided_slice %get3A_154 {offsets = [5], sizes = [1], strides = [1]} : vector<16xf32> to vector<1xf32>
    %squeeze3A_168 = vector.extract %slice3A_167[0] : f32 from vector<1xf32>
    %slice3A_169 = vector.extract_strided_slice %get3A_154 {offsets = [6], sizes = [1], strides = [1]} : vector<16xf32> to vector<1xf32>
    %squeeze3A_170 = vector.extract %slice3A_169[0] : f32 from vector<1xf32>
    %slice3A_171 = vector.extract_strided_slice %get3A_154 {offsets = [7], sizes = [1], strides = [1]} : vector<16xf32> to vector<1xf32>
    %squeeze3A_172 = vector.extract %slice3A_171[0] : f32 from vector<1xf32>
    %slice3A_173 = vector.extract_strided_slice %get3A_154 {offsets = [8], sizes = [1], strides = [1]} : vector<16xf32> to vector<1xf32>
    %squeeze3A_174 = vector.extract %slice3A_173[0] : f32 from vector<1xf32>
    %slice3A_175 = vector.extract_strided_slice %get3A_154 {offsets = [9], sizes = [1], strides = [1]} : vector<16xf32> to vector<1xf32>
    %squeeze3A_176 = vector.extract %slice3A_175[0] : f32 from vector<1xf32>
    %slice3A_177 = vector.extract_strided_slice %get3A_154 {offsets = [10], sizes = [1], strides = [1]} : vector<16xf32> to vector<1xf32>
    %squeeze3A_178 = vector.extract %slice3A_177[0] : f32 from vector<1xf32>
    %slice3A_179 = vector.extract_strided_slice %get3A_154 {offsets = [11], sizes = [1], strides = [1]} : vector<16xf32> to vector<1xf32>
    %squeeze3A_180 = vector.extract %slice3A_179[0] : f32 from vector<1xf32>
    %slice3A_181 = vector.extract_strided_slice %get3A_154 {offsets = [12], sizes = [1], strides = [1]} : vector<16xf32> to vector<1xf32>
    %squeeze3A_182 = vector.extract %slice3A_181[0] : f32 from vector<1xf32>
    %slice3A_183 = vector.extract_strided_slice %get3A_154 {offsets = [13], sizes = [1], strides = [1]} : vector<16xf32> to vector<1xf32>
    %squeeze3A_184 = vector.extract %slice3A_183[0] : f32 from vector<1xf32>
    %slice3A_185 = vector.extract_strided_slice %get3A_154 {offsets = [14], sizes = [1], strides = [1]} : vector<16xf32> to vector<1xf32>
    %squeeze3A_186 = vector.extract %slice3A_185[0] : f32 from vector<1xf32>
    %slice3A_187 = vector.extract_strided_slice %get3A_154 {offsets = [15], sizes = [1], strides = [1]} : vector<16xf32> to vector<1xf32>
    %squeeze3A_188 = vector.extract %slice3A_187[0] : f32 from vector<1xf32>
    %slice3A_189 = vector.extract_strided_slice %get3A_156 {offsets = [0], sizes = [1], strides = [1]} : vector<16xf32> to vector<1xf32>
    %squeeze3A_190 = vector.extract %slice3A_189[0] : f32 from vector<1xf32>
    %slice3A_191 = vector.extract_strided_slice %get3A_156 {offsets = [1], sizes = [1], strides = [1]} : vector<16xf32> to vector<1xf32>
    %squeeze3A_192 = vector.extract %slice3A_191[0] : f32 from vector<1xf32>
    %slice3A_193 = vector.extract_strided_slice %get3A_156 {offsets = [2], sizes = [1], strides = [1]} : vector<16xf32> to vector<1xf32>
    %squeeze3A_194 = vector.extract %slice3A_193[0] : f32 from vector<1xf32>
    %slice3A_195 = vector.extract_strided_slice %get3A_156 {offsets = [3], sizes = [1], strides = [1]} : vector<16xf32> to vector<1xf32>
    %squeeze3A_196 = vector.extract %slice3A_195[0] : f32 from vector<1xf32>
    %slice3A_197 = vector.extract_strided_slice %get3A_156 {offsets = [4], sizes = [1], strides = [1]} : vector<16xf32> to vector<1xf32>
    %squeeze3A_198 = vector.extract %slice3A_197[0] : f32 from vector<1xf32>
    %slice3A_199 = vector.extract_strided_slice %get3A_156 {offsets = [5], sizes = [1], strides = [1]} : vector<16xf32> to vector<1xf32>
    %squeeze3A_200 = vector.extract %slice3A_199[0] : f32 from vector<1xf32>
    %slice3A_201 = vector.extract_strided_slice %get3A_156 {offsets = [6], sizes = [1], strides = [1]} : vector<16xf32> to vector<1xf32>
    %squeeze3A_202 = vector.extract %slice3A_201[0] : f32 from vector<1xf32>
    %slice3A_203 = vector.extract_strided_slice %get3A_156 {offsets = [7], sizes = [1], strides = [1]} : vector<16xf32> to vector<1xf32>
    %squeeze3A_204 = vector.extract %slice3A_203[0] : f32 from vector<1xf32>
    %slice3A_205 = vector.extract_strided_slice %get3A_156 {offsets = [8], sizes = [1], strides = [1]} : vector<16xf32> to vector<1xf32>
    %squeeze3A_206 = vector.extract %slice3A_205[0] : f32 from vector<1xf32>
    %slice3A_207 = vector.extract_strided_slice %get3A_156 {offsets = [9], sizes = [1], strides = [1]} : vector<16xf32> to vector<1xf32>
    %squeeze3A_208 = vector.extract %slice3A_207[0] : f32 from vector<1xf32>
    %slice3A_209 = vector.extract_strided_slice %get3A_156 {offsets = [10], sizes = [1], strides = [1]} : vector<16xf32> to vector<1xf32>
    %squeeze3A_210 = vector.extract %slice3A_209[0] : f32 from vector<1xf32>
    %slice3A_211 = vector.extract_strided_slice %get3A_156 {offsets = [11], sizes = [1], strides = [1]} : vector<16xf32> to vector<1xf32>
    %squeeze3A_212 = vector.extract %slice3A_211[0] : f32 from vector<1xf32>
    %slice3A_213 = vector.extract_strided_slice %get3A_156 {offsets = [12], sizes = [1], strides = [1]} : vector<16xf32> to vector<1xf32>
    %squeeze3A_214 = vector.extract %slice3A_213[0] : f32 from vector<1xf32>
    %slice3A_215 = vector.extract_strided_slice %get3A_156 {offsets = [13], sizes = [1], strides = [1]} : vector<16xf32> to vector<1xf32>
    %squeeze3A_216 = vector.extract %slice3A_215[0] : f32 from vector<1xf32>
    %slice3A_217 = vector.extract_strided_slice %get3A_156 {offsets = [14], sizes = [1], strides = [1]} : vector<16xf32> to vector<1xf32>
    %squeeze3A_218 = vector.extract %slice3A_217[0] : f32 from vector<1xf32>
    %slice3A_219 = vector.extract_strided_slice %get3A_156 {offsets = [15], sizes = [1], strides = [1]} : vector<16xf32> to vector<1xf32>
    %squeeze3A_220 = vector.extract %slice3A_219[0] : f32 from vector<1xf32>
    %get3A_221 = arith.constant 96 : index
    %get3A_222 = tpu.vector_load %arg9[%get3A_221] {strides = array<i32>} : memref<160xf32, #tpu.memory_space<vmem>>, vector<16xf32>,
    %get3A_223 = arith.constant 112 : index
    %get3A_224 = tpu.vector_load %arg9[%get3A_223] {strides = array<i32>} : memref<160xf32, #tpu.memory_space<vmem>>, vector<16xf32>,
    %slice3A_225 = vector.extract_strided_slice %get3A_222 {offsets = [0], sizes = [1], strides = [1]} : vector<16xf32> to vector<1xf32>
    %squeeze3A_226 = vector.extract %slice3A_225[0] : f32 from vector<1xf32>
    %slice3A_227 = vector.extract_strided_slice %get3A_222 {offsets = [1], sizes = [1], strides = [1]} : vector<16xf32> to vector<1xf32>
    %squeeze3A_228 = vector.extract %slice3A_227[0] : f32 from vector<1xf32>
    %slice3A_229 = vector.extract_strided_slice %get3A_222 {offsets = [2], sizes = [1], strides = [1]} : vector<16xf32> to vector<1xf32>
    %squeeze3A_230 = vector.extract %slice3A_229[0] : f32 from vector<1xf32>
    %slice3A_231 = vector.extract_strided_slice %get3A_222 {offsets = [3], sizes = [1], strides = [1]} : vector<16xf32> to vector<1xf32>
    %squeeze3A_232 = vector.extract %slice3A_231[0] : f32 from vector<1xf32>
    %slice3A_233 = vector.extract_strided_slice %get3A_222 {offsets = [4], sizes = [1], strides = [1]} : vector<16xf32> to vector<1xf32>
    %squeeze3A_234 = vector.extract %slice3A_233[0] : f32 from vector<1xf32>
    %slice3A_235 = vector.extract_strided_slice %get3A_222 {offsets = [5], sizes = [1], strides = [1]} : vector<16xf32> to vector<1xf32>
    %squeeze3A_236 = vector.extract %slice3A_235[0] : f32 from vector<1xf32>
    %slice3A_237 = vector.extract_strided_slice %get3A_222 {offsets = [6], sizes = [1], strides = [1]} : vector<16xf32> to vector<1xf32>
    %squeeze3A_238 = vector.extract %slice3A_237[0] : f32 from vector<1xf32>
    %slice3A_239 = vector.extract_strided_slice %get3A_222 {offsets = [7], sizes = [1], strides = [1]} : vector<16xf32> to vector<1xf32>
    %squeeze3A_240 = vector.extract %slice3A_239[0] : f32 from vector<1xf32>
    %slice3A_241 = vector.extract_strided_slice %get3A_222 {offsets = [8], sizes = [1], strides = [1]} : vector<16xf32> to vector<1xf32>
    %squeeze3A_242 = vector.extract %slice3A_241[0] : f32 from vector<1xf32>
    %slice3A_243 = vector.extract_strided_slice %get3A_222 {offsets = [9], sizes = [1], strides = [1]} : vector<16xf32> to vector<1xf32>
    %squeeze3A_244 = vector.extract %slice3A_243[0] : f32 from vector<1xf32>
    %slice3A_245 = vector.extract_strided_slice %get3A_222 {offsets = [10], sizes = [1], strides = [1]} : vector<16xf32> to vector<1xf32>
    %squeeze3A_246 = vector.extract %slice3A_245[0] : f32 from vector<1xf32>
    %slice3A_247 = vector.extract_strided_slice %get3A_222 {offsets = [11], sizes = [1], strides = [1]} : vector<16xf32> to vector<1xf32>
    %squeeze3A_248 = vector.extract %slice3A_247[0] : f32 from vector<1xf32>
    %slice3A_249 = vector.extract_strided_slice %get3A_222 {offsets = [12], sizes = [1], strides = [1]} : vector<16xf32> to vector<1xf32>
    %squeeze3A_250 = vector.extract %slice3A_249[0] : f32 from vector<1xf32>
    %slice3A_251 = vector.extract_strided_slice %get3A_222 {offsets = [13], sizes = [1], strides = [1]} : vector<16xf32> to vector<1xf32>
    %squeeze3A_252 = vector.extract %slice3A_251[0] : f32 from vector<1xf32>
    %slice3A_253 = vector.extract_strided_slice %get3A_222 {offsets = [14], sizes = [1], strides = [1]} : vector<16xf32> to vector<1xf32>
    %squeeze3A_254 = vector.extract %slice3A_253[0] : f32 from vector<1xf32>
    %slice3A_255 = vector.extract_strided_slice %get3A_222 {offsets = [15], sizes = [1], strides = [1]} : vector<16xf32> to vector<1xf32>
    %squeeze3A_256 = vector.extract %slice3A_255[0] : f32 from vector<1xf32>
    %slice3A_257 = vector.extract_strided_slice %get3A_224 {offsets = [0], sizes = [1], strides = [1]} : vector<16xf32> to vector<1xf32>
    %squeeze3A_258 = vector.extract %slice3A_257[0] : f32 from vector<1xf32>
    %slice3A_259 = vector.extract_strided_slice %get3A_224 {offsets = [1], sizes = [1], strides = [1]} : vector<16xf32> to vector<1xf32>
    %squeeze3A_260 = vector.extract %slice3A_259[0] : f32 from vector<1xf32>
    %slice3A_261 = vector.extract_strided_slice %get3A_224 {offsets = [2], sizes = [1], strides = [1]} : vector<16xf32> to vector<1xf32>
    %squeeze3A_262 = vector.extract %slice3A_261[0] : f32 from vector<1xf32>
    %slice3A_263 = vector.extract_strided_slice %get3A_224 {offsets = [3], sizes = [1], strides = [1]} : vector<16xf32> to vector<1xf32>
    %squeeze3A_264 = vector.extract %slice3A_263[0] : f32 from vector<1xf32>
    %slice3A_265 = vector.extract_strided_slice %get3A_224 {offsets = [4], sizes = [1], strides = [1]} : vector<16xf32> to vector<1xf32>
    %squeeze3A_266 = vector.extract %slice3A_265[0] : f32 from vector<1xf32>
    %slice3A_267 = vector.extract_strided_slice %get3A_224 {offsets = [5], sizes = [1], strides = [1]} : vector<16xf32> to vector<1xf32>
    %squeeze3A_268 = vector.extract %slice3A_267[0] : f32 from vector<1xf32>
    %slice3A_269 = vector.extract_strided_slice %get3A_224 {offsets = [6], sizes = [1], strides = [1]} : vector<16xf32> to vector<1xf32>
    %squeeze3A_270 = vector.extract %slice3A_269[0] : f32 from vector<1xf32>
    %slice3A_271 = vector.extract_strided_slice %get3A_224 {offsets = [7], sizes = [1], strides = [1]} : vector<16xf32> to vector<1xf32>
    %squeeze3A_272 = vector.extract %slice3A_271[0] : f32 from vector<1xf32>
    %slice3A_273 = vector.extract_strided_slice %get3A_224 {offsets = [8], sizes = [1], strides = [1]} : vector<16xf32> to vector<1xf32>
    %squeeze3A_274 = vector.extract %slice3A_273[0] : f32 from vector<1xf32>
    %slice3A_275 = vector.extract_strided_slice %get3A_224 {offsets = [9], sizes = [1], strides = [1]} : vector<16xf32> to vector<1xf32>
    %squeeze3A_276 = vector.extract %slice3A_275[0] : f32 from vector<1xf32>
    %slice3A_277 = vector.extract_strided_slice %get3A_224 {offsets = [10], sizes = [1], strides = [1]} : vector<16xf32> to vector<1xf32>
    %squeeze3A_278 = vector.extract %slice3A_277[0] : f32 from vector<1xf32>
    %slice3A_279 = vector.extract_strided_slice %get3A_224 {offsets = [11], sizes = [1], strides = [1]} : vector<16xf32> to vector<1xf32>
    %squeeze3A_280 = vector.extract %slice3A_279[0] : f32 from vector<1xf32>
    %slice3A_281 = vector.extract_strided_slice %get3A_224 {offsets = [12], sizes = [1], strides = [1]} : vector<16xf32> to vector<1xf32>
    %squeeze3A_282 = vector.extract %slice3A_281[0] : f32 from vector<1xf32>
    %slice3A_283 = vector.extract_strided_slice %get3A_224 {offsets = [13], sizes = [1], strides = [1]} : vector<16xf32> to vector<1xf32>
    %squeeze3A_284 = vector.extract %slice3A_283[0] : f32 from vector<1xf32>
    %slice3A_285 = vector.extract_strided_slice %get3A_224 {offsets = [14], sizes = [1], strides = [1]} : vector<16xf32> to vector<1xf32>
    %squeeze3A_286 = vector.extract %slice3A_285[0] : f32 from vector<1xf32>
    %slice3A_287 = vector.extract_strided_slice %get3A_224 {offsets = [15], sizes = [1], strides = [1]} : vector<16xf32> to vector<1xf32>
    %squeeze3A_288 = vector.extract %slice3A_287[0] : f32 from vector<1xf32>
    %get3A_289 = arith.constant 128 : index
    %get3A_290 = tpu.vector_load %arg9[%get3A_289] {strides = array<i32>} : memref<160xf32, #tpu.memory_space<vmem>>, vector<16xf32>,
    %get3A_291 = arith.constant 144 : index
    %get3A_292 = tpu.vector_load %arg9[%get3A_291] {strides = array<i32>} : memref<160xf32, #tpu.memory_space<vmem>>, vector<16xf32>,
    %slice3A_293 = vector.extract_strided_slice %get3A_290 {offsets = [0], sizes = [1], strides = [1]} : vector<16xf32> to vector<1xf32>
    %squeeze3A_294 = vector.extract %slice3A_293[0] : f32 from vector<1xf32>
    %slice3A_295 = vector.extract_strided_slice %get3A_290 {offsets = [1], sizes = [1], strides = [1]} : vector<16xf32> to vector<1xf32>
    %squeeze3A_296 = vector.extract %slice3A_295[0] : f32 from vector<1xf32>
    %slice3A_297 = vector.extract_strided_slice %get3A_290 {offsets = [2], sizes = [1], strides = [1]} : vector<16xf32> to vector<1xf32>
    %squeeze3A_298 = vector.extract %slice3A_297[0] : f32 from vector<1xf32>
    %slice3A_299 = vector.extract_strided_slice %get3A_290 {offsets = [3], sizes = [1], strides = [1]} : vector<16xf32> to vector<1xf32>
    %squeeze3A_300 = vector.extract %slice3A_299[0] : f32 from vector<1xf32>
    %slice3A_301 = vector.extract_strided_slice %get3A_290 {offsets = [4], sizes = [1], strides = [1]} : vector<16xf32> to vector<1xf32>
    %squeeze3A_302 = vector.extract %slice3A_301[0] : f32 from vector<1xf32>
    %slice3A_303 = vector.extract_strided_slice %get3A_290 {offsets = [5], sizes = [1], strides = [1]} : vector<16xf32> to vector<1xf32>
    %squeeze3A_304 = vector.extract %slice3A_303[0] : f32 from vector<1xf32>
    %slice3A_305 = vector.extract_strided_slice %get3A_290 {offsets = [6], sizes = [1], strides = [1]} : vector<16xf32> to vector<1xf32>
    %squeeze3A_306 = vector.extract %slice3A_305[0] : f32 from vector<1xf32>
    %slice3A_307 = vector.extract_strided_slice %get3A_290 {offsets = [7], sizes = [1], strides = [1]} : vector<16xf32> to vector<1xf32>
    %squeeze3A_308 = vector.extract %slice3A_307[0] : f32 from vector<1xf32>
    %slice3A_309 = vector.extract_strided_slice %get3A_290 {offsets = [8], sizes = [1], strides = [1]} : vector<16xf32> to vector<1xf32>
    %squeeze3A_310 = vector.extract %slice3A_309[0] : f32 from vector<1xf32>
    %slice3A_311 = vector.extract_strided_slice %get3A_290 {offsets = [9], sizes = [1], strides = [1]} : vector<16xf32> to vector<1xf32>
    %squeeze3A_312 = vector.extract %slice3A_311[0] : f32 from vector<1xf32>
    %slice3A_313 = vector.extract_strided_slice %get3A_290 {offsets = [10], sizes = [1], strides = [1]} : vector<16xf32> to vector<1xf32>
    %squeeze3A_314 = vector.extract %slice3A_313[0] : f32 from vector<1xf32>
    %slice3A_315 = vector.extract_strided_slice %get3A_290 {offsets = [11], sizes = [1], strides = [1]} : vector<16xf32> to vector<1xf32>
    %squeeze3A_316 = vector.extract %slice3A_315[0] : f32 from vector<1xf32>
    %slice3A_317 = vector.extract_strided_slice %get3A_290 {offsets = [12], sizes = [1], strides = [1]} : vector<16xf32> to vector<1xf32>
    %squeeze3A_318 = vector.extract %slice3A_317[0] : f32 from vector<1xf32>
    %slice3A_319 = vector.extract_strided_slice %get3A_290 {offsets = [13], sizes = [1], strides = [1]} : vector<16xf32> to vector<1xf32>
    %squeeze3A_320 = vector.extract %slice3A_319[0] : f32 from vector<1xf32>
    %slice3A_321 = vector.extract_strided_slice %get3A_290 {offsets = [14], sizes = [1], strides = [1]} : vector<16xf32> to vector<1xf32>
    %squeeze3A_322 = vector.extract %slice3A_321[0] : f32 from vector<1xf32>
    %slice3A_323 = vector.extract_strided_slice %get3A_290 {offsets = [15], sizes = [1], strides = [1]} : vector<16xf32> to vector<1xf32>
    %squeeze3A_324 = vector.extract %slice3A_323[0] : f32 from vector<1xf32>
    %slice3A_325 = vector.extract_strided_slice %get3A_292 {offsets = [0], sizes = [1], strides = [1]} : vector<16xf32> to vector<1xf32>
    %squeeze3A_326 = vector.extract %slice3A_325[0] : f32 from vector<1xf32>
    %slice3A_327 = vector.extract_strided_slice %get3A_292 {offsets = [1], sizes = [1], strides = [1]} : vector<16xf32> to vector<1xf32>
    %squeeze3A_328 = vector.extract %slice3A_327[0] : f32 from vector<1xf32>
    %slice3A_329 = vector.extract_strided_slice %get3A_292 {offsets = [2], sizes = [1], strides = [1]} : vector<16xf32> to vector<1xf32>
    %squeeze3A_330 = vector.extract %slice3A_329[0] : f32 from vector<1xf32>
    %slice3A_331 = vector.extract_strided_slice %get3A_292 {offsets = [3], sizes = [1], strides = [1]} : vector<16xf32> to vector<1xf32>
    %squeeze3A_332 = vector.extract %slice3A_331[0] : f32 from vector<1xf32>
    %slice3A_333 = vector.extract_strided_slice %get3A_292 {offsets = [4], sizes = [1], strides = [1]} : vector<16xf32> to vector<1xf32>
    %squeeze3A_334 = vector.extract %slice3A_333[0] : f32 from vector<1xf32>
    %slice3A_335 = vector.extract_strided_slice %get3A_292 {offsets = [5], sizes = [1], strides = [1]} : vector<16xf32> to vector<1xf32>
    %squeeze3A_336 = vector.extract %slice3A_335[0] : f32 from vector<1xf32>
    %slice3A_337 = vector.extract_strided_slice %get3A_292 {offsets = [6], sizes = [1], strides = [1]} : vector<16xf32> to vector<1xf32>
    %squeeze3A_338 = vector.extract %slice3A_337[0] : f32 from vector<1xf32>
    %slice3A_339 = vector.extract_strided_slice %get3A_292 {offsets = [7], sizes = [1], strides = [1]} : vector<16xf32> to vector<1xf32>
    %squeeze3A_340 = vector.extract %slice3A_339[0] : f32 from vector<1xf32>
    %slice3A_341 = vector.extract_strided_slice %get3A_292 {offsets = [8], sizes = [1], strides = [1]} : vector<16xf32> to vector<1xf32>
    %squeeze3A_342 = vector.extract %slice3A_341[0] : f32 from vector<1xf32>
    %slice3A_343 = vector.extract_strided_slice %get3A_292 {offsets = [9], sizes = [1], strides = [1]} : vector<16xf32> to vector<1xf32>
    %squeeze3A_344 = vector.extract %slice3A_343[0] : f32 from vector<1xf32>
    %slice3A_345 = vector.extract_strided_slice %get3A_292 {offsets = [10], sizes = [1], strides = [1]} : vector<16xf32> to vector<1xf32>
    %squeeze3A_346 = vector.extract %slice3A_345[0] : f32 from vector<1xf32>
    %slice3A_347 = vector.extract_strided_slice %get3A_292 {offsets = [11], sizes = [1], strides = [1]} : vector<16xf32> to vector<1xf32>
    %squeeze3A_348 = vector.extract %slice3A_347[0] : f32 from vector<1xf32>
    %slice3A_349 = vector.extract_strided_slice %get3A_292 {offsets = [12], sizes = [1], strides = [1]} : vector<16xf32> to vector<1xf32>
    %squeeze3A_350 = vector.extract %slice3A_349[0] : f32 from vector<1xf32>
    %slice3A_351 = vector.extract_strided_slice %get3A_292 {offsets = [13], sizes = [1], strides = [1]} : vector<16xf32> to vector<1xf32>
    %squeeze3A_352 = vector.extract %slice3A_351[0] : f32 from vector<1xf32>
    %slice3A_353 = vector.extract_strided_slice %get3A_292 {offsets = [14], sizes = [1], strides = [1]} : vector<16xf32> to vector<1xf32>
    %squeeze3A_354 = vector.extract %slice3A_353[0] : f32 from vector<1xf32>
    %slice3A_355 = vector.extract_strided_slice %get3A_292 {offsets = [15], sizes = [1], strides = [1]} : vector<16xf32> to vector<1xf32>
    %squeeze3A_356 = vector.extract %slice3A_355[0] : f32 from vector<1xf32>
    %sub3A_357 = arith.subf %squeeze3A_158, %squeeze3A : f32
    %sub3A_358 = arith.subf %squeeze3A_226, %squeeze3A_90 : f32
    %mul3A_359 = arith.mulf %sub3A_357, %sub3A_358 : f32
    %sub3A_360 = arith.subf %squeeze3A_160, %squeeze3A_24 : f32
    %sub3A_361 = arith.subf %squeeze3A_228, %squeeze3A_92 : f32
    %mul3A_362 = arith.mulf %sub3A_360, %sub3A_361 : f32
    %sub3A_363 = arith.subf %squeeze3A_162, %squeeze3A_26 : f32
    %sub3A_364 = arith.subf %squeeze3A_230, %squeeze3A_94 : f32
    %mul3A_365 = arith.mulf %sub3A_363, %sub3A_364 : f32
    %sub3A_366 = arith.subf %squeeze3A_164, %squeeze3A_28 : f32
    %sub3A_367 = arith.subf %squeeze3A_232, %squeeze3A_96 : f32
    %mul3A_368 = arith.mulf %sub3A_366, %sub3A_367 : f32
    %sub3A_369 = arith.subf %squeeze3A_166, %squeeze3A_30 : f32
    %sub3A_370 = arith.subf %squeeze3A_234, %squeeze3A_98 : f32
    %mul3A_371 = arith.mulf %sub3A_369, %sub3A_370 : f32
    %sub3A_372 = arith.subf %squeeze3A_168, %squeeze3A_32 : f32
    %sub3A_373 = arith.subf %squeeze3A_236, %squeeze3A_100 : f32
    %mul3A_374 = arith.mulf %sub3A_372, %sub3A_373 : f32
    %sub3A_375 = arith.subf %squeeze3A_170, %squeeze3A_34 : f32
    %sub3A_376 = arith.subf %squeeze3A_238, %squeeze3A_102 : f32
    %mul3A_377 = arith.mulf %sub3A_375, %sub3A_376 : f32
    %sub3A_378 = arith.subf %squeeze3A_172, %squeeze3A_36 : f32
    %sub3A_379 = arith.subf %squeeze3A_240, %squeeze3A_104 : f32
    %mul3A_380 = arith.mulf %sub3A_378, %sub3A_379 : f32
    %sub3A_381 = arith.subf %squeeze3A_174, %squeeze3A_38 : f32
    %sub3A_382 = arith.subf %squeeze3A_242, %squeeze3A_106 : f32
    %mul3A_383 = arith.mulf %sub3A_381, %sub3A_382 : f32
    %sub3A_384 = arith.subf %squeeze3A_176, %squeeze3A_40 : f32
    %sub3A_385 = arith.subf %squeeze3A_244, %squeeze3A_108 : f32
    %mul3A_386 = arith.mulf %sub3A_384, %sub3A_385 : f32
    %sub3A_387 = arith.subf %squeeze3A_178, %squeeze3A_42 : f32
    %sub3A_388 = arith.subf %squeeze3A_246, %squeeze3A_110 : f32
    %mul3A_389 = arith.mulf %sub3A_387, %sub3A_388 : f32
    %sub3A_390 = arith.subf %squeeze3A_180, %squeeze3A_44 : f32
    %sub3A_391 = arith.subf %squeeze3A_248, %squeeze3A_112 : f32
    %mul3A_392 = arith.mulf %sub3A_390, %sub3A_391 : f32
    %sub3A_393 = arith.subf %squeeze3A_182, %squeeze3A_46 : f32
    %sub3A_394 = arith.subf %squeeze3A_250, %squeeze3A_114 : f32
    %mul3A_395 = arith.mulf %sub3A_393, %sub3A_394 : f32
    %sub3A_396 = arith.subf %squeeze3A_184, %squeeze3A_48 : f32
    %sub3A_397 = arith.subf %squeeze3A_252, %squeeze3A_116 : f32
    %mul3A_398 = arith.mulf %sub3A_396, %sub3A_397 : f32
    %sub3A_399 = arith.subf %squeeze3A_186, %squeeze3A_50 : f32
    %sub3A_400 = arith.subf %squeeze3A_254, %squeeze3A_118 : f32
    %mul3A_401 = arith.mulf %sub3A_399, %sub3A_400 : f32
    %sub3A_402 = arith.subf %squeeze3A_188, %squeeze3A_52 : f32
    %sub3A_403 = arith.subf %squeeze3A_256, %squeeze3A_120 : f32
    %mul3A_404 = arith.mulf %sub3A_402, %sub3A_403 : f32
    %sub3A_405 = arith.subf %squeeze3A_190, %squeeze3A_54 : f32
    %sub3A_406 = arith.subf %squeeze3A_258, %squeeze3A_122 : f32
    %mul3A_407 = arith.mulf %sub3A_405, %sub3A_406 : f32
    %sub3A_408 = arith.subf %squeeze3A_192, %squeeze3A_56 : f32
    %sub3A_409 = arith.subf %squeeze3A_260, %squeeze3A_124 : f32
    %mul3A_410 = arith.mulf %sub3A_408, %sub3A_409 : f32
    %sub3A_411 = arith.subf %squeeze3A_194, %squeeze3A_58 : f32
    %sub3A_412 = arith.subf %squeeze3A_262, %squeeze3A_126 : f32
    %mul3A_413 = arith.mulf %sub3A_411, %sub3A_412 : f32
    %sub3A_414 = arith.subf %squeeze3A_196, %squeeze3A_60 : f32
    %sub3A_415 = arith.subf %squeeze3A_264, %squeeze3A_128 : f32
    %mul3A_416 = arith.mulf %sub3A_414, %sub3A_415 : f32
    %sub3A_417 = arith.subf %squeeze3A_198, %squeeze3A_62 : f32
    %sub3A_418 = arith.subf %squeeze3A_266, %squeeze3A_130 : f32
    %mul3A_419 = arith.mulf %sub3A_417, %sub3A_418 : f32
    %sub3A_420 = arith.subf %squeeze3A_200, %squeeze3A_64 : f32
    %sub3A_421 = arith.subf %squeeze3A_268, %squeeze3A_132 : f32
    %mul3A_422 = arith.mulf %sub3A_420, %sub3A_421 : f32
    %sub3A_423 = arith.subf %squeeze3A_202, %squeeze3A_66 : f32
    %sub3A_424 = arith.subf %squeeze3A_270, %squeeze3A_134 : f32
    %mul3A_425 = arith.mulf %sub3A_423, %sub3A_424 : f32
    %sub3A_426 = arith.subf %squeeze3A_204, %squeeze3A_68 : f32
    %sub3A_427 = arith.subf %squeeze3A_272, %squeeze3A_136 : f32
    %mul3A_428 = arith.mulf %sub3A_426, %sub3A_427 : f32
    %sub3A_429 = arith.subf %squeeze3A_206, %squeeze3A_70 : f32
    %sub3A_430 = arith.subf %squeeze3A_274, %squeeze3A_138 : f32
    %mul3A_431 = arith.mulf %sub3A_429, %sub3A_430 : f32
    %sub3A_432 = arith.subf %squeeze3A_208, %squeeze3A_72 : f32
    %sub3A_433 = arith.subf %squeeze3A_276, %squeeze3A_140 : f32
    %mul3A_434 = arith.mulf %sub3A_432, %sub3A_433 : f32
    %sub3A_435 = arith.subf %squeeze3A_210, %squeeze3A_74 : f32
    %sub3A_436 = arith.subf %squeeze3A_278, %squeeze3A_142 : f32
    %mul3A_437 = arith.mulf %sub3A_435, %sub3A_436 : f32
    %sub3A_438 = arith.subf %squeeze3A_212, %squeeze3A_76 : f32
    %sub3A_439 = arith.subf %squeeze3A_280, %squeeze3A_144 : f32
    %mul3A_440 = arith.mulf %sub3A_438, %sub3A_439 : f32
    %sub3A_441 = arith.subf %squeeze3A_214, %squeeze3A_78 : f32
    %sub3A_442 = arith.subf %squeeze3A_282, %squeeze3A_146 : f32
    %mul3A_443 = arith.mulf %sub3A_441, %sub3A_442 : f32
    %sub3A_444 = arith.subf %squeeze3A_216, %squeeze3A_80 : f32
    %sub3A_445 = arith.subf %squeeze3A_284, %squeeze3A_148 : f32
    %mul3A_446 = arith.mulf %sub3A_444, %sub3A_445 : f32
    %sub3A_447 = arith.subf %squeeze3A_218, %squeeze3A_82 : f32
    %sub3A_448 = arith.subf %squeeze3A_286, %squeeze3A_150 : f32
    %mul3A_449 = arith.mulf %sub3A_447, %sub3A_448 : f32
    %sub3A_450 = arith.subf %squeeze3A_220, %squeeze3A_84 : f32
    %sub3A_451 = arith.subf %squeeze3A_288, %squeeze3A_152 : f32
    %mul3A_452 = arith.mulf %sub3A_450, %sub3A_451 : f32
    %parallel_loop3A = arith.constant 0 : i32
    %parallel_loop3A_453 = arith.constant 157 : i32
    %parallel_loop3A_454 = arith.constant 1 : i32
    scf.for %parallel_loop3A_461 = %parallel_loop3A to %parallel_loop3A_453 step %parallel_loop3A_454  : i32 {
      %parallel_loop3A_462 = arith.constant 16 : i32
      %parallel_loop3A_463 = arith.muli %parallel_loop3A_461, %parallel_loop3A_462 : i32
      %parallel_loop3A_464 = arith.index_cast %parallel_loop3A_463 : i32 to index
      %parallel_loop3A_465 = tpu.vector_load %arg5[%parallel_loop3A_464] {strides = array<i32>} : memref<2512xf32, #tpu.memory_space<vmem>>, vector<16xf32>,
      %parallel_loop3A_466 = arith.index_cast %parallel_loop3A_463 : i32 to index
      %parallel_loop3A_467 = tpu.vector_load %arg6[%parallel_loop3A_466] {strides = array<i32>} : memref<2512xf32, #tpu.memory_space<vmem>>, vector<16xf32>,
      %parallel_loop3A_468 = arith.index_cast %parallel_loop3A_463 : i32 to index
      %parallel_loop3A_469 = tpu.vector_load %arg7[%parallel_loop3A_468] {strides = array<i32>} : memref<2512xf32, #tpu.memory_space<vmem>>, vector<16xf32>,
      %parallel_loop3A_470 = arith.index_cast %parallel_loop3A_463 : i32 to index
      %parallel_loop3A_471 = tpu.vector_load %arg8[%parallel_loop3A_470] {strides = array<i32>} : memref<2512xf32, #tpu.memory_space<vmem>>, vector<16xf32>,
      %parallel_loop3A_472 = arith.subf %parallel_loop3A_469, %parallel_loop3A_465 : vector<16xf32>
      %parallel_loop3A_473 = arith.subf %parallel_loop3A_471, %parallel_loop3A_467 : vector<16xf32>
      %parallel_loop3A_474 = arith.mulf %parallel_loop3A_472, %parallel_loop3A_473 : vector<16xf32>
      %parallel_loop3A_475 = arith.constant -2.000000e+00 : f32
      %parallel_loop3A_476 = vector.broadcast %parallel_loop3A_475 : f32 to vector<16xf32>
      %parallel_loop3A_477 = arith.constant 0 : i32
      %parallel_loop3A_478 = vector.broadcast %parallel_loop3A_477 : i32 to vector<16xi32>
      %parallel_loop3A_479 = vector.broadcast %squeeze3A_158 : f32 to vector<16xf32>
      %parallel_loop3A_480 = arith.minimumf %parallel_loop3A_469, %parallel_loop3A_479 : vector<16xf32>
      %parallel_loop3A_481 = vector.broadcast %squeeze3A : f32 to vector<16xf32>
      %parallel_loop3A_482 = arith.maximumf %parallel_loop3A_465, %parallel_loop3A_481 : vector<16xf32>
      %parallel_loop3A_483 = arith.subf %parallel_loop3A_480, %parallel_loop3A_482 : vector<16xf32>
      %parallel_loop3A_484 = arith.constant 0.000000e+00 : f32
      %parallel_loop3A_485 = vector.broadcast %parallel_loop3A_484 : f32 to vector<16xf32>
      %parallel_loop3A_486 = arith.maximumf %parallel_loop3A_483, %parallel_loop3A_485 : vector<16xf32>
      %parallel_loop3A_487 = vector.broadcast %squeeze3A_226 : f32 to vector<16xf32>
      %parallel_loop3A_488 = arith.minimumf %parallel_loop3A_471, %parallel_loop3A_487 : vector<16xf32>
      %parallel_loop3A_489 = vector.broadcast %squeeze3A_90 : f32 to vector<16xf32>
      %parallel_loop3A_490 = arith.maximumf %parallel_loop3A_467, %parallel_loop3A_489 : vector<16xf32>
      %parallel_loop3A_491 = arith.subf %parallel_loop3A_488, %parallel_loop3A_490 : vector<16xf32>
      %parallel_loop3A_492 = arith.constant 0.000000e+00 : f32
      %parallel_loop3A_493 = vector.broadcast %parallel_loop3A_492 : f32 to vector<16xf32>
      %parallel_loop3A_494 = arith.maximumf %parallel_loop3A_491, %parallel_loop3A_493 : vector<16xf32>
      %parallel_loop3A_495 = arith.mulf %parallel_loop3A_486, %parallel_loop3A_494 : vector<16xf32>
      %parallel_loop3A_496 = vector.broadcast %mul3A_359 : f32 to vector<16xf32>
      %parallel_loop3A_497 = arith.addf %parallel_loop3A_474, %parallel_loop3A_496 : vector<16xf32>
      %parallel_loop3A_498 = arith.subf %parallel_loop3A_497, %parallel_loop3A_495 : vector<16xf32>
      %parallel_loop3A_499 = arith.constant 9.99999993E-9 : f32
      %parallel_loop3A_500 = vector.broadcast %parallel_loop3A_499 : f32 to vector<16xf32>
      %parallel_loop3A_501 = arith.maximumf %parallel_loop3A_498, %parallel_loop3A_500 : vector<16xf32>
      %parallel_loop3A_502 = arith.divf %parallel_loop3A_495, %parallel_loop3A_501 : vector<16xf32>
      %parallel_loop3A_503 = arith.constant -1.000000e+00 : f32
      %parallel_loop3A_504 = arith.cmpf one, %squeeze3A_294, %parallel_loop3A_503 : f32
      %parallel_loop3A_505 = arith.constant -1.000000e+00 : f32
      %parallel_loop3A_506 = vector.broadcast %parallel_loop3A_505 : f32 to vector<16xf32>
      %parallel_loop3A_507 = arith.select %parallel_loop3A_504, %parallel_loop3A_502, %parallel_loop3A_506 : vector<16xf32>
      %parallel_loop3A_508 = arith.cmpf ogt, %parallel_loop3A_507, %parallel_loop3A_476 : vector<16xf32>
      %parallel_loop3A_509 = arith.constant 0 : i32
      %parallel_loop3A_510 = vector.broadcast %parallel_loop3A_509 : i32 to vector<16xi32>
      %parallel_loop3A_511 = arith.select %parallel_loop3A_508, %parallel_loop3A_510, %parallel_loop3A_478 : vector<16xi1>, vector<16xi32>
      %parallel_loop3A_512 = arith.select %parallel_loop3A_508, %parallel_loop3A_507, %parallel_loop3A_476 : vector<16xi1>, vector<16xf32>
      %parallel_loop3A_513 = vector.broadcast %squeeze3A_160 : f32 to vector<16xf32>
      %parallel_loop3A_514 = arith.minimumf %parallel_loop3A_469, %parallel_loop3A_513 : vector<16xf32>
      %parallel_loop3A_515 = vector.broadcast %squeeze3A_24 : f32 to vector<16xf32>
      %parallel_loop3A_516 = arith.maximumf %parallel_loop3A_465, %parallel_loop3A_515 : vector<16xf32>
      %parallel_loop3A_517 = arith.subf %parallel_loop3A_514, %parallel_loop3A_516 : vector<16xf32>
      %parallel_loop3A_518 = arith.constant 0.000000e+00 : f32
      %parallel_loop3A_519 = vector.broadcast %parallel_loop3A_518 : f32 to vector<16xf32>
      %parallel_loop3A_520 = arith.maximumf %parallel_loop3A_517, %parallel_loop3A_519 : vector<16xf32>
      %parallel_loop3A_521 = vector.broadcast %squeeze3A_228 : f32 to vector<16xf32>
      %parallel_loop3A_522 = arith.minimumf %parallel_loop3A_471, %parallel_loop3A_521 : vector<16xf32>
      %parallel_loop3A_523 = vector.broadcast %squeeze3A_92 : f32 to vector<16xf32>
      %parallel_loop3A_524 = arith.maximumf %parallel_loop3A_467, %parallel_loop3A_523 : vector<16xf32>
      %parallel_loop3A_525 = arith.subf %parallel_loop3A_522, %parallel_loop3A_524 : vector<16xf32>
      %parallel_loop3A_526 = arith.constant 0.000000e+00 : f32
      %parallel_loop3A_527 = vector.broadcast %parallel_loop3A_526 : f32 to vector<16xf32>
      %parallel_loop3A_528 = arith.maximumf %parallel_loop3A_525, %parallel_loop3A_527 : vector<16xf32>
      %parallel_loop3A_529 = arith.mulf %parallel_loop3A_520, %parallel_loop3A_528 : vector<16xf32>
      %parallel_loop3A_530 = vector.broadcast %mul3A_362 : f32 to vector<16xf32>
      %parallel_loop3A_531 = arith.addf %parallel_loop3A_474, %parallel_loop3A_530 : vector<16xf32>
      %parallel_loop3A_532 = arith.subf %parallel_loop3A_531, %parallel_loop3A_529 : vector<16xf32>
      %parallel_loop3A_533 = arith.constant 9.99999993E-9 : f32
      %parallel_loop3A_534 = vector.broadcast %parallel_loop3A_533 : f32 to vector<16xf32>
      %parallel_loop3A_535 = arith.maximumf %parallel_loop3A_532, %parallel_loop3A_534 : vector<16xf32>
      %parallel_loop3A_536 = arith.divf %parallel_loop3A_529, %parallel_loop3A_535 : vector<16xf32>
      %parallel_loop3A_537 = arith.constant -1.000000e+00 : f32
      %parallel_loop3A_538 = arith.cmpf one, %squeeze3A_296, %parallel_loop3A_537 : f32
      %parallel_loop3A_539 = arith.constant -1.000000e+00 : f32
      %parallel_loop3A_540 = vector.broadcast %parallel_loop3A_539 : f32 to vector<16xf32>
      %parallel_loop3A_541 = arith.select %parallel_loop3A_538, %parallel_loop3A_536, %parallel_loop3A_540 : vector<16xf32>
      %parallel_loop3A_542 = arith.cmpf ogt, %parallel_loop3A_541, %parallel_loop3A_512 : vector<16xf32>
      %parallel_loop3A_543 = arith.constant 1 : i32
      %parallel_loop3A_544 = vector.broadcast %parallel_loop3A_543 : i32 to vector<16xi32>
      %parallel_loop3A_545 = arith.select %parallel_loop3A_542, %parallel_loop3A_544, %parallel_loop3A_511 : vector<16xi1>, vector<16xi32>
      %parallel_loop3A_546 = arith.select %parallel_loop3A_542, %parallel_loop3A_541, %parallel_loop3A_512 : vector<16xi1>, vector<16xf32>
      %parallel_loop3A_547 = vector.broadcast %squeeze3A_162 : f32 to vector<16xf32>
      %parallel_loop3A_548 = arith.minimumf %parallel_loop3A_469, %parallel_loop3A_547 : vector<16xf32>
      %parallel_loop3A_549 = vector.broadcast %squeeze3A_26 : f32 to vector<16xf32>
      %parallel_loop3A_550 = arith.maximumf %parallel_loop3A_465, %parallel_loop3A_549 : vector<16xf32>
      %parallel_loop3A_551 = arith.subf %parallel_loop3A_548, %parallel_loop3A_550 : vector<16xf32>
      %parallel_loop3A_552 = arith.constant 0.000000e+00 : f32
      %parallel_loop3A_553 = vector.broadcast %parallel_loop3A_552 : f32 to vector<16xf32>
      %parallel_loop3A_554 = arith.maximumf %parallel_loop3A_551, %parallel_loop3A_553 : vector<16xf32>
      %parallel_loop3A_555 = vector.broadcast %squeeze3A_230 : f32 to vector<16xf32>
      %parallel_loop3A_556 = arith.minimumf %parallel_loop3A_471, %parallel_loop3A_555 : vector<16xf32>
      %parallel_loop3A_557 = vector.broadcast %squeeze3A_94 : f32 to vector<16xf32>
      %parallel_loop3A_558 = arith.maximumf %parallel_loop3A_467, %parallel_loop3A_557 : vector<16xf32>
      %parallel_loop3A_559 = arith.subf %parallel_loop3A_556, %parallel_loop3A_558 : vector<16xf32>
      %parallel_loop3A_560 = arith.constant 0.000000e+00 : f32
      %parallel_loop3A_561 = vector.broadcast %parallel_loop3A_560 : f32 to vector<16xf32>
      %parallel_loop3A_562 = arith.maximumf %parallel_loop3A_559, %parallel_loop3A_561 : vector<16xf32>
      %parallel_loop3A_563 = arith.mulf %parallel_loop3A_554, %parallel_loop3A_562 : vector<16xf32>
      %parallel_loop3A_564 = vector.broadcast %mul3A_365 : f32 to vector<16xf32>
      %parallel_loop3A_565 = arith.addf %parallel_loop3A_474, %parallel_loop3A_564 : vector<16xf32>
      %parallel_loop3A_566 = arith.subf %parallel_loop3A_565, %parallel_loop3A_563 : vector<16xf32>
      %parallel_loop3A_567 = arith.constant 9.99999993E-9 : f32
      %parallel_loop3A_568 = vector.broadcast %parallel_loop3A_567 : f32 to vector<16xf32>
      %parallel_loop3A_569 = arith.maximumf %parallel_loop3A_566, %parallel_loop3A_568 : vector<16xf32>
      %parallel_loop3A_570 = arith.divf %parallel_loop3A_563, %parallel_loop3A_569 : vector<16xf32>
      %parallel_loop3A_571 = arith.constant -1.000000e+00 : f32
      %parallel_loop3A_572 = arith.cmpf one, %squeeze3A_298, %parallel_loop3A_571 : f32
      %parallel_loop3A_573 = arith.constant -1.000000e+00 : f32
      %parallel_loop3A_574 = vector.broadcast %parallel_loop3A_573 : f32 to vector<16xf32>
      %parallel_loop3A_575 = arith.select %parallel_loop3A_572, %parallel_loop3A_570, %parallel_loop3A_574 : vector<16xf32>
      %parallel_loop3A_576 = arith.cmpf ogt, %parallel_loop3A_575, %parallel_loop3A_546 : vector<16xf32>
      %parallel_loop3A_577 = arith.constant 2 : i32
      %parallel_loop3A_578 = vector.broadcast %parallel_loop3A_577 : i32 to vector<16xi32>
      %parallel_loop3A_579 = arith.select %parallel_loop3A_576, %parallel_loop3A_578, %parallel_loop3A_545 : vector<16xi1>, vector<16xi32>
      %parallel_loop3A_580 = arith.select %parallel_loop3A_576, %parallel_loop3A_575, %parallel_loop3A_546 : vector<16xi1>, vector<16xf32>
      %parallel_loop3A_581 = vector.broadcast %squeeze3A_164 : f32 to vector<16xf32>
      %parallel_loop3A_582 = arith.minimumf %parallel_loop3A_469, %parallel_loop3A_581 : vector<16xf32>
      %parallel_loop3A_583 = vector.broadcast %squeeze3A_28 : f32 to vector<16xf32>
      %parallel_loop3A_584 = arith.maximumf %parallel_loop3A_465, %parallel_loop3A_583 : vector<16xf32>
      %parallel_loop3A_585 = arith.subf %parallel_loop3A_582, %parallel_loop3A_584 : vector<16xf32>
      %parallel_loop3A_586 = arith.constant 0.000000e+00 : f32
      %parallel_loop3A_587 = vector.broadcast %parallel_loop3A_586 : f32 to vector<16xf32>
      %parallel_loop3A_588 = arith.maximumf %parallel_loop3A_585, %parallel_loop3A_587 : vector<16xf32>
      %parallel_loop3A_589 = vector.broadcast %squeeze3A_232 : f32 to vector<16xf32>
      %parallel_loop3A_590 = arith.minimumf %parallel_loop3A_471, %parallel_loop3A_589 : vector<16xf32>
      %parallel_loop3A_591 = vector.broadcast %squeeze3A_96 : f32 to vector<16xf32>
      %parallel_loop3A_592 = arith.maximumf %parallel_loop3A_467, %parallel_loop3A_591 : vector<16xf32>
      %parallel_loop3A_593 = arith.subf %parallel_loop3A_590, %parallel_loop3A_592 : vector<16xf32>
      %parallel_loop3A_594 = arith.constant 0.000000e+00 : f32
      %parallel_loop3A_595 = vector.broadcast %parallel_loop3A_594 : f32 to vector<16xf32>
      %parallel_loop3A_596 = arith.maximumf %parallel_loop3A_593, %parallel_loop3A_595 : vector<16xf32>
      %parallel_loop3A_597 = arith.mulf %parallel_loop3A_588, %parallel_loop3A_596 : vector<16xf32>
      %parallel_loop3A_598 = vector.broadcast %mul3A_368 : f32 to vector<16xf32>
      %parallel_loop3A_599 = arith.addf %parallel_loop3A_474, %parallel_loop3A_598 : vector<16xf32>
      %parallel_loop3A_600 = arith.subf %parallel_loop3A_599, %parallel_loop3A_597 : vector<16xf32>
      %parallel_loop3A_601 = arith.constant 9.99999993E-9 : f32
      %parallel_loop3A_602 = vector.broadcast %parallel_loop3A_601 : f32 to vector<16xf32>
      %parallel_loop3A_603 = arith.maximumf %parallel_loop3A_600, %parallel_loop3A_602 : vector<16xf32>
      %parallel_loop3A_604 = arith.divf %parallel_loop3A_597, %parallel_loop3A_603 : vector<16xf32>
      %parallel_loop3A_605 = arith.constant -1.000000e+00 : f32
      %parallel_loop3A_606 = arith.cmpf one, %squeeze3A_300, %parallel_loop3A_605 : f32
      %parallel_loop3A_607 = arith.constant -1.000000e+00 : f32
      %parallel_loop3A_608 = vector.broadcast %parallel_loop3A_607 : f32 to vector<16xf32>
      %parallel_loop3A_609 = arith.select %parallel_loop3A_606, %parallel_loop3A_604, %parallel_loop3A_608 : vector<16xf32>
      %parallel_loop3A_610 = arith.cmpf ogt, %parallel_loop3A_609, %parallel_loop3A_580 : vector<16xf32>
      %parallel_loop3A_611 = arith.constant 3 : i32
      %parallel_loop3A_612 = vector.broadcast %parallel_loop3A_611 : i32 to vector<16xi32>
      %parallel_loop3A_613 = arith.select %parallel_loop3A_610, %parallel_loop3A_612, %parallel_loop3A_579 : vector<16xi1>, vector<16xi32>
      %parallel_loop3A_614 = arith.select %parallel_loop3A_610, %parallel_loop3A_609, %parallel_loop3A_580 : vector<16xi1>, vector<16xf32>
      %parallel_loop3A_615 = vector.broadcast %squeeze3A_166 : f32 to vector<16xf32>
      %parallel_loop3A_616 = arith.minimumf %parallel_loop3A_469, %parallel_loop3A_615 : vector<16xf32>
      %parallel_loop3A_617 = vector.broadcast %squeeze3A_30 : f32 to vector<16xf32>
      %parallel_loop3A_618 = arith.maximumf %parallel_loop3A_465, %parallel_loop3A_617 : vector<16xf32>
      %parallel_loop3A_619 = arith.subf %parallel_loop3A_616, %parallel_loop3A_618 : vector<16xf32>
      %parallel_loop3A_620 = arith.constant 0.000000e+00 : f32
      %parallel_loop3A_621 = vector.broadcast %parallel_loop3A_620 : f32 to vector<16xf32>
      %parallel_loop3A_622 = arith.maximumf %parallel_loop3A_619, %parallel_loop3A_621 : vector<16xf32>
      %parallel_loop3A_623 = vector.broadcast %squeeze3A_234 : f32 to vector<16xf32>
      %parallel_loop3A_624 = arith.minimumf %parallel_loop3A_471, %parallel_loop3A_623 : vector<16xf32>
      %parallel_loop3A_625 = vector.broadcast %squeeze3A_98 : f32 to vector<16xf32>
      %parallel_loop3A_626 = arith.maximumf %parallel_loop3A_467, %parallel_loop3A_625 : vector<16xf32>
      %parallel_loop3A_627 = arith.subf %parallel_loop3A_624, %parallel_loop3A_626 : vector<16xf32>
      %parallel_loop3A_628 = arith.constant 0.000000e+00 : f32
      %parallel_loop3A_629 = vector.broadcast %parallel_loop3A_628 : f32 to vector<16xf32>
      %parallel_loop3A_630 = arith.maximumf %parallel_loop3A_627, %parallel_loop3A_629 : vector<16xf32>
      %parallel_loop3A_631 = arith.mulf %parallel_loop3A_622, %parallel_loop3A_630 : vector<16xf32>
      %parallel_loop3A_632 = vector.broadcast %mul3A_371 : f32 to vector<16xf32>
      %parallel_loop3A_633 = arith.addf %parallel_loop3A_474, %parallel_loop3A_632 : vector<16xf32>
      %parallel_loop3A_634 = arith.subf %parallel_loop3A_633, %parallel_loop3A_631 : vector<16xf32>
      %parallel_loop3A_635 = arith.constant 9.99999993E-9 : f32
      %parallel_loop3A_636 = vector.broadcast %parallel_loop3A_635 : f32 to vector<16xf32>
      %parallel_loop3A_637 = arith.maximumf %parallel_loop3A_634, %parallel_loop3A_636 : vector<16xf32>
      %parallel_loop3A_638 = arith.divf %parallel_loop3A_631, %parallel_loop3A_637 : vector<16xf32>
      %parallel_loop3A_639 = arith.constant -1.000000e+00 : f32
      %parallel_loop3A_640 = arith.cmpf one, %squeeze3A_302, %parallel_loop3A_639 : f32
      %parallel_loop3A_641 = arith.constant -1.000000e+00 : f32
      %parallel_loop3A_642 = vector.broadcast %parallel_loop3A_641 : f32 to vector<16xf32>
      %parallel_loop3A_643 = arith.select %parallel_loop3A_640, %parallel_loop3A_638, %parallel_loop3A_642 : vector<16xf32>
      %parallel_loop3A_644 = arith.cmpf ogt, %parallel_loop3A_643, %parallel_loop3A_614 : vector<16xf32>
      %parallel_loop3A_645 = arith.constant 4 : i32
      %parallel_loop3A_646 = vector.broadcast %parallel_loop3A_645 : i32 to vector<16xi32>
      %parallel_loop3A_647 = arith.select %parallel_loop3A_644, %parallel_loop3A_646, %parallel_loop3A_613 : vector<16xi1>, vector<16xi32>
      %parallel_loop3A_648 = arith.select %parallel_loop3A_644, %parallel_loop3A_643, %parallel_loop3A_614 : vector<16xi1>, vector<16xf32>
      %parallel_loop3A_649 = vector.broadcast %squeeze3A_168 : f32 to vector<16xf32>
      %parallel_loop3A_650 = arith.minimumf %parallel_loop3A_469, %parallel_loop3A_649 : vector<16xf32>
      %parallel_loop3A_651 = vector.broadcast %squeeze3A_32 : f32 to vector<16xf32>
      %parallel_loop3A_652 = arith.maximumf %parallel_loop3A_465, %parallel_loop3A_651 : vector<16xf32>
      %parallel_loop3A_653 = arith.subf %parallel_loop3A_650, %parallel_loop3A_652 : vector<16xf32>
      %parallel_loop3A_654 = arith.constant 0.000000e+00 : f32
      %parallel_loop3A_655 = vector.broadcast %parallel_loop3A_654 : f32 to vector<16xf32>
      %parallel_loop3A_656 = arith.maximumf %parallel_loop3A_653, %parallel_loop3A_655 : vector<16xf32>
      %parallel_loop3A_657 = vector.broadcast %squeeze3A_236 : f32 to vector<16xf32>
      %parallel_loop3A_658 = arith.minimumf %parallel_loop3A_471, %parallel_loop3A_657 : vector<16xf32>
      %parallel_loop3A_659 = vector.broadcast %squeeze3A_100 : f32 to vector<16xf32>
      %parallel_loop3A_660 = arith.maximumf %parallel_loop3A_467, %parallel_loop3A_659 : vector<16xf32>
      %parallel_loop3A_661 = arith.subf %parallel_loop3A_658, %parallel_loop3A_660 : vector<16xf32>
      %parallel_loop3A_662 = arith.constant 0.000000e+00 : f32
      %parallel_loop3A_663 = vector.broadcast %parallel_loop3A_662 : f32 to vector<16xf32>
      %parallel_loop3A_664 = arith.maximumf %parallel_loop3A_661, %parallel_loop3A_663 : vector<16xf32>
      %parallel_loop3A_665 = arith.mulf %parallel_loop3A_656, %parallel_loop3A_664 : vector<16xf32>
      %parallel_loop3A_666 = vector.broadcast %mul3A_374 : f32 to vector<16xf32>
      %parallel_loop3A_667 = arith.addf %parallel_loop3A_474, %parallel_loop3A_666 : vector<16xf32>
      %parallel_loop3A_668 = arith.subf %parallel_loop3A_667, %parallel_loop3A_665 : vector<16xf32>
      %parallel_loop3A_669 = arith.constant 9.99999993E-9 : f32
      %parallel_loop3A_670 = vector.broadcast %parallel_loop3A_669 : f32 to vector<16xf32>
      %parallel_loop3A_671 = arith.maximumf %parallel_loop3A_668, %parallel_loop3A_670 : vector<16xf32>
      %parallel_loop3A_672 = arith.divf %parallel_loop3A_665, %parallel_loop3A_671 : vector<16xf32>
      %parallel_loop3A_673 = arith.constant -1.000000e+00 : f32
      %parallel_loop3A_674 = arith.cmpf one, %squeeze3A_304, %parallel_loop3A_673 : f32
      %parallel_loop3A_675 = arith.constant -1.000000e+00 : f32
      %parallel_loop3A_676 = vector.broadcast %parallel_loop3A_675 : f32 to vector<16xf32>
      %parallel_loop3A_677 = arith.select %parallel_loop3A_674, %parallel_loop3A_672, %parallel_loop3A_676 : vector<16xf32>
      %parallel_loop3A_678 = arith.cmpf ogt, %parallel_loop3A_677, %parallel_loop3A_648 : vector<16xf32>
      %parallel_loop3A_679 = arith.constant 5 : i32
      %parallel_loop3A_680 = vector.broadcast %parallel_loop3A_679 : i32 to vector<16xi32>
      %parallel_loop3A_681 = arith.select %parallel_loop3A_678, %parallel_loop3A_680, %parallel_loop3A_647 : vector<16xi1>, vector<16xi32>
      %parallel_loop3A_682 = arith.select %parallel_loop3A_678, %parallel_loop3A_677, %parallel_loop3A_648 : vector<16xi1>, vector<16xf32>
      %parallel_loop3A_683 = vector.broadcast %squeeze3A_170 : f32 to vector<16xf32>
      %parallel_loop3A_684 = arith.minimumf %parallel_loop3A_469, %parallel_loop3A_683 : vector<16xf32>
      %parallel_loop3A_685 = vector.broadcast %squeeze3A_34 : f32 to vector<16xf32>
      %parallel_loop3A_686 = arith.maximumf %parallel_loop3A_465, %parallel_loop3A_685 : vector<16xf32>
      %parallel_loop3A_687 = arith.subf %parallel_loop3A_684, %parallel_loop3A_686 : vector<16xf32>
      %parallel_loop3A_688 = arith.constant 0.000000e+00 : f32
      %parallel_loop3A_689 = vector.broadcast %parallel_loop3A_688 : f32 to vector<16xf32>
      %parallel_loop3A_690 = arith.maximumf %parallel_loop3A_687, %parallel_loop3A_689 : vector<16xf32>
      %parallel_loop3A_691 = vector.broadcast %squeeze3A_238 : f32 to vector<16xf32>
      %parallel_loop3A_692 = arith.minimumf %parallel_loop3A_471, %parallel_loop3A_691 : vector<16xf32>
      %parallel_loop3A_693 = vector.broadcast %squeeze3A_102 : f32 to vector<16xf32>
      %parallel_loop3A_694 = arith.maximumf %parallel_loop3A_467, %parallel_loop3A_693 : vector<16xf32>
      %parallel_loop3A_695 = arith.subf %parallel_loop3A_692, %parallel_loop3A_694 : vector<16xf32>
      %parallel_loop3A_696 = arith.constant 0.000000e+00 : f32
      %parallel_loop3A_697 = vector.broadcast %parallel_loop3A_696 : f32 to vector<16xf32>
      %parallel_loop3A_698 = arith.maximumf %parallel_loop3A_695, %parallel_loop3A_697 : vector<16xf32>
      %parallel_loop3A_699 = arith.mulf %parallel_loop3A_690, %parallel_loop3A_698 : vector<16xf32>
      %parallel_loop3A_700 = vector.broadcast %mul3A_377 : f32 to vector<16xf32>
      %parallel_loop3A_701 = arith.addf %parallel_loop3A_474, %parallel_loop3A_700 : vector<16xf32>
      %parallel_loop3A_702 = arith.subf %parallel_loop3A_701, %parallel_loop3A_699 : vector<16xf32>
      %parallel_loop3A_703 = arith.constant 9.99999993E-9 : f32
      %parallel_loop3A_704 = vector.broadcast %parallel_loop3A_703 : f32 to vector<16xf32>
      %parallel_loop3A_705 = arith.maximumf %parallel_loop3A_702, %parallel_loop3A_704 : vector<16xf32>
      %parallel_loop3A_706 = arith.divf %parallel_loop3A_699, %parallel_loop3A_705 : vector<16xf32>
      %parallel_loop3A_707 = arith.constant -1.000000e+00 : f32
      %parallel_loop3A_708 = arith.cmpf one, %squeeze3A_306, %parallel_loop3A_707 : f32
      %parallel_loop3A_709 = arith.constant -1.000000e+00 : f32
      %parallel_loop3A_710 = vector.broadcast %parallel_loop3A_709 : f32 to vector<16xf32>
      %parallel_loop3A_711 = arith.select %parallel_loop3A_708, %parallel_loop3A_706, %parallel_loop3A_710 : vector<16xf32>
      %parallel_loop3A_712 = arith.cmpf ogt, %parallel_loop3A_711, %parallel_loop3A_682 : vector<16xf32>
      %parallel_loop3A_713 = arith.constant 6 : i32
      %parallel_loop3A_714 = vector.broadcast %parallel_loop3A_713 : i32 to vector<16xi32>
      %parallel_loop3A_715 = arith.select %parallel_loop3A_712, %parallel_loop3A_714, %parallel_loop3A_681 : vector<16xi1>, vector<16xi32>
      %parallel_loop3A_716 = arith.select %parallel_loop3A_712, %parallel_loop3A_711, %parallel_loop3A_682 : vector<16xi1>, vector<16xf32>
      %parallel_loop3A_717 = vector.broadcast %squeeze3A_172 : f32 to vector<16xf32>
      %parallel_loop3A_718 = arith.minimumf %parallel_loop3A_469, %parallel_loop3A_717 : vector<16xf32>
      %parallel_loop3A_719 = vector.broadcast %squeeze3A_36 : f32 to vector<16xf32>
      %parallel_loop3A_720 = arith.maximumf %parallel_loop3A_465, %parallel_loop3A_719 : vector<16xf32>
      %parallel_loop3A_721 = arith.subf %parallel_loop3A_718, %parallel_loop3A_720 : vector<16xf32>
      %parallel_loop3A_722 = arith.constant 0.000000e+00 : f32
      %parallel_loop3A_723 = vector.broadcast %parallel_loop3A_722 : f32 to vector<16xf32>
      %parallel_loop3A_724 = arith.maximumf %parallel_loop3A_721, %parallel_loop3A_723 : vector<16xf32>
      %parallel_loop3A_725 = vector.broadcast %squeeze3A_240 : f32 to vector<16xf32>
      %parallel_loop3A_726 = arith.minimumf %parallel_loop3A_471, %parallel_loop3A_725 : vector<16xf32>
      %parallel_loop3A_727 = vector.broadcast %squeeze3A_104 : f32 to vector<16xf32>
      %parallel_loop3A_728 = arith.maximumf %parallel_loop3A_467, %parallel_loop3A_727 : vector<16xf32>
      %parallel_loop3A_729 = arith.subf %parallel_loop3A_726, %parallel_loop3A_728 : vector<16xf32>
      %parallel_loop3A_730 = arith.constant 0.000000e+00 : f32
      %parallel_loop3A_731 = vector.broadcast %parallel_loop3A_730 : f32 to vector<16xf32>
      %parallel_loop3A_732 = arith.maximumf %parallel_loop3A_729, %parallel_loop3A_731 : vector<16xf32>
      %parallel_loop3A_733 = arith.mulf %parallel_loop3A_724, %parallel_loop3A_732 : vector<16xf32>
      %parallel_loop3A_734 = vector.broadcast %mul3A_380 : f32 to vector<16xf32>
      %parallel_loop3A_735 = arith.addf %parallel_loop3A_474, %parallel_loop3A_734 : vector<16xf32>
      %parallel_loop3A_736 = arith.subf %parallel_loop3A_735, %parallel_loop3A_733 : vector<16xf32>
      %parallel_loop3A_737 = arith.constant 9.99999993E-9 : f32
      %parallel_loop3A_738 = vector.broadcast %parallel_loop3A_737 : f32 to vector<16xf32>
      %parallel_loop3A_739 = arith.maximumf %parallel_loop3A_736, %parallel_loop3A_738 : vector<16xf32>
      %parallel_loop3A_740 = arith.divf %parallel_loop3A_733, %parallel_loop3A_739 : vector<16xf32>
      %parallel_loop3A_741 = arith.constant -1.000000e+00 : f32
      %parallel_loop3A_742 = arith.cmpf one, %squeeze3A_308, %parallel_loop3A_741 : f32
      %parallel_loop3A_743 = arith.constant -1.000000e+00 : f32
      %parallel_loop3A_744 = vector.broadcast %parallel_loop3A_743 : f32 to vector<16xf32>
      %parallel_loop3A_745 = arith.select %parallel_loop3A_742, %parallel_loop3A_740, %parallel_loop3A_744 : vector<16xf32>
      %parallel_loop3A_746 = arith.cmpf ogt, %parallel_loop3A_745, %parallel_loop3A_716 : vector<16xf32>
      %parallel_loop3A_747 = arith.constant 7 : i32
      %parallel_loop3A_748 = vector.broadcast %parallel_loop3A_747 : i32 to vector<16xi32>
      %parallel_loop3A_749 = arith.select %parallel_loop3A_746, %parallel_loop3A_748, %parallel_loop3A_715 : vector<16xi1>, vector<16xi32>
      %parallel_loop3A_750 = arith.select %parallel_loop3A_746, %parallel_loop3A_745, %parallel_loop3A_716 : vector<16xi1>, vector<16xf32>
      %parallel_loop3A_751 = vector.broadcast %squeeze3A_174 : f32 to vector<16xf32>
      %parallel_loop3A_752 = arith.minimumf %parallel_loop3A_469, %parallel_loop3A_751 : vector<16xf32>
      %parallel_loop3A_753 = vector.broadcast %squeeze3A_38 : f32 to vector<16xf32>
      %parallel_loop3A_754 = arith.maximumf %parallel_loop3A_465, %parallel_loop3A_753 : vector<16xf32>
      %parallel_loop3A_755 = arith.subf %parallel_loop3A_752, %parallel_loop3A_754 : vector<16xf32>
      %parallel_loop3A_756 = arith.constant 0.000000e+00 : f32
      %parallel_loop3A_757 = vector.broadcast %parallel_loop3A_756 : f32 to vector<16xf32>
      %parallel_loop3A_758 = arith.maximumf %parallel_loop3A_755, %parallel_loop3A_757 : vector<16xf32>
      %parallel_loop3A_759 = vector.broadcast %squeeze3A_242 : f32 to vector<16xf32>
      %parallel_loop3A_760 = arith.minimumf %parallel_loop3A_471, %parallel_loop3A_759 : vector<16xf32>
      %parallel_loop3A_761 = vector.broadcast %squeeze3A_106 : f32 to vector<16xf32>
      %parallel_loop3A_762 = arith.maximumf %parallel_loop3A_467, %parallel_loop3A_761 : vector<16xf32>
      %parallel_loop3A_763 = arith.subf %parallel_loop3A_760, %parallel_loop3A_762 : vector<16xf32>
      %parallel_loop3A_764 = arith.constant 0.000000e+00 : f32
      %parallel_loop3A_765 = vector.broadcast %parallel_loop3A_764 : f32 to vector<16xf32>
      %parallel_loop3A_766 = arith.maximumf %parallel_loop3A_763, %parallel_loop3A_765 : vector<16xf32>
      %parallel_loop3A_767 = arith.mulf %parallel_loop3A_758, %parallel_loop3A_766 : vector<16xf32>
      %parallel_loop3A_768 = vector.broadcast %mul3A_383 : f32 to vector<16xf32>
      %parallel_loop3A_769 = arith.addf %parallel_loop3A_474, %parallel_loop3A_768 : vector<16xf32>
      %parallel_loop3A_770 = arith.subf %parallel_loop3A_769, %parallel_loop3A_767 : vector<16xf32>
      %parallel_loop3A_771 = arith.constant 9.99999993E-9 : f32
      %parallel_loop3A_772 = vector.broadcast %parallel_loop3A_771 : f32 to vector<16xf32>
      %parallel_loop3A_773 = arith.maximumf %parallel_loop3A_770, %parallel_loop3A_772 : vector<16xf32>
      %parallel_loop3A_774 = arith.divf %parallel_loop3A_767, %parallel_loop3A_773 : vector<16xf32>
      %parallel_loop3A_775 = arith.constant -1.000000e+00 : f32
      %parallel_loop3A_776 = arith.cmpf one, %squeeze3A_310, %parallel_loop3A_775 : f32
      %parallel_loop3A_777 = arith.constant -1.000000e+00 : f32
      %parallel_loop3A_778 = vector.broadcast %parallel_loop3A_777 : f32 to vector<16xf32>
      %parallel_loop3A_779 = arith.select %parallel_loop3A_776, %parallel_loop3A_774, %parallel_loop3A_778 : vector<16xf32>
      %parallel_loop3A_780 = arith.cmpf ogt, %parallel_loop3A_779, %parallel_loop3A_750 : vector<16xf32>
      %parallel_loop3A_781 = arith.constant 8 : i32
      %parallel_loop3A_782 = vector.broadcast %parallel_loop3A_781 : i32 to vector<16xi32>
      %parallel_loop3A_783 = arith.select %parallel_loop3A_780, %parallel_loop3A_782, %parallel_loop3A_749 : vector<16xi1>, vector<16xi32>
      %parallel_loop3A_784 = arith.select %parallel_loop3A_780, %parallel_loop3A_779, %parallel_loop3A_750 : vector<16xi1>, vector<16xf32>
      %parallel_loop3A_785 = vector.broadcast %squeeze3A_176 : f32 to vector<16xf32>
      %parallel_loop3A_786 = arith.minimumf %parallel_loop3A_469, %parallel_loop3A_785 : vector<16xf32>
      %parallel_loop3A_787 = vector.broadcast %squeeze3A_40 : f32 to vector<16xf32>
      %parallel_loop3A_788 = arith.maximumf %parallel_loop3A_465, %parallel_loop3A_787 : vector<16xf32>
      %parallel_loop3A_789 = arith.subf %parallel_loop3A_786, %parallel_loop3A_788 : vector<16xf32>
      %parallel_loop3A_790 = arith.constant 0.000000e+00 : f32
      %parallel_loop3A_791 = vector.broadcast %parallel_loop3A_790 : f32 to vector<16xf32>
      %parallel_loop3A_792 = arith.maximumf %parallel_loop3A_789, %parallel_loop3A_791 : vector<16xf32>
      %parallel_loop3A_793 = vector.broadcast %squeeze3A_244 : f32 to vector<16xf32>
      %parallel_loop3A_794 = arith.minimumf %parallel_loop3A_471, %parallel_loop3A_793 : vector<16xf32>
      %parallel_loop3A_795 = vector.broadcast %squeeze3A_108 : f32 to vector<16xf32>
      %parallel_loop3A_796 = arith.maximumf %parallel_loop3A_467, %parallel_loop3A_795 : vector<16xf32>
      %parallel_loop3A_797 = arith.subf %parallel_loop3A_794, %parallel_loop3A_796 : vector<16xf32>
      %parallel_loop3A_798 = arith.constant 0.000000e+00 : f32
      %parallel_loop3A_799 = vector.broadcast %parallel_loop3A_798 : f32 to vector<16xf32>
      %parallel_loop3A_800 = arith.maximumf %parallel_loop3A_797, %parallel_loop3A_799 : vector<16xf32>
      %parallel_loop3A_801 = arith.mulf %parallel_loop3A_792, %parallel_loop3A_800 : vector<16xf32>
      %parallel_loop3A_802 = vector.broadcast %mul3A_386 : f32 to vector<16xf32>
      %parallel_loop3A_803 = arith.addf %parallel_loop3A_474, %parallel_loop3A_802 : vector<16xf32>
      %parallel_loop3A_804 = arith.subf %parallel_loop3A_803, %parallel_loop3A_801 : vector<16xf32>
      %parallel_loop3A_805 = arith.constant 9.99999993E-9 : f32
      %parallel_loop3A_806 = vector.broadcast %parallel_loop3A_805 : f32 to vector<16xf32>
      %parallel_loop3A_807 = arith.maximumf %parallel_loop3A_804, %parallel_loop3A_806 : vector<16xf32>
      %parallel_loop3A_808 = arith.divf %parallel_loop3A_801, %parallel_loop3A_807 : vector<16xf32>
      %parallel_loop3A_809 = arith.constant -1.000000e+00 : f32
      %parallel_loop3A_810 = arith.cmpf one, %squeeze3A_312, %parallel_loop3A_809 : f32
      %parallel_loop3A_811 = arith.constant -1.000000e+00 : f32
      %parallel_loop3A_812 = vector.broadcast %parallel_loop3A_811 : f32 to vector<16xf32>
      %parallel_loop3A_813 = arith.select %parallel_loop3A_810, %parallel_loop3A_808, %parallel_loop3A_812 : vector<16xf32>
      %parallel_loop3A_814 = arith.cmpf ogt, %parallel_loop3A_813, %parallel_loop3A_784 : vector<16xf32>
      %parallel_loop3A_815 = arith.constant 9 : i32
      %parallel_loop3A_816 = vector.broadcast %parallel_loop3A_815 : i32 to vector<16xi32>
      %parallel_loop3A_817 = arith.select %parallel_loop3A_814, %parallel_loop3A_816, %parallel_loop3A_783 : vector<16xi1>, vector<16xi32>
      %parallel_loop3A_818 = arith.select %parallel_loop3A_814, %parallel_loop3A_813, %parallel_loop3A_784 : vector<16xi1>, vector<16xf32>
      %parallel_loop3A_819 = vector.broadcast %squeeze3A_178 : f32 to vector<16xf32>
      %parallel_loop3A_820 = arith.minimumf %parallel_loop3A_469, %parallel_loop3A_819 : vector<16xf32>
      %parallel_loop3A_821 = vector.broadcast %squeeze3A_42 : f32 to vector<16xf32>
      %parallel_loop3A_822 = arith.maximumf %parallel_loop3A_465, %parallel_loop3A_821 : vector<16xf32>
      %parallel_loop3A_823 = arith.subf %parallel_loop3A_820, %parallel_loop3A_822 : vector<16xf32>
      %parallel_loop3A_824 = arith.constant 0.000000e+00 : f32
      %parallel_loop3A_825 = vector.broadcast %parallel_loop3A_824 : f32 to vector<16xf32>
      %parallel_loop3A_826 = arith.maximumf %parallel_loop3A_823, %parallel_loop3A_825 : vector<16xf32>
      %parallel_loop3A_827 = vector.broadcast %squeeze3A_246 : f32 to vector<16xf32>
      %parallel_loop3A_828 = arith.minimumf %parallel_loop3A_471, %parallel_loop3A_827 : vector<16xf32>
      %parallel_loop3A_829 = vector.broadcast %squeeze3A_110 : f32 to vector<16xf32>
      %parallel_loop3A_830 = arith.maximumf %parallel_loop3A_467, %parallel_loop3A_829 : vector<16xf32>
      %parallel_loop3A_831 = arith.subf %parallel_loop3A_828, %parallel_loop3A_830 : vector<16xf32>
      %parallel_loop3A_832 = arith.constant 0.000000e+00 : f32
      %parallel_loop3A_833 = vector.broadcast %parallel_loop3A_832 : f32 to vector<16xf32>
      %parallel_loop3A_834 = arith.maximumf %parallel_loop3A_831, %parallel_loop3A_833 : vector<16xf32>
      %parallel_loop3A_835 = arith.mulf %parallel_loop3A_826, %parallel_loop3A_834 : vector<16xf32>
      %parallel_loop3A_836 = vector.broadcast %mul3A_389 : f32 to vector<16xf32>
      %parallel_loop3A_837 = arith.addf %parallel_loop3A_474, %parallel_loop3A_836 : vector<16xf32>
      %parallel_loop3A_838 = arith.subf %parallel_loop3A_837, %parallel_loop3A_835 : vector<16xf32>
      %parallel_loop3A_839 = arith.constant 9.99999993E-9 : f32
      %parallel_loop3A_840 = vector.broadcast %parallel_loop3A_839 : f32 to vector<16xf32>
      %parallel_loop3A_841 = arith.maximumf %parallel_loop3A_838, %parallel_loop3A_840 : vector<16xf32>
      %parallel_loop3A_842 = arith.divf %parallel_loop3A_835, %parallel_loop3A_841 : vector<16xf32>
      %parallel_loop3A_843 = arith.constant -1.000000e+00 : f32
      %parallel_loop3A_844 = arith.cmpf one, %squeeze3A_314, %parallel_loop3A_843 : f32
      %parallel_loop3A_845 = arith.constant -1.000000e+00 : f32
      %parallel_loop3A_846 = vector.broadcast %parallel_loop3A_845 : f32 to vector<16xf32>
      %parallel_loop3A_847 = arith.select %parallel_loop3A_844, %parallel_loop3A_842, %parallel_loop3A_846 : vector<16xf32>
      %parallel_loop3A_848 = arith.cmpf ogt, %parallel_loop3A_847, %parallel_loop3A_818 : vector<16xf32>
      %parallel_loop3A_849 = arith.constant 10 : i32
      %parallel_loop3A_850 = vector.broadcast %parallel_loop3A_849 : i32 to vector<16xi32>
      %parallel_loop3A_851 = arith.select %parallel_loop3A_848, %parallel_loop3A_850, %parallel_loop3A_817 : vector<16xi1>, vector<16xi32>
      %parallel_loop3A_852 = arith.select %parallel_loop3A_848, %parallel_loop3A_847, %parallel_loop3A_818 : vector<16xi1>, vector<16xf32>
      %parallel_loop3A_853 = vector.broadcast %squeeze3A_180 : f32 to vector<16xf32>
      %parallel_loop3A_854 = arith.minimumf %parallel_loop3A_469, %parallel_loop3A_853 : vector<16xf32>
      %parallel_loop3A_855 = vector.broadcast %squeeze3A_44 : f32 to vector<16xf32>
      %parallel_loop3A_856 = arith.maximumf %parallel_loop3A_465, %parallel_loop3A_855 : vector<16xf32>
      %parallel_loop3A_857 = arith.subf %parallel_loop3A_854, %parallel_loop3A_856 : vector<16xf32>
      %parallel_loop3A_858 = arith.constant 0.000000e+00 : f32
      %parallel_loop3A_859 = vector.broadcast %parallel_loop3A_858 : f32 to vector<16xf32>
      %parallel_loop3A_860 = arith.maximumf %parallel_loop3A_857, %parallel_loop3A_859 : vector<16xf32>
      %parallel_loop3A_861 = vector.broadcast %squeeze3A_248 : f32 to vector<16xf32>
      %parallel_loop3A_862 = arith.minimumf %parallel_loop3A_471, %parallel_loop3A_861 : vector<16xf32>
      %parallel_loop3A_863 = vector.broadcast %squeeze3A_112 : f32 to vector<16xf32>
      %parallel_loop3A_864 = arith.maximumf %parallel_loop3A_467, %parallel_loop3A_863 : vector<16xf32>
      %parallel_loop3A_865 = arith.subf %parallel_loop3A_862, %parallel_loop3A_864 : vector<16xf32>
      %parallel_loop3A_866 = arith.constant 0.000000e+00 : f32
      %parallel_loop3A_867 = vector.broadcast %parallel_loop3A_866 : f32 to vector<16xf32>
      %parallel_loop3A_868 = arith.maximumf %parallel_loop3A_865, %parallel_loop3A_867 : vector<16xf32>
      %parallel_loop3A_869 = arith.mulf %parallel_loop3A_860, %parallel_loop3A_868 : vector<16xf32>
      %parallel_loop3A_870 = vector.broadcast %mul3A_392 : f32 to vector<16xf32>
      %parallel_loop3A_871 = arith.addf %parallel_loop3A_474, %parallel_loop3A_870 : vector<16xf32>
      %parallel_loop3A_872 = arith.subf %parallel_loop3A_871, %parallel_loop3A_869 : vector<16xf32>
      %parallel_loop3A_873 = arith.constant 9.99999993E-9 : f32
      %parallel_loop3A_874 = vector.broadcast %parallel_loop3A_873 : f32 to vector<16xf32>
      %parallel_loop3A_875 = arith.maximumf %parallel_loop3A_872, %parallel_loop3A_874 : vector<16xf32>
      %parallel_loop3A_876 = arith.divf %parallel_loop3A_869, %parallel_loop3A_875 : vector<16xf32>
      %parallel_loop3A_877 = arith.constant -1.000000e+00 : f32
      %parallel_loop3A_878 = arith.cmpf one, %squeeze3A_316, %parallel_loop3A_877 : f32
      %parallel_loop3A_879 = arith.constant -1.000000e+00 : f32
      %parallel_loop3A_880 = vector.broadcast %parallel_loop3A_879 : f32 to vector<16xf32>
      %parallel_loop3A_881 = arith.select %parallel_loop3A_878, %parallel_loop3A_876, %parallel_loop3A_880 : vector<16xf32>
      %parallel_loop3A_882 = arith.cmpf ogt, %parallel_loop3A_881, %parallel_loop3A_852 : vector<16xf32>
      %parallel_loop3A_883 = arith.constant 11 : i32
      %parallel_loop3A_884 = vector.broadcast %parallel_loop3A_883 : i32 to vector<16xi32>
      %parallel_loop3A_885 = arith.select %parallel_loop3A_882, %parallel_loop3A_884, %parallel_loop3A_851 : vector<16xi1>, vector<16xi32>
      %parallel_loop3A_886 = arith.select %parallel_loop3A_882, %parallel_loop3A_881, %parallel_loop3A_852 : vector<16xi1>, vector<16xf32>
      %parallel_loop3A_887 = vector.broadcast %squeeze3A_182 : f32 to vector<16xf32>
      %parallel_loop3A_888 = arith.minimumf %parallel_loop3A_469, %parallel_loop3A_887 : vector<16xf32>
      %parallel_loop3A_889 = vector.broadcast %squeeze3A_46 : f32 to vector<16xf32>
      %parallel_loop3A_890 = arith.maximumf %parallel_loop3A_465, %parallel_loop3A_889 : vector<16xf32>
      %parallel_loop3A_891 = arith.subf %parallel_loop3A_888, %parallel_loop3A_890 : vector<16xf32>
      %parallel_loop3A_892 = arith.constant 0.000000e+00 : f32
      %parallel_loop3A_893 = vector.broadcast %parallel_loop3A_892 : f32 to vector<16xf32>
      %parallel_loop3A_894 = arith.maximumf %parallel_loop3A_891, %parallel_loop3A_893 : vector<16xf32>
      %parallel_loop3A_895 = vector.broadcast %squeeze3A_250 : f32 to vector<16xf32>
      %parallel_loop3A_896 = arith.minimumf %parallel_loop3A_471, %parallel_loop3A_895 : vector<16xf32>
      %parallel_loop3A_897 = vector.broadcast %squeeze3A_114 : f32 to vector<16xf32>
      %parallel_loop3A_898 = arith.maximumf %parallel_loop3A_467, %parallel_loop3A_897 : vector<16xf32>
      %parallel_loop3A_899 = arith.subf %parallel_loop3A_896, %parallel_loop3A_898 : vector<16xf32>
      %parallel_loop3A_900 = arith.constant 0.000000e+00 : f32
      %parallel_loop3A_901 = vector.broadcast %parallel_loop3A_900 : f32 to vector<16xf32>
      %parallel_loop3A_902 = arith.maximumf %parallel_loop3A_899, %parallel_loop3A_901 : vector<16xf32>
      %parallel_loop3A_903 = arith.mulf %parallel_loop3A_894, %parallel_loop3A_902 : vector<16xf32>
      %parallel_loop3A_904 = vector.broadcast %mul3A_395 : f32 to vector<16xf32>
      %parallel_loop3A_905 = arith.addf %parallel_loop3A_474, %parallel_loop3A_904 : vector<16xf32>
      %parallel_loop3A_906 = arith.subf %parallel_loop3A_905, %parallel_loop3A_903 : vector<16xf32>
      %parallel_loop3A_907 = arith.constant 9.99999993E-9 : f32
      %parallel_loop3A_908 = vector.broadcast %parallel_loop3A_907 : f32 to vector<16xf32>
      %parallel_loop3A_909 = arith.maximumf %parallel_loop3A_906, %parallel_loop3A_908 : vector<16xf32>
      %parallel_loop3A_910 = arith.divf %parallel_loop3A_903, %parallel_loop3A_909 : vector<16xf32>
      %parallel_loop3A_911 = arith.constant -1.000000e+00 : f32
      %parallel_loop3A_912 = arith.cmpf one, %squeeze3A_318, %parallel_loop3A_911 : f32
      %parallel_loop3A_913 = arith.constant -1.000000e+00 : f32
      %parallel_loop3A_914 = vector.broadcast %parallel_loop3A_913 : f32 to vector<16xf32>
      %parallel_loop3A_915 = arith.select %parallel_loop3A_912, %parallel_loop3A_910, %parallel_loop3A_914 : vector<16xf32>
      %parallel_loop3A_916 = arith.cmpf ogt, %parallel_loop3A_915, %parallel_loop3A_886 : vector<16xf32>
      %parallel_loop3A_917 = arith.constant 12 : i32
      %parallel_loop3A_918 = vector.broadcast %parallel_loop3A_917 : i32 to vector<16xi32>
      %parallel_loop3A_919 = arith.select %parallel_loop3A_916, %parallel_loop3A_918, %parallel_loop3A_885 : vector<16xi1>, vector<16xi32>
      %parallel_loop3A_920 = arith.select %parallel_loop3A_916, %parallel_loop3A_915, %parallel_loop3A_886 : vector<16xi1>, vector<16xf32>
      %parallel_loop3A_921 = vector.broadcast %squeeze3A_184 : f32 to vector<16xf32>
      %parallel_loop3A_922 = arith.minimumf %parallel_loop3A_469, %parallel_loop3A_921 : vector<16xf32>
      %parallel_loop3A_923 = vector.broadcast %squeeze3A_48 : f32 to vector<16xf32>
      %parallel_loop3A_924 = arith.maximumf %parallel_loop3A_465, %parallel_loop3A_923 : vector<16xf32>
      %parallel_loop3A_925 = arith.subf %parallel_loop3A_922, %parallel_loop3A_924 : vector<16xf32>
      %parallel_loop3A_926 = arith.constant 0.000000e+00 : f32
      %parallel_loop3A_927 = vector.broadcast %parallel_loop3A_926 : f32 to vector<16xf32>
      %parallel_loop3A_928 = arith.maximumf %parallel_loop3A_925, %parallel_loop3A_927 : vector<16xf32>
      %parallel_loop3A_929 = vector.broadcast %squeeze3A_252 : f32 to vector<16xf32>
      %parallel_loop3A_930 = arith.minimumf %parallel_loop3A_471, %parallel_loop3A_929 : vector<16xf32>
      %parallel_loop3A_931 = vector.broadcast %squeeze3A_116 : f32 to vector<16xf32>
      %parallel_loop3A_932 = arith.maximumf %parallel_loop3A_467, %parallel_loop3A_931 : vector<16xf32>
      %parallel_loop3A_933 = arith.subf %parallel_loop3A_930, %parallel_loop3A_932 : vector<16xf32>
      %parallel_loop3A_934 = arith.constant 0.000000e+00 : f32
      %parallel_loop3A_935 = vector.broadcast %parallel_loop3A_934 : f32 to vector<16xf32>
      %parallel_loop3A_936 = arith.maximumf %parallel_loop3A_933, %parallel_loop3A_935 : vector<16xf32>
      %parallel_loop3A_937 = arith.mulf %parallel_loop3A_928, %parallel_loop3A_936 : vector<16xf32>
      %parallel_loop3A_938 = vector.broadcast %mul3A_398 : f32 to vector<16xf32>
      %parallel_loop3A_939 = arith.addf %parallel_loop3A_474, %parallel_loop3A_938 : vector<16xf32>
      %parallel_loop3A_940 = arith.subf %parallel_loop3A_939, %parallel_loop3A_937 : vector<16xf32>
      %parallel_loop3A_941 = arith.constant 9.99999993E-9 : f32
      %parallel_loop3A_942 = vector.broadcast %parallel_loop3A_941 : f32 to vector<16xf32>
      %parallel_loop3A_943 = arith.maximumf %parallel_loop3A_940, %parallel_loop3A_942 : vector<16xf32>
      %parallel_loop3A_944 = arith.divf %parallel_loop3A_937, %parallel_loop3A_943 : vector<16xf32>
      %parallel_loop3A_945 = arith.constant -1.000000e+00 : f32
      %parallel_loop3A_946 = arith.cmpf one, %squeeze3A_320, %parallel_loop3A_945 : f32
      %parallel_loop3A_947 = arith.constant -1.000000e+00 : f32
      %parallel_loop3A_948 = vector.broadcast %parallel_loop3A_947 : f32 to vector<16xf32>
      %parallel_loop3A_949 = arith.select %parallel_loop3A_946, %parallel_loop3A_944, %parallel_loop3A_948 : vector<16xf32>
      %parallel_loop3A_950 = arith.cmpf ogt, %parallel_loop3A_949, %parallel_loop3A_920 : vector<16xf32>
      %parallel_loop3A_951 = arith.constant 13 : i32
      %parallel_loop3A_952 = vector.broadcast %parallel_loop3A_951 : i32 to vector<16xi32>
      %parallel_loop3A_953 = arith.select %parallel_loop3A_950, %parallel_loop3A_952, %parallel_loop3A_919 : vector<16xi1>, vector<16xi32>
      %parallel_loop3A_954 = arith.select %parallel_loop3A_950, %parallel_loop3A_949, %parallel_loop3A_920 : vector<16xi1>, vector<16xf32>
      %parallel_loop3A_955 = vector.broadcast %squeeze3A_186 : f32 to vector<16xf32>
      %parallel_loop3A_956 = arith.minimumf %parallel_loop3A_469, %parallel_loop3A_955 : vector<16xf32>
      %parallel_loop3A_957 = vector.broadcast %squeeze3A_50 : f32 to vector<16xf32>
      %parallel_loop3A_958 = arith.maximumf %parallel_loop3A_465, %parallel_loop3A_957 : vector<16xf32>
      %parallel_loop3A_959 = arith.subf %parallel_loop3A_956, %parallel_loop3A_958 : vector<16xf32>
      %parallel_loop3A_960 = arith.constant 0.000000e+00 : f32
      %parallel_loop3A_961 = vector.broadcast %parallel_loop3A_960 : f32 to vector<16xf32>
      %parallel_loop3A_962 = arith.maximumf %parallel_loop3A_959, %parallel_loop3A_961 : vector<16xf32>
      %parallel_loop3A_963 = vector.broadcast %squeeze3A_254 : f32 to vector<16xf32>
      %parallel_loop3A_964 = arith.minimumf %parallel_loop3A_471, %parallel_loop3A_963 : vector<16xf32>
      %parallel_loop3A_965 = vector.broadcast %squeeze3A_118 : f32 to vector<16xf32>
      %parallel_loop3A_966 = arith.maximumf %parallel_loop3A_467, %parallel_loop3A_965 : vector<16xf32>
      %parallel_loop3A_967 = arith.subf %parallel_loop3A_964, %parallel_loop3A_966 : vector<16xf32>
      %parallel_loop3A_968 = arith.constant 0.000000e+00 : f32
      %parallel_loop3A_969 = vector.broadcast %parallel_loop3A_968 : f32 to vector<16xf32>
      %parallel_loop3A_970 = arith.maximumf %parallel_loop3A_967, %parallel_loop3A_969 : vector<16xf32>
      %parallel_loop3A_971 = arith.mulf %parallel_loop3A_962, %parallel_loop3A_970 : vector<16xf32>
      %parallel_loop3A_972 = vector.broadcast %mul3A_401 : f32 to vector<16xf32>
      %parallel_loop3A_973 = arith.addf %parallel_loop3A_474, %parallel_loop3A_972 : vector<16xf32>
      %parallel_loop3A_974 = arith.subf %parallel_loop3A_973, %parallel_loop3A_971 : vector<16xf32>
      %parallel_loop3A_975 = arith.constant 9.99999993E-9 : f32
      %parallel_loop3A_976 = vector.broadcast %parallel_loop3A_975 : f32 to vector<16xf32>
      %parallel_loop3A_977 = arith.maximumf %parallel_loop3A_974, %parallel_loop3A_976 : vector<16xf32>
      %parallel_loop3A_978 = arith.divf %parallel_loop3A_971, %parallel_loop3A_977 : vector<16xf32>
      %parallel_loop3A_979 = arith.constant -1.000000e+00 : f32
      %parallel_loop3A_980 = arith.cmpf one, %squeeze3A_322, %parallel_loop3A_979 : f32
      %parallel_loop3A_981 = arith.constant -1.000000e+00 : f32
      %parallel_loop3A_982 = vector.broadcast %parallel_loop3A_981 : f32 to vector<16xf32>
      %parallel_loop3A_983 = arith.select %parallel_loop3A_980, %parallel_loop3A_978, %parallel_loop3A_982 : vector<16xf32>
      %parallel_loop3A_984 = arith.cmpf ogt, %parallel_loop3A_983, %parallel_loop3A_954 : vector<16xf32>
      %parallel_loop3A_985 = arith.constant 14 : i32
      %parallel_loop3A_986 = vector.broadcast %parallel_loop3A_985 : i32 to vector<16xi32>
      %parallel_loop3A_987 = arith.select %parallel_loop3A_984, %parallel_loop3A_986, %parallel_loop3A_953 : vector<16xi1>, vector<16xi32>
      %parallel_loop3A_988 = arith.select %parallel_loop3A_984, %parallel_loop3A_983, %parallel_loop3A_954 : vector<16xi1>, vector<16xf32>
      %parallel_loop3A_989 = vector.broadcast %squeeze3A_188 : f32 to vector<16xf32>
      %parallel_loop3A_990 = arith.minimumf %parallel_loop3A_469, %parallel_loop3A_989 : vector<16xf32>
      %parallel_loop3A_991 = vector.broadcast %squeeze3A_52 : f32 to vector<16xf32>
      %parallel_loop3A_992 = arith.maximumf %parallel_loop3A_465, %parallel_loop3A_991 : vector<16xf32>
      %parallel_loop3A_993 = arith.subf %parallel_loop3A_990, %parallel_loop3A_992 : vector<16xf32>
      %parallel_loop3A_994 = arith.constant 0.000000e+00 : f32
      %parallel_loop3A_995 = vector.broadcast %parallel_loop3A_994 : f32 to vector<16xf32>
      %parallel_loop3A_996 = arith.maximumf %parallel_loop3A_993, %parallel_loop3A_995 : vector<16xf32>
      %parallel_loop3A_997 = vector.broadcast %squeeze3A_256 : f32 to vector<16xf32>
      %parallel_loop3A_998 = arith.minimumf %parallel_loop3A_471, %parallel_loop3A_997 : vector<16xf32>
      %parallel_loop3A_999 = vector.broadcast %squeeze3A_120 : f32 to vector<16xf32>
      %parallel_loop3A_1000 = arith.maximumf %parallel_loop3A_467, %parallel_loop3A_999 : vector<16xf32>
      %parallel_loop3A_1001 = arith.subf %parallel_loop3A_998, %parallel_loop3A_1000 : vector<16xf32>
      %parallel_loop3A_1002 = arith.constant 0.000000e+00 : f32
      %parallel_loop3A_1003 = vector.broadcast %parallel_loop3A_1002 : f32 to vector<16xf32>
      %parallel_loop3A_1004 = arith.maximumf %parallel_loop3A_1001, %parallel_loop3A_1003 : vector<16xf32>
      %parallel_loop3A_1005 = arith.mulf %parallel_loop3A_996, %parallel_loop3A_1004 : vector<16xf32>
      %parallel_loop3A_1006 = vector.broadcast %mul3A_404 : f32 to vector<16xf32>
      %parallel_loop3A_1007 = arith.addf %parallel_loop3A_474, %parallel_loop3A_1006 : vector<16xf32>
      %parallel_loop3A_1008 = arith.subf %parallel_loop3A_1007, %parallel_loop3A_1005 : vector<16xf32>
      %parallel_loop3A_1009 = arith.constant 9.99999993E-9 : f32
      %parallel_loop3A_1010 = vector.broadcast %parallel_loop3A_1009 : f32 to vector<16xf32>
      %parallel_loop3A_1011 = arith.maximumf %parallel_loop3A_1008, %parallel_loop3A_1010 : vector<16xf32>
      %parallel_loop3A_1012 = arith.divf %parallel_loop3A_1005, %parallel_loop3A_1011 : vector<16xf32>
      %parallel_loop3A_1013 = arith.constant -1.000000e+00 : f32
      %parallel_loop3A_1014 = arith.cmpf one, %squeeze3A_324, %parallel_loop3A_1013 : f32
      %parallel_loop3A_1015 = arith.constant -1.000000e+00 : f32
      %parallel_loop3A_1016 = vector.broadcast %parallel_loop3A_1015 : f32 to vector<16xf32>
      %parallel_loop3A_1017 = arith.select %parallel_loop3A_1014, %parallel_loop3A_1012, %parallel_loop3A_1016 : vector<16xf32>
      %parallel_loop3A_1018 = arith.cmpf ogt, %parallel_loop3A_1017, %parallel_loop3A_988 : vector<16xf32>
      %parallel_loop3A_1019 = arith.constant 15 : i32
      %parallel_loop3A_1020 = vector.broadcast %parallel_loop3A_1019 : i32 to vector<16xi32>
      %parallel_loop3A_1021 = arith.select %parallel_loop3A_1018, %parallel_loop3A_1020, %parallel_loop3A_987 : vector<16xi1>, vector<16xi32>
      %parallel_loop3A_1022 = arith.select %parallel_loop3A_1018, %parallel_loop3A_1017, %parallel_loop3A_988 : vector<16xi1>, vector<16xf32>
      %parallel_loop3A_1023 = vector.broadcast %squeeze3A_190 : f32 to vector<16xf32>
      %parallel_loop3A_1024 = arith.minimumf %parallel_loop3A_469, %parallel_loop3A_1023 : vector<16xf32>
      %parallel_loop3A_1025 = vector.broadcast %squeeze3A_54 : f32 to vector<16xf32>
      %parallel_loop3A_1026 = arith.maximumf %parallel_loop3A_465, %parallel_loop3A_1025 : vector<16xf32>
      %parallel_loop3A_1027 = arith.subf %parallel_loop3A_1024, %parallel_loop3A_1026 : vector<16xf32>
      %parallel_loop3A_1028 = arith.constant 0.000000e+00 : f32
      %parallel_loop3A_1029 = vector.broadcast %parallel_loop3A_1028 : f32 to vector<16xf32>
      %parallel_loop3A_1030 = arith.maximumf %parallel_loop3A_1027, %parallel_loop3A_1029 : vector<16xf32>
      %parallel_loop3A_1031 = vector.broadcast %squeeze3A_258 : f32 to vector<16xf32>
      %parallel_loop3A_1032 = arith.minimumf %parallel_loop3A_471, %parallel_loop3A_1031 : vector<16xf32>
      %parallel_loop3A_1033 = vector.broadcast %squeeze3A_122 : f32 to vector<16xf32>
      %parallel_loop3A_1034 = arith.maximumf %parallel_loop3A_467, %parallel_loop3A_1033 : vector<16xf32>
      %parallel_loop3A_1035 = arith.subf %parallel_loop3A_1032, %parallel_loop3A_1034 : vector<16xf32>
      %parallel_loop3A_1036 = arith.constant 0.000000e+00 : f32
      %parallel_loop3A_1037 = vector.broadcast %parallel_loop3A_1036 : f32 to vector<16xf32>
      %parallel_loop3A_1038 = arith.maximumf %parallel_loop3A_1035, %parallel_loop3A_1037 : vector<16xf32>
      %parallel_loop3A_1039 = arith.mulf %parallel_loop3A_1030, %parallel_loop3A_1038 : vector<16xf32>
      %parallel_loop3A_1040 = vector.broadcast %mul3A_407 : f32 to vector<16xf32>
      %parallel_loop3A_1041 = arith.addf %parallel_loop3A_474, %parallel_loop3A_1040 : vector<16xf32>
      %parallel_loop3A_1042 = arith.subf %parallel_loop3A_1041, %parallel_loop3A_1039 : vector<16xf32>
      %parallel_loop3A_1043 = arith.constant 9.99999993E-9 : f32
      %parallel_loop3A_1044 = vector.broadcast %parallel_loop3A_1043 : f32 to vector<16xf32>
      %parallel_loop3A_1045 = arith.maximumf %parallel_loop3A_1042, %parallel_loop3A_1044 : vector<16xf32>
      %parallel_loop3A_1046 = arith.divf %parallel_loop3A_1039, %parallel_loop3A_1045 : vector<16xf32>
      %parallel_loop3A_1047 = arith.constant -1.000000e+00 : f32
      %parallel_loop3A_1048 = arith.cmpf one, %squeeze3A_326, %parallel_loop3A_1047 : f32
      %parallel_loop3A_1049 = arith.constant -1.000000e+00 : f32
      %parallel_loop3A_1050 = vector.broadcast %parallel_loop3A_1049 : f32 to vector<16xf32>
      %parallel_loop3A_1051 = arith.select %parallel_loop3A_1048, %parallel_loop3A_1046, %parallel_loop3A_1050 : vector<16xf32>
      %parallel_loop3A_1052 = arith.cmpf ogt, %parallel_loop3A_1051, %parallel_loop3A_1022 : vector<16xf32>
      %parallel_loop3A_1053 = arith.constant 16 : i32
      %parallel_loop3A_1054 = vector.broadcast %parallel_loop3A_1053 : i32 to vector<16xi32>
      %parallel_loop3A_1055 = arith.select %parallel_loop3A_1052, %parallel_loop3A_1054, %parallel_loop3A_1021 : vector<16xi1>, vector<16xi32>
      %parallel_loop3A_1056 = arith.select %parallel_loop3A_1052, %parallel_loop3A_1051, %parallel_loop3A_1022 : vector<16xi1>, vector<16xf32>
      %parallel_loop3A_1057 = vector.broadcast %squeeze3A_192 : f32 to vector<16xf32>
      %parallel_loop3A_1058 = arith.minimumf %parallel_loop3A_469, %parallel_loop3A_1057 : vector<16xf32>
      %parallel_loop3A_1059 = vector.broadcast %squeeze3A_56 : f32 to vector<16xf32>
      %parallel_loop3A_1060 = arith.maximumf %parallel_loop3A_465, %parallel_loop3A_1059 : vector<16xf32>
      %parallel_loop3A_1061 = arith.subf %parallel_loop3A_1058, %parallel_loop3A_1060 : vector<16xf32>
      %parallel_loop3A_1062 = arith.constant 0.000000e+00 : f32
      %parallel_loop3A_1063 = vector.broadcast %parallel_loop3A_1062 : f32 to vector<16xf32>
      %parallel_loop3A_1064 = arith.maximumf %parallel_loop3A_1061, %parallel_loop3A_1063 : vector<16xf32>
      %parallel_loop3A_1065 = vector.broadcast %squeeze3A_260 : f32 to vector<16xf32>
      %parallel_loop3A_1066 = arith.minimumf %parallel_loop3A_471, %parallel_loop3A_1065 : vector<16xf32>
      %parallel_loop3A_1067 = vector.broadcast %squeeze3A_124 : f32 to vector<16xf32>
      %parallel_loop3A_1068 = arith.maximumf %parallel_loop3A_467, %parallel_loop3A_1067 : vector<16xf32>
      %parallel_loop3A_1069 = arith.subf %parallel_loop3A_1066, %parallel_loop3A_1068 : vector<16xf32>
      %parallel_loop3A_1070 = arith.constant 0.000000e+00 : f32
      %parallel_loop3A_1071 = vector.broadcast %parallel_loop3A_1070 : f32 to vector<16xf32>
      %parallel_loop3A_1072 = arith.maximumf %parallel_loop3A_1069, %parallel_loop3A_1071 : vector<16xf32>
      %parallel_loop3A_1073 = arith.mulf %parallel_loop3A_1064, %parallel_loop3A_1072 : vector<16xf32>
      %parallel_loop3A_1074 = vector.broadcast %mul3A_410 : f32 to vector<16xf32>
      %parallel_loop3A_1075 = arith.addf %parallel_loop3A_474, %parallel_loop3A_1074 : vector<16xf32>
      %parallel_loop3A_1076 = arith.subf %parallel_loop3A_1075, %parallel_loop3A_1073 : vector<16xf32>
      %parallel_loop3A_1077 = arith.constant 9.99999993E-9 : f32
      %parallel_loop3A_1078 = vector.broadcast %parallel_loop3A_1077 : f32 to vector<16xf32>
      %parallel_loop3A_1079 = arith.maximumf %parallel_loop3A_1076, %parallel_loop3A_1078 : vector<16xf32>
      %parallel_loop3A_1080 = arith.divf %parallel_loop3A_1073, %parallel_loop3A_1079 : vector<16xf32>
      %parallel_loop3A_1081 = arith.constant -1.000000e+00 : f32
      %parallel_loop3A_1082 = arith.cmpf one, %squeeze3A_328, %parallel_loop3A_1081 : f32
      %parallel_loop3A_1083 = arith.constant -1.000000e+00 : f32
      %parallel_loop3A_1084 = vector.broadcast %parallel_loop3A_1083 : f32 to vector<16xf32>
      %parallel_loop3A_1085 = arith.select %parallel_loop3A_1082, %parallel_loop3A_1080, %parallel_loop3A_1084 : vector<16xf32>
      %parallel_loop3A_1086 = arith.cmpf ogt, %parallel_loop3A_1085, %parallel_loop3A_1056 : vector<16xf32>
      %parallel_loop3A_1087 = arith.constant 17 : i32
      %parallel_loop3A_1088 = vector.broadcast %parallel_loop3A_1087 : i32 to vector<16xi32>
      %parallel_loop3A_1089 = arith.select %parallel_loop3A_1086, %parallel_loop3A_1088, %parallel_loop3A_1055 : vector<16xi1>, vector<16xi32>
      %parallel_loop3A_1090 = arith.select %parallel_loop3A_1086, %parallel_loop3A_1085, %parallel_loop3A_1056 : vector<16xi1>, vector<16xf32>
      %parallel_loop3A_1091 = vector.broadcast %squeeze3A_194 : f32 to vector<16xf32>
      %parallel_loop3A_1092 = arith.minimumf %parallel_loop3A_469, %parallel_loop3A_1091 : vector<16xf32>
      %parallel_loop3A_1093 = vector.broadcast %squeeze3A_58 : f32 to vector<16xf32>
      %parallel_loop3A_1094 = arith.maximumf %parallel_loop3A_465, %parallel_loop3A_1093 : vector<16xf32>
      %parallel_loop3A_1095 = arith.subf %parallel_loop3A_1092, %parallel_loop3A_1094 : vector<16xf32>
      %parallel_loop3A_1096 = arith.constant 0.000000e+00 : f32
      %parallel_loop3A_1097 = vector.broadcast %parallel_loop3A_1096 : f32 to vector<16xf32>
      %parallel_loop3A_1098 = arith.maximumf %parallel_loop3A_1095, %parallel_loop3A_1097 : vector<16xf32>
      %parallel_loop3A_1099 = vector.broadcast %squeeze3A_262 : f32 to vector<16xf32>
      %parallel_loop3A_1100 = arith.minimumf %parallel_loop3A_471, %parallel_loop3A_1099 : vector<16xf32>
      %parallel_loop3A_1101 = vector.broadcast %squeeze3A_126 : f32 to vector<16xf32>
      %parallel_loop3A_1102 = arith.maximumf %parallel_loop3A_467, %parallel_loop3A_1101 : vector<16xf32>
      %parallel_loop3A_1103 = arith.subf %parallel_loop3A_1100, %parallel_loop3A_1102 : vector<16xf32>
      %parallel_loop3A_1104 = arith.constant 0.000000e+00 : f32
      %parallel_loop3A_1105 = vector.broadcast %parallel_loop3A_1104 : f32 to vector<16xf32>
      %parallel_loop3A_1106 = arith.maximumf %parallel_loop3A_1103, %parallel_loop3A_1105 : vector<16xf32>
      %parallel_loop3A_1107 = arith.mulf %parallel_loop3A_1098, %parallel_loop3A_1106 : vector<16xf32>
      %parallel_loop3A_1108 = vector.broadcast %mul3A_413 : f32 to vector<16xf32>
      %parallel_loop3A_1109 = arith.addf %parallel_loop3A_474, %parallel_loop3A_1108 : vector<16xf32>
      %parallel_loop3A_1110 = arith.subf %parallel_loop3A_1109, %parallel_loop3A_1107 : vector<16xf32>
      %parallel_loop3A_1111 = arith.constant 9.99999993E-9 : f32
      %parallel_loop3A_1112 = vector.broadcast %parallel_loop3A_1111 : f32 to vector<16xf32>
      %parallel_loop3A_1113 = arith.maximumf %parallel_loop3A_1110, %parallel_loop3A_1112 : vector<16xf32>
      %parallel_loop3A_1114 = arith.divf %parallel_loop3A_1107, %parallel_loop3A_1113 : vector<16xf32>
      %parallel_loop3A_1115 = arith.constant -1.000000e+00 : f32
      %parallel_loop3A_1116 = arith.cmpf one, %squeeze3A_330, %parallel_loop3A_1115 : f32
      %parallel_loop3A_1117 = arith.constant -1.000000e+00 : f32
      %parallel_loop3A_1118 = vector.broadcast %parallel_loop3A_1117 : f32 to vector<16xf32>
      %parallel_loop3A_1119 = arith.select %parallel_loop3A_1116, %parallel_loop3A_1114, %parallel_loop3A_1118 : vector<16xf32>
      %parallel_loop3A_1120 = arith.cmpf ogt, %parallel_loop3A_1119, %parallel_loop3A_1090 : vector<16xf32>
      %parallel_loop3A_1121 = arith.constant 18 : i32
      %parallel_loop3A_1122 = vector.broadcast %parallel_loop3A_1121 : i32 to vector<16xi32>
      %parallel_loop3A_1123 = arith.select %parallel_loop3A_1120, %parallel_loop3A_1122, %parallel_loop3A_1089 : vector<16xi1>, vector<16xi32>
      %parallel_loop3A_1124 = arith.select %parallel_loop3A_1120, %parallel_loop3A_1119, %parallel_loop3A_1090 : vector<16xi1>, vector<16xf32>
      %parallel_loop3A_1125 = vector.broadcast %squeeze3A_196 : f32 to vector<16xf32>
      %parallel_loop3A_1126 = arith.minimumf %parallel_loop3A_469, %parallel_loop3A_1125 : vector<16xf32>
      %parallel_loop3A_1127 = vector.broadcast %squeeze3A_60 : f32 to vector<16xf32>
      %parallel_loop3A_1128 = arith.maximumf %parallel_loop3A_465, %parallel_loop3A_1127 : vector<16xf32>
      %parallel_loop3A_1129 = arith.subf %parallel_loop3A_1126, %parallel_loop3A_1128 : vector<16xf32>
      %parallel_loop3A_1130 = arith.constant 0.000000e+00 : f32
      %parallel_loop3A_1131 = vector.broadcast %parallel_loop3A_1130 : f32 to vector<16xf32>
      %parallel_loop3A_1132 = arith.maximumf %parallel_loop3A_1129, %parallel_loop3A_1131 : vector<16xf32>
      %parallel_loop3A_1133 = vector.broadcast %squeeze3A_264 : f32 to vector<16xf32>
      %parallel_loop3A_1134 = arith.minimumf %parallel_loop3A_471, %parallel_loop3A_1133 : vector<16xf32>
      %parallel_loop3A_1135 = vector.broadcast %squeeze3A_128 : f32 to vector<16xf32>
      %parallel_loop3A_1136 = arith.maximumf %parallel_loop3A_467, %parallel_loop3A_1135 : vector<16xf32>
      %parallel_loop3A_1137 = arith.subf %parallel_loop3A_1134, %parallel_loop3A_1136 : vector<16xf32>
      %parallel_loop3A_1138 = arith.constant 0.000000e+00 : f32
      %parallel_loop3A_1139 = vector.broadcast %parallel_loop3A_1138 : f32 to vector<16xf32>
      %parallel_loop3A_1140 = arith.maximumf %parallel_loop3A_1137, %parallel_loop3A_1139 : vector<16xf32>
      %parallel_loop3A_1141 = arith.mulf %parallel_loop3A_1132, %parallel_loop3A_1140 : vector<16xf32>
      %parallel_loop3A_1142 = vector.broadcast %mul3A_416 : f32 to vector<16xf32>
      %parallel_loop3A_1143 = arith.addf %parallel_loop3A_474, %parallel_loop3A_1142 : vector<16xf32>
      %parallel_loop3A_1144 = arith.subf %parallel_loop3A_1143, %parallel_loop3A_1141 : vector<16xf32>
      %parallel_loop3A_1145 = arith.constant 9.99999993E-9 : f32
      %parallel_loop3A_1146 = vector.broadcast %parallel_loop3A_1145 : f32 to vector<16xf32>
      %parallel_loop3A_1147 = arith.maximumf %parallel_loop3A_1144, %parallel_loop3A_1146 : vector<16xf32>
      %parallel_loop3A_1148 = arith.divf %parallel_loop3A_1141, %parallel_loop3A_1147 : vector<16xf32>
      %parallel_loop3A_1149 = arith.constant -1.000000e+00 : f32
      %parallel_loop3A_1150 = arith.cmpf one, %squeeze3A_332, %parallel_loop3A_1149 : f32
      %parallel_loop3A_1151 = arith.constant -1.000000e+00 : f32
      %parallel_loop3A_1152 = vector.broadcast %parallel_loop3A_1151 : f32 to vector<16xf32>
      %parallel_loop3A_1153 = arith.select %parallel_loop3A_1150, %parallel_loop3A_1148, %parallel_loop3A_1152 : vector<16xf32>
      %parallel_loop3A_1154 = arith.cmpf ogt, %parallel_loop3A_1153, %parallel_loop3A_1124 : vector<16xf32>
      %parallel_loop3A_1155 = arith.constant 19 : i32
      %parallel_loop3A_1156 = vector.broadcast %parallel_loop3A_1155 : i32 to vector<16xi32>
      %parallel_loop3A_1157 = arith.select %parallel_loop3A_1154, %parallel_loop3A_1156, %parallel_loop3A_1123 : vector<16xi1>, vector<16xi32>
      %parallel_loop3A_1158 = arith.select %parallel_loop3A_1154, %parallel_loop3A_1153, %parallel_loop3A_1124 : vector<16xi1>, vector<16xf32>
      %parallel_loop3A_1159 = vector.broadcast %squeeze3A_198 : f32 to vector<16xf32>
      %parallel_loop3A_1160 = arith.minimumf %parallel_loop3A_469, %parallel_loop3A_1159 : vector<16xf32>
      %parallel_loop3A_1161 = vector.broadcast %squeeze3A_62 : f32 to vector<16xf32>
      %parallel_loop3A_1162 = arith.maximumf %parallel_loop3A_465, %parallel_loop3A_1161 : vector<16xf32>
      %parallel_loop3A_1163 = arith.subf %parallel_loop3A_1160, %parallel_loop3A_1162 : vector<16xf32>
      %parallel_loop3A_1164 = arith.constant 0.000000e+00 : f32
      %parallel_loop3A_1165 = vector.broadcast %parallel_loop3A_1164 : f32 to vector<16xf32>
      %parallel_loop3A_1166 = arith.maximumf %parallel_loop3A_1163, %parallel_loop3A_1165 : vector<16xf32>
      %parallel_loop3A_1167 = vector.broadcast %squeeze3A_266 : f32 to vector<16xf32>
      %parallel_loop3A_1168 = arith.minimumf %parallel_loop3A_471, %parallel_loop3A_1167 : vector<16xf32>
      %parallel_loop3A_1169 = vector.broadcast %squeeze3A_130 : f32 to vector<16xf32>
      %parallel_loop3A_1170 = arith.maximumf %parallel_loop3A_467, %parallel_loop3A_1169 : vector<16xf32>
      %parallel_loop3A_1171 = arith.subf %parallel_loop3A_1168, %parallel_loop3A_1170 : vector<16xf32>
      %parallel_loop3A_1172 = arith.constant 0.000000e+00 : f32
      %parallel_loop3A_1173 = vector.broadcast %parallel_loop3A_1172 : f32 to vector<16xf32>
      %parallel_loop3A_1174 = arith.maximumf %parallel_loop3A_1171, %parallel_loop3A_1173 : vector<16xf32>
      %parallel_loop3A_1175 = arith.mulf %parallel_loop3A_1166, %parallel_loop3A_1174 : vector<16xf32>
      %parallel_loop3A_1176 = vector.broadcast %mul3A_419 : f32 to vector<16xf32>
      %parallel_loop3A_1177 = arith.addf %parallel_loop3A_474, %parallel_loop3A_1176 : vector<16xf32>
      %parallel_loop3A_1178 = arith.subf %parallel_loop3A_1177, %parallel_loop3A_1175 : vector<16xf32>
      %parallel_loop3A_1179 = arith.constant 9.99999993E-9 : f32
      %parallel_loop3A_1180 = vector.broadcast %parallel_loop3A_1179 : f32 to vector<16xf32>
      %parallel_loop3A_1181 = arith.maximumf %parallel_loop3A_1178, %parallel_loop3A_1180 : vector<16xf32>
      %parallel_loop3A_1182 = arith.divf %parallel_loop3A_1175, %parallel_loop3A_1181 : vector<16xf32>
      %parallel_loop3A_1183 = arith.constant -1.000000e+00 : f32
      %parallel_loop3A_1184 = arith.cmpf one, %squeeze3A_334, %parallel_loop3A_1183 : f32
      %parallel_loop3A_1185 = arith.constant -1.000000e+00 : f32
      %parallel_loop3A_1186 = vector.broadcast %parallel_loop3A_1185 : f32 to vector<16xf32>
      %parallel_loop3A_1187 = arith.select %parallel_loop3A_1184, %parallel_loop3A_1182, %parallel_loop3A_1186 : vector<16xf32>
      %parallel_loop3A_1188 = arith.cmpf ogt, %parallel_loop3A_1187, %parallel_loop3A_1158 : vector<16xf32>
      %parallel_loop3A_1189 = arith.constant 20 : i32
      %parallel_loop3A_1190 = vector.broadcast %parallel_loop3A_1189 : i32 to vector<16xi32>
      %parallel_loop3A_1191 = arith.select %parallel_loop3A_1188, %parallel_loop3A_1190, %parallel_loop3A_1157 : vector<16xi1>, vector<16xi32>
      %parallel_loop3A_1192 = arith.select %parallel_loop3A_1188, %parallel_loop3A_1187, %parallel_loop3A_1158 : vector<16xi1>, vector<16xf32>
      %parallel_loop3A_1193 = vector.broadcast %squeeze3A_200 : f32 to vector<16xf32>
      %parallel_loop3A_1194 = arith.minimumf %parallel_loop3A_469, %parallel_loop3A_1193 : vector<16xf32>
      %parallel_loop3A_1195 = vector.broadcast %squeeze3A_64 : f32 to vector<16xf32>
      %parallel_loop3A_1196 = arith.maximumf %parallel_loop3A_465, %parallel_loop3A_1195 : vector<16xf32>
      %parallel_loop3A_1197 = arith.subf %parallel_loop3A_1194, %parallel_loop3A_1196 : vector<16xf32>
      %parallel_loop3A_1198 = arith.constant 0.000000e+00 : f32
      %parallel_loop3A_1199 = vector.broadcast %parallel_loop3A_1198 : f32 to vector<16xf32>
      %parallel_loop3A_1200 = arith.maximumf %parallel_loop3A_1197, %parallel_loop3A_1199 : vector<16xf32>
      %parallel_loop3A_1201 = vector.broadcast %squeeze3A_268 : f32 to vector<16xf32>
      %parallel_loop3A_1202 = arith.minimumf %parallel_loop3A_471, %parallel_loop3A_1201 : vector<16xf32>
      %parallel_loop3A_1203 = vector.broadcast %squeeze3A_132 : f32 to vector<16xf32>
      %parallel_loop3A_1204 = arith.maximumf %parallel_loop3A_467, %parallel_loop3A_1203 : vector<16xf32>
      %parallel_loop3A_1205 = arith.subf %parallel_loop3A_1202, %parallel_loop3A_1204 : vector<16xf32>
      %parallel_loop3A_1206 = arith.constant 0.000000e+00 : f32
      %parallel_loop3A_1207 = vector.broadcast %parallel_loop3A_1206 : f32 to vector<16xf32>
      %parallel_loop3A_1208 = arith.maximumf %parallel_loop3A_1205, %parallel_loop3A_1207 : vector<16xf32>
      %parallel_loop3A_1209 = arith.mulf %parallel_loop3A_1200, %parallel_loop3A_1208 : vector<16xf32>
      %parallel_loop3A_1210 = vector.broadcast %mul3A_422 : f32 to vector<16xf32>
      %parallel_loop3A_1211 = arith.addf %parallel_loop3A_474, %parallel_loop3A_1210 : vector<16xf32>
      %parallel_loop3A_1212 = arith.subf %parallel_loop3A_1211, %parallel_loop3A_1209 : vector<16xf32>
      %parallel_loop3A_1213 = arith.constant 9.99999993E-9 : f32
      %parallel_loop3A_1214 = vector.broadcast %parallel_loop3A_1213 : f32 to vector<16xf32>
      %parallel_loop3A_1215 = arith.maximumf %parallel_loop3A_1212, %parallel_loop3A_1214 : vector<16xf32>
      %parallel_loop3A_1216 = arith.divf %parallel_loop3A_1209, %parallel_loop3A_1215 : vector<16xf32>
      %parallel_loop3A_1217 = arith.constant -1.000000e+00 : f32
      %parallel_loop3A_1218 = arith.cmpf one, %squeeze3A_336, %parallel_loop3A_1217 : f32
      %parallel_loop3A_1219 = arith.constant -1.000000e+00 : f32
      %parallel_loop3A_1220 = vector.broadcast %parallel_loop3A_1219 : f32 to vector<16xf32>
      %parallel_loop3A_1221 = arith.select %parallel_loop3A_1218, %parallel_loop3A_1216, %parallel_loop3A_1220 : vector<16xf32>
      %parallel_loop3A_1222 = arith.cmpf ogt, %parallel_loop3A_1221, %parallel_loop3A_1192 : vector<16xf32>
      %parallel_loop3A_1223 = arith.constant 21 : i32
      %parallel_loop3A_1224 = vector.broadcast %parallel_loop3A_1223 : i32 to vector<16xi32>
      %parallel_loop3A_1225 = arith.select %parallel_loop3A_1222, %parallel_loop3A_1224, %parallel_loop3A_1191 : vector<16xi1>, vector<16xi32>
      %parallel_loop3A_1226 = arith.select %parallel_loop3A_1222, %parallel_loop3A_1221, %parallel_loop3A_1192 : vector<16xi1>, vector<16xf32>
      %parallel_loop3A_1227 = vector.broadcast %squeeze3A_202 : f32 to vector<16xf32>
      %parallel_loop3A_1228 = arith.minimumf %parallel_loop3A_469, %parallel_loop3A_1227 : vector<16xf32>
      %parallel_loop3A_1229 = vector.broadcast %squeeze3A_66 : f32 to vector<16xf32>
      %parallel_loop3A_1230 = arith.maximumf %parallel_loop3A_465, %parallel_loop3A_1229 : vector<16xf32>
      %parallel_loop3A_1231 = arith.subf %parallel_loop3A_1228, %parallel_loop3A_1230 : vector<16xf32>
      %parallel_loop3A_1232 = arith.constant 0.000000e+00 : f32
      %parallel_loop3A_1233 = vector.broadcast %parallel_loop3A_1232 : f32 to vector<16xf32>
      %parallel_loop3A_1234 = arith.maximumf %parallel_loop3A_1231, %parallel_loop3A_1233 : vector<16xf32>
      %parallel_loop3A_1235 = vector.broadcast %squeeze3A_270 : f32 to vector<16xf32>
      %parallel_loop3A_1236 = arith.minimumf %parallel_loop3A_471, %parallel_loop3A_1235 : vector<16xf32>
      %parallel_loop3A_1237 = vector.broadcast %squeeze3A_134 : f32 to vector<16xf32>
      %parallel_loop3A_1238 = arith.maximumf %parallel_loop3A_467, %parallel_loop3A_1237 : vector<16xf32>
      %parallel_loop3A_1239 = arith.subf %parallel_loop3A_1236, %parallel_loop3A_1238 : vector<16xf32>
      %parallel_loop3A_1240 = arith.constant 0.000000e+00 : f32
      %parallel_loop3A_1241 = vector.broadcast %parallel_loop3A_1240 : f32 to vector<16xf32>
      %parallel_loop3A_1242 = arith.maximumf %parallel_loop3A_1239, %parallel_loop3A_1241 : vector<16xf32>
      %parallel_loop3A_1243 = arith.mulf %parallel_loop3A_1234, %parallel_loop3A_1242 : vector<16xf32>
      %parallel_loop3A_1244 = vector.broadcast %mul3A_425 : f32 to vector<16xf32>
      %parallel_loop3A_1245 = arith.addf %parallel_loop3A_474, %parallel_loop3A_1244 : vector<16xf32>
      %parallel_loop3A_1246 = arith.subf %parallel_loop3A_1245, %parallel_loop3A_1243 : vector<16xf32>
      %parallel_loop3A_1247 = arith.constant 9.99999993E-9 : f32
      %parallel_loop3A_1248 = vector.broadcast %parallel_loop3A_1247 : f32 to vector<16xf32>
      %parallel_loop3A_1249 = arith.maximumf %parallel_loop3A_1246, %parallel_loop3A_1248 : vector<16xf32>
      %parallel_loop3A_1250 = arith.divf %parallel_loop3A_1243, %parallel_loop3A_1249 : vector<16xf32>
      %parallel_loop3A_1251 = arith.constant -1.000000e+00 : f32
      %parallel_loop3A_1252 = arith.cmpf one, %squeeze3A_338, %parallel_loop3A_1251 : f32
      %parallel_loop3A_1253 = arith.constant -1.000000e+00 : f32
      %parallel_loop3A_1254 = vector.broadcast %parallel_loop3A_1253 : f32 to vector<16xf32>
      %parallel_loop3A_1255 = arith.select %parallel_loop3A_1252, %parallel_loop3A_1250, %parallel_loop3A_1254 : vector<16xf32>
      %parallel_loop3A_1256 = arith.cmpf ogt, %parallel_loop3A_1255, %parallel_loop3A_1226 : vector<16xf32>
      %parallel_loop3A_1257 = arith.constant 22 : i32
      %parallel_loop3A_1258 = vector.broadcast %parallel_loop3A_1257 : i32 to vector<16xi32>
      %parallel_loop3A_1259 = arith.select %parallel_loop3A_1256, %parallel_loop3A_1258, %parallel_loop3A_1225 : vector<16xi1>, vector<16xi32>
      %parallel_loop3A_1260 = arith.select %parallel_loop3A_1256, %parallel_loop3A_1255, %parallel_loop3A_1226 : vector<16xi1>, vector<16xf32>
      %parallel_loop3A_1261 = vector.broadcast %squeeze3A_204 : f32 to vector<16xf32>
      %parallel_loop3A_1262 = arith.minimumf %parallel_loop3A_469, %parallel_loop3A_1261 : vector<16xf32>
      %parallel_loop3A_1263 = vector.broadcast %squeeze3A_68 : f32 to vector<16xf32>
      %parallel_loop3A_1264 = arith.maximumf %parallel_loop3A_465, %parallel_loop3A_1263 : vector<16xf32>
      %parallel_loop3A_1265 = arith.subf %parallel_loop3A_1262, %parallel_loop3A_1264 : vector<16xf32>
      %parallel_loop3A_1266 = arith.constant 0.000000e+00 : f32
      %parallel_loop3A_1267 = vector.broadcast %parallel_loop3A_1266 : f32 to vector<16xf32>
      %parallel_loop3A_1268 = arith.maximumf %parallel_loop3A_1265, %parallel_loop3A_1267 : vector<16xf32>
      %parallel_loop3A_1269 = vector.broadcast %squeeze3A_272 : f32 to vector<16xf32>
      %parallel_loop3A_1270 = arith.minimumf %parallel_loop3A_471, %parallel_loop3A_1269 : vector<16xf32>
      %parallel_loop3A_1271 = vector.broadcast %squeeze3A_136 : f32 to vector<16xf32>
      %parallel_loop3A_1272 = arith.maximumf %parallel_loop3A_467, %parallel_loop3A_1271 : vector<16xf32>
      %parallel_loop3A_1273 = arith.subf %parallel_loop3A_1270, %parallel_loop3A_1272 : vector<16xf32>
      %parallel_loop3A_1274 = arith.constant 0.000000e+00 : f32
      %parallel_loop3A_1275 = vector.broadcast %parallel_loop3A_1274 : f32 to vector<16xf32>
      %parallel_loop3A_1276 = arith.maximumf %parallel_loop3A_1273, %parallel_loop3A_1275 : vector<16xf32>
      %parallel_loop3A_1277 = arith.mulf %parallel_loop3A_1268, %parallel_loop3A_1276 : vector<16xf32>
      %parallel_loop3A_1278 = vector.broadcast %mul3A_428 : f32 to vector<16xf32>
      %parallel_loop3A_1279 = arith.addf %parallel_loop3A_474, %parallel_loop3A_1278 : vector<16xf32>
      %parallel_loop3A_1280 = arith.subf %parallel_loop3A_1279, %parallel_loop3A_1277 : vector<16xf32>
      %parallel_loop3A_1281 = arith.constant 9.99999993E-9 : f32
      %parallel_loop3A_1282 = vector.broadcast %parallel_loop3A_1281 : f32 to vector<16xf32>
      %parallel_loop3A_1283 = arith.maximumf %parallel_loop3A_1280, %parallel_loop3A_1282 : vector<16xf32>
      %parallel_loop3A_1284 = arith.divf %parallel_loop3A_1277, %parallel_loop3A_1283 : vector<16xf32>
      %parallel_loop3A_1285 = arith.constant -1.000000e+00 : f32
      %parallel_loop3A_1286 = arith.cmpf one, %squeeze3A_340, %parallel_loop3A_1285 : f32
      %parallel_loop3A_1287 = arith.constant -1.000000e+00 : f32
      %parallel_loop3A_1288 = vector.broadcast %parallel_loop3A_1287 : f32 to vector<16xf32>
      %parallel_loop3A_1289 = arith.select %parallel_loop3A_1286, %parallel_loop3A_1284, %parallel_loop3A_1288 : vector<16xf32>
      %parallel_loop3A_1290 = arith.cmpf ogt, %parallel_loop3A_1289, %parallel_loop3A_1260 : vector<16xf32>
      %parallel_loop3A_1291 = arith.constant 23 : i32
      %parallel_loop3A_1292 = vector.broadcast %parallel_loop3A_1291 : i32 to vector<16xi32>
      %parallel_loop3A_1293 = arith.select %parallel_loop3A_1290, %parallel_loop3A_1292, %parallel_loop3A_1259 : vector<16xi1>, vector<16xi32>
      %parallel_loop3A_1294 = arith.select %parallel_loop3A_1290, %parallel_loop3A_1289, %parallel_loop3A_1260 : vector<16xi1>, vector<16xf32>
      %parallel_loop3A_1295 = vector.broadcast %squeeze3A_206 : f32 to vector<16xf32>
      %parallel_loop3A_1296 = arith.minimumf %parallel_loop3A_469, %parallel_loop3A_1295 : vector<16xf32>
      %parallel_loop3A_1297 = vector.broadcast %squeeze3A_70 : f32 to vector<16xf32>
      %parallel_loop3A_1298 = arith.maximumf %parallel_loop3A_465, %parallel_loop3A_1297 : vector<16xf32>
      %parallel_loop3A_1299 = arith.subf %parallel_loop3A_1296, %parallel_loop3A_1298 : vector<16xf32>
      %parallel_loop3A_1300 = arith.constant 0.000000e+00 : f32
      %parallel_loop3A_1301 = vector.broadcast %parallel_loop3A_1300 : f32 to vector<16xf32>
      %parallel_loop3A_1302 = arith.maximumf %parallel_loop3A_1299, %parallel_loop3A_1301 : vector<16xf32>
      %parallel_loop3A_1303 = vector.broadcast %squeeze3A_274 : f32 to vector<16xf32>
      %parallel_loop3A_1304 = arith.minimumf %parallel_loop3A_471, %parallel_loop3A_1303 : vector<16xf32>
      %parallel_loop3A_1305 = vector.broadcast %squeeze3A_138 : f32 to vector<16xf32>
      %parallel_loop3A_1306 = arith.maximumf %parallel_loop3A_467, %parallel_loop3A_1305 : vector<16xf32>
      %parallel_loop3A_1307 = arith.subf %parallel_loop3A_1304, %parallel_loop3A_1306 : vector<16xf32>
      %parallel_loop3A_1308 = arith.constant 0.000000e+00 : f32
      %parallel_loop3A_1309 = vector.broadcast %parallel_loop3A_1308 : f32 to vector<16xf32>
      %parallel_loop3A_1310 = arith.maximumf %parallel_loop3A_1307, %parallel_loop3A_1309 : vector<16xf32>
      %parallel_loop3A_1311 = arith.mulf %parallel_loop3A_1302, %parallel_loop3A_1310 : vector<16xf32>
      %parallel_loop3A_1312 = vector.broadcast %mul3A_431 : f32 to vector<16xf32>
      %parallel_loop3A_1313 = arith.addf %parallel_loop3A_474, %parallel_loop3A_1312 : vector<16xf32>
      %parallel_loop3A_1314 = arith.subf %parallel_loop3A_1313, %parallel_loop3A_1311 : vector<16xf32>
      %parallel_loop3A_1315 = arith.constant 9.99999993E-9 : f32
      %parallel_loop3A_1316 = vector.broadcast %parallel_loop3A_1315 : f32 to vector<16xf32>
      %parallel_loop3A_1317 = arith.maximumf %parallel_loop3A_1314, %parallel_loop3A_1316 : vector<16xf32>
      %parallel_loop3A_1318 = arith.divf %parallel_loop3A_1311, %parallel_loop3A_1317 : vector<16xf32>
      %parallel_loop3A_1319 = arith.constant -1.000000e+00 : f32
      %parallel_loop3A_1320 = arith.cmpf one, %squeeze3A_342, %parallel_loop3A_1319 : f32
      %parallel_loop3A_1321 = arith.constant -1.000000e+00 : f32
      %parallel_loop3A_1322 = vector.broadcast %parallel_loop3A_1321 : f32 to vector<16xf32>
      %parallel_loop3A_1323 = arith.select %parallel_loop3A_1320, %parallel_loop3A_1318, %parallel_loop3A_1322 : vector<16xf32>
      %parallel_loop3A_1324 = arith.cmpf ogt, %parallel_loop3A_1323, %parallel_loop3A_1294 : vector<16xf32>
      %parallel_loop3A_1325 = arith.constant 24 : i32
      %parallel_loop3A_1326 = vector.broadcast %parallel_loop3A_1325 : i32 to vector<16xi32>
      %parallel_loop3A_1327 = arith.select %parallel_loop3A_1324, %parallel_loop3A_1326, %parallel_loop3A_1293 : vector<16xi1>, vector<16xi32>
      %parallel_loop3A_1328 = arith.select %parallel_loop3A_1324, %parallel_loop3A_1323, %parallel_loop3A_1294 : vector<16xi1>, vector<16xf32>
      %parallel_loop3A_1329 = vector.broadcast %squeeze3A_208 : f32 to vector<16xf32>
      %parallel_loop3A_1330 = arith.minimumf %parallel_loop3A_469, %parallel_loop3A_1329 : vector<16xf32>
      %parallel_loop3A_1331 = vector.broadcast %squeeze3A_72 : f32 to vector<16xf32>
      %parallel_loop3A_1332 = arith.maximumf %parallel_loop3A_465, %parallel_loop3A_1331 : vector<16xf32>
      %parallel_loop3A_1333 = arith.subf %parallel_loop3A_1330, %parallel_loop3A_1332 : vector<16xf32>
      %parallel_loop3A_1334 = arith.constant 0.000000e+00 : f32
      %parallel_loop3A_1335 = vector.broadcast %parallel_loop3A_1334 : f32 to vector<16xf32>
      %parallel_loop3A_1336 = arith.maximumf %parallel_loop3A_1333, %parallel_loop3A_1335 : vector<16xf32>
      %parallel_loop3A_1337 = vector.broadcast %squeeze3A_276 : f32 to vector<16xf32>
      %parallel_loop3A_1338 = arith.minimumf %parallel_loop3A_471, %parallel_loop3A_1337 : vector<16xf32>
      %parallel_loop3A_1339 = vector.broadcast %squeeze3A_140 : f32 to vector<16xf32>
      %parallel_loop3A_1340 = arith.maximumf %parallel_loop3A_467, %parallel_loop3A_1339 : vector<16xf32>
      %parallel_loop3A_1341 = arith.subf %parallel_loop3A_1338, %parallel_loop3A_1340 : vector<16xf32>
      %parallel_loop3A_1342 = arith.constant 0.000000e+00 : f32
      %parallel_loop3A_1343 = vector.broadcast %parallel_loop3A_1342 : f32 to vector<16xf32>
      %parallel_loop3A_1344 = arith.maximumf %parallel_loop3A_1341, %parallel_loop3A_1343 : vector<16xf32>
      %parallel_loop3A_1345 = arith.mulf %parallel_loop3A_1336, %parallel_loop3A_1344 : vector<16xf32>
      %parallel_loop3A_1346 = vector.broadcast %mul3A_434 : f32 to vector<16xf32>
      %parallel_loop3A_1347 = arith.addf %parallel_loop3A_474, %parallel_loop3A_1346 : vector<16xf32>
      %parallel_loop3A_1348 = arith.subf %parallel_loop3A_1347, %parallel_loop3A_1345 : vector<16xf32>
      %parallel_loop3A_1349 = arith.constant 9.99999993E-9 : f32
      %parallel_loop3A_1350 = vector.broadcast %parallel_loop3A_1349 : f32 to vector<16xf32>
      %parallel_loop3A_1351 = arith.maximumf %parallel_loop3A_1348, %parallel_loop3A_1350 : vector<16xf32>
      %parallel_loop3A_1352 = arith.divf %parallel_loop3A_1345, %parallel_loop3A_1351 : vector<16xf32>
      %parallel_loop3A_1353 = arith.constant -1.000000e+00 : f32
      %parallel_loop3A_1354 = arith.cmpf one, %squeeze3A_344, %parallel_loop3A_1353 : f32
      %parallel_loop3A_1355 = arith.constant -1.000000e+00 : f32
      %parallel_loop3A_1356 = vector.broadcast %parallel_loop3A_1355 : f32 to vector<16xf32>
      %parallel_loop3A_1357 = arith.select %parallel_loop3A_1354, %parallel_loop3A_1352, %parallel_loop3A_1356 : vector<16xf32>
      %parallel_loop3A_1358 = arith.cmpf ogt, %parallel_loop3A_1357, %parallel_loop3A_1328 : vector<16xf32>
      %parallel_loop3A_1359 = arith.constant 25 : i32
      %parallel_loop3A_1360 = vector.broadcast %parallel_loop3A_1359 : i32 to vector<16xi32>
      %parallel_loop3A_1361 = arith.select %parallel_loop3A_1358, %parallel_loop3A_1360, %parallel_loop3A_1327 : vector<16xi1>, vector<16xi32>
      %parallel_loop3A_1362 = arith.select %parallel_loop3A_1358, %parallel_loop3A_1357, %parallel_loop3A_1328 : vector<16xi1>, vector<16xf32>
      %parallel_loop3A_1363 = vector.broadcast %squeeze3A_210 : f32 to vector<16xf32>
      %parallel_loop3A_1364 = arith.minimumf %parallel_loop3A_469, %parallel_loop3A_1363 : vector<16xf32>
      %parallel_loop3A_1365 = vector.broadcast %squeeze3A_74 : f32 to vector<16xf32>
      %parallel_loop3A_1366 = arith.maximumf %parallel_loop3A_465, %parallel_loop3A_1365 : vector<16xf32>
      %parallel_loop3A_1367 = arith.subf %parallel_loop3A_1364, %parallel_loop3A_1366 : vector<16xf32>
      %parallel_loop3A_1368 = arith.constant 0.000000e+00 : f32
      %parallel_loop3A_1369 = vector.broadcast %parallel_loop3A_1368 : f32 to vector<16xf32>
      %parallel_loop3A_1370 = arith.maximumf %parallel_loop3A_1367, %parallel_loop3A_1369 : vector<16xf32>
      %parallel_loop3A_1371 = vector.broadcast %squeeze3A_278 : f32 to vector<16xf32>
      %parallel_loop3A_1372 = arith.minimumf %parallel_loop3A_471, %parallel_loop3A_1371 : vector<16xf32>
      %parallel_loop3A_1373 = vector.broadcast %squeeze3A_142 : f32 to vector<16xf32>
      %parallel_loop3A_1374 = arith.maximumf %parallel_loop3A_467, %parallel_loop3A_1373 : vector<16xf32>
      %parallel_loop3A_1375 = arith.subf %parallel_loop3A_1372, %parallel_loop3A_1374 : vector<16xf32>
      %parallel_loop3A_1376 = arith.constant 0.000000e+00 : f32
      %parallel_loop3A_1377 = vector.broadcast %parallel_loop3A_1376 : f32 to vector<16xf32>
      %parallel_loop3A_1378 = arith.maximumf %parallel_loop3A_1375, %parallel_loop3A_1377 : vector<16xf32>
      %parallel_loop3A_1379 = arith.mulf %parallel_loop3A_1370, %parallel_loop3A_1378 : vector<16xf32>
      %parallel_loop3A_1380 = vector.broadcast %mul3A_437 : f32 to vector<16xf32>
      %parallel_loop3A_1381 = arith.addf %parallel_loop3A_474, %parallel_loop3A_1380 : vector<16xf32>
      %parallel_loop3A_1382 = arith.subf %parallel_loop3A_1381, %parallel_loop3A_1379 : vector<16xf32>
      %parallel_loop3A_1383 = arith.constant 9.99999993E-9 : f32
      %parallel_loop3A_1384 = vector.broadcast %parallel_loop3A_1383 : f32 to vector<16xf32>
      %parallel_loop3A_1385 = arith.maximumf %parallel_loop3A_1382, %parallel_loop3A_1384 : vector<16xf32>
      %parallel_loop3A_1386 = arith.divf %parallel_loop3A_1379, %parallel_loop3A_1385 : vector<16xf32>
      %parallel_loop3A_1387 = arith.constant -1.000000e+00 : f32
      %parallel_loop3A_1388 = arith.cmpf one, %squeeze3A_346, %parallel_loop3A_1387 : f32
      %parallel_loop3A_1389 = arith.constant -1.000000e+00 : f32
      %parallel_loop3A_1390 = vector.broadcast %parallel_loop3A_1389 : f32 to vector<16xf32>
      %parallel_loop3A_1391 = arith.select %parallel_loop3A_1388, %parallel_loop3A_1386, %parallel_loop3A_1390 : vector<16xf32>
      %parallel_loop3A_1392 = arith.cmpf ogt, %parallel_loop3A_1391, %parallel_loop3A_1362 : vector<16xf32>
      %parallel_loop3A_1393 = arith.constant 26 : i32
      %parallel_loop3A_1394 = vector.broadcast %parallel_loop3A_1393 : i32 to vector<16xi32>
      %parallel_loop3A_1395 = arith.select %parallel_loop3A_1392, %parallel_loop3A_1394, %parallel_loop3A_1361 : vector<16xi1>, vector<16xi32>
      %parallel_loop3A_1396 = arith.select %parallel_loop3A_1392, %parallel_loop3A_1391, %parallel_loop3A_1362 : vector<16xi1>, vector<16xf32>
      %parallel_loop3A_1397 = vector.broadcast %squeeze3A_212 : f32 to vector<16xf32>
      %parallel_loop3A_1398 = arith.minimumf %parallel_loop3A_469, %parallel_loop3A_1397 : vector<16xf32>
      %parallel_loop3A_1399 = vector.broadcast %squeeze3A_76 : f32 to vector<16xf32>
      %parallel_loop3A_1400 = arith.maximumf %parallel_loop3A_465, %parallel_loop3A_1399 : vector<16xf32>
      %parallel_loop3A_1401 = arith.subf %parallel_loop3A_1398, %parallel_loop3A_1400 : vector<16xf32>
      %parallel_loop3A_1402 = arith.constant 0.000000e+00 : f32
      %parallel_loop3A_1403 = vector.broadcast %parallel_loop3A_1402 : f32 to vector<16xf32>
      %parallel_loop3A_1404 = arith.maximumf %parallel_loop3A_1401, %parallel_loop3A_1403 : vector<16xf32>
      %parallel_loop3A_1405 = vector.broadcast %squeeze3A_280 : f32 to vector<16xf32>
      %parallel_loop3A_1406 = arith.minimumf %parallel_loop3A_471, %parallel_loop3A_1405 : vector<16xf32>
      %parallel_loop3A_1407 = vector.broadcast %squeeze3A_144 : f32 to vector<16xf32>
      %parallel_loop3A_1408 = arith.maximumf %parallel_loop3A_467, %parallel_loop3A_1407 : vector<16xf32>
      %parallel_loop3A_1409 = arith.subf %parallel_loop3A_1406, %parallel_loop3A_1408 : vector<16xf32>
      %parallel_loop3A_1410 = arith.constant 0.000000e+00 : f32
      %parallel_loop3A_1411 = vector.broadcast %parallel_loop3A_1410 : f32 to vector<16xf32>
      %parallel_loop3A_1412 = arith.maximumf %parallel_loop3A_1409, %parallel_loop3A_1411 : vector<16xf32>
      %parallel_loop3A_1413 = arith.mulf %parallel_loop3A_1404, %parallel_loop3A_1412 : vector<16xf32>
      %parallel_loop3A_1414 = vector.broadcast %mul3A_440 : f32 to vector<16xf32>
      %parallel_loop3A_1415 = arith.addf %parallel_loop3A_474, %parallel_loop3A_1414 : vector<16xf32>
      %parallel_loop3A_1416 = arith.subf %parallel_loop3A_1415, %parallel_loop3A_1413 : vector<16xf32>
      %parallel_loop3A_1417 = arith.constant 9.99999993E-9 : f32
      %parallel_loop3A_1418 = vector.broadcast %parallel_loop3A_1417 : f32 to vector<16xf32>
      %parallel_loop3A_1419 = arith.maximumf %parallel_loop3A_1416, %parallel_loop3A_1418 : vector<16xf32>
      %parallel_loop3A_1420 = arith.divf %parallel_loop3A_1413, %parallel_loop3A_1419 : vector<16xf32>
      %parallel_loop3A_1421 = arith.constant -1.000000e+00 : f32
      %parallel_loop3A_1422 = arith.cmpf one, %squeeze3A_348, %parallel_loop3A_1421 : f32
      %parallel_loop3A_1423 = arith.constant -1.000000e+00 : f32
      %parallel_loop3A_1424 = vector.broadcast %parallel_loop3A_1423 : f32 to vector<16xf32>
      %parallel_loop3A_1425 = arith.select %parallel_loop3A_1422, %parallel_loop3A_1420, %parallel_loop3A_1424 : vector<16xf32>
      %parallel_loop3A_1426 = arith.cmpf ogt, %parallel_loop3A_1425, %parallel_loop3A_1396 : vector<16xf32>
      %parallel_loop3A_1427 = arith.constant 27 : i32
      %parallel_loop3A_1428 = vector.broadcast %parallel_loop3A_1427 : i32 to vector<16xi32>
      %parallel_loop3A_1429 = arith.select %parallel_loop3A_1426, %parallel_loop3A_1428, %parallel_loop3A_1395 : vector<16xi1>, vector<16xi32>
      %parallel_loop3A_1430 = arith.select %parallel_loop3A_1426, %parallel_loop3A_1425, %parallel_loop3A_1396 : vector<16xi1>, vector<16xf32>
      %parallel_loop3A_1431 = vector.broadcast %squeeze3A_214 : f32 to vector<16xf32>
      %parallel_loop3A_1432 = arith.minimumf %parallel_loop3A_469, %parallel_loop3A_1431 : vector<16xf32>
      %parallel_loop3A_1433 = vector.broadcast %squeeze3A_78 : f32 to vector<16xf32>
      %parallel_loop3A_1434 = arith.maximumf %parallel_loop3A_465, %parallel_loop3A_1433 : vector<16xf32>
      %parallel_loop3A_1435 = arith.subf %parallel_loop3A_1432, %parallel_loop3A_1434 : vector<16xf32>
      %parallel_loop3A_1436 = arith.constant 0.000000e+00 : f32
      %parallel_loop3A_1437 = vector.broadcast %parallel_loop3A_1436 : f32 to vector<16xf32>
      %parallel_loop3A_1438 = arith.maximumf %parallel_loop3A_1435, %parallel_loop3A_1437 : vector<16xf32>
      %parallel_loop3A_1439 = vector.broadcast %squeeze3A_282 : f32 to vector<16xf32>
      %parallel_loop3A_1440 = arith.minimumf %parallel_loop3A_471, %parallel_loop3A_1439 : vector<16xf32>
      %parallel_loop3A_1441 = vector.broadcast %squeeze3A_146 : f32 to vector<16xf32>
      %parallel_loop3A_1442 = arith.maximumf %parallel_loop3A_467, %parallel_loop3A_1441 : vector<16xf32>
      %parallel_loop3A_1443 = arith.subf %parallel_loop3A_1440, %parallel_loop3A_1442 : vector<16xf32>
      %parallel_loop3A_1444 = arith.constant 0.000000e+00 : f32
      %parallel_loop3A_1445 = vector.broadcast %parallel_loop3A_1444 : f32 to vector<16xf32>
      %parallel_loop3A_1446 = arith.maximumf %parallel_loop3A_1443, %parallel_loop3A_1445 : vector<16xf32>
      %parallel_loop3A_1447 = arith.mulf %parallel_loop3A_1438, %parallel_loop3A_1446 : vector<16xf32>
      %parallel_loop3A_1448 = vector.broadcast %mul3A_443 : f32 to vector<16xf32>
      %parallel_loop3A_1449 = arith.addf %parallel_loop3A_474, %parallel_loop3A_1448 : vector<16xf32>
      %parallel_loop3A_1450 = arith.subf %parallel_loop3A_1449, %parallel_loop3A_1447 : vector<16xf32>
      %parallel_loop3A_1451 = arith.constant 9.99999993E-9 : f32
      %parallel_loop3A_1452 = vector.broadcast %parallel_loop3A_1451 : f32 to vector<16xf32>
      %parallel_loop3A_1453 = arith.maximumf %parallel_loop3A_1450, %parallel_loop3A_1452 : vector<16xf32>
      %parallel_loop3A_1454 = arith.divf %parallel_loop3A_1447, %parallel_loop3A_1453 : vector<16xf32>
      %parallel_loop3A_1455 = arith.constant -1.000000e+00 : f32
      %parallel_loop3A_1456 = arith.cmpf one, %squeeze3A_350, %parallel_loop3A_1455 : f32
      %parallel_loop3A_1457 = arith.constant -1.000000e+00 : f32
      %parallel_loop3A_1458 = vector.broadcast %parallel_loop3A_1457 : f32 to vector<16xf32>
      %parallel_loop3A_1459 = arith.select %parallel_loop3A_1456, %parallel_loop3A_1454, %parallel_loop3A_1458 : vector<16xf32>
      %parallel_loop3A_1460 = arith.cmpf ogt, %parallel_loop3A_1459, %parallel_loop3A_1430 : vector<16xf32>
      %parallel_loop3A_1461 = arith.constant 28 : i32
      %parallel_loop3A_1462 = vector.broadcast %parallel_loop3A_1461 : i32 to vector<16xi32>
      %parallel_loop3A_1463 = arith.select %parallel_loop3A_1460, %parallel_loop3A_1462, %parallel_loop3A_1429 : vector<16xi1>, vector<16xi32>
      %parallel_loop3A_1464 = arith.select %parallel_loop3A_1460, %parallel_loop3A_1459, %parallel_loop3A_1430 : vector<16xi1>, vector<16xf32>
      %parallel_loop3A_1465 = vector.broadcast %squeeze3A_216 : f32 to vector<16xf32>
      %parallel_loop3A_1466 = arith.minimumf %parallel_loop3A_469, %parallel_loop3A_1465 : vector<16xf32>
      %parallel_loop3A_1467 = vector.broadcast %squeeze3A_80 : f32 to vector<16xf32>
      %parallel_loop3A_1468 = arith.maximumf %parallel_loop3A_465, %parallel_loop3A_1467 : vector<16xf32>
      %parallel_loop3A_1469 = arith.subf %parallel_loop3A_1466, %parallel_loop3A_1468 : vector<16xf32>
      %parallel_loop3A_1470 = arith.constant 0.000000e+00 : f32
      %parallel_loop3A_1471 = vector.broadcast %parallel_loop3A_1470 : f32 to vector<16xf32>
      %parallel_loop3A_1472 = arith.maximumf %parallel_loop3A_1469, %parallel_loop3A_1471 : vector<16xf32>
      %parallel_loop3A_1473 = vector.broadcast %squeeze3A_284 : f32 to vector<16xf32>
      %parallel_loop3A_1474 = arith.minimumf %parallel_loop3A_471, %parallel_loop3A_1473 : vector<16xf32>
      %parallel_loop3A_1475 = vector.broadcast %squeeze3A_148 : f32 to vector<16xf32>
      %parallel_loop3A_1476 = arith.maximumf %parallel_loop3A_467, %parallel_loop3A_1475 : vector<16xf32>
      %parallel_loop3A_1477 = arith.subf %parallel_loop3A_1474, %parallel_loop3A_1476 : vector<16xf32>
      %parallel_loop3A_1478 = arith.constant 0.000000e+00 : f32
      %parallel_loop3A_1479 = vector.broadcast %parallel_loop3A_1478 : f32 to vector<16xf32>
      %parallel_loop3A_1480 = arith.maximumf %parallel_loop3A_1477, %parallel_loop3A_1479 : vector<16xf32>
      %parallel_loop3A_1481 = arith.mulf %parallel_loop3A_1472, %parallel_loop3A_1480 : vector<16xf32>
      %parallel_loop3A_1482 = vector.broadcast %mul3A_446 : f32 to vector<16xf32>
      %parallel_loop3A_1483 = arith.addf %parallel_loop3A_474, %parallel_loop3A_1482 : vector<16xf32>
      %parallel_loop3A_1484 = arith.subf %parallel_loop3A_1483, %parallel_loop3A_1481 : vector<16xf32>
      %parallel_loop3A_1485 = arith.constant 9.99999993E-9 : f32
      %parallel_loop3A_1486 = vector.broadcast %parallel_loop3A_1485 : f32 to vector<16xf32>
      %parallel_loop3A_1487 = arith.maximumf %parallel_loop3A_1484, %parallel_loop3A_1486 : vector<16xf32>
      %parallel_loop3A_1488 = arith.divf %parallel_loop3A_1481, %parallel_loop3A_1487 : vector<16xf32>
      %parallel_loop3A_1489 = arith.constant -1.000000e+00 : f32
      %parallel_loop3A_1490 = arith.cmpf one, %squeeze3A_352, %parallel_loop3A_1489 : f32
      %parallel_loop3A_1491 = arith.constant -1.000000e+00 : f32
      %parallel_loop3A_1492 = vector.broadcast %parallel_loop3A_1491 : f32 to vector<16xf32>
      %parallel_loop3A_1493 = arith.select %parallel_loop3A_1490, %parallel_loop3A_1488, %parallel_loop3A_1492 : vector<16xf32>
      %parallel_loop3A_1494 = arith.cmpf ogt, %parallel_loop3A_1493, %parallel_loop3A_1464 : vector<16xf32>
      %parallel_loop3A_1495 = arith.constant 29 : i32
      %parallel_loop3A_1496 = vector.broadcast %parallel_loop3A_1495 : i32 to vector<16xi32>
      %parallel_loop3A_1497 = arith.select %parallel_loop3A_1494, %parallel_loop3A_1496, %parallel_loop3A_1463 : vector<16xi1>, vector<16xi32>
      %parallel_loop3A_1498 = arith.select %parallel_loop3A_1494, %parallel_loop3A_1493, %parallel_loop3A_1464 : vector<16xi1>, vector<16xf32>
      %parallel_loop3A_1499 = vector.broadcast %squeeze3A_218 : f32 to vector<16xf32>
      %parallel_loop3A_1500 = arith.minimumf %parallel_loop3A_469, %parallel_loop3A_1499 : vector<16xf32>
      %parallel_loop3A_1501 = vector.broadcast %squeeze3A_82 : f32 to vector<16xf32>
      %parallel_loop3A_1502 = arith.maximumf %parallel_loop3A_465, %parallel_loop3A_1501 : vector<16xf32>
      %parallel_loop3A_1503 = arith.subf %parallel_loop3A_1500, %parallel_loop3A_1502 : vector<16xf32>
      %parallel_loop3A_1504 = arith.constant 0.000000e+00 : f32
      %parallel_loop3A_1505 = vector.broadcast %parallel_loop3A_1504 : f32 to vector<16xf32>
      %parallel_loop3A_1506 = arith.maximumf %parallel_loop3A_1503, %parallel_loop3A_1505 : vector<16xf32>
      %parallel_loop3A_1507 = vector.broadcast %squeeze3A_286 : f32 to vector<16xf32>
      %parallel_loop3A_1508 = arith.minimumf %parallel_loop3A_471, %parallel_loop3A_1507 : vector<16xf32>
      %parallel_loop3A_1509 = vector.broadcast %squeeze3A_150 : f32 to vector<16xf32>
      %parallel_loop3A_1510 = arith.maximumf %parallel_loop3A_467, %parallel_loop3A_1509 : vector<16xf32>
      %parallel_loop3A_1511 = arith.subf %parallel_loop3A_1508, %parallel_loop3A_1510 : vector<16xf32>
      %parallel_loop3A_1512 = arith.constant 0.000000e+00 : f32
      %parallel_loop3A_1513 = vector.broadcast %parallel_loop3A_1512 : f32 to vector<16xf32>
      %parallel_loop3A_1514 = arith.maximumf %parallel_loop3A_1511, %parallel_loop3A_1513 : vector<16xf32>
      %parallel_loop3A_1515 = arith.mulf %parallel_loop3A_1506, %parallel_loop3A_1514 : vector<16xf32>
      %parallel_loop3A_1516 = vector.broadcast %mul3A_449 : f32 to vector<16xf32>
      %parallel_loop3A_1517 = arith.addf %parallel_loop3A_474, %parallel_loop3A_1516 : vector<16xf32>
      %parallel_loop3A_1518 = arith.subf %parallel_loop3A_1517, %parallel_loop3A_1515 : vector<16xf32>
      %parallel_loop3A_1519 = arith.constant 9.99999993E-9 : f32
      %parallel_loop3A_1520 = vector.broadcast %parallel_loop3A_1519 : f32 to vector<16xf32>
      %parallel_loop3A_1521 = arith.maximumf %parallel_loop3A_1518, %parallel_loop3A_1520 : vector<16xf32>
      %parallel_loop3A_1522 = arith.divf %parallel_loop3A_1515, %parallel_loop3A_1521 : vector<16xf32>
      %parallel_loop3A_1523 = arith.constant -1.000000e+00 : f32
      %parallel_loop3A_1524 = arith.cmpf one, %squeeze3A_354, %parallel_loop3A_1523 : f32
      %parallel_loop3A_1525 = arith.constant -1.000000e+00 : f32
      %parallel_loop3A_1526 = vector.broadcast %parallel_loop3A_1525 : f32 to vector<16xf32>
      %parallel_loop3A_1527 = arith.select %parallel_loop3A_1524, %parallel_loop3A_1522, %parallel_loop3A_1526 : vector<16xf32>
      %parallel_loop3A_1528 = arith.cmpf ogt, %parallel_loop3A_1527, %parallel_loop3A_1498 : vector<16xf32>
      %parallel_loop3A_1529 = arith.constant 30 : i32
      %parallel_loop3A_1530 = vector.broadcast %parallel_loop3A_1529 : i32 to vector<16xi32>
      %parallel_loop3A_1531 = arith.select %parallel_loop3A_1528, %parallel_loop3A_1530, %parallel_loop3A_1497 : vector<16xi1>, vector<16xi32>
      %parallel_loop3A_1532 = arith.select %parallel_loop3A_1528, %parallel_loop3A_1527, %parallel_loop3A_1498 : vector<16xi1>, vector<16xf32>
      %parallel_loop3A_1533 = vector.broadcast %squeeze3A_220 : f32 to vector<16xf32>
      %parallel_loop3A_1534 = arith.minimumf %parallel_loop3A_469, %parallel_loop3A_1533 : vector<16xf32>
      %parallel_loop3A_1535 = vector.broadcast %squeeze3A_84 : f32 to vector<16xf32>
      %parallel_loop3A_1536 = arith.maximumf %parallel_loop3A_465, %parallel_loop3A_1535 : vector<16xf32>
      %parallel_loop3A_1537 = arith.subf %parallel_loop3A_1534, %parallel_loop3A_1536 : vector<16xf32>
      %parallel_loop3A_1538 = arith.constant 0.000000e+00 : f32
      %parallel_loop3A_1539 = vector.broadcast %parallel_loop3A_1538 : f32 to vector<16xf32>
      %parallel_loop3A_1540 = arith.maximumf %parallel_loop3A_1537, %parallel_loop3A_1539 : vector<16xf32>
      %parallel_loop3A_1541 = vector.broadcast %squeeze3A_288 : f32 to vector<16xf32>
      %parallel_loop3A_1542 = arith.minimumf %parallel_loop3A_471, %parallel_loop3A_1541 : vector<16xf32>
      %parallel_loop3A_1543 = vector.broadcast %squeeze3A_152 : f32 to vector<16xf32>
      %parallel_loop3A_1544 = arith.maximumf %parallel_loop3A_467, %parallel_loop3A_1543 : vector<16xf32>
      %parallel_loop3A_1545 = arith.subf %parallel_loop3A_1542, %parallel_loop3A_1544 : vector<16xf32>
      %parallel_loop3A_1546 = arith.constant 0.000000e+00 : f32
      %parallel_loop3A_1547 = vector.broadcast %parallel_loop3A_1546 : f32 to vector<16xf32>
      %parallel_loop3A_1548 = arith.maximumf %parallel_loop3A_1545, %parallel_loop3A_1547 : vector<16xf32>
      %parallel_loop3A_1549 = arith.mulf %parallel_loop3A_1540, %parallel_loop3A_1548 : vector<16xf32>
      %parallel_loop3A_1550 = vector.broadcast %mul3A_452 : f32 to vector<16xf32>
      %parallel_loop3A_1551 = arith.addf %parallel_loop3A_474, %parallel_loop3A_1550 : vector<16xf32>
      %parallel_loop3A_1552 = arith.subf %parallel_loop3A_1551, %parallel_loop3A_1549 : vector<16xf32>
      %parallel_loop3A_1553 = arith.constant 9.99999993E-9 : f32
      %parallel_loop3A_1554 = vector.broadcast %parallel_loop3A_1553 : f32 to vector<16xf32>
      %parallel_loop3A_1555 = arith.maximumf %parallel_loop3A_1552, %parallel_loop3A_1554 : vector<16xf32>
      %parallel_loop3A_1556 = arith.divf %parallel_loop3A_1549, %parallel_loop3A_1555 : vector<16xf32>
      %parallel_loop3A_1557 = arith.constant -1.000000e+00 : f32
      %parallel_loop3A_1558 = arith.cmpf one, %squeeze3A_356, %parallel_loop3A_1557 : f32
      %parallel_loop3A_1559 = arith.constant -1.000000e+00 : f32
      %parallel_loop3A_1560 = vector.broadcast %parallel_loop3A_1559 : f32 to vector<16xf32>
      %parallel_loop3A_1561 = arith.select %parallel_loop3A_1558, %parallel_loop3A_1556, %parallel_loop3A_1560 : vector<16xf32>
      %parallel_loop3A_1562 = arith.cmpf ogt, %parallel_loop3A_1561, %parallel_loop3A_1532 : vector<16xf32>
      %parallel_loop3A_1563 = arith.constant 31 : i32
      %parallel_loop3A_1564 = vector.broadcast %parallel_loop3A_1563 : i32 to vector<16xi32>
      %parallel_loop3A_1565 = arith.select %parallel_loop3A_1562, %parallel_loop3A_1564, %parallel_loop3A_1531 : vector<16xi1>, vector<16xi32>
      %parallel_loop3A_1566 = arith.select %parallel_loop3A_1562, %parallel_loop3A_1561, %parallel_loop3A_1532 : vector<16xi1>, vector<16xf32>
      %parallel_loop3A_1567 = arith.index_cast %parallel_loop3A_463 : i32 to index
      %parallel_loop3A_1568 = tpu.vector_load %arg10[%parallel_loop3A_1567] {strides = array<i32>} : memref<2512xf32, #tpu.memory_space<vmem>>, vector<16xf32>,
      tpu.vector_store %arg10[%parallel_loop3A_1567], %parallel_loop3A_1566 {strides = array<i32>} : memref<2512xf32, #tpu.memory_space<vmem>>, vector<16xf32>,
      %parallel_loop3A_1569 = tpu.vector_load_idx %arg9[%parallel_loop3A_1565] : memref<160xf32, #tpu.memory_space<vmem>>[vector<16xi32>], vector<16xf32>,
      %parallel_loop3A_1570 = arith.index_cast %parallel_loop3A_463 : i32 to index
      %parallel_loop3A_1571 = tpu.vector_load %arg11[%parallel_loop3A_1570] {strides = array<i32>} : memref<2512xf32, #tpu.memory_space<vmem>>, vector<16xf32>,
      tpu.vector_store %arg11[%parallel_loop3A_1570], %parallel_loop3A_1569 {strides = array<i32>} : memref<2512xf32, #tpu.memory_space<vmem>>, vector<16xf32>,
      %parallel_loop3A_1572 = arith.constant 32 : i32
      %parallel_loop3A_1573 = vector.broadcast %parallel_loop3A_1572 : i32 to vector<16xi32>
      %parallel_loop3A_1574 = arith.addi %parallel_loop3A_1565, %parallel_loop3A_1573 : vector<16xi32>
      %parallel_loop3A_1575 = tpu.vector_load_idx %arg9[%parallel_loop3A_1574] : memref<160xf32, #tpu.memory_space<vmem>>[vector<16xi32>], vector<16xf32>,
      %parallel_loop3A_1576 = arith.index_cast %parallel_loop3A_463 : i32 to index
      %parallel_loop3A_1577 = tpu.vector_load %arg12[%parallel_loop3A_1576] {strides = array<i32>} : memref<2512xf32, #tpu.memory_space<vmem>>, vector<16xf32>,
      tpu.vector_store %arg12[%parallel_loop3A_1576], %parallel_loop3A_1575 {strides = array<i32>} : memref<2512xf32, #tpu.memory_space<vmem>>, vector<16xf32>,
      %parallel_loop3A_1578 = arith.constant 64 : i32
      %parallel_loop3A_1579 = vector.broadcast %parallel_loop3A_1578 : i32 to vector<16xi32>
      %parallel_loop3A_1580 = arith.addi %parallel_loop3A_1565, %parallel_loop3A_1579 : vector<16xi32>
      %parallel_loop3A_1581 = tpu.vector_load_idx %arg9[%parallel_loop3A_1580] : memref<160xf32, #tpu.memory_space<vmem>>[vector<16xi32>], vector<16xf32>,
      %parallel_loop3A_1582 = arith.index_cast %parallel_loop3A_463 : i32 to index
      %parallel_loop3A_1583 = tpu.vector_load %arg13[%parallel_loop3A_1582] {strides = array<i32>} : memref<2512xf32, #tpu.memory_space<vmem>>, vector<16xf32>,
      tpu.vector_store %arg13[%parallel_loop3A_1582], %parallel_loop3A_1581 {strides = array<i32>} : memref<2512xf32, #tpu.memory_space<vmem>>, vector<16xf32>,
      %parallel_loop3A_1584 = arith.constant 96 : i32
      %parallel_loop3A_1585 = vector.broadcast %parallel_loop3A_1584 : i32 to vector<16xi32>
      %parallel_loop3A_1586 = arith.addi %parallel_loop3A_1565, %parallel_loop3A_1585 : vector<16xi32>
      %parallel_loop3A_1587 = tpu.vector_load_idx %arg9[%parallel_loop3A_1586] : memref<160xf32, #tpu.memory_space<vmem>>[vector<16xi32>], vector<16xf32>,
      %parallel_loop3A_1588 = arith.index_cast %parallel_loop3A_463 : i32 to index
      %parallel_loop3A_1589 = tpu.vector_load %arg14[%parallel_loop3A_1588] {strides = array<i32>} : memref<2512xf32, #tpu.memory_space<vmem>>, vector<16xf32>,
      tpu.vector_store %arg14[%parallel_loop3A_1588], %parallel_loop3A_1587 {strides = array<i32>} : memref<2512xf32, #tpu.memory_space<vmem>>, vector<16xf32>,
      %parallel_loop3A_1590 = arith.constant 128 : i32
      %parallel_loop3A_1591 = vector.broadcast %parallel_loop3A_1590 : i32 to vector<16xi32>
      %parallel_loop3A_1592 = arith.addi %parallel_loop3A_1565, %parallel_loop3A_1591 : vector<16xi32>
      %parallel_loop3A_1593 = tpu.vector_load_idx %arg9[%parallel_loop3A_1592] : memref<160xf32, #tpu.memory_space<vmem>>[vector<16xi32>], vector<16xf32>,
      %parallel_loop3A_1594 = arith.index_cast %parallel_loop3A_463 : i32 to index
      %parallel_loop3A_1595 = tpu.vector_load %arg15[%parallel_loop3A_1594] {strides = array<i32>} : memref<2512xf32, #tpu.memory_space<vmem>>, vector<16xf32>,
      tpu.vector_store %arg15[%parallel_loop3A_1594], %parallel_loop3A_1593 {strides = array<i32>} : memref<2512xf32, #tpu.memory_space<vmem>>, vector<16xf32>,
    } {sc.loop_unroll_factor = 4 : i64, sc.parallel_access}
    %run_scoped3A_455 = arith.constant 0 : i32
    "tpu.region"() ({
      %run_scoped3A_461 = tpu.sem_alloc : memref<!tpu.dma_semaphore, #tpu.memory_space<semaphore_mem>>
      %dma_start3A = arith.constant 0 : i32
      %dma_start3A_462 = tpu.memref_slice %arg4[%add3A, %run_scoped3A_455, %dma_start3A] : memref<32x6x2512xf32, #tpu.memory_space<hbm>> -> memref<1x1x2512xf32, #tpu.memory_space<hbm>>
      %dma_start3A_463 = tpu.memref_squeeze %dma_start3A_462 : memref<1x1x2512xf32, #tpu.memory_space<hbm>> -> memref<2512xf32, #tpu.memory_space<hbm>>
      %dma_start3A_464 = arith.constant 0 : i32
      %dma_start3A_465 = tpu.memref_slice %arg4[%add3A, %run_scoped3A_455, %dma_start3A_464] : memref<32x6x2512xf32, #tpu.memory_space<hbm>> -> memref<1x1x2512xf32, #tpu.memory_space<hbm>>
      %dma_start3A_466 = tpu.memref_squeeze %dma_start3A_465 : memref<1x1x2512xf32, #tpu.memory_space<hbm>> -> memref<2512xf32, #tpu.memory_space<hbm>>
      tpu.enqueue_dma source(%arg10 : memref<2512xf32, #tpu.memory_space<vmem>>) target(%dma_start3A_466 : memref<2512xf32, #tpu.memory_space<hbm>>) target_semaphore(%run_scoped3A_461 : memref<!tpu.dma_semaphore, #tpu.memory_space<semaphore_mem>>)
      %dma_wait3A = arith.constant 0 : i32
      %dma_wait3A_467 = tpu.memref_slice %arg4[%add3A, %run_scoped3A_455, %dma_wait3A] : memref<32x6x2512xf32, #tpu.memory_space<hbm>> -> memref<1x1x2512xf32, #tpu.memory_space<hbm>>
      %dma_wait3A_468 = tpu.memref_squeeze %dma_wait3A_467 : memref<1x1x2512xf32, #tpu.memory_space<hbm>> -> memref<2512xf32, #tpu.memory_space<hbm>>
      %dma_wait3A_469 = arith.constant 0 : i32
      %dma_wait3A_470 = tpu.memref_slice %arg4[%add3A, %run_scoped3A_455, %dma_wait3A_469] : memref<32x6x2512xf32, #tpu.memory_space<hbm>> -> memref<1x1x2512xf32, #tpu.memory_space<hbm>>
      %dma_wait3A_471 = tpu.memref_squeeze %dma_wait3A_470 : memref<1x1x2512xf32, #tpu.memory_space<hbm>> -> memref<2512xf32, #tpu.memory_space<hbm>>
      tpu.wait_dma2 semaphore(%run_scoped3A_461 : memref<!tpu.dma_semaphore, #tpu.memory_space<semaphore_mem>>) src(%arg10 : memref<2512xf32, #tpu.memory_space<vmem>>) dst(%dma_wait3A_471 : memref<2512xf32, #tpu.memory_space<hbm>>)
      tpu.yield
    }) : () -> ()
    %run_scoped3A_456 = arith.constant 1 : i32
    "tpu.region"() ({
      %run_scoped3A_461 = tpu.sem_alloc : memref<!tpu.dma_semaphore, #tpu.memory_space<semaphore_mem>>
      %dma_start3A = arith.constant 0 : i32
      %dma_start3A_462 = tpu.memref_slice %arg4[%add3A, %run_scoped3A_456, %dma_start3A] : memref<32x6x2512xf32, #tpu.memory_space<hbm>> -> memref<1x1x2512xf32, #tpu.memory_space<hbm>>
      %dma_start3A_463 = tpu.memref_squeeze %dma_start3A_462 : memref<1x1x2512xf32, #tpu.memory_space<hbm>> -> memref<2512xf32, #tpu.memory_space<hbm>>
      %dma_start3A_464 = arith.constant 0 : i32
      %dma_start3A_465 = tpu.memref_slice %arg4[%add3A, %run_scoped3A_456, %dma_start3A_464] : memref<32x6x2512xf32, #tpu.memory_space<hbm>> -> memref<1x1x2512xf32, #tpu.memory_space<hbm>>
      %dma_start3A_466 = tpu.memref_squeeze %dma_start3A_465 : memref<1x1x2512xf32, #tpu.memory_space<hbm>> -> memref<2512xf32, #tpu.memory_space<hbm>>
      tpu.enqueue_dma source(%arg11 : memref<2512xf32, #tpu.memory_space<vmem>>) target(%dma_start3A_466 : memref<2512xf32, #tpu.memory_space<hbm>>) target_semaphore(%run_scoped3A_461 : memref<!tpu.dma_semaphore, #tpu.memory_space<semaphore_mem>>)
      %dma_wait3A = arith.constant 0 : i32
      %dma_wait3A_467 = tpu.memref_slice %arg4[%add3A, %run_scoped3A_456, %dma_wait3A] : memref<32x6x2512xf32, #tpu.memory_space<hbm>> -> memref<1x1x2512xf32, #tpu.memory_space<hbm>>
      %dma_wait3A_468 = tpu.memref_squeeze %dma_wait3A_467 : memref<1x1x2512xf32, #tpu.memory_space<hbm>> -> memref<2512xf32, #tpu.memory_space<hbm>>
      %dma_wait3A_469 = arith.constant 0 : i32
      %dma_wait3A_470 = tpu.memref_slice %arg4[%add3A, %run_scoped3A_456, %dma_wait3A_469] : memref<32x6x2512xf32, #tpu.memory_space<hbm>> -> memref<1x1x2512xf32, #tpu.memory_space<hbm>>
      %dma_wait3A_471 = tpu.memref_squeeze %dma_wait3A_470 : memref<1x1x2512xf32, #tpu.memory_space<hbm>> -> memref<2512xf32, #tpu.memory_space<hbm>>
      tpu.wait_dma2 semaphore(%run_scoped3A_461 : memref<!tpu.dma_semaphore, #tpu.memory_space<semaphore_mem>>) src(%arg11 : memref<2512xf32, #tpu.memory_space<vmem>>) dst(%dma_wait3A_471 : memref<2512xf32, #tpu.memory_space<hbm>>)
      tpu.yield
    }) : () -> ()
    %run_scoped3A_457 = arith.constant 2 : i32
    "tpu.region"() ({
      %run_scoped3A_461 = tpu.sem_alloc : memref<!tpu.dma_semaphore, #tpu.memory_space<semaphore_mem>>
      %dma_start3A = arith.constant 0 : i32
      %dma_start3A_462 = tpu.memref_slice %arg4[%add3A, %run_scoped3A_457, %dma_start3A] : memref<32x6x2512xf32, #tpu.memory_space<hbm>> -> memref<1x1x2512xf32, #tpu.memory_space<hbm>>
      %dma_start3A_463 = tpu.memref_squeeze %dma_start3A_462 : memref<1x1x2512xf32, #tpu.memory_space<hbm>> -> memref<2512xf32, #tpu.memory_space<hbm>>
      %dma_start3A_464 = arith.constant 0 : i32
      %dma_start3A_465 = tpu.memref_slice %arg4[%add3A, %run_scoped3A_457, %dma_start3A_464] : memref<32x6x2512xf32, #tpu.memory_space<hbm>> -> memref<1x1x2512xf32, #tpu.memory_space<hbm>>
      %dma_start3A_466 = tpu.memref_squeeze %dma_start3A_465 : memref<1x1x2512xf32, #tpu.memory_space<hbm>> -> memref<2512xf32, #tpu.memory_space<hbm>>
      tpu.enqueue_dma source(%arg12 : memref<2512xf32, #tpu.memory_space<vmem>>) target(%dma_start3A_466 : memref<2512xf32, #tpu.memory_space<hbm>>) target_semaphore(%run_scoped3A_461 : memref<!tpu.dma_semaphore, #tpu.memory_space<semaphore_mem>>)
      %dma_wait3A = arith.constant 0 : i32
      %dma_wait3A_467 = tpu.memref_slice %arg4[%add3A, %run_scoped3A_457, %dma_wait3A] : memref<32x6x2512xf32, #tpu.memory_space<hbm>> -> memref<1x1x2512xf32, #tpu.memory_space<hbm>>
      %dma_wait3A_468 = tpu.memref_squeeze %dma_wait3A_467 : memref<1x1x2512xf32, #tpu.memory_space<hbm>> -> memref<2512xf32, #tpu.memory_space<hbm>>
      %dma_wait3A_469 = arith.constant 0 : i32
      %dma_wait3A_470 = tpu.memref_slice %arg4[%add3A, %run_scoped3A_457, %dma_wait3A_469] : memref<32x6x2512xf32, #tpu.memory_space<hbm>> -> memref<1x1x2512xf32, #tpu.memory_space<hbm>>
      %dma_wait3A_471 = tpu.memref_squeeze %dma_wait3A_470 : memref<1x1x2512xf32, #tpu.memory_space<hbm>> -> memref<2512xf32, #tpu.memory_space<hbm>>
      tpu.wait_dma2 semaphore(%run_scoped3A_461 : memref<!tpu.dma_semaphore, #tpu.memory_space<semaphore_mem>>) src(%arg12 : memref<2512xf32, #tpu.memory_space<vmem>>) dst(%dma_wait3A_471 : memref<2512xf32, #tpu.memory_space<hbm>>)
      tpu.yield
    }) : () -> ()
    %run_scoped3A_458 = arith.constant 3 : i32
    "tpu.region"() ({
      %run_scoped3A_461 = tpu.sem_alloc : memref<!tpu.dma_semaphore, #tpu.memory_space<semaphore_mem>>
      %dma_start3A = arith.constant 0 : i32
      %dma_start3A_462 = tpu.memref_slice %arg4[%add3A, %run_scoped3A_458, %dma_start3A] : memref<32x6x2512xf32, #tpu.memory_space<hbm>> -> memref<1x1x2512xf32, #tpu.memory_space<hbm>>
      %dma_start3A_463 = tpu.memref_squeeze %dma_start3A_462 : memref<1x1x2512xf32, #tpu.memory_space<hbm>> -> memref<2512xf32, #tpu.memory_space<hbm>>
      %dma_start3A_464 = arith.constant 0 : i32
      %dma_start3A_465 = tpu.memref_slice %arg4[%add3A, %run_scoped3A_458, %dma_start3A_464] : memref<32x6x2512xf32, #tpu.memory_space<hbm>> -> memref<1x1x2512xf32, #tpu.memory_space<hbm>>
      %dma_start3A_466 = tpu.memref_squeeze %dma_start3A_465 : memref<1x1x2512xf32, #tpu.memory_space<hbm>> -> memref<2512xf32, #tpu.memory_space<hbm>>
      tpu.enqueue_dma source(%arg13 : memref<2512xf32, #tpu.memory_space<vmem>>) target(%dma_start3A_466 : memref<2512xf32, #tpu.memory_space<hbm>>) target_semaphore(%run_scoped3A_461 : memref<!tpu.dma_semaphore, #tpu.memory_space<semaphore_mem>>)
      %dma_wait3A = arith.constant 0 : i32
      %dma_wait3A_467 = tpu.memref_slice %arg4[%add3A, %run_scoped3A_458, %dma_wait3A] : memref<32x6x2512xf32, #tpu.memory_space<hbm>> -> memref<1x1x2512xf32, #tpu.memory_space<hbm>>
      %dma_wait3A_468 = tpu.memref_squeeze %dma_wait3A_467 : memref<1x1x2512xf32, #tpu.memory_space<hbm>> -> memref<2512xf32, #tpu.memory_space<hbm>>
      %dma_wait3A_469 = arith.constant 0 : i32
      %dma_wait3A_470 = tpu.memref_slice %arg4[%add3A, %run_scoped3A_458, %dma_wait3A_469] : memref<32x6x2512xf32, #tpu.memory_space<hbm>> -> memref<1x1x2512xf32, #tpu.memory_space<hbm>>
      %dma_wait3A_471 = tpu.memref_squeeze %dma_wait3A_470 : memref<1x1x2512xf32, #tpu.memory_space<hbm>> -> memref<2512xf32, #tpu.memory_space<hbm>>
      tpu.wait_dma2 semaphore(%run_scoped3A_461 : memref<!tpu.dma_semaphore, #tpu.memory_space<semaphore_mem>>) src(%arg13 : memref<2512xf32, #tpu.memory_space<vmem>>) dst(%dma_wait3A_471 : memref<2512xf32, #tpu.memory_space<hbm>>)
      tpu.yield
    }) : () -> ()
    %run_scoped3A_459 = arith.constant 4 : i32
    "tpu.region"() ({
      %run_scoped3A_461 = tpu.sem_alloc : memref<!tpu.dma_semaphore, #tpu.memory_space<semaphore_mem>>
      %dma_start3A = arith.constant 0 : i32
      %dma_start3A_462 = tpu.memref_slice %arg4[%add3A, %run_scoped3A_459, %dma_start3A] : memref<32x6x2512xf32, #tpu.memory_space<hbm>> -> memref<1x1x2512xf32, #tpu.memory_space<hbm>>
      %dma_start3A_463 = tpu.memref_squeeze %dma_start3A_462 : memref<1x1x2512xf32, #tpu.memory_space<hbm>> -> memref<2512xf32, #tpu.memory_space<hbm>>
      %dma_start3A_464 = arith.constant 0 : i32
      %dma_start3A_465 = tpu.memref_slice %arg4[%add3A, %run_scoped3A_459, %dma_start3A_464] : memref<32x6x2512xf32, #tpu.memory_space<hbm>> -> memref<1x1x2512xf32, #tpu.memory_space<hbm>>
      %dma_start3A_466 = tpu.memref_squeeze %dma_start3A_465 : memref<1x1x2512xf32, #tpu.memory_space<hbm>> -> memref<2512xf32, #tpu.memory_space<hbm>>
      tpu.enqueue_dma source(%arg14 : memref<2512xf32, #tpu.memory_space<vmem>>) target(%dma_start3A_466 : memref<2512xf32, #tpu.memory_space<hbm>>) target_semaphore(%run_scoped3A_461 : memref<!tpu.dma_semaphore, #tpu.memory_space<semaphore_mem>>)
      %dma_wait3A = arith.constant 0 : i32
      %dma_wait3A_467 = tpu.memref_slice %arg4[%add3A, %run_scoped3A_459, %dma_wait3A] : memref<32x6x2512xf32, #tpu.memory_space<hbm>> -> memref<1x1x2512xf32, #tpu.memory_space<hbm>>
      %dma_wait3A_468 = tpu.memref_squeeze %dma_wait3A_467 : memref<1x1x2512xf32, #tpu.memory_space<hbm>> -> memref<2512xf32, #tpu.memory_space<hbm>>
      %dma_wait3A_469 = arith.constant 0 : i32
      %dma_wait3A_470 = tpu.memref_slice %arg4[%add3A, %run_scoped3A_459, %dma_wait3A_469] : memref<32x6x2512xf32, #tpu.memory_space<hbm>> -> memref<1x1x2512xf32, #tpu.memory_space<hbm>>
      %dma_wait3A_471 = tpu.memref_squeeze %dma_wait3A_470 : memref<1x1x2512xf32, #tpu.memory_space<hbm>> -> memref<2512xf32, #tpu.memory_space<hbm>>
      tpu.wait_dma2 semaphore(%run_scoped3A_461 : memref<!tpu.dma_semaphore, #tpu.memory_space<semaphore_mem>>) src(%arg14 : memref<2512xf32, #tpu.memory_space<vmem>>) dst(%dma_wait3A_471 : memref<2512xf32, #tpu.memory_space<hbm>>)
      tpu.yield
    }) : () -> ()
    %run_scoped3A_460 = arith.constant 5 : i32
    "tpu.region"() ({
      %run_scoped3A_461 = tpu.sem_alloc : memref<!tpu.dma_semaphore, #tpu.memory_space<semaphore_mem>>
      %dma_start3A = arith.constant 0 : i32
      %dma_start3A_462 = tpu.memref_slice %arg4[%add3A, %run_scoped3A_460, %dma_start3A] : memref<32x6x2512xf32, #tpu.memory_space<hbm>> -> memref<1x1x2512xf32, #tpu.memory_space<hbm>>
      %dma_start3A_463 = tpu.memref_squeeze %dma_start3A_462 : memref<1x1x2512xf32, #tpu.memory_space<hbm>> -> memref<2512xf32, #tpu.memory_space<hbm>>
      %dma_start3A_464 = arith.constant 0 : i32
      %dma_start3A_465 = tpu.memref_slice %arg4[%add3A, %run_scoped3A_460, %dma_start3A_464] : memref<32x6x2512xf32, #tpu.memory_space<hbm>> -> memref<1x1x2512xf32, #tpu.memory_space<hbm>>
      %dma_start3A_466 = tpu.memref_squeeze %dma_start3A_465 : memref<1x1x2512xf32, #tpu.memory_space<hbm>> -> memref<2512xf32, #tpu.memory_space<hbm>>
      tpu.enqueue_dma source(%arg15 : memref<2512xf32, #tpu.memory_space<vmem>>) target(%dma_start3A_466 : memref<2512xf32, #tpu.memory_space<hbm>>) target_semaphore(%run_scoped3A_461 : memref<!tpu.dma_semaphore, #tpu.memory_space<semaphore_mem>>)
      %dma_wait3A = arith.constant 0 : i32
      %dma_wait3A_467 = tpu.memref_slice %arg4[%add3A, %run_scoped3A_460, %dma_wait3A] : memref<32x6x2512xf32, #tpu.memory_space<hbm>> -> memref<1x1x2512xf32, #tpu.memory_space<hbm>>
      %dma_wait3A_468 = tpu.memref_squeeze %dma_wait3A_467 : memref<1x1x2512xf32, #tpu.memory_space<hbm>> -> memref<2512xf32, #tpu.memory_space<hbm>>
      %dma_wait3A_469 = arith.constant 0 : i32
      %dma_wait3A_470 = tpu.memref_slice %arg4[%add3A, %run_scoped3A_460, %dma_wait3A_469] : memref<32x6x2512xf32, #tpu.memory_space<hbm>> -> memref<1x1x2512xf32, #tpu.memory_space<hbm>>
      %dma_wait3A_471 = tpu.memref_squeeze %dma_wait3A_470 : memref<1x1x2512xf32, #tpu.memory_space<hbm>> -> memref<2512xf32, #tpu.memory_space<hbm>>
      tpu.wait_dma2 semaphore(%run_scoped3A_461 : memref<!tpu.dma_semaphore, #tpu.memory_space<semaphore_mem>>) src(%arg15 : memref<2512xf32, #tpu.memory_space<vmem>>) dst(%dma_wait3A_471 : memref<2512xf32, #tpu.memory_space<hbm>>)
      tpu.yield
    }) : () -> ()
    return
  }
}

module attributes {stable_mosaic.version = 14 : i64} {
  func.func @_tc_body(%arg0: i32, %arg1: i32, %arg2: memref<1x4000x80xf32, #tpu.memory_space<vmem>>, %arg3: memref<1x1x4x4000xf32, #tpu.memory_space<vmem>>, %arg4: memref<1x1x4x4000xf32, #tpu.memory_space<vmem>>, %arg5: memref<1x1x6x4000xf32, #tpu.memory_space<vmem>>, %arg6: memref<1x1x128xf32, #tpu.memory_space<vmem>>, %arg7: memref<1x1x128xf32, #tpu.memory_space<vmem>>, %arg8: memref<1x1x128xf32, #tpu.memory_space<vmem>>) attributes {dimension_semantics = [#tpu.dimension_semantics<arbitrary>, #tpu.dimension_semantics<arbitrary>], iteration_bounds = array<i64: 4, 5>, scalar_prefetch = 0 : i64, scratch_operands = 0 : i64, tpu.core_type = #tpu.core_type<tc>, window_params = [{transform_indices = @transform_0, window_bounds = array<i64: 1, 4000, 80>}, {transform_indices = @transform_1, window_bounds = array<i64: 1, 1, 4, 4000>}, {transform_indices = @transform_2, window_bounds = array<i64: 1, 1, 4, 4000>}, {transform_indices = @transform_3, window_bounds = array<i64: 1, 1, 6, 4000>}, {transform_indices = @transform_4, window_bounds = array<i64: 1, 1, 128>}, {transform_indices = @transform_5, window_bounds = array<i64: 1, 1, 128>}, {transform_indices = @transform_6, window_bounds = array<i64: 1, 1, 128>}]} {
    %eq3A = arith.constant 0 : i32
    %eq3A_0 = arith.cmpi eq, %arg1, %eq3A : i32
    %convert_element_type3A = arith.extui %eq3A_0 : i1 to i32
    %cond3A = arith.constant 0 : i32
    %cond3A_1 = arith.cmpi ne, %convert_element_type3A, %cond3A : i32
    scf.if %cond3A_1 {
      %broadcast_in_dim3A_245 = arith.constant 0.000000e+00 : f32
      %broadcast_in_dim3A_246 = vector.broadcast %broadcast_in_dim3A_245 : f32 to vector<1x1x128xf32>
      %swap3A_247 = arith.constant 0 : index
      %swap3A_248 = arith.constant 0 : index
      %swap3A_249 = arith.constant 0 : index
      %swap3A_250 = vector.load %arg6[%swap3A_247, %swap3A_248, %swap3A_249] : memref<1x1x128xf32, #tpu.memory_space<vmem>>, vector<1x1x128xf32>
      tpu.vector_store %arg6[%swap3A_247, %swap3A_248, %swap3A_249], %broadcast_in_dim3A_246 {strides = array<i32>} : memref<1x1x128xf32, #tpu.memory_space<vmem>>, vector<1x1x128xf32>,
      %broadcast_in_dim3A_251 = arith.constant 0.000000e+00 : f32
      %broadcast_in_dim3A_252 = vector.broadcast %broadcast_in_dim3A_251 : f32 to vector<1x1x128xf32>
      %swap3A_253 = arith.constant 0 : index
      %swap3A_254 = arith.constant 0 : index
      %swap3A_255 = arith.constant 0 : index
      %swap3A_256 = vector.load %arg7[%swap3A_253, %swap3A_254, %swap3A_255] : memref<1x1x128xf32, #tpu.memory_space<vmem>>, vector<1x1x128xf32>
      tpu.vector_store %arg7[%swap3A_253, %swap3A_254, %swap3A_255], %broadcast_in_dim3A_252 {strides = array<i32>} : memref<1x1x128xf32, #tpu.memory_space<vmem>>, vector<1x1x128xf32>,
      %broadcast_in_dim3A_257 = arith.constant 0.000000e+00 : f32
      %broadcast_in_dim3A_258 = vector.broadcast %broadcast_in_dim3A_257 : f32 to vector<1x1x128xf32>
      %swap3A_259 = arith.constant 0 : index
      %swap3A_260 = arith.constant 0 : index
      %swap3A_261 = arith.constant 0 : index
      %swap3A_262 = vector.load %arg8[%swap3A_259, %swap3A_260, %swap3A_261] : memref<1x1x128xf32, #tpu.memory_space<vmem>>, vector<1x1x128xf32>
      tpu.vector_store %arg8[%swap3A_259, %swap3A_260, %swap3A_261], %broadcast_in_dim3A_258 {strides = array<i32>} : memref<1x1x128xf32, #tpu.memory_space<vmem>>, vector<1x1x128xf32>,
    } else {
    }
    %get3A = arith.constant 0 : index
    %get3A_2 = arith.constant 0 : index
    %get3A_3 = arith.constant 0 : index
    %get3A_4 = arith.constant 0 : index
    %get3A_5 = vector.load %arg5[%get3A, %get3A_2, %get3A_3, %get3A_4] : memref<1x1x6x4000xf32, #tpu.memory_space<vmem>>, vector<1x1x6x4000xf32>
    %get3A_6 = vector.shape_cast %get3A_5 : vector<1x1x6x4000xf32> to vector<6x4000xf32>
    %slice3A = vector.extract_strided_slice %get3A_6 {offsets = [0, 0], sizes = [1, 4000], strides = [1, 1]} : vector<6x4000xf32> to vector<1x4000xf32>
    %slice3A_7 = vector.extract_strided_slice %get3A_6 {offsets = [1, 0], sizes = [1, 4000], strides = [1, 1]} : vector<6x4000xf32> to vector<1x4000xf32>
    %slice3A_8 = vector.extract_strided_slice %get3A_6 {offsets = [2, 0], sizes = [1, 4000], strides = [1, 1]} : vector<6x4000xf32> to vector<1x4000xf32>
    %slice3A_9 = vector.extract_strided_slice %get3A_6 {offsets = [3, 0], sizes = [1, 4000], strides = [1, 1]} : vector<6x4000xf32> to vector<1x4000xf32>
    %slice3A_10 = vector.extract_strided_slice %get3A_6 {offsets = [4, 0], sizes = [1, 4000], strides = [1, 1]} : vector<6x4000xf32> to vector<1x4000xf32>
    %slice3A_11 = vector.extract_strided_slice %get3A_6 {offsets = [5, 0], sizes = [1, 4000], strides = [1, 1]} : vector<6x4000xf32> to vector<1x4000xf32>
    %get3A_12 = arith.constant 0 : index
    %get3A_13 = arith.constant 0 : index
    %get3A_14 = arith.constant 0 : index
    %get3A_15 = arith.constant 0 : index
    %get3A_16 = vector.load %arg4[%get3A_12, %get3A_13, %get3A_14, %get3A_15] : memref<1x1x4x4000xf32, #tpu.memory_space<vmem>>, vector<1x1x4x4000xf32>
    %get3A_17 = vector.shape_cast %get3A_16 : vector<1x1x4x4000xf32> to vector<4x4000xf32>
    %slice3A_18 = vector.extract_strided_slice %get3A_17 {offsets = [0, 0], sizes = [1, 4000], strides = [1, 1]} : vector<4x4000xf32> to vector<1x4000xf32>
    %slice3A_19 = vector.extract_strided_slice %get3A_17 {offsets = [1, 0], sizes = [1, 4000], strides = [1, 1]} : vector<4x4000xf32> to vector<1x4000xf32>
    %slice3A_20 = vector.extract_strided_slice %get3A_17 {offsets = [2, 0], sizes = [1, 4000], strides = [1, 1]} : vector<4x4000xf32> to vector<1x4000xf32>
    %slice3A_21 = vector.extract_strided_slice %get3A_17 {offsets = [3, 0], sizes = [1, 4000], strides = [1, 1]} : vector<4x4000xf32> to vector<1x4000xf32>
    %ge3A = arith.constant 5.000000e-01 : f32
    %ge3A_22 = vector.broadcast %ge3A : f32 to vector<1x4000xf32>
    %ge3A_23 = arith.cmpf oge, %slice3A, %ge3A_22 : vector<1x4000xf32>
    %lt3A = arith.constant 4.000000e-01 : f32
    %lt3A_24 = vector.broadcast %lt3A : f32 to vector<1x4000xf32>
    %lt3A_25 = arith.cmpf olt, %slice3A, %lt3A_24 : vector<1x4000xf32>
    %or3A = arith.ori %lt3A_25, %ge3A_23 : vector<1x4000xi1>
    %convert_element_type3A_26 = arith.extui %ge3A_23 : vector<1x4000xi1> to vector<1x4000xi32>
    %convert_element_type3A_27 = arith.sitofp %convert_element_type3A_26 : vector<1x4000xi32> to vector<1x4000xf32>
    %reduce_sum3A = vector.shape_cast %convert_element_type3A_27 : vector<1x4000xf32> to vector<1x1x4000xf32>
    %reduce_sum3A_28 = arith.constant dense<0.000000e+00> : vector<1xf32>
    %reduce_sum3A_29 = vector.multi_reduction <add>, %reduce_sum3A, %reduce_sum3A_28 [1, 2] : vector<1x1x4000xf32> to vector<1xf32>
    %reduce_sum3A_30 = vector.shape_cast %reduce_sum3A_29 : vector<1xf32> to vector<1x1x1xf32>
    %reduce_sum3A_31 = vector.extract %reduce_sum3A_30[0, 0, 0] : f32 from vector<1x1x1xf32>
    %sub3A = arith.subf %slice3A_20, %slice3A_18 : vector<1x4000xf32>
    %sub3A_32 = arith.subf %slice3A_21, %slice3A_19 : vector<1x4000xf32>
    %mul3A = arith.constant 5.000000e-01 : f32
    %mul3A_33 = vector.broadcast %mul3A : f32 to vector<1x4000xf32>
    %mul3A_34 = arith.mulf %mul3A_33, %sub3A : vector<1x4000xf32>
    %add3A = arith.addf %slice3A_18, %mul3A_34 : vector<1x4000xf32>
    %mul3A_35 = arith.constant 5.000000e-01 : f32
    %mul3A_36 = vector.broadcast %mul3A_35 : f32 to vector<1x4000xf32>
    %mul3A_37 = arith.mulf %mul3A_36, %sub3A_32 : vector<1x4000xf32>
    %add3A_38 = arith.addf %slice3A_19, %mul3A_37 : vector<1x4000xf32>
    %sub3A_39 = arith.subf %slice3A_9, %slice3A_7 : vector<1x4000xf32>
    %sub3A_40 = arith.subf %slice3A_10, %slice3A_8 : vector<1x4000xf32>
    %mul3A_41 = arith.constant 5.000000e-01 : f32
    %mul3A_42 = vector.broadcast %mul3A_41 : f32 to vector<1x4000xf32>
    %mul3A_43 = arith.mulf %mul3A_42, %sub3A_39 : vector<1x4000xf32>
    %add3A_44 = arith.addf %slice3A_7, %mul3A_43 : vector<1x4000xf32>
    %mul3A_45 = arith.constant 5.000000e-01 : f32
    %mul3A_46 = vector.broadcast %mul3A_45 : f32 to vector<1x4000xf32>
    %mul3A_47 = arith.mulf %mul3A_46, %sub3A_40 : vector<1x4000xf32>
    %add3A_48 = arith.addf %slice3A_8, %mul3A_47 : vector<1x4000xf32>
    %max3A = arith.constant 1.000000e+00 : f32
    %max3A_49 = vector.broadcast %max3A : f32 to vector<1x4000xf32>
    %max3A_50 = arith.maximumf %sub3A_39, %max3A_49 : vector<1x4000xf32>
    %max3A_51 = arith.constant 1.000000e+00 : f32
    %max3A_52 = vector.broadcast %max3A_51 : f32 to vector<1x4000xf32>
    %max3A_53 = arith.maximumf %sub3A_40, %max3A_52 : vector<1x4000xf32>
    %sub3A_54 = arith.subf %add3A_44, %add3A : vector<1x4000xf32>
    %div3A = arith.divf %sub3A_54, %sub3A : vector<1x4000xf32>
    %div3A_55 = arith.constant 1.000000e-01 : f32
    %div3A_56 = vector.broadcast %div3A_55 : f32 to vector<1x4000xf32>
    %div3A_57 = arith.divf %div3A, %div3A_56 : vector<1x4000xf32>
    %sub3A_58 = arith.subf %add3A_48, %add3A_38 : vector<1x4000xf32>
    %div3A_59 = arith.divf %sub3A_58, %sub3A_32 : vector<1x4000xf32>
    %div3A_60 = arith.constant 1.000000e-01 : f32
    %div3A_61 = vector.broadcast %div3A_60 : f32 to vector<1x4000xf32>
    %div3A_62 = arith.divf %div3A_59, %div3A_61 : vector<1x4000xf32>
    %div3A_63 = arith.divf %max3A_50, %sub3A : vector<1x4000xf32>
    %log3A = math.log %div3A_63 : vector<1x4000xf32>
    %div3A_64 = arith.constant 2.000000e-01 : f32
    %div3A_65 = vector.broadcast %div3A_64 : f32 to vector<1x4000xf32>
    %div3A_66 = arith.divf %log3A, %div3A_65 : vector<1x4000xf32>
    %div3A_67 = arith.divf %max3A_53, %sub3A_32 : vector<1x4000xf32>
    %log3A_68 = math.log %div3A_67 : vector<1x4000xf32>
    %div3A_69 = arith.constant 2.000000e-01 : f32
    %div3A_70 = vector.broadcast %div3A_69 : f32 to vector<1x4000xf32>
    %div3A_71 = arith.divf %log3A_68, %div3A_70 : vector<1x4000xf32>
    %get3A_72 = arith.constant 0 : index
    %get3A_73 = arith.constant 0 : index
    %get3A_74 = arith.constant 0 : index
    %get3A_75 = arith.constant 0 : index
    %get3A_76 = vector.load %arg3[%get3A_72, %get3A_73, %get3A_74, %get3A_75] : memref<1x1x4x4000xf32, #tpu.memory_space<vmem>>, vector<1x1x4x4000xf32>
    %get3A_77 = vector.shape_cast %get3A_76 : vector<1x1x4x4000xf32> to vector<4x4000xf32>
    %slice3A_78 = vector.extract_strided_slice %get3A_77 {offsets = [0, 0], sizes = [1, 4000], strides = [1, 1]} : vector<4x4000xf32> to vector<1x4000xf32>
    %sub3A_79 = arith.subf %div3A_57, %slice3A_78 : vector<1x4000xf32>
    %abs3A = math.absf %sub3A_79 : vector<1x4000xf32>
    %slice3A_80 = vector.extract_strided_slice %get3A_77 {offsets = [1, 0], sizes = [1, 4000], strides = [1, 1]} : vector<4x4000xf32> to vector<1x4000xf32>
    %sub3A_81 = arith.subf %div3A_62, %slice3A_80 : vector<1x4000xf32>
    %abs3A_82 = math.absf %sub3A_81 : vector<1x4000xf32>
    %slice3A_83 = vector.extract_strided_slice %get3A_77 {offsets = [2, 0], sizes = [1, 4000], strides = [1, 1]} : vector<4x4000xf32> to vector<1x4000xf32>
    %sub3A_84 = arith.subf %div3A_66, %slice3A_83 : vector<1x4000xf32>
    %abs3A_85 = math.absf %sub3A_84 : vector<1x4000xf32>
    %slice3A_86 = vector.extract_strided_slice %get3A_77 {offsets = [3, 0], sizes = [1, 4000], strides = [1, 1]} : vector<4x4000xf32> to vector<1x4000xf32>
    %sub3A_87 = arith.subf %div3A_71, %slice3A_86 : vector<1x4000xf32>
    %abs3A_88 = math.absf %sub3A_87 : vector<1x4000xf32>
    %lt3A_89 = arith.constant 0.111111112 : f32
    %lt3A_90 = vector.broadcast %lt3A_89 : f32 to vector<1x4000xf32>
    %lt3A_91 = arith.cmpf olt, %abs3A, %lt3A_90 : vector<1x4000xf32>
    %mul3A_92 = arith.mulf %abs3A, %abs3A : vector<1x4000xf32>
    %mul3A_93 = arith.constant 4.500000e+00 : f32
    %mul3A_94 = vector.broadcast %mul3A_93 : f32 to vector<1x4000xf32>
    %mul3A_95 = arith.mulf %mul3A_94, %mul3A_92 : vector<1x4000xf32>
    %sub3A_96 = arith.constant 0.055555556 : f32
    %sub3A_97 = vector.broadcast %sub3A_96 : f32 to vector<1x4000xf32>
    %sub3A_98 = arith.subf %abs3A, %sub3A_97 : vector<1x4000xf32>
    %select_n3A = arith.select %lt3A_91, %mul3A_95, %sub3A_98 : vector<1x4000xi1>, vector<1x4000xf32>
    %lt3A_99 = arith.constant 0.111111112 : f32
    %lt3A_100 = vector.broadcast %lt3A_99 : f32 to vector<1x4000xf32>
    %lt3A_101 = arith.cmpf olt, %abs3A_82, %lt3A_100 : vector<1x4000xf32>
    %mul3A_102 = arith.mulf %abs3A_82, %abs3A_82 : vector<1x4000xf32>
    %mul3A_103 = arith.constant 4.500000e+00 : f32
    %mul3A_104 = vector.broadcast %mul3A_103 : f32 to vector<1x4000xf32>
    %mul3A_105 = arith.mulf %mul3A_104, %mul3A_102 : vector<1x4000xf32>
    %sub3A_106 = arith.constant 0.055555556 : f32
    %sub3A_107 = vector.broadcast %sub3A_106 : f32 to vector<1x4000xf32>
    %sub3A_108 = arith.subf %abs3A_82, %sub3A_107 : vector<1x4000xf32>
    %select_n3A_109 = arith.select %lt3A_101, %mul3A_105, %sub3A_108 : vector<1x4000xi1>, vector<1x4000xf32>
    %add3A_110 = arith.addf %select_n3A, %select_n3A_109 : vector<1x4000xf32>
    %lt3A_111 = arith.constant 0.111111112 : f32
    %lt3A_112 = vector.broadcast %lt3A_111 : f32 to vector<1x4000xf32>
    %lt3A_113 = arith.cmpf olt, %abs3A_85, %lt3A_112 : vector<1x4000xf32>
    %mul3A_114 = arith.mulf %abs3A_85, %abs3A_85 : vector<1x4000xf32>
    %mul3A_115 = arith.constant 4.500000e+00 : f32
    %mul3A_116 = vector.broadcast %mul3A_115 : f32 to vector<1x4000xf32>
    %mul3A_117 = arith.mulf %mul3A_116, %mul3A_114 : vector<1x4000xf32>
    %sub3A_118 = arith.constant 0.055555556 : f32
    %sub3A_119 = vector.broadcast %sub3A_118 : f32 to vector<1x4000xf32>
    %sub3A_120 = arith.subf %abs3A_85, %sub3A_119 : vector<1x4000xf32>
    %select_n3A_121 = arith.select %lt3A_113, %mul3A_117, %sub3A_120 : vector<1x4000xi1>, vector<1x4000xf32>
    %add3A_122 = arith.addf %add3A_110, %select_n3A_121 : vector<1x4000xf32>
    %lt3A_123 = arith.constant 0.111111112 : f32
    %lt3A_124 = vector.broadcast %lt3A_123 : f32 to vector<1x4000xf32>
    %lt3A_125 = arith.cmpf olt, %abs3A_88, %lt3A_124 : vector<1x4000xf32>
    %mul3A_126 = arith.mulf %abs3A_88, %abs3A_88 : vector<1x4000xf32>
    %mul3A_127 = arith.constant 4.500000e+00 : f32
    %mul3A_128 = vector.broadcast %mul3A_127 : f32 to vector<1x4000xf32>
    %mul3A_129 = arith.mulf %mul3A_128, %mul3A_126 : vector<1x4000xf32>
    %sub3A_130 = arith.constant 0.055555556 : f32
    %sub3A_131 = vector.broadcast %sub3A_130 : f32 to vector<1x4000xf32>
    %sub3A_132 = arith.subf %abs3A_88, %sub3A_131 : vector<1x4000xf32>
    %select_n3A_133 = arith.select %lt3A_125, %mul3A_129, %sub3A_132 : vector<1x4000xi1>, vector<1x4000xf32>
    %add3A_134 = arith.addf %add3A_122, %select_n3A_133 : vector<1x4000xf32>
    %jit3A = arith.constant 0.000000e+00 : f32
    %broadcast_in_dim3A = vector.broadcast %jit3A : f32 to vector<1x4000xf32>
    %select_n3A_135 = arith.select %ge3A_23, %add3A_134, %broadcast_in_dim3A : vector<1x4000xi1>, vector<1x4000xf32>
    %reduce_sum3A_136 = vector.shape_cast %select_n3A_135 : vector<1x4000xf32> to vector<1x1x4000xf32>
    %reduce_sum3A_137 = arith.constant dense<0.000000e+00> : vector<1xf32>
    %reduce_sum3A_138 = vector.multi_reduction <add>, %reduce_sum3A_136, %reduce_sum3A_137 [1, 2] : vector<1x1x4000xf32> to vector<1xf32>
    %reduce_sum3A_139 = vector.shape_cast %reduce_sum3A_138 : vector<1xf32> to vector<1x1x1xf32>
    %reduce_sum3A_140 = vector.extract %reduce_sum3A_139[0, 0, 0] : f32 from vector<1x1x1xf32>
    %transpose3A = tpu.transpose %slice3A_11, [1, 0] : vector<1x4000xf32> -> vector<4000x1xf32>
    %get3A_141 = arith.constant 0 : index
    %get3A_142 = arith.constant 0 : index
    %get3A_143 = arith.constant 0 : index
    %get3A_144 = vector.load %arg2[%get3A_141, %get3A_142, %get3A_143] : memref<1x4000x80xf32, #tpu.memory_space<vmem>>, vector<1x4000x80xf32>
    %get3A_145 = vector.shape_cast %get3A_144 : vector<1x4000x80xf32> to vector<4000x80xf32>
    %jit3A_146 = arith.constant 9.99999974E-5 : f32
    %jit3A_147 = arith.constant 0.999899983 : f32
    %max3A_148 = vector.broadcast %jit3A_146 : f32 to vector<4000x80xf32>
    %max3A_149 = arith.maximumf %max3A_148, %get3A_145 : vector<4000x80xf32>
    %min3A = vector.broadcast %jit3A_147 : f32 to vector<4000x80xf32>
    %min3A_150 = arith.minimumf %min3A, %max3A_149 : vector<4000x80xf32>
    %sub3A_151 = arith.constant 1.000000e+00 : f32
    %sub3A_152 = vector.broadcast %sub3A_151 : f32 to vector<4000x80xf32>
    %sub3A_153 = arith.subf %sub3A_152, %min3A_150 : vector<4000x80xf32>
    %log3A_154 = math.log %sub3A_153 : vector<4000x80xf32>
    %mul3A_155 = arith.mulf %min3A_150, %min3A_150 : vector<4000x80xf32>
    %mul3A_156 = arith.constant 7.500000e-01 : f32
    %mul3A_157 = vector.broadcast %mul3A_156 : f32 to vector<4000x80xf32>
    %mul3A_158 = arith.mulf %mul3A_157, %mul3A_155 : vector<4000x80xf32>
    %mul3A_159 = arith.mulf %mul3A_158, %log3A_154 : vector<4000x80xf32>
    %convert_element_type3A_160 = arith.extui %or3A : vector<1x4000xi1> to vector<1x4000xi32>
    %convert_element_type3A_161 = arith.sitofp %convert_element_type3A_160 : vector<1x4000xi32> to vector<1x4000xf32>
    %convert_element_type3A_162 = arith.truncf %convert_element_type3A_161 : vector<1x4000xf32> to vector<1x4000xbf16>
    %convert_element_type3A_163 = arith.truncf %mul3A_159 : vector<4000x80xf32> to vector<4000x80xbf16>
    %dot_general3A = arith.constant dense<0.000000e+00> : vector<1x80xf32>
    %dot_general3A_164 = tpu.matmul %convert_element_type3A_162, %convert_element_type3A_163, %dot_general3A {dimension_numbers = #tpu.dot_dimension_numbers<[1], [0], [0], [1], [0, 0, 1, 1], [], []>, transpose_lhs_hint = false} : vector<1x4000xbf16>, vector<4000x80xbf16>, vector<1x80xf32> -> vector<1x80xf32>
    %iota3A = tpu.iota {dimensions = array<i32: 1>} : vector<4000x80xi32>
    %convert_element_type3A_165 = arith.fptosi %transpose3A : vector<4000x1xf32> to vector<4000x1xi32>
    %eq3A_166 = vector.broadcast %convert_element_type3A_165 : vector<4000x1xi32> to vector<4000x80xi32>
    %eq3A_167 = arith.cmpi eq, %iota3A, %eq3A_166 : vector<4000x80xi32>
    %jit3A_168 = arith.constant 0.000000e+00 : f32
    %broadcast_in_dim3A_169 = vector.broadcast %jit3A_168 : f32 to vector<4000x80xf32>
    %select_n3A_170 = arith.select %eq3A_167, %min3A_150, %broadcast_in_dim3A_169 : vector<4000x80xi1>, vector<4000x80xf32>
    %reduce_sum3A_171 = arith.constant dense<0.000000e+00> : vector<4000xf32>
    %reduce_sum3A_172 = vector.multi_reduction <add>, %select_n3A_170, %reduce_sum3A_171 [1] : vector<4000x80xf32> to vector<4000xf32>
    %broadcast_in_dim3A_173 = vector.shape_cast %reduce_sum3A_172 : vector<4000xf32> to vector<4000x1xf32>
    %transpose3A_174 = tpu.transpose %broadcast_in_dim3A_173, [1, 0] : vector<4000x1xf32> -> vector<1x4000xf32>
    %sub3A_175 = arith.constant 1.000000e+00 : f32
    %sub3A_176 = vector.broadcast %sub3A_175 : f32 to vector<1x4000xf32>
    %sub3A_177 = arith.subf %sub3A_176, %transpose3A_174 : vector<1x4000xf32>
    %sub3A_178 = arith.constant 1.000000e+00 : f32
    %sub3A_179 = vector.broadcast %sub3A_178 : f32 to vector<1x4000xf32>
    %sub3A_180 = arith.subf %sub3A_179, %transpose3A_174 : vector<1x4000xf32>
    %mul3A_181 = arith.mulf %sub3A_177, %sub3A_180 : vector<1x4000xf32>
    %mul3A_182 = arith.constant 2.500000e-01 : f32
    %mul3A_183 = vector.broadcast %mul3A_182 : f32 to vector<1x4000xf32>
    %mul3A_184 = arith.mulf %mul3A_183, %mul3A_181 : vector<1x4000xf32>
    %log3A_185 = math.log %transpose3A_174 : vector<1x4000xf32>
    %neg3A = arith.constant 0.000000e+00 : f32
    %neg3A_186 = vector.broadcast %neg3A : f32 to vector<1x4000xf32>
    %neg3A_187 = arith.subf %neg3A_186, %log3A_185 : vector<1x4000xf32>
    %mul3A_188 = arith.mulf %mul3A_184, %neg3A_187 : vector<1x4000xf32>
    %mul3A_189 = arith.mulf %transpose3A_174, %transpose3A_174 : vector<1x4000xf32>
    %mul3A_190 = arith.constant 7.500000e-01 : f32
    %mul3A_191 = vector.broadcast %mul3A_190 : f32 to vector<1x4000xf32>
    %mul3A_192 = arith.mulf %mul3A_191, %mul3A_189 : vector<1x4000xf32>
    %sub3A_193 = arith.constant 1.000000e+00 : f32
    %sub3A_194 = vector.broadcast %sub3A_193 : f32 to vector<1x4000xf32>
    %sub3A_195 = arith.subf %sub3A_194, %transpose3A_174 : vector<1x4000xf32>
    %log3A_196 = math.log %sub3A_195 : vector<1x4000xf32>
    %neg3A_197 = arith.constant 0.000000e+00 : f32
    %neg3A_198 = vector.broadcast %neg3A_197 : f32 to vector<1x4000xf32>
    %neg3A_199 = arith.subf %neg3A_198, %log3A_196 : vector<1x4000xf32>
    %mul3A_200 = arith.mulf %mul3A_192, %neg3A_199 : vector<1x4000xf32>
    %sub3A_201 = arith.subf %mul3A_188, %mul3A_200 : vector<1x4000xf32>
    %jit3A_202 = arith.constant 0.000000e+00 : f32
    %broadcast_in_dim3A_203 = vector.broadcast %jit3A_202 : f32 to vector<1x4000xf32>
    %select_n3A_204 = arith.select %ge3A_23, %sub3A_201, %broadcast_in_dim3A_203 : vector<1x4000xi1>, vector<1x4000xf32>
    %reduce_sum3A_205 = vector.shape_cast %select_n3A_204 : vector<1x4000xf32> to vector<1x1x4000xf32>
    %reduce_sum3A_206 = arith.constant dense<0.000000e+00> : vector<1xf32>
    %reduce_sum3A_207 = vector.multi_reduction <add>, %reduce_sum3A_205, %reduce_sum3A_206 [1, 2] : vector<1x1x4000xf32> to vector<1xf32>
    %reduce_sum3A_208 = vector.shape_cast %reduce_sum3A_207 : vector<1xf32> to vector<1x1x1xf32>
    %reduce_sum3A_209 = vector.extract %reduce_sum3A_208[0, 0, 0] : f32 from vector<1x1x1xf32>
    %reduce_sum3A_210 = vector.shape_cast %dot_general3A_164 : vector<1x80xf32> to vector<1x1x80xf32>
    %reduce_sum3A_211 = arith.constant dense<0.000000e+00> : vector<1xf32>
    %reduce_sum3A_212 = vector.multi_reduction <add>, %reduce_sum3A_210, %reduce_sum3A_211 [1, 2] : vector<1x1x80xf32> to vector<1xf32>
    %reduce_sum3A_213 = vector.shape_cast %reduce_sum3A_212 : vector<1xf32> to vector<1x1x1xf32>
    %reduce_sum3A_214 = vector.extract %reduce_sum3A_213[0, 0, 0] : f32 from vector<1x1x1xf32>
    %sub3A_215 = arith.subf %reduce_sum3A_209, %reduce_sum3A_214 : f32
    %get3A_216 = arith.constant 0 : index
    %get3A_217 = arith.constant 0 : index
    %get3A_218 = arith.constant 0 : index
    %get3A_219 = vector.load %arg6[%get3A_216, %get3A_217, %get3A_218] : memref<1x1x128xf32, #tpu.memory_space<vmem>>, vector<1x1x128xf32>
    %broadcast_in_dim3A_220 = vector.broadcast %sub3A_215 : f32 to vector<1x1x128xf32>
    %add3A_221 = arith.addf %get3A_219, %broadcast_in_dim3A_220 : vector<1x1x128xf32>
    %swap3A = arith.constant 0 : index
    %swap3A_222 = arith.constant 0 : index
    %swap3A_223 = arith.constant 0 : index
    %swap3A_224 = vector.load %arg6[%swap3A, %swap3A_222, %swap3A_223] : memref<1x1x128xf32, #tpu.memory_space<vmem>>, vector<1x1x128xf32>
    tpu.vector_store %arg6[%swap3A, %swap3A_222, %swap3A_223], %add3A_221 {strides = array<i32>} : memref<1x1x128xf32, #tpu.memory_space<vmem>>, vector<1x1x128xf32>,
    %get3A_225 = arith.constant 0 : index
    %get3A_226 = arith.constant 0 : index
    %get3A_227 = arith.constant 0 : index
    %get3A_228 = vector.load %arg7[%get3A_225, %get3A_226, %get3A_227] : memref<1x1x128xf32, #tpu.memory_space<vmem>>, vector<1x1x128xf32>
    %broadcast_in_dim3A_229 = vector.broadcast %reduce_sum3A_31 : f32 to vector<1x1x128xf32>
    %add3A_230 = arith.addf %get3A_228, %broadcast_in_dim3A_229 : vector<1x1x128xf32>
    %swap3A_231 = arith.constant 0 : index
    %swap3A_232 = arith.constant 0 : index
    %swap3A_233 = arith.constant 0 : index
    %swap3A_234 = vector.load %arg7[%swap3A_231, %swap3A_232, %swap3A_233] : memref<1x1x128xf32, #tpu.memory_space<vmem>>, vector<1x1x128xf32>
    tpu.vector_store %arg7[%swap3A_231, %swap3A_232, %swap3A_233], %add3A_230 {strides = array<i32>} : memref<1x1x128xf32, #tpu.memory_space<vmem>>, vector<1x1x128xf32>,
    %get3A_235 = arith.constant 0 : index
    %get3A_236 = arith.constant 0 : index
    %get3A_237 = arith.constant 0 : index
    %get3A_238 = vector.load %arg8[%get3A_235, %get3A_236, %get3A_237] : memref<1x1x128xf32, #tpu.memory_space<vmem>>, vector<1x1x128xf32>
    %broadcast_in_dim3A_239 = vector.broadcast %reduce_sum3A_140 : f32 to vector<1x1x128xf32>
    %add3A_240 = arith.addf %get3A_238, %broadcast_in_dim3A_239 : vector<1x1x128xf32>
    %swap3A_241 = arith.constant 0 : index
    %swap3A_242 = arith.constant 0 : index
    %swap3A_243 = arith.constant 0 : index
    %swap3A_244 = vector.load %arg8[%swap3A_241, %swap3A_242, %swap3A_243] : memref<1x1x128xf32, #tpu.memory_space<vmem>>, vector<1x1x128xf32>
    tpu.vector_store %arg8[%swap3A_241, %swap3A_242, %swap3A_243], %add3A_240 {strides = array<i32>} : memref<1x1x128xf32, #tpu.memory_space<vmem>>, vector<1x1x128xf32>,
    return
  }
  func.func @transform_0(%arg0: i32, %arg1: i32) -> (i32, i32, i32) {
    %c0_i32 = arith.constant 0 : i32
    %c0_i32_0 = arith.constant 0 : i32
    return %arg0, %arg1, %c0_i32 : i32, i32, i32
  }
  func.func @transform_1(%arg0: i32, %arg1: i32) -> (i32, i32, i32, i32) {
    %c0_i32 = arith.constant 0 : i32
    %c0_i32_0 = arith.constant 0 : i32
    %c0_i32_1 = arith.constant 0 : i32
    return %arg0, %arg1, %c0_i32, %c0_i32_0 : i32, i32, i32, i32
  }
  func.func @transform_2(%arg0: i32, %arg1: i32) -> (i32, i32, i32, i32) {
    %c0_i32 = arith.constant 0 : i32
    %c0_i32_0 = arith.constant 0 : i32
    %c0_i32_1 = arith.constant 0 : i32
    return %arg0, %arg1, %c0_i32, %c0_i32_0 : i32, i32, i32, i32
  }
  func.func @transform_3(%arg0: i32, %arg1: i32) -> (i32, i32, i32, i32) {
    %c0_i32 = arith.constant 0 : i32
    %c0_i32_0 = arith.constant 0 : i32
    %c0_i32_1 = arith.constant 0 : i32
    return %arg0, %arg1, %c0_i32, %c0_i32_0 : i32, i32, i32, i32
  }
  func.func @transform_4(%arg0: i32, %arg1: i32) -> (i32, i32, i32) {
    %c0_i32 = arith.constant 0 : i32
    %c0_i32_0 = arith.constant 0 : i32
    %c0_i32_1 = arith.constant 0 : i32
    return %arg0, %c0_i32, %c0_i32_0 : i32, i32, i32
  }
  func.func @transform_5(%arg0: i32, %arg1: i32) -> (i32, i32, i32) {
    %c0_i32 = arith.constant 0 : i32
    %c0_i32_0 = arith.constant 0 : i32
    %c0_i32_1 = arith.constant 0 : i32
    return %arg0, %c0_i32, %c0_i32_0 : i32, i32, i32
  }
  func.func @transform_6(%arg0: i32, %arg1: i32) -> (i32, i32, i32) {
    %c0_i32 = arith.constant 0 : i32
    %c0_i32_0 = arith.constant 0 : i32
    %c0_i32_1 = arith.constant 0 : i32
    return %arg0, %c0_i32, %c0_i32_0 : i32, i32, i32
  }
}

</mosaic_0001>

<sc_bundles>
// kernel: kernel.4.cloned.1.call-start
scs
__scs_entry_jumppad:
0x0: {  	(pc) =	sbr.rel $0x88, $3  }
0x1: {  	(tag) =	ssettag $0x0;
	lr =	simm.s32 $0x1  }
0x2: {  	[smem:$0x3F9D] =	sst lr;
	_ =	strace $0xD0000000  }
0x3: {  	_ = 	snop  }
0x4: {  	_ = 	snop  }
0x5: {  	_ = 	snop  }
0x6: {  	_ = 	snop  }
0x7: {  	_ = 	snop  }
__scs_overlays_trampoline_lowered:
0x8: {  	[smem:$0x3FAC] =	sst s0  }
0x9: {  	[smem:$0x3FAD] =	sst s1  }
0xa: {  	[smem:$0x3FAE] =	sst s2  }
0xb: {  	[smem:$0x3FAF] =	sst s3  }
0xc: {  	[smem:$0x3FB0] =	sst s4  }
0xd: {  	[smem:$0x3FB1] =	sst s5  }
0xe: {  	[smem:$0x3FB2] =	sst s6  }
0xf: {  	[smem:$0x3FB3] =	sst s7  }
0x10: {  	[smem:$0x3FB4] =	sst s8  }
0x11: {  	[smem:$0x3FB5] =	sst s9;
	s0 =	simm.s32 @!p0 $0x0  }
0x12: {  	s1 =	sld [smem:$0x3F9B];
	s0 =	simm.s32 @p0 $0x1  }
0x13: {  	[smem:$0x3FB6] =	sst s0;
	s0 =	simm.s32 @!p1 $0x0  }
0x14: {  	s2 =	sld [smem:$0x3F9A];
	s0 =	simm.s32 @p1 $0x1  }
0x15: {  	[smem:$0x3FB7] =	sst s0;
	s0 =	simm.s32 @!p2 $0x0  }
0x16: {  	s3 =	sld [smem:$0x3FDB];
	s0 =	simm.s32 @p2 $0x1  }
0x17: {  	s4 =	simm.s32 $0x1BF5;
	[smem:$0x3FB9] =	sst s0  }
0x18: {  	s0 =	sld [smem:$0x3F9C];
	_ =	swait.ge [sflag:s4], $0x0  }
0x19: {  	s7 =	sld [smem:$0x3F9D]  }
0x1a: {  	s8 =	sadd.s32 $0xFFFFE003, lr  }
0x1b: {  	s9 =	sadd.s32 $0xFFFFFEF7, lr;
	s5 =	simm.s32 $0xFFFFFFFF;
	p2 =	slt.u32 s8, $0xFFFFF086  }
0x1c: {  	p1 =	slt.u32 s9, $0xF7A;
	s5 =	simm.s32 @!p2 $0x0  }
0x1d: {  	s5 =	simm.s32 @p1 $0x1;
	p0 =	seq.s32 s7, s2  }
0x1e: {  	s7 =	smul.u32 @!p0 $0xF7A, s2;
	p2 =	seq.s32 @!p0 s5, $0x0  }
0x1f: {  	s9 =	smul.u32 $0xF7A, s1;
	s8 =	simm.s32 @!p0 $0x1BF5;
	p2 =	por !p2, p0  }
0x20: {  	[sflag:s8] =	ssyncset.s32 @!p0 $0xFFFFF086;
	s6 =	sadd.s32 @!p0 s3, s7;
	s7 =	simm.s32 @!p0 $0x108  }
0x21: {  	s3 =	sadd.s32 s3, s9;
	s6 =	sadd.s32 @!p0 $0x88, s6;
	s7 =	simm.s32 @p2 $0x1082  }
0x22: {  	[simem:s7], [sflag:s8] =	dma.local @!p0 [hbm:s6], $0xF7A  }
0x23: {  	s9 =	sor.u32 $0xD0000000, s2;
	s6 =	simm.s32 $0x108;
	_ =	swait.ge @!p0 [sflag:s8], $0x0  }
0x24: {  	s3 =	sadd.s32 $0x88, s3;
	s6 =	simm.s32 @!p1 $0x1082;
	[sflag:s4] =	ssyncset.s32 $0xFFFFF086  }
0x25: {  	[simem:s6], [sflag:s4] =	dma.local [hbm:s3], $0xF7A  }
0x26: {  	[smem:$0x3F9D] =	sst s1;
	(tag) =	ssettag s2;
	_ =	strace s9  }
0x27: {  	s1 =	sld [smem:$0x3FAD]  }
0x28: {  	s2 =	sld [smem:$0x3FAE]  }
0x29: {  	s4 =	sld [smem:$0x3FB0]  }
0x2a: {  	p0 =	seq.s32 s5, $0x0;
	s5 =	sld [smem:$0x3FB1]  }
0x2b: {  	s6 =	sld [smem:$0x3FB2]  }
0x2c: {  	s7 =	sld [smem:$0x3FB3]  }
0x2d: {  	s3 =	simm.s32 $0x108;
	s8 =	sld [smem:$0x3FB4]  }
0x2e: {  	s3 =	simm.s32 @!p0 $0x1082;
	s9 =	sld [smem:$0x3FB5]  }
0x2f: {  	lr =	sadd.s32 s0, s3;
	s0 =	sld [smem:$0x3FAC]  }
0x30: {  	s3 =	sld [smem:$0x3FAF]  }
0x31: {  	[smem:$0x3FB8] =	sst s10  }
0x32: {  	s10 =	sld [smem:$0x3FB6];
	_ =	sdelay $0x3  }
0x33: {  	p0 =	seq.s32 s10, $0x1;
	s10 =	sld [smem:$0x3FB8];
	_ =	sdelay $0x3  }
0x34: {  	[smem:$0x3FB8] =	sst s10  }
0x35: {  	s10 =	sld [smem:$0x3FB7];
	_ =	sdelay $0x3  }
0x36: {  	p1 =	seq.s32 s10, $0x1;
	s10 =	sld [smem:$0x3FB8];
	_ =	sdelay $0x3  }
0x37: {  	[smem:$0x3FB8] =	sst s10  }
0x38: {  	s10 =	sld [smem:$0x3FB9]  }
0x39: {  	_ = 	snop;
	(pc) =	sbr.ind lr, $3  }
0x3a: {  	_ = 	snop  }
0x3b: {  	_ = 	snop  }
0x3c: {  	p2 =	seq.s32 s10, $0x1;
	s10 =	sld [smem:$0x3FB8]  }
0x3d: {  	_ =	shalt  }
0x3e: {  	_ =	shalt  }
0x3f: {  	_ =	shalt  }
0x40: {  	_ =	shalt  }
0x41: {  	_ =	shalt  }
0x42: {  	_ =	shalt  }
0x43: {  	_ =	shalt  }
0x44: {  	_ =	shalt  }
0x45: {  	_ =	shalt  }
0x46: {  	_ =	shalt  }
0x47: {  	_ =	shalt  }
0x48: {  	_ =	shalt  }
0x49: {  	_ =	shalt  }
0x4a: {  	_ =	shalt  }
0x4b: {  	_ =	shalt  }
0x4c: {  	_ =	shalt  }
0x4d: {  	_ =	shalt  }
0x4e: {  	_ =	shalt  }
0x4f: {  	_ =	shalt  }
0x50: {  	_ =	shalt  }
0x51: {  	_ =	shalt  }
0x52: {  	_ =	shalt  }
0x53: {  	_ =	shalt  }
0x54: {  	_ =	shalt  }
0x55: {  	_ =	shalt  }
0x56: {  	_ =	shalt  }
0x57: {  	_ =	shalt  }
0x58: {  	_ =	shalt  }
0x59: {  	_ =	shalt  }
0x5a: {  	_ =	shalt  }
0x5b: {  	_ =	shalt  }
0x5c: {  	_ =	shalt  }
0x5d: {  	_ =	shalt  }
0x5e: {  	_ =	shalt  }
0x5f: {  	_ =	shalt  }
0x60: {  	_ =	shalt  }
0x61: {  	_ =	shalt  }
0x62: {  	_ =	shalt  }
0x63: {  	_ =	shalt  }
0x64: {  	_ =	shalt  }
0x65: {  	_ =	shalt  }
0x66: {  	_ =	shalt  }
0x67: {  	_ =	shalt  }
0x68: {  	_ =	shalt  }
0x69: {  	_ =	shalt  }
0x6a: {  	_ =	shalt  }
0x6b: {  	_ =	shalt  }
0x6c: {  	_ =	shalt  }
0x6d: {  	_ =	shalt  }
0x6e: {  	_ =	shalt  }
0x6f: {  	_ =	shalt  }
0x70: {  	_ =	shalt  }
0x71: {  	_ =	shalt  }
0x72: {  	_ =	shalt  }
0x73: {  	_ =	shalt  }
0x74: {  	_ =	shalt  }
0x75: {  	_ =	shalt  }
0x76: {  	_ =	shalt  }
0x77: {  	_ =	shalt  }
0x78: {  	_ =	shalt  }
0x79: {  	_ =	shalt  }
0x7a: {  	_ =	shalt  }
0x7b: {  	_ =	shalt  }
0x7c: {  	_ =	shalt  }
0x7d: {  	_ =	shalt  }
0x7e: {  	_ =	shalt  }
0x7f: {  	_ =	shalt  }
0x80: {  	_ =	shalt  }
0x81: {  	_ =	shalt  }
0x82: {  	_ =	shalt  }
0x83: {  	_ =	shalt  }
0x84: {  	_ =	shalt  }
0x85: {  	_ =	shalt  }
0x86: {  	_ =	shalt  }
0x87: {  	_ =	shalt  }
.Lfunc_end0:
.L_simem_size_0:
called_computation_lowered:
.L_overlay_start_0:
0x88: {  	s2 =	sld [smem:$0x3FD9]  }
0x89: {  	s3 =	sld [smem:$0x3FFE];
	_ =	sdelay $0x1  }
0x8a: {  	s1 =	srdreg.scid  }
0x8b: {  	s0 =	sand.u32 $0x1, s1  }
0x8c: {  	s16 =	sshll.u32 s0, $0xA;
	s2 =	sadd.s32 s3, s2  }
0x8d: {  	s2 =	sadd.s32 s2, s16  }
0x8e: {  	[smem:$0x3FC4] =	sst s2  }
0x8f: {  	_ = 	snop  }
0x90: {  	(tm) =	ssettm $0x1  }
0x91: {  	s17 =	sld [smem:$0x3FFB];
	_ =	sdelay $0x3  }
0x92: {  	_ =	strace s17  }
0x93: {  	s2 =	sld [smem:$0x3FFC];
	_ =	sdelay $0x3  }
0x94: {  	_ =	strace s2  }
0x95: {  	s2 =	sld [smem:$0x3FFD];
	_ =	sdelay $0x3  }
0x96: {  	_ =	strace s2  }
0x97: {  	_ =	strace $0x8FFFFFFF  }
0x98: {  	s18 =	sld [smem:$0x3FDB];
	_ =	sdelay $0x1  }
0x99: {  	s19 =	simm.s32 $_scs_section_size  }
0x9a: {  	s4 =	simm.s32 $_size__tile_overlayer_lowered;
	s5 =	simm.s32 $_tile_overlayer_lowered  }
0x9b: {  	s22 =	simm.s32 $0x1BFF;
	s21 =	sshll.u32 s5, $0x1;
	s2 =	sadd.s32 s19, s18  }
0x9c: {  	s6 =	simm.s32 $0x0;
	s20 =	sshll.u32 s4, $0x1;
	s4 =	sadd.s32 s21, s2  }
0x9d: {  	[timem:s6], [sflag:s22] =	dma.local [hbm:s4], s20  }
0x9e: {  	_ =	swait.ge [sflag:s22], s20  }
0x9f: {  	s3 =	ssub.s32 $0x0, s20;
	[sflag:s22] =	ssyncset.done $0x0  }
0xa0: {  	[sflag:s22] =	ssyncadd.s32 s3;
	_ =	sdelay $0x1  }
0xa1: {  	s23 =	simm.s32 $0x1B8B  }
0xa2: {  	_ =	swait.ge [sflag:s23], $0x1  }
0xa3: {  	[sflag:s23] =	ssyncset.done $0x0  }
0xa4: {  	s25 =	simm.s32 $0x1B8E;
	s24 =	sld [smem:$0x3FFE];
	[sflag:s23] =	ssyncadd.s32 $0xFFFFFFFF  }
0xa5: {  	s26 =	simm.s32 $execute0_lowered;
	[smem:$0x3FD2] =	sst s25  }
0xa6: {  	s4 =	sshll.u32 s26, $0x1;
	_ =	strace $0x80000046;
	[dreg:$0x1] =	wrdreg $0xFFFFFFFF  }
0xa7: {  	s28 =	simm.s32 $_size_execute0_lowered;
	s2 =	sadd.s32 s2, s4;
	[dreg:$0x0] =	wrdreg $0x0  }
0xa8: {  	s4 =	sshll.u32 s28, $0x1;
	[dreg:$0x2] =	wrdreg s2  }
0xa9: {  	[dreg:$0x3] =	wrdreg s4  }
0xaa: {  	[dreg:$0x4] =	wrdreg $0xC0  }
0xab: {  	_ =	task [dreg:s6], $0x5FFFF  }
0xac: {  	[dreg:$0x1] =	wrdreg $0xFFFFFFFF  }
0xad: {  	[dreg:$0x0] =	wrdreg $0x60  }
0xae: {  	[dreg:$0x2] =	wrdreg s24  }
0xaf: {  	[dreg:$0x3] =	wrdreg $0x9  }
0xb0: {  	_ =	task.clear_ibuf [dreg:s6], $0x4FFFF;
	_ =	strace $0x90000046  }
0xb1: {  	s29 =	simm.s32 $0x9;
	_ =	strace $0x80000048  }
0xb2: {  	_ =	swait.ge [sflag:s29], $0x1  }
0xb3: {  	[sflag:s29] =	ssyncadd.s32 $0xFFFFFFFF  }
0xb4: {  	_ =	strace $0x90000048  }
0xb5: {  	_ =	sfence  }
0xb6: {  	s30 =	sld [smem:$0x0];
	_ =	sdelay $0x2  }
0xb7: {  	s31 =	sshll.u32 s1, $0xD;
	s1 =	sshrl.u32 s1, $0x2  }
0xb8: {  	s3 =	sand.u32 $0x4000, s31;
	s1 =	sadd.s32 s1, s30  }
0xb9: {  	s0 =	sor.u32 s3, s0;
	s1 =	sshll.u32 s1, $0x11  }
0xba: {  	s0 =	sor.u32 s1, s0  }
0xbb: {  	s0 =	sadd.s32 $0x8F2B, s0  }
0xbc: {  	[sflag:s0] =	ssyncadd.remote.s32 $0x1  }
0xbd: {  	_ =	sfence.sel $0xFFFF  }
0xbe: {  	[dreg:$0x0] =	wrdreg $0xFFFFFFFF;
	(pc) =	sbr.abs _section_cstart, $3  }
0xbf: {  	[dreg:$0x1] =	wrdreg $0xFFFFFFFF  }
0xc0: {  	_ =	task.clear_ibuf [dreg:s6], $0x2FFFF;
	_ =	strace $0x9FFFFFFF  }
0xc1: {  	(tm) =	ssettm $0x7FFFFFFF  }
tec
execute0_lowered:
.L_overlay_start_1:
0x0: {  	(tag) =	ssettag $0x1  }
0x1: {  	s0 =	rddreg [dreg:$0x0];
	s1 =	srdreg.scid  }
0x2: {  	s4 =	stileid.u32;
	s3 =	simm.s32 $0x0;
	s1 =	sand.u32 $0x1, s1  }
0x3: {  	s2 =	sshll.u32 s4, $0x1;
	[smem:$0x7FF] =	sst s3;
	s4 =	sshll.u32 s4, $0x2  }
0x4: {  	s2 =	sor.u32 s1, s2;
	s1 =	ssub.s32 $0x2, s1;
	s4 =	sand.u32 $0x30, s4  }
0x5: {  	s19 =	smul.u32 $0x500, s2;
	s5 =	sshrl.u32 s1, $0x1;
	s4 =	sadd.s32 s4, s0  }
0x6: {  	_ =	strace $0x80000047;
	s1 =	ssub.s32 s1, s5;
	s24 =	sadd.s32 $0x600, s4  }
0x7: {  	s3 =	sadd.s32 s19, s0;
	[dreg:$0x6] =	wrdreg s24;
	s31 =	smax.u32 s1, $0x1  }
0x8: {  	s20 =	sadd.s32 $0x800, s3;
	[dreg:$0xd] =	wrdreg s31  }
0x9: {  	s2 =	smul.u32 $0xA00, s2;
	s21 =	sadd.s32 $0x810, s3;
	[dreg:$0x2] =	wrdreg s20  }
0xa: {  	s22 =	sadd.s32 $0x820, s3;
	[dreg:$0x3] =	wrdreg s21  }
0xb: {  	s0 =	sadd.s32 s2, s0;
	s23 =	sadd.s32 $0x830, s3;
	[dreg:$0x4] =	wrdreg s22  }
0xc: {  	s25 =	sadd.s32 $0xA800, s0;
	[dreg:$0x5] =	wrdreg s23  }
0xd: {  	s26 =	sadd.s32 $0xA810, s0;
	[dreg:$0x7] =	wrdreg s25  }
0xe: {  	s28 =	sadd.s32 $0xA820, s0;
	[dreg:$0x8] =	wrdreg s26  }
0xf: {  	s29 =	sadd.s32 $0xA830, s0;
	[dreg:$0x9] =	wrdreg s28  }
0x10: {  	s4 =	simm.s32 $0x1;
	s30 =	sadd.s32 $0xA840, s0;
	[dreg:$0xa] =	wrdreg s29  }
0x11: {  	s2 =	simm.s32 $0x80;
	s0 =	sadd.s32 $0xA850, s0;
	[dreg:$0xb] =	wrdreg s30  }
0x12: {  	s1 =	simm.s32 $0x0;
	[dreg:$0xc] =	wrdreg s0;
	s21 =	simm.s32 $0x2800  }
.LBB2_1:
0x13: {  	[dreg:$0xe] =	wrdreg s1  }
0x14: {  	s0 =	simm.s32 $0x0;
	s31 =	rddreg [dreg:$0x2];
	s3 =	simm.s32 $0x200  }
0x15: {  	[tilespmem:s0], [sflag:$0x1] =	stream.strided.gather [hbm4b:s31+s2], $0xA00, s3, s2, $0x38;
	[tilespmem:$0x6500] =	vst v63  }
0x16: {  	_ =	swait.ge [sflag:s4], $0xA00  }
0x17: {  	[sflag:s4] =	ssyncset.done $0x0  }
0x18: {  	s5 =	simm.s32 $0xA00;
	s1 =	rddreg [dreg:$0x3];
	[sflag:s4] =	ssyncadd.s32 $0xFFFFF600  }
0x19: {  	[tilespmem:s5], [sflag:$0x1] =	stream.strided.gather [hbm4b:s1+s2], $0xA00, s3, s2, $0x38;
	[tilespmem:$0x6500] =	vst v63  }
0x1a: {  	_ =	swait.ge [sflag:s4], $0xA00  }
0x1b: {  	[sflag:s4] =	ssyncset.done $0x0  }
0x1c: {  	s7 =	simm.s32 $0x1400;
	s6 =	rddreg [dreg:$0x4];
	[sflag:s4] =	ssyncadd.s32 $0xFFFFF600  }
0x1d: {  	[tilespmem:s7], [sflag:$0x1] =	stream.strided.gather [hbm4b:s6+s2], $0xA00, s3, s2, $0x38;
	[tilespmem:$0x6500] =	vst v63  }
0x1e: {  	_ =	swait.ge [sflag:s4], $0xA00  }
0x1f: {  	[sflag:s4] =	ssyncset.done $0x0  }
0x20: {  	s9 =	simm.s32 $0x1E00;
	s8 =	rddreg [dreg:$0x5];
	[sflag:s4] =	ssyncadd.s32 $0xFFFFF600  }
0x21: {  	[tilespmem:s9], [sflag:$0x1] =	stream.strided.gather [hbm4b:s8+s2], $0xA00, s3, s2, $0x38;
	[tilespmem:$0x6500] =	vst v63  }
0x22: {  	_ =	swait.ge [sflag:s4], $0xA00  }
0x23: {  	[sflag:s4] =	ssyncset.done $0x0  }
0x24: {  	s10 =	rddreg [dreg:$0x6];
	[sflag:s4] =	ssyncadd.s32 $0xFFFFF600  }
0x25: {  	[tilespmem:s21], [sflag:$0x1] =	stream.strided.gather [hbm4b:s10+s2], $0x100, s3, s2, $0x38;
	[tilespmem:$0x6500] =	vst v63  }
0x26: {  	_ =	swait.ge [sflag:s4], $0x100  }
0x27: {  	[sflag:s4] =	ssyncset.done $0x0  }
0x28: {  	[sflag:s4] =	ssyncadd.s32 $0xFFFFFF00  }
0x29: {  	v16 =	vld [tilespmem:$0x2800];
	_ =	sdelay $0x4  }
0x2a: {  	(v2sf) =	vpush v16, $0x0  }
0x2b: {  	(v2sf) =	vpush v16, $0x1  }
0x2c: {  	(v2sf) =	vpush v16, $0x2  }
0x2d: {  	(v2sf) =	vpush v16, $0x3  }
0x2e: {  	(v2sf) =	vpush v16, $0x4  }
0x2f: {  	(v2sf) =	vpush v16, $0x5  }
0x30: {  	(v2sf) =	vpush v16, $0x6  }
0x31: {  	(v2sf) =	vpush v16, $0x7  }
0x32: {  	(v2sf) =	vpush v16, $0x8  }
0x33: {  	(v2sf) =	vpush v16, $0x9  }
0x34: {  	(v2sf) =	vpush v16, $0xA  }
0x35: {  	v15 =	vld [tilespmem:$0x2810];
	(v2sf) =	vpush v16, $0xB  }
0x36: {  	(v2sf) =	vpush v16, $0xC  }
0x37: {  	(v2sf) =	vpush v16, $0xD  }
0x38: {  	(v2sf) =	vpush v16, $0xE  }
0x39: {  	s11 =	spop (v2sf);
	(v2sf) =	vpush v16, $0xF  }
0x3a: {  	s12 =	spop (v2sf);
	(v2sf) =	vpush v15, $0x0  }
0x3b: {  	s13 =	spop (v2sf);
	(v2sf) =	vpush v15, $0x1  }
0x3c: {  	s14 =	spop (v2sf);
	(v2sf) =	vpush v15, $0x2  }
0x3d: {  	s15 =	spop (v2sf);
	(v2sf) =	vpush v15, $0x3  }
0x3e: {  	s16 =	spop (v2sf);
	(v2sf) =	vpush v15, $0x4  }
0x3f: {  	s17 =	spop (v2sf);
	(v2sf) =	vpush v15, $0x5  }
0x40: {  	s18 =	spop (v2sf);
	(v2sf) =	vpush v15, $0x6  }
0x41: {  	s19 =	spop (v2sf);
	(v2sf) =	vpush v15, $0x7  }
0x42: {  	s20 =	spop (v2sf);
	(v2sf) =	vpush v15, $0x8  }
0x43: {  	s22 =	spop (v2sf);
	(v2sf) =	vpush v15, $0x9  }
0x44: {  	s23 =	spop (v2sf);
	(v2sf) =	vpush v15, $0xA  }
0x45: {  	v17 =	vld [tilespmem:$0x2820];
	s24 =	spop (v2sf);
	(v2sf) =	vpush v15, $0xB  }
0x46: {  	s25 =	spop (v2sf);
	(v2sf) =	vpush v15, $0xC  }
0x47: {  	s26 =	spop (v2sf);
	(v2sf) =	vpush v15, $0xD  }
0x48: {  	s30 =	spop (v2sf);
	(v2sf) =	vpush v15, $0xE  }
0x49: {  	s31 =	spop (v2sf);
	(v2sf) =	vpush v15, $0xF  }
0x4a: {  	s1 =	spop (v2sf);
	(v2sf) =	vpush v17, $0x0  }
0x4b: {  	s2 =	spop (v2sf);
	(v2sf) =	vpush v17, $0x1  }
0x4c: {  	s3 =	spop (v2sf);
	(v2sf) =	vpush v17, $0x2  }
0x4d: {  	s4 =	spop (v2sf);
	(v2sf) =	vpush v17, $0x3  }
0x4e: {  	s5 =	spop (v2sf);
	(v2sf) =	vpush v17, $0x4  }
0x4f: {  	s6 =	spop (v2sf);
	(v2sf) =	vpush v17, $0x5  }
0x50: {  	s7 =	spop (v2sf);
	(v2sf) =	vpush v17, $0x6  }
0x51: {  	s8 =	spop (v2sf);
	(v2sf) =	vpush v17, $0x7  }
0x52: {  	s9 =	spop (v2sf);
	(v2sf) =	vpush v17, $0x8  }
0x53: {  	(v2sf) =	vpush v17, $0x9;
	s10 =	spop (v2sf)  }
0x54: {  	[smem:$0x74C] =	sst s11;
	(v2sf) =	vpush v17, $0xA;
	s11 =	spop (v2sf)  }
0x55: {  	v12 =	vld [tilespmem:$0x2830];
	[smem:$0x74D] =	sst s12;
	(v2sf) =	vpush v17, $0xB;
	s12 =	spop (v2sf)  }
0x56: {  	[smem:$0x74E] =	sst s13;
	(v2sf) =	vpush v17, $0xC;
	s13 =	spop (v2sf)  }
0x57: {  	[smem:$0x74F] =	sst s14;
	(v2sf) =	vpush v17, $0xD;
	s14 =	spop (v2sf)  }
0x58: {  	[smem:$0x750] =	sst s15;
	(v2sf) =	vpush v17, $0xE;
	s15 =	spop (v2sf)  }
0x59: {  	[smem:$0x753] =	sst s18;
	(v2sf) =	vpush v17, $0xF;
	s18 =	spop (v2sf)  }
0x5a: {  	[smem:$0x754] =	sst s19;
	(v2sf) =	vpush v12, $0x0;
	s19 =	spop (v2sf)  }
0x5b: {  	[smem:$0x758] =	sst s22;
	(v2sf) =	vpush v12, $0x1;
	s22 =	spop (v2sf)  }
0x5c: {  	[smem:$0x75C] =	sst s24;
	(v2sf) =	vpush v12, $0x2;
	s24 =	spop (v2sf)  }
0x5d: {  	[smem:$0x75E] =	sst s25;
	(v2sf) =	vpush v12, $0x3;
	s25 =	spop (v2sf)  }
0x5e: {  	[smem:$0x760] =	sst s26;
	(v2sf) =	vpush v12, $0x4;
	s26 =	spop (v2sf)  }
0x5f: {  	(v2sf) =	vpush v12, $0x5;
	s28 =	spop (v2sf)  }
0x60: {  	[smem:$0x762] =	sst s30;
	(v2sf) =	vpush v12, $0x6;
	s30 =	spop (v2sf)  }
0x61: {  	[smem:$0x751] =	sst s16;
	(v2sf) =	vpush v12, $0x7;
	s16 =	spop (v2sf)  }
0x62: {  	[smem:$0x752] =	sst s17;
	(v2sf) =	vpush v12, $0x8;
	s17 =	spop (v2sf)  }
0x63: {  	[smem:$0x756] =	sst s20;
	(v2sf) =	vpush v12, $0x9;
	s20 =	spop (v2sf)  }
0x64: {  	[smem:$0x75A] =	sst s23;
	(v2sf) =	vpush v12, $0xA;
	s23 =	spop (v2sf)  }
0x65: {  	v19 =	vld [tilespmem:$0x2840];
	[smem:$0x764] =	sst s31;
	(v2sf) =	vpush v12, $0xB;
	s31 =	spop (v2sf)  }
0x66: {  	[smem:$0x766] =	sst s1;
	(v2sf) =	vpush v12, $0xC;
	s1 =	spop (v2sf)  }
0x67: {  	[smem:$0x768] =	sst s2;
	(v2sf) =	vpush v12, $0xD;
	s2 =	spop (v2sf)  }
0x68: {  	[smem:$0x76A] =	sst s3;
	(v2sf) =	vpush v12, $0xE;
	s3 =	spop (v2sf)  }
0x69: {  	[smem:$0x76C] =	sst s4;
	(v2sf) =	vpush v12, $0xF;
	s4 =	spop (v2sf)  }
0x6a: {  	[smem:$0x76E] =	sst s5;
	(v2sf) =	vpush v19, $0x0;
	s5 =	spop (v2sf)  }
0x6b: {  	[smem:$0x771] =	sst s6;
	(v2sf) =	vpush v19, $0x1;
	s6 =	spop (v2sf)  }
0x6c: {  	[smem:$0x774] =	sst s7;
	(v2sf) =	vpush v19, $0x2;
	s7 =	spop (v2sf)  }
0x6d: {  	[smem:$0x777] =	sst s8;
	(v2sf) =	vpush v19, $0x3;
	s8 =	spop (v2sf)  }
0x6e: {  	[smem:$0x77A] =	sst s9;
	(v2sf) =	vpush v19, $0x4;
	s9 =	spop (v2sf)  }
0x6f: {  	[smem:$0x77D] =	sst s10;
	(v2sf) =	vpush v19, $0x5;
	s10 =	spop (v2sf)  }
0x70: {  	[smem:$0x780] =	sst s11;
	(v2sf) =	vpush v19, $0x6;
	s11 =	spop (v2sf)  }
0x71: {  	[dreg:$0x12] =	wrdreg s12;
	(v2sf) =	vpush v19, $0x7;
	s12 =	spop (v2sf)  }
0x72: {  	[dreg:$0x11] =	wrdreg s13;
	(v2sf) =	vpush v19, $0x8;
	s13 =	spop (v2sf)  }
0x73: {  	[dreg:$0x10] =	wrdreg s14;
	(v2sf) =	vpush v19, $0x9;
	s14 =	spop (v2sf)  }
0x74: {  	[dreg:$0xf] =	wrdreg s15;
	(v2sf) =	vpush v19, $0xA;
	s15 =	spop (v2sf)  }
0x75: {  	v18 =	vld [tilespmem:$0x2850];
	[smem:$0x755] =	sst s16;
	(v2sf) =	vpush v19, $0xB;
	s16 =	spop (v2sf)  }
0x76: {  	[smem:$0x757] =	sst s17;
	(v2sf) =	vpush v19, $0xC;
	s17 =	spop (v2sf)  }
0x77: {  	[smem:$0x759] =	sst s20;
	(v2sf) =	vpush v19, $0xD;
	s20 =	spop (v2sf)  }
0x78: {  	[smem:$0x75B] =	sst s23;
	(v2sf) =	vpush v19, $0xE;
	s23 =	spop (v2sf)  }
0x79: {  	(v2sf) =	vpush v19, $0xF;
	s0 =	spop (v2sf)  }
0x7a: {  	[smem:$0x75F] =	sst s1;
	(v2sf) =	vpush v18, $0x0;
	s1 =	spop (v2sf)  }
0x7b: {  	[smem:$0x761] =	sst s2;
	(v2sf) =	vpush v18, $0x1;
	s2 =	spop (v2sf)  }
0x7c: {  	[smem:$0x763] =	sst s3;
	(v2sf) =	vpush v18, $0x2;
	s3 =	spop (v2sf)  }
0x7d: {  	[smem:$0x765] =	sst s4;
	(v2sf) =	vpush v18, $0x3;
	s4 =	spop (v2sf)  }
0x7e: {  	[smem:$0x767] =	sst s5;
	(v2sf) =	vpush v18, $0x4;
	s5 =	spop (v2sf)  }
0x7f: {  	[smem:$0x769] =	sst s6;
	(v2sf) =	vpush v18, $0x5;
	s6 =	spop (v2sf)  }
0x80: {  	[smem:$0x76B] =	sst s7;
	(v2sf) =	vpush v18, $0x6;
	s7 =	spop (v2sf)  }
0x81: {  	[smem:$0x76D] =	sst s8;
	(v2sf) =	vpush v18, $0x7;
	s8 =	spop (v2sf)  }
0x82: {  	[smem:$0x770] =	sst s9;
	(v2sf) =	vpush v18, $0x8;
	s9 =	spop (v2sf)  }
0x83: {  	[smem:$0x773] =	sst s10;
	(v2sf) =	vpush v18, $0x9;
	s10 =	spop (v2sf)  }
0x84: {  	[smem:$0x776] =	sst s11;
	(v2sf) =	vpush v18, $0xA;
	s11 =	spop (v2sf)  }
0x85: {  	[smem:$0x779] =	sst s12;
	(v2sf) =	vpush v18, $0xB;
	s12 =	spop (v2sf)  }
0x86: {  	[smem:$0x77C] =	sst s13;
	(v2sf) =	vpush v18, $0xC;
	s13 =	spop (v2sf)  }
0x87: {  	[smem:$0x77F] =	sst s14;
	(v2sf) =	vpush v18, $0xD;
	s14 =	spop (v2sf)  }
0x88: {  	[smem:$0x782] =	sst s15;
	(v2sf) =	vpush v18, $0xE;
	s15 =	spop (v2sf)  }
0x89: {  	v21 =	vld [tilespmem:$0x2860];
	[smem:$0x784] =	sst s16;
	(v2sf) =	vpush v18, $0xF;
	s16 =	spop (v2sf)  }
0x8a: {  	[smem:$0x786] =	sst s17;
	s17 =	spop (v2sf)  }
0x8b: {  	[smem:$0x788] =	sst s20;
	s20 =	spop (v2sf)  }
0x8c: {  	[smem:$0x78A] =	sst s23;
	s23 =	spop (v2sf)  }
0x8d: {  	s29 =	spop (v2sf)  }
0x8e: {  	[smem:$0x75D] =	sst s31;
	(v2sf) =	vpush v21, $0x0;
	s31 =	spop (v2sf)  }
0x8f: {  	[smem:$0x76F] =	sst s31;
	s31 =	spop (v2sf)  }
0x90: {  	[smem:$0x772] =	sst s31;
	s31 =	spop (v2sf)  }
0x91: {  	[smem:$0x775] =	sst s31;
	s31 =	spop (v2sf)  }
0x92: {  	[smem:$0x778] =	sst s31;
	s31 =	spop (v2sf)  }
0x93: {  	(v2sf) =	vpush v21, $0x1;
	[smem:$0x77B] =	sst s31;
	s31 =	spop (v2sf)  }
0x94: {  	[smem:$0x77E] =	sst s31;
	s31 =	spop (v2sf)  }
0x95: {  	[smem:$0x781] =	sst s31;
	s31 =	spop (v2sf)  }
0x96: {  	[smem:$0x783] =	sst s31;
	s31 =	spop (v2sf)  }
0x97: {  	[smem:$0x785] =	sst s31;
	s31 =	spop (v2sf)  }
0x98: {  	(v2sf) =	vpush v21, $0x2;
	[smem:$0x787] =	sst s31;
	s31 =	spop (v2sf)  }
0x99: {  	[smem:$0x789] =	sst s31  }
0x9a: {  	s31 =	sld [smem:$0x74C]  }
0x9b: {  	(v2sf) =	vpush v21, $0x3;
	_ =	sdelay $0x1  }
0x9c: {  	(v2sf) =	vpush v21, $0x4;
	s0 =	ssub.f32 s0, s31;
	s31 =	spop (v2sf)  }
0x9d: {  	s18 =	ssub.f32 s31, s18  }
0x9e: {  	s31 =	sld [smem:$0x74D];
	_ =	sdelay $0x2  }
0x9f: {  	s1 =	ssub.f32 s1, s31;
	s31 =	spop (v2sf)  }
0xa0: {  	s19 =	ssub.f32 s31, s19  }
0xa1: {  	s0 =	smul.f32 s18, s0;
	s31 =	sld [smem:$0x74E]  }
0xa2: {  	s18 =	sld [smem:$0x752]  }
0xa3: {  	[dreg:$0x15] =	wrdreg s0  }
0xa4: {  	(v2sf) =	vpush v21, $0x5;
	s2 =	ssub.f32 s2, s31;
	s31 =	spop (v2sf)  }
0xa5: {  	(v2sf) =	vpush v21, $0x6;
	s1 =	smul.f32 s19, s1;
	s0 =	ssub.f32 s31, s22  }
0xa6: {  	(v2sf) =	vpush v21, $0x7;
	s31 =	sld [smem:$0x74F]  }
0xa7: {  	s22 =	spop (v2sf);
	[dreg:$0x16] =	wrdreg s1  }
0xa8: {  	s1 =	ssub.f32 s22, s24  }
0xa9: {  	s19 =	spop (v2sf);
	s24 =	sld [smem:$0x751]  }
0xaa: {  	s22 =	ssub.f32 s19, s25  }
0xab: {  	s0 =	smul.f32 s0, s2;
	s3 =	ssub.f32 s3, s31  }
0xac: {  	s31 =	sld [smem:$0x750]  }
0xad: {  	[dreg:$0x17] =	wrdreg s0  }
0xae: {  	s2 =	ssub.f32 s5, s24  }
0xaf: {  	s24 =	sld [smem:$0x753]  }
0xb0: {  	s1 =	smul.f32 s1, s3;
	s3 =	ssub.f32 s6, s18  }
0xb1: {  	s6 =	sld [smem:$0x755]  }
0xb2: {  	s18 =	sld [smem:$0x758]  }
0xb3: {  	s25 =	spop (v2sf);
	s4 =	ssub.f32 s4, s31  }
0xb4: {  	s19 =	spop (v2sf);
	s31 =	ssub.f32 s25, s26  }
0xb5: {  	s25 =	spop (v2sf);
	[dreg:$0x18] =	wrdreg s1  }
0xb6: {  	(v2sf) =	vpush v21, $0x8;
	s26 =	ssub.f32 s25, s30  }
0xb7: {  	s30 =	sld [smem:$0x754]  }
0xb8: {  	s0 =	smul.f32 s22, s4;
	s22 =	ssub.f32 s19, s28  }
0xb9: {  	(v2sf) =	vpush v21, $0x9;
	s4 =	ssub.f32 s7, s24  }
0xba: {  	s7 =	sld [smem:$0x756]  }
0xbb: {  	s1 =	smul.f32 s31, s2;
	s24 =	sld [smem:$0x75A]  }
0xbc: {  	[dreg:$0x19] =	wrdreg s0  }
0xbd: {  	[dreg:$0x1c] =	wrdreg s1  }
0xbe: {  	(v2sf) =	vpush v21, $0xA;
	s2 =	ssub.f32 s8, s30  }
0xbf: {  	s1 =	smul.f32 s26, s4;
	s4 =	ssub.f32 s10, s18  }
0xc0: {  	s0 =	smul.f32 s22, s3;
	s22 =	sld [smem:$0x759]  }
0xc1: {  	(v2sf) =	vpush v21, $0xB;
	s26 =	sld [smem:$0x75B]  }
0xc2: {  	s30 =	sld [smem:$0x75C]  }
0xc3: {  	s3 =	ssub.f32 s9, s7  }
0xc4: {  	(v2sf) =	vpush v21, $0xC;
	s9 =	sld [smem:$0x757]  }
0xc5: {  	s31 =	spop (v2sf);
	[dreg:$0x1d] =	wrdreg s0  }
0xc6: {  	s0 =	ssub.f32 s31, s6  }
0xc7: {  	(v2sf) =	vpush v21, $0xD;
	[dreg:$0x1a] =	wrdreg s1  }
0xc8: {  	s8 =	spop (v2sf);
	s6 =	sld [smem:$0x75E]  }
0xc9: {  	(v2sf) =	vpush v21, $0xE;
	s1 =	ssub.f32 s8, s9  }
0xca: {  	s0 =	smul.f32 s0, s2;
	s2 =	ssub.f32 s11, s24  }
0xcb: {  	v20 =	vld [tilespmem:$0x2870];
	s8 =	sld [smem:$0x75F]  }
0xcc: {  	s9 =	sld [smem:$0x760]  }
0xcd: {  	s19 =	spop (v2sf);
	[dreg:$0x1e] =	wrdreg s0  }
0xce: {  	s0 =	ssub.f32 s19, s22;
	s1 =	smul.f32 s1, s3  }
0xcf: {  	(v2sf) =	vpush v21, $0xF;
	s3 =	ssub.f32 s12, s30  }
0xd0: {  	(v2sf) =	vpush v20, $0x0;
	s25 =	spop (v2sf);
	[dreg:$0x1f] =	wrdreg s1  }
0xd1: {  	(v2sf) =	vpush v20, $0x1;
	s0 =	smul.f32 s0, s4;
	s4 =	sld [smem:$0x75D]  }
0xd2: {  	(v2sf) =	vpush v20, $0x2;
	s1 =	ssub.f32 s25, s26  }
0xd3: {  	(v2sf) =	vpush v20, $0x3;
	s31 =	spop (v2sf);
	[smem:$0x790] =	sst s0  }
0xd4: {  	(v2sf) =	vpush v20, $0x4;
	s1 =	smul.f32 s1, s2;
	s0 =	ssub.f32 s31, s4  }
0xd5: {  	(v2sf) =	vpush v20, $0x5;
	s4 =	ssub.f32 s13, s6  }
0xd6: {  	(v2sf) =	vpush v20, $0x6;
	s7 =	spop (v2sf);
	[smem:$0x797] =	sst s1  }
0xd7: {  	(v2sf) =	vpush v20, $0x7;
	s1 =	ssub.f32 s7, s8;
	s0 =	smul.f32 s0, s3  }
0xd8: {  	(v2sf) =	vpush v20, $0x8;
	s10 =	spop (v2sf);
	s2 =	ssub.f32 s14, s9  }
0xd9: {  	(v2sf) =	vpush v20, $0x9;
	s1 =	smul.f32 s1, s4;
	[smem:$0x79E] =	sst s0  }
0xda: {  	s0 =	sld [smem:$0x761]  }
0xdb: {  	[smem:$0x7A5] =	sst s1  }
0xdc: {  	s11 =	sld [smem:$0x762]  }
0xdd: {  	s13 =	sld [smem:$0x763]  }
0xde: {  	s19 =	sld [smem:$0x765]  }
0xdf: {  	s24 =	sld [smem:$0x766]  }
0xe0: {  	s26 =	sld [smem:$0x767]  }
0xe1: {  	s9 =	sld [smem:$0x768]  }
0xe2: {  	s0 =	ssub.f32 s10, s0  }
0xe3: {  	s12 =	spop (v2sf);
	s3 =	ssub.f32 s15, s11  }
0xe4: {  	s1 =	ssub.f32 s12, s13  }
0xe5: {  	s15 =	sld [smem:$0x764]  }
0xe6: {  	s11 =	sld [smem:$0x769]  }
0xe7: {  	s18 =	spop (v2sf);
	s12 =	sld [smem:$0x76A]  }
0xe8: {  	s22 =	spop (v2sf);
	s13 =	sld [smem:$0x76B]  }
0xe9: {  	s0 =	smul.f32 s0, s2;
	s2 =	ssub.f32 s22, s26  }
0xea: {  	s14 =	smul.f32 s1, s3;
	s1 =	ssub.f32 s18, s19  }
0xeb: {  	s3 =	ssub.f32 s17, s24  }
0xec: {  	s17 =	sld [smem:$0x76D]  }
0xed: {  	s18 =	sld [smem:$0x76E]  }
0xee: {  	s19 =	sld [smem:$0x76F]  }
0xef: {  	[dreg:$0x14] =	wrdreg s0  }
0xf0: {  	s25 =	spop (v2sf);
	s0 =	ssub.f32 s16, s15  }
0xf1: {  	s4 =	ssub.f32 s25, s11  }
0xf2: {  	s30 =	spop (v2sf);
	s6 =	ssub.f32 s23, s12  }
0xf3: {  	s5 =	ssub.f32 s30, s13  }
0xf4: {  	s16 =	sld [smem:$0x76C]  }
0xf5: {  	s23 =	sld [smem:$0x770]  }
0xf6: {  	s30 =	sld [smem:$0x771]  }
0xf7: {  	s12 =	sld [smem:$0x774]  }
0xf8: {  	[dreg:$0x13] =	wrdreg s14;
	s2 =	smul.f32 s2, s3  }
0xf9: {  	s22 =	ssub.f32 s19, s18  }
0xfa: {  	(v2sf) =	vpush v20, $0xA;
	s31 =	spop (v2sf);
	[dreg:$0x1b] =	wrdreg s2  }
0xfb: {  	s3 =	spop (v2sf);
	s2 =	ssub.f32 s20, s9  }
0xfc: {  	v0 =	vld [tilespmem:$0x2880];
	(v2sf) =	vpush v20, $0xB;
	s0 =	smul.f32 s1, s0;
	s1 =	ssub.f32 s3, s23  }
0xfd: {  	(v2sf) =	vpush v20, $0xC;
	s15 =	smul.f32 s5, s6;
	s9 =	sld [smem:$0x773]  }
0xfe: {  	(v2sf) =	vpush v20, $0xD;
	[smem:$0x7B8] =	sst s0  }
0xff: {  	(v2sf) =	vpush v20, $0xE;
	[smem:$0x7C9] =	sst s15  }
0x100: {  	(v2sf) =	vpush v20, $0xF;
	s0 =	ssub.f32 s31, s17  }
0x101: {  	(v2sf) =	vpush v0, $0x0;
	s10 =	spop (v2sf);
	s31 =	sld [smem:$0x772]  }
0x102: {  	s25 =	smul.f32 s1, s22;
	s22 =	sld [smem:$0x776]  }
0x103: {  	s2 =	smul.f32 s4, s2;
	s1 =	sld [smem:$0x779]  }
0x104: {  	s3 =	ssub.f32 s10, s9  }
0x105: {  	(v2sf) =	vpush v0, $0x1;
	[smem:$0x7C8] =	sst s2  }
0x106: {  	s7 =	spop (v2sf);
	s2 =	ssub.f32 s29, s16  }
0x107: {  	(v2sf) =	vpush v0, $0x2;
	s14 =	spop (v2sf);
	[smem:$0x7D4] =	sst s25  }
0x108: {  	s20 =	spop (v2sf);
	s16 =	sld [smem:$0x775]  }
0x109: {  	s13 =	spop (v2sf);
	s7 =	ssub.f32 s7, s22  }
0x10a: {  	(v2sf) =	vpush v0, $0x3;
	s0 =	smul.f32 s0, s2;
	s2 =	ssub.f32 s31, s30  }
0x10b: {  	s11 =	spop (v2sf);
	s30 =	sld [smem:$0x778]  }
0x10c: {  	s6 =	spop (v2sf);
	s18 =	ssub.f32 s16, s12  }
0x10d: {  	s4 =	spop (v2sf);
	[smem:$0x7D3] =	sst s0  }
0x10e: {  	s8 =	spop (v2sf);
	s25 =	smul.f32 s7, s18  }
0x10f: {  	(v2sf) =	vpush v0, $0x4;
	s0 =	sld [smem:$0x78A];
	s17 =	spop (v2sf)  }
0x110: {  	s24 =	spop (v2sf);
	[smem:$0x7DF] =	sst s25  }
0x111: {  	[smem:$0x7F6] =	sst s24  }
0x112: {  	s24 =	smul.f32 s3, s2;
	s2 =	ssub.f32 s14, s1  }
0x113: {  	(v2sf) =	vpush v0, $0x5;
	s1 =	sld [smem:$0x77F]  }
0x114: {  	s26 =	spop (v2sf);
	s3 =	sld [smem:$0x784]  }
0x115: {  	[smem:$0x78F] =	sst s26  }
0x116: {  	s5 =	spop (v2sf);
	s26 =	sld [smem:$0x777]  }
0x117: {  	[smem:$0x78E] =	sst s5  }
0x118: {  	[smem:$0x7D5] =	sst s24  }
0x119: {  	s10 =	spop (v2sf);
	s5 =	sld [smem:$0x77A]  }
0x11a: {  	[smem:$0x78D] =	sst s10  }
0x11b: {  	(v2sf) =	vpush v0, $0x6;
	s10 =	sld [smem:$0x77B]  }
0x11c: {  	(v2sf) =	vpush v0, $0x7;
	s13 =	ssub.f32 s13, s1  }
0x11d: {  	(v2sf) =	vpush v0, $0x8;
	s6 =	ssub.f32 s6, s3  }
0x11e: {  	s19 =	spop (v2sf);
	s1 =	rddreg [dreg:$0x10]  }
0x11f: {  	(v2sf) =	vpush v0, $0x9;
	[smem:$0x78C] =	sst s19  }
0x120: {  	s31 =	ssub.f32 s30, s26  }
0x121: {  	(v2sf) =	vpush v0, $0xA;
	s26 =	sld [smem:$0x77D]  }
0x122: {  	v5 =	vld [tilespmem:$0x2890];
	(v2sf) =	vpush v0, $0xB;
	s23 =	spop (v2sf);
	s30 =	sld [smem:$0x77E]  }
0x123: {  	(v2sf) =	vpush v0, $0xC;
	[smem:$0x78B] =	sst s23  }
0x124: {  	(v2sf) =	vpush v0, $0xD;
	s23 =	sld [smem:$0x77C]  }
0x125: {  	(v2sf) =	vpush v0, $0xE;
	s12 =	ssub.f32 s10, s5  }
0x126: {  	(v2sf) =	vpush v0, $0xF;
	s24 =	smul.f32 s2, s31;
	s2 =	sld [smem:$0x780]  }
0x127: {  	(v2sf) =	vpush v5, $0x0;
	s5 =	sld [smem:$0x781]  }
0x128: {  	(v2sf) =	vpush v5, $0x1;
	s31 =	ssub.f32 s30, s26  }
0x129: {  	(v2sf) =	vpush v5, $0x2;
	s30 =	rddreg [dreg:$0x12]  }
0x12a: {  	(v2sf) =	vpush v5, $0x3;
	s19 =	spop (v2sf);
	s20 =	ssub.f32 s20, s23  }
0x12b: {  	(v2sf) =	vpush v5, $0x4;
	s9 =	spop (v2sf);
	[smem:$0x7E0] =	sst s24  }
0x12c: {  	(v2sf) =	vpush v5, $0x5;
	s16 =	spop (v2sf);
	s10 =	ssub.f32 s5, s2  }
0x12d: {  	(v2sf) =	vpush v5, $0x6;
	s13 =	smul.f32 s13, s31;
	s31 =	sld [smem:$0x783]  }
0x12e: {  	(v2sf) =	vpush v5, $0x7;
	s15 =	spop (v2sf);
	s5 =	rddreg [dreg:$0x11]  }
0x12f: {  	(v2sf) =	vpush v5, $0x8;
	s25 =	smul.f32 s20, s12;
	s12 =	sld [smem:$0x782]  }
0x130: {  	(v2sf) =	vpush v5, $0x9;
	s18 =	spop (v2sf);
	[smem:$0x7EB] =	sst s13  }
0x131: {  	(v2sf) =	vpush v5, $0xA;
	s22 =	spop (v2sf);
	s13 =	sld [smem:$0x786]  }
0x132: {  	(v2sf) =	vpush v5, $0xB;
	s7 =	spop (v2sf);
	[smem:$0x7E1] =	sst s25  }
0x133: {  	(v2sf) =	vpush v5, $0xC;
	s25 =	spop (v2sf);
	s2 =	ssub.f32 s31, s30  }
0x134: {  	(v2sf) =	vpush v5, $0xD;
	s14 =	spop (v2sf);
	s29 =	ssub.f32 s11, s12  }
0x135: {  	(v2sf) =	vpush v5, $0xE;
	s20 =	spop (v2sf);
	s4 =	ssub.f32 s4, s13  }
0x136: {  	s12 =	smul.f32 s6, s2;
	(v2sf) =	vpush v5, $0xF;
	s24 =	spop (v2sf)  }
0x137: {  	s23 =	smul.f32 s29, s10;
	s26 =	spop (v2sf)  }
0x138: {  	s10 =	sld [smem:$0x785];
	s28 =	spop (v2sf)  }
0x139: {  	[smem:$0x7EC] =	sst s23;
	s23 =	spop (v2sf)  }
0x13a: {  	s2 =	sld [smem:$0x787];
	s30 =	spop (v2sf)  }
0x13b: {  	s11 =	ssub.f32 s10, s5;
	s31 =	spop (v2sf)  }
0x13c: {  	s3 =	sld [smem:$0x788];
	s29 =	spop (v2sf)  }
0x13d: {  	s13 =	smul.f32 s4, s11;
	s5 =	spop (v2sf)  }
0x13e: {  	s11 =	ssub.f32 s2, s1;
	s6 =	spop (v2sf)  }
0x13f: {  	s2 =	sld [smem:$0x789];
	s10 =	spop (v2sf)  }
0x140: {  	s8 =	ssub.f32 s8, s3;
	s4 =	spop (v2sf)  }
0x141: {  	s1 =	rddreg [dreg:$0xf];
	s3 =	spop (v2sf)  }
0x142: {  	s2 =	ssub.f32 s2, s1;
	s1 =	spop (v2sf)  }
0x143: {  	s17 =	ssub.f32 s17, s0;
	s0 =	spop (v2sf)  }
0x144: {  	s11 =	smul.f32 s8, s11;
	s8 =	spop (v2sf)  }
0x145: {  	s2 =	smul.f32 s17, s2;
	s17 =	spop (v2sf)  }
0x146: {  	p0 =	sgt.f32 s17, $-1.000000000e+00;
	_ =	sdelay $0x1  }
0x147: {  	p5 =	slt.f32 s17, $-1.000000000e+00;
	s17 =	simm.s32 @!p0 $0x0  }
0x148: {  	s17 =	simm.s32 @p0 $0x1;
	p0 =	slt.f32 s8, $-1.000000000e+00;
	_ =	sdelay $0x1  }
0x149: {  	[smem:$0x791] =	sst s17;
	s17 =	simm.s32 @!p0 $0x0  }
0x14a: {  	s17 =	simm.s32 @p0 $0x1;
	p0 =	sgt.f32 s8, $-1.000000000e+00;
	_ =	sdelay $0x1  }
0x14b: {  	s8 =	simm.s32 @!p0 $0x0  }
0x14c: {  	s8 =	simm.s32 @p0 $0x1;
	p0 =	slt.f32 s0, $-1.000000000e+00;
	_ =	sdelay $0x1  }
0x14d: {  	[smem:$0x794] =	sst s8;
	s8 =	simm.s32 @!p0 $0x0  }
0x14e: {  	s8 =	simm.s32 @p0 $0x1;
	p0 =	sgt.f32 s0, $-1.000000000e+00;
	_ =	sdelay $0x1  }
0x14f: {  	s0 =	simm.s32 @!p0 $0x0  }
0x150: {  	s0 =	simm.s32 @p0 $0x1;
	p0 =	slt.f32 s1, $-1.000000000e+00;
	_ =	sdelay $0x1  }
0x151: {  	[smem:$0x798] =	sst s0;
	s0 =	simm.s32 @!p0 $0x0  }
0x152: {  	s0 =	simm.s32 @p0 $0x1;
	p0 =	sgt.f32 s1, $-1.000000000e+00;
	_ =	sdelay $0x1  }
0x153: {  	[smem:$0x79C] =	sst s0;
	s0 =	simm.s32 @!p0 $0x0  }
0x154: {  	s0 =	simm.s32 @p0 $0x1;
	p0 =	slt.f32 s3, $-1.000000000e+00;
	_ =	sdelay $0x1  }
0x155: {  	[smem:$0x79B] =	sst s0;
	s0 =	simm.s32 @!p0 $0x0  }
0x156: {  	s0 =	simm.s32 @p0 $0x1;
	p0 =	sgt.f32 s3, $-1.000000000e+00;
	_ =	sdelay $0x1  }
0x157: {  	[smem:$0x7A0] =	sst s0;
	s0 =	simm.s32 @!p0 $0x0  }
0x158: {  	s0 =	simm.s32 @p0 $0x1;
	p0 =	slt.f32 s4, $-1.000000000e+00;
	_ =	sdelay $0x1  }
0x159: {  	[smem:$0x79F] =	sst s0;
	s0 =	simm.s32 @!p0 $0x0  }
0x15a: {  	s0 =	simm.s32 @p0 $0x1;
	p0 =	sgt.f32 s4, $-1.000000000e+00;
	_ =	sdelay $0x1  }
0x15b: {  	[smem:$0x7A3] =	sst s0;
	s0 =	simm.s32 @!p0 $0x0  }
0x15c: {  	s0 =	simm.s32 @p0 $0x1;
	p0 =	slt.f32 s10, $-1.000000000e+00;
	_ =	sdelay $0x1  }
0x15d: {  	[smem:$0x7A2] =	sst s0;
	s0 =	simm.s32 @!p0 $0x0  }
0x15e: {  	s0 =	simm.s32 @p0 $0x1;
	p0 =	sgt.f32 s10, $-1.000000000e+00;
	_ =	sdelay $0x1  }
0x15f: {  	[smem:$0x7A7] =	sst s0;
	s0 =	simm.s32 @!p0 $0x0  }
0x160: {  	s0 =	simm.s32 @p0 $0x1;
	p0 =	slt.f32 s6, $-1.000000000e+00;
	_ =	sdelay $0x1  }
0x161: {  	[smem:$0x7A6] =	sst s0;
	s0 =	simm.s32 @!p0 $0x0  }
0x162: {  	s0 =	simm.s32 @p0 $0x1;
	p0 =	sgt.f32 s6, $-1.000000000e+00;
	_ =	sdelay $0x1  }
0x163: {  	[smem:$0x7AA] =	sst s0;
	s0 =	simm.s32 @!p0 $0x0  }
0x164: {  	s0 =	simm.s32 @p0 $0x1;
	p0 =	slt.f32 s5, $-1.000000000e+00;
	_ =	sdelay $0x1  }
0x165: {  	[smem:$0x7A9] =	sst s0;
	s0 =	simm.s32 @!p0 $0x0  }
0x166: {  	s0 =	simm.s32 @p0 $0x1;
	p0 =	sgt.f32 s5, $-1.000000000e+00;
	_ =	sdelay $0x1  }
0x167: {  	[smem:$0x7AD] =	sst s0;
	s0 =	simm.s32 @!p0 $0x0  }
0x168: {  	s0 =	simm.s32 @p0 $0x1;
	p0 =	slt.f32 s29, $-1.000000000e+00;
	_ =	sdelay $0x1  }
0x169: {  	[smem:$0x7AC] =	sst s0;
	s0 =	simm.s32 @!p0 $0x0  }
0x16a: {  	s0 =	simm.s32 @p0 $0x1;
	p0 =	sgt.f32 s29, $-1.000000000e+00;
	_ =	sdelay $0x1  }
0x16b: {  	[smem:$0x7B0] =	sst s0;
	s0 =	simm.s32 @!p0 $0x0  }
0x16c: {  	s0 =	simm.s32 @p0 $0x1;
	p0 =	slt.f32 s31, $-1.000000000e+00;
	_ =	sdelay $0x1  }
0x16d: {  	[smem:$0x7AF] =	sst s0;
	s0 =	simm.s32 @!p0 $0x0  }
0x16e: {  	s0 =	simm.s32 @p0 $0x1;
	p0 =	sgt.f32 s31, $-1.000000000e+00;
	_ =	sdelay $0x1  }
0x16f: {  	[smem:$0x7B3] =	sst s0;
	s0 =	simm.s32 @!p0 $0x0  }
0x170: {  	s0 =	simm.s32 @p0 $0x1;
	p0 =	slt.f32 s30, $-1.000000000e+00;
	_ =	sdelay $0x1  }
0x171: {  	[smem:$0x7B2] =	sst s0;
	s0 =	simm.s32 @!p0 $0x0  }
0x172: {  	s0 =	simm.s32 @p0 $0x1;
	p0 =	sgt.f32 s30, $-1.000000000e+00;
	_ =	sdelay $0x1  }
0x173: {  	[smem:$0x7B6] =	sst s0;
	s0 =	simm.s32 @!p0 $0x0  }
0x174: {  	s0 =	simm.s32 @p0 $0x1;
	p0 =	slt.f32 s23, $-1.000000000e+00;
	_ =	sdelay $0x1  }
0x175: {  	[smem:$0x7B5] =	sst s0;
	s0 =	simm.s32 @!p0 $0x0  }
0x176: {  	s0 =	simm.s32 @p0 $0x1;
	p0 =	sgt.f32 s23, $-1.000000000e+00;
	_ =	sdelay $0x1  }
0x177: {  	[smem:$0x7BA] =	sst s0;
	s0 =	simm.s32 @!p0 $0x0  }
0x178: {  	s0 =	simm.s32 @p0 $0x1;
	p0 =	slt.f32 s28, $-1.000000000e+00;
	_ =	sdelay $0x1  }
0x179: {  	[smem:$0x7B9] =	sst s0;
	s0 =	simm.s32 @!p0 $0x0  }
0x17a: {  	s0 =	simm.s32 @p0 $0x1;
	p0 =	sgt.f32 s28, $-1.000000000e+00;
	_ =	sdelay $0x1  }
0x17b: {  	[smem:$0x7BD] =	sst s0;
	s0 =	simm.s32 @!p0 $0x0  }
0x17c: {  	s0 =	simm.s32 @p0 $0x1;
	p0 =	slt.f32 s26, $-1.000000000e+00;
	_ =	sdelay $0x1  }
0x17d: {  	[smem:$0x7BC] =	sst s0;
	s0 =	simm.s32 @!p0 $0x0  }
0x17e: {  	s0 =	simm.s32 @p0 $0x1;
	p0 =	sgt.f32 s26, $-1.000000000e+00;
	_ =	sdelay $0x1  }
0x17f: {  	[smem:$0x7C0] =	sst s0;
	s0 =	simm.s32 @!p0 $0x0  }
0x180: {  	s0 =	simm.s32 @p0 $0x1;
	p0 =	slt.f32 s24, $-1.000000000e+00;
	_ =	sdelay $0x1  }
0x181: {  	[smem:$0x7BF] =	sst s0;
	s0 =	simm.s32 @!p0 $0x0  }
0x182: {  	s0 =	simm.s32 @p0 $0x1;
	p0 =	sgt.f32 s24, $-1.000000000e+00;
	_ =	sdelay $0x1  }
0x183: {  	[smem:$0x7C3] =	sst s0;
	s0 =	simm.s32 @!p0 $0x0  }
0x184: {  	s0 =	simm.s32 @p0 $0x1;
	p0 =	slt.f32 s20, $-1.000000000e+00;
	_ =	sdelay $0x1  }
0x185: {  	[smem:$0x7C2] =	sst s0;
	s0 =	simm.s32 @!p0 $0x0  }
0x186: {  	s0 =	simm.s32 @p0 $0x1;
	p0 =	sgt.f32 s20, $-1.000000000e+00;
	_ =	sdelay $0x1  }
0x187: {  	[smem:$0x7C6] =	sst s0;
	s0 =	simm.s32 @!p0 $0x0  }
0x188: {  	s0 =	simm.s32 @p0 $0x1;
	p0 =	slt.f32 s14, $-1.000000000e+00;
	_ =	sdelay $0x1  }
0x189: {  	[smem:$0x7C5] =	sst s0;
	s0 =	simm.s32 @!p0 $0x0  }
0x18a: {  	s0 =	simm.s32 @p0 $0x1;
	p0 =	sgt.f32 s14, $-1.000000000e+00;
	_ =	sdelay $0x1  }
0x18b: {  	[smem:$0x7CB] =	sst s0;
	s0 =	simm.s32 @!p0 $0x0  }
0x18c: {  	s0 =	simm.s32 @p0 $0x1;
	p0 =	slt.f32 s25, $-1.000000000e+00;
	_ =	sdelay $0x1  }
0x18d: {  	[smem:$0x7CA] =	sst s0;
	s0 =	simm.s32 @!p0 $0x0  }
0x18e: {  	s0 =	simm.s32 @p0 $0x1;
	p0 =	sgt.f32 s25, $-1.000000000e+00;
	_ =	sdelay $0x1  }
0x18f: {  	[smem:$0x7CE] =	sst s0;
	s0 =	simm.s32 @!p0 $0x0  }
0x190: {  	s0 =	simm.s32 @p0 $0x1;
	p0 =	slt.f32 s7, $-1.000000000e+00  }
0x191: {  	[smem:$0x795] =	sst s17  }
0x192: {  	[smem:$0x7CD] =	sst s0;
	s0 =	simm.s32 @!p0 $0x0  }
0x193: {  	v9 =	vbroadcast v19, $0x0;
	s17 =	sld [smem:$0x78B];
	s0 =	simm.s32 @p0 $0x1;
	p0 =	sgt.f32 s7, $-1.000000000e+00  }
0x194: {  	v10 =	vbroadcast v16, $0x0;
	[smem:$0x799] =	sst s8  }
0x195: {  	v53 =	vbroadcast v19, $0x9;
	[tilespmem:$0x1F600] =	vst v9;
	[smem:$0x7D1] =	sst s0;
	s0 =	simm.s32 @!p0 $0x0  }
0x196: {  	v11 =	vbroadcast v21, $0x0;
	[tilespmem:$0x1F610] =	vst v10;
	s8 =	rddreg [dreg:$0x15];
	s0 =	simm.s32 @p0 $0x1;
	p0 =	slt.f32 s22, $-1.000000000e+00  }
0x197: {  	v13 =	vbroadcast v17, $0x0;
	[tilespmem:$0x1F840] =	vst v53;
	v53 =	vmov s8;
	s8 =	sld [smem:$0x798];
	s3 =	simm.s32 @!p5 $0x0  }
0x198: {  	v14 =	vbroadcast v19, $0x1;
	[tilespmem:$0x1F620] =	vst v11;
	s3 =	simm.s32 @p5 $0x1;
	[smem:$0x7D0] =	sst s0;
	s0 =	simm.s32 @!p0 $0x0  }
0x199: {  	v22 =	vbroadcast v16, $0x1;
	[tilespmem:$0x1F630] =	vst v13;
	[smem:$0x792] =	sst s3;
	s0 =	simm.s32 @p0 $0x1;
	p0 =	sgt.f32 s22, $-1.000000000e+00  }
0x19a: {  	v23 =	vbroadcast v21, $0x1;
	[tilespmem:$0x1F640] =	vst v14;
	s4 =	sld [smem:$0x791]  }
0x19b: {  	v56 =	vbroadcast v17, $0x9;
	[tilespmem:$0x1F650] =	vst v22;
	[smem:$0x7D7] =	sst s0;
	s0 =	simm.s32 @!p0 $0x0  }
0x19c: {  	v24 =	vbroadcast v17, $0x1;
	[tilespmem:$0x1F660] =	vst v23;
	s10 =	rddreg [dreg:$0x16];
	s0 =	simm.s32 @p0 $0x1;
	p0 =	slt.f32 s18, $-1.000000000e+00  }
0x19d: {  	v25 =	vbroadcast v19, $0x2;
	[tilespmem:$0x1F870] =	vst v56;
	v56 =	vmov s10;
	s10 =	sld [smem:$0x79B]  }
0x19e: {  	v26 =	vbroadcast v16, $0x2;
	[tilespmem:$0x1F670] =	vst v24;
	[smem:$0x7D6] =	sst s0;
	s0 =	simm.s32 @!p0 $0x0  }
0x19f: {  	v27 =	vbroadcast v21, $0x2;
	[tilespmem:$0x1F680] =	vst v25;
	s6 =	sld [smem:$0x795];
	s0 =	simm.s32 @p0 $0x1;
	p0 =	sgt.f32 s18, $-1.000000000e+00  }
0x1a0: {  	v28 =	vbroadcast v17, $0x2;
	[tilespmem:$0x1F690] =	vst v26;
	s31 =	sld [smem:$0x790]  }
0x1a1: {  	[tilespmem:$0x1F6A0] =	vst v27;
	v25 =	vbroadcast v17, $0xF;
	[smem:$0x7DA] =	sst s0;
	s0 =	simm.s32 @!p0 $0x0  }
0x1a2: {  	v29 =	vbroadcast v19, $0x3;
	[tilespmem:$0x1F6B0] =	vst v28;
	s5 =	sld [smem:$0x794];
	s0 =	simm.s32 @p0 $0x1;
	p0 =	slt.f32 s15, $-1.000000000e+00  }
0x1a3: {  	v30 =	vbroadcast v16, $0x3;
	[tilespmem:$0x1F9F0] =	vst v25;
	v25 =	vmov s31;
	s31 =	sld [smem:$0x7A9]  }
0x1a4: {  	v31 =	vbroadcast v21, $0x3;
	[tilespmem:$0x1F6C0] =	vst v29;
	[smem:$0x7D9] =	sst s0;
	s0 =	simm.s32 @!p0 $0x0  }
0x1a5: {  	v32 =	vbroadcast v17, $0x3;
	[tilespmem:$0x1F6D0] =	vst v30;
	s30 =	rddreg [dreg:$0x1f];
	s0 =	simm.s32 @p0 $0x1;
	p0 =	sgt.f32 s15, $-1.000000000e+00  }
0x1a6: {  	[tilespmem:$0x1F6E0] =	vst v31;
	v22 =	vbroadcast v17, $0xC;
	s26 =	sld [smem:$0x78F]  }
0x1a7: {  	v33 =	vbroadcast v19, $0x4;
	v34 =	vbroadcast v16, $0x4;
	[tilespmem:$0x1F6F0] =	vst v32;
	[smem:$0x7DD] =	sst s0;
	s0 =	simm.s32 @!p0 $0x0  }
0x1a8: {  	v35 =	vbroadcast v21, $0x4;
	v36 =	vbroadcast v17, $0x4;
	[tilespmem:$0x1F9C0] =	vst v22;
	v22 =	vmov s30;
	s30 =	sld [smem:$0x7A7];
	s0 =	simm.s32 @p0 $0x1;
	p0 =	slt.f32 s16, $-1.000000000e+00  }
0x1a9: {  	v37 =	vbroadcast v19, $0x5;
	v38 =	vbroadcast v16, $0x5;
	[tilespmem:$0x1F700] =	vst v33;
	s23 =	rddreg [dreg:$0x1a];
	p4 =	slt.f32 s26, $-1.000000000e+00  }
0x1aa: {  	v39 =	vbroadcast v21, $0x5;
	v40 =	vbroadcast v17, $0x5;
	[tilespmem:$0x1F710] =	vst v34;
	p3 =	sgt.f32 s26, $-1.000000000e+00;
	[smem:$0x7DC] =	sst s0;
	s0 =	simm.s32 @!p0 $0x0  }
0x1ab: {  	v41 =	vbroadcast v19, $0x6;
	v42 =	vbroadcast v16, $0x6;
	[tilespmem:$0x1F720] =	vst v35;
	s26 =	sld [smem:$0x7A6];
	s0 =	simm.s32 @p0 $0x1;
	p0 =	sgt.f32 s16, $-1.000000000e+00  }
0x1ac: {  	v43 =	vbroadcast v21, $0x6;
	v44 =	vbroadcast v17, $0x6;
	[tilespmem:$0x1F730] =	vst v36;
	s24 =	sld [smem:$0x78E]  }
0x1ad: {  	v45 =	vbroadcast v19, $0x7;
	v59 =	vbroadcast v21, $0xA;
	[tilespmem:$0x1F740] =	vst v37;
	[smem:$0x7E3] =	sst s0;
	s0 =	simm.s32 @!p0 $0x0  }
0x1ae: {  	[tilespmem:$0x1F750] =	vst v38;
	v26 =	vbroadcast v18, $0x0;
	v27 =	vbroadcast v18, $0x1;
	s20 =	rddreg [dreg:$0x1d];
	s0 =	simm.s32 @p0 $0x1;
	p0 =	slt.f32 s9, $-1.000000000e+00  }
0x1af: {  	[tilespmem:$0x1F760] =	vst v39;
	v28 =	vbroadcast v18, $0x2;
	v29 =	vbroadcast v18, $0x3;
	s14 =	rddreg [dreg:$0x17]  }
0x1b0: {  	[tilespmem:$0x1F770] =	vst v40;
	v30 =	vbroadcast v18, $0x4;
	v31 =	vbroadcast v18, $0x5;
	[smem:$0x7E2] =	sst s0;
	s0 =	simm.s32 @!p0 $0x0  }
0x1b1: {  	[tilespmem:$0x1F8A0] =	vst v59;
	v32 =	vbroadcast v18, $0x6;
	v33 =	vbroadcast v18, $0x7;
	v59 =	vmov s14;
	s14 =	sld [smem:$0x79C];
	s0 =	simm.s32 @p0 $0x1;
	p0 =	sgt.f32 s9, $-1.000000000e+00  }
0x1b2: {  	[tilespmem:$0x1F780] =	vst v41;
	v34 =	vbroadcast v18, $0x8;
	v35 =	vbroadcast v18, $0x9;
	s25 =	rddreg [dreg:$0x1e]  }
0x1b3: {  	[tilespmem:$0x1F790] =	vst v42;
	v36 =	vbroadcast v18, $0xA;
	v37 =	vbroadcast v18, $0xB;
	[smem:$0x7E6] =	sst s0;
	s0 =	simm.s32 @!p0 $0x0  }
0x1b4: {  	[tilespmem:$0x1F7A0] =	vst v43;
	v38 =	vbroadcast v18, $0xC;
	v39 =	vbroadcast v18, $0xD;
	s7 =	sld [smem:$0x797];
	s0 =	simm.s32 @p0 $0x1;
	p0 =	slt.f32 s19, $-1.000000000e+00  }
0x1b5: {  	[tilespmem:$0x1F7B0] =	vst v44;
	v40 =	vbroadcast v18, $0xE;
	v41 =	vbroadcast v18, $0xF;
	v18 =	vmov s25;
	s25 =	sld [smem:$0x7A5]  }
0x1b6: {  	v46 =	vbroadcast v16, $0x7;
	[tilespmem:$0x1F7C0] =	vst v45;
	[smem:$0x7E5] =	sst s0;
	s0 =	simm.s32 @!p0 $0x0  }
0x1b7: {  	v47 =	vbroadcast v21, $0x7;
	[tilespmem:$0x1FA20] =	vst v28;
	v28 =	vmov s7;
	s7 =	sld [smem:$0x7AD];
	s0 =	simm.s32 @p0 $0x1;
	p0 =	sgt.f32 s19, $-1.000000000e+00  }
0x1b8: {  	v48 =	vbroadcast v17, $0x7;
	[tilespmem:$0x1F7D0] =	vst v46;
	s22 =	sld [smem:$0x78D]  }
0x1b9: {  	v62 =	vbroadcast v16, $0xB;
	[tilespmem:$0x1F7E0] =	vst v47;
	[smem:$0x7E9] =	sst s0;
	s0 =	simm.s32 @!p0 $0x0  }
0x1ba: {  	v49 =	vbroadcast v19, $0x8;
	[tilespmem:$0x1F7F0] =	vst v48;
	s15 =	rddreg [dreg:$0x18];
	s0 =	simm.s32 @p0 $0x1;
	p0 =	slt.f32 s17, $-1.000000000e+00  }
0x1bb: {  	v50 =	vbroadcast v16, $0x8;
	[tilespmem:$0x1F8D0] =	vst v62;
	v62 =	vmov s15;
	s15 =	sld [smem:$0x79E]  }
0x1bc: {  	[tilespmem:$0x1F800] =	vst v49;
	s18 =	rddreg [dreg:$0x1c];
	s1 =	simm.s32 @!p0 $0x0  }
0x1bd: {  	v51 =	vbroadcast v21, $0x8;
	[tilespmem:$0x1F810] =	vst v50;
	s19 =	sld [smem:$0x78C];
	s1 =	simm.s32 @p0 $0x1;
	p0 =	sgt.f32 s17, $-1.000000000e+00  }
0x1be: {  	v52 =	vbroadcast v17, $0x8;
	[tilespmem:$0x1FA50] =	vst v31;
	v31 =	vmov s15;
	s15 =	sld [smem:$0x7B3]  }
0x1bf: {  	[tilespmem:$0x1F820] =	vst v51;
	v5 =	vbroadcast v16, $0xC;
	[smem:$0x7E8] =	sst s0;
	s0 =	simm.s32 @!p0 $0x0  }
0x1c0: {  	v54 =	vbroadcast v16, $0x9;
	[tilespmem:$0x1F830] =	vst v52;
	s16 =	rddreg [dreg:$0x19];
	s0 =	simm.s32 @p0 $0x1;
	p0 =	slt.f32 s19, $-1.000000000e+00  }
0x1c1: {  	v55 =	vbroadcast v21, $0x9;
	[tilespmem:$0x1F900] =	vst v5;
	v5 =	vmov s16;
	s16 =	sld [smem:$0x79F]  }
0x1c2: {  	v57 =	vbroadcast v19, $0xA;
	[tilespmem:$0x1F850] =	vst v54;
	[smem:$0x7EE] =	sst s1;
	s1 =	simm.s32 @!p0 $0x0  }
0x1c3: {  	v58 =	vbroadcast v16, $0xA;
	[tilespmem:$0x1F860] =	vst v55;
	s9 =	sld [smem:$0x799];
	s1 =	simm.s32 @p0 $0x1;
	p0 =	slt.f32 s22, $-1.000000000e+00  }
0x1c4: {  	v60 =	vbroadcast v17, $0xA;
	[tilespmem:$0x1F880] =	vst v57;
	s17 =	sld [smem:$0x7A0]  }
0x1c5: {  	v61 =	vbroadcast v19, $0xB;
	[tilespmem:$0x1F890] =	vst v58;
	[smem:$0x7F1] =	sst s1;
	s1 =	simm.s32 @!p0 $0x0  }
0x1c6: {  	v63 =	vbroadcast v21, $0xB;
	[tilespmem:$0x1F8B0] =	vst v60;
	[smem:$0x7ED] =	sst s0;
	s1 =	simm.s32 @p0 $0x1;
	p0 =	slt.f32 s24, $-1.000000000e+00  }
0x1c7: {  	v4 =	vbroadcast v19, $0xC;
	[tilespmem:$0x1F8C0] =	vst v61;
	p1 =	sgt.f32 s22, $-1.000000000e+00;
	s22 =	sld [smem:$0x7A2]  }
0x1c8: {  	v6 =	vbroadcast v21, $0xC;
	[tilespmem:$0x1F8E0] =	vst v63;
	p2 =	sgt.f32 s24, $-1.000000000e+00;
	[smem:$0x7F4] =	sst s1;
	s1 =	simm.s32 @!p0 $0x0  }
0x1c9: {  	v7 =	vbroadcast v19, $0xD;
	[tilespmem:$0x1F8F0] =	vst v4;
	s24 =	sld [smem:$0x7A3];
	s1 =	simm.s32 @p0 $0x1;
	p0 =	seq.s32 s4, $0x1  }
0x1ca: {  	v8 =	vbroadcast v16, $0xD;
	[tilespmem:$0x1F910] =	vst v6;
	s4 =	sld [smem:$0x7AA];
	p5 =	por p0, p5  }
0x1cb: {  	[tilespmem:$0x1F920] =	vst v7;
	v9 =	vbroadcast v21, $0xD;
	p0 =	seq.s32 s6, $0x1;
	s6 =	sld [smem:$0x7AC];
	s3 =	simm.s32 @!p5 $0x0  }
0x1cc: {  	[tilespmem:$0x1F930] =	vst v8;
	v10 =	vbroadcast v19, $0xE;
	s3 =	simm.s32 @p5 $0x1;
	p5 =	seq.s32 s5, $0x1;
	s5 =	rddreg [dreg:$0x14]  }
0x1cd: {  	[tilespmem:$0x1F940] =	vst v9;
	[smem:$0x793] =	sst s3  }
0x1ce: {  	v11 =	vbroadcast v16, $0xE;
	[tilespmem:$0x1F950] =	vst v10;
	p5 =	por p5, p0;
	p0 =	seq.s32 s9, $0x1;
	s9 =	sld [smem:$0x7B0]  }
0x1cf: {  	v13 =	vbroadcast v21, $0xE;
	[tilespmem:$0x1FAB0] =	vst v37;
	v37 =	vmov s5;
	s5 =	sld [smem:$0x7BD];
	s3 =	simm.s32 @!p5 $0x0  }
0x1d0: {  	v14 =	vbroadcast v19, $0xF;
	[tilespmem:$0x1F960] =	vst v11;
	s3 =	simm.s32 @p5 $0x1;
	p5 =	seq.s32 s8, $0x1;
	s8 =	sld [smem:$0x7AF]  }
0x1d1: {  	v19 =	vbroadcast v21, $0xF;
	[tilespmem:$0x1F970] =	vst v13;
	[smem:$0x796] =	sst s3;
	p5 =	por p5, p0  }
0x1d2: {  	v21 =	vbroadcast v17, $0xB;
	[tilespmem:$0x1F980] =	vst v14;
	p0 =	seq.s32 s14, $0x1;
	s14 =	sld [smem:$0x7B2];
	s3 =	simm.s32 @!p5 $0x0  }
0x1d3: {  	v23 =	vbroadcast v17, $0xD;
	[tilespmem:$0x1F9A0] =	vst v19;
	s3 =	simm.s32 @p5 $0x1;
	p5 =	seq.s32 s10, $0x1;
	s10 =	rddreg [dreg:$0x13]  }
0x1d4: {  	[tilespmem:$0x1F9B0] =	vst v21;
	[smem:$0x79A] =	sst s3;
	p5 =	por p5, p0  }
0x1d5: {  	v24 =	vbroadcast v17, $0xE;
	[tilespmem:$0x1F9D0] =	vst v23;
	p0 =	seq.s32 s17, $0x1;
	s17 =	sld [smem:$0x7B6];
	s3 =	simm.s32 @!p5 $0x0  }
0x1d6: {  	[tilespmem:$0x1FAE0] =	vst v40;
	v40 =	vmov s10;
	s10 =	sld [smem:$0x7C3];
	s3 =	simm.s32 @p5 $0x1;
	p5 =	seq.s32 s16, $0x1  }
0x1d7: {  	[tilespmem:$0x1F9E0] =	vst v24;
	s16 =	sld [smem:$0x7B5];
	p5 =	por p5, p0  }
0x1d8: {  	[tilespmem:$0x1FA00] =	vst v26;
	[smem:$0x79D] =	sst s3;
	p0 =	seq.s32 s24, $0x1;
	s3 =	simm.s32 @!p5 $0x0  }
0x1d9: {  	[tilespmem:$0x1FA10] =	vst v27;
	s3 =	simm.s32 @p5 $0x1;
	p5 =	seq.s32 s22, $0x1;
	s22 =	sld [smem:$0x7B8]  }
0x1da: {  	v43 =	vbroadcast v15, $0x1;
	[tilespmem:$0x1FA30] =	vst v29;
	[smem:$0x7A1] =	sst s3;
	p5 =	por p5, p0  }
0x1db: {  	[tilespmem:$0x1FA40] =	vst v30;
	p0 =	seq.s32 s30, $0x1;
	s30 =	sld [smem:$0x7B9];
	s3 =	simm.s32 @!p5 $0x0  }
0x1dc: {  	[tilespmem:$0x1FB10] =	vst v43;
	s3 =	simm.s32 @p5 $0x1;
	p5 =	seq.s32 s26, $0x1;
	v43 =	vmov s22;
	s22 =	sld [smem:$0x7CA]  }
0x1dd: {  	[tilespmem:$0x1FA60] =	vst v32;
	[smem:$0x7A4] =	sst s3;
	p5 =	por p5, p0  }
0x1de: {  	[tilespmem:$0x1FA70] =	vst v33;
	p0 =	seq.s32 s4, $0x1;
	s4 =	sld [smem:$0x7BC];
	s3 =	simm.s32 @!p5 $0x0  }
0x1df: {  	[tilespmem:$0x1FA80] =	vst v34;
	s3 =	simm.s32 @p5 $0x1;
	p5 =	seq.s32 s31, $0x1;
	s31 =	sld [smem:$0x7BA]  }
0x1e0: {  	[tilespmem:$0x1FA90] =	vst v35;
	[smem:$0x7A8] =	sst s3;
	p5 =	por p5, p0  }
0x1e1: {  	[tilespmem:$0x1FAA0] =	vst v36;
	p0 =	seq.s32 s7, $0x1;
	s7 =	sld [smem:$0x7BF];
	s3 =	simm.s32 @!p5 $0x0  }
0x1e2: {  	[tilespmem:$0x1FAC0] =	vst v38;
	s3 =	simm.s32 @p5 $0x1;
	p5 =	seq.s32 s6, $0x1;
	s6 =	rddreg [dreg:$0x1b]  }
0x1e3: {  	v46 =	vbroadcast v15, $0x4;
	[tilespmem:$0x1FAD0] =	vst v39;
	[smem:$0x7AB] =	sst s3  }
0x1e4: {  	v42 =	vbroadcast v15, $0x0;
	[tilespmem:$0x1FAF0] =	vst v41;
	p5 =	por p5, p0;
	p0 =	seq.s32 s9, $0x1;
	s9 =	sld [smem:$0x7C2]  }
0x1e5: {  	v44 =	vbroadcast v15, $0x2;
	[tilespmem:$0x1FB40] =	vst v46;
	v46 =	vmov s6;
	s6 =	sld [smem:$0x7D1];
	s3 =	simm.s32 @!p5 $0x0  }
0x1e6: {  	v45 =	vbroadcast v15, $0x3;
	[tilespmem:$0x1FB00] =	vst v42;
	s3 =	simm.s32 @p5 $0x1;
	p5 =	seq.s32 s8, $0x1;
	s8 =	sld [smem:$0x7C0]  }
0x1e7: {  	v47 =	vbroadcast v15, $0x5;
	[tilespmem:$0x1FB20] =	vst v44;
	[smem:$0x7AE] =	sst s3;
	p5 =	por p5, p0  }
0x1e8: {  	v48 =	vbroadcast v15, $0x6;
	[tilespmem:$0x1FB30] =	vst v45;
	p0 =	seq.s32 s15, $0x1;
	s15 =	sld [smem:$0x7C6];
	s3 =	simm.s32 @!p5 $0x0  }
0x1e9: {  	v49 =	vbroadcast v15, $0x7;
	[tilespmem:$0x1FB50] =	vst v47;
	s3 =	simm.s32 @p5 $0x1;
	p5 =	seq.s32 s14, $0x1;
	s14 =	sld [smem:$0x7C5]  }
0x1ea: {  	v50 =	vbroadcast v15, $0x8;
	[tilespmem:$0x1FB60] =	vst v48;
	[smem:$0x7B1] =	sst s3;
	p5 =	por p5, p0  }
0x1eb: {  	v51 =	vbroadcast v15, $0x9;
	[tilespmem:$0x1FB70] =	vst v49;
	p0 =	seq.s32 s17, $0x1;
	s17 =	sld [smem:$0x7C9];
	s3 =	simm.s32 @!p5 $0x0  }
0x1ec: {  	v52 =	vbroadcast v15, $0xA;
	[tilespmem:$0x1FB80] =	vst v50;
	s3 =	simm.s32 @p5 $0x1;
	p5 =	seq.s32 s16, $0x1;
	s16 =	sld [smem:$0x7C8]  }
0x1ed: {  	v54 =	vbroadcast v15, $0xB;
	[tilespmem:$0x1FB90] =	vst v51;
	[smem:$0x7B4] =	sst s3  }
0x1ee: {  	v55 =	vbroadcast v15, $0xC;
	[tilespmem:$0x1FBA0] =	vst v52;
	p5 =	por p5, p0;
	p0 =	seq.s32 s31, $0x1;
	s31 =	sld [smem:$0x7CD]  }
0x1ef: {  	v57 =	vbroadcast v15, $0xD;
	[tilespmem:$0x1FBC0] =	vst v54;
	v51 =	vmov s17;
	s17 =	sld [smem:$0x7DC];
	s3 =	simm.s32 @!p5 $0x0  }
0x1f0: {  	v58 =	vbroadcast v15, $0xE;
	[tilespmem:$0x1FBD0] =	vst v55;
	s3 =	simm.s32 @p5 $0x1;
	p5 =	seq.s32 s30, $0x1;
	s30 =	sld [smem:$0x7CB]  }
0x1f1: {  	v60 =	vbroadcast v15, $0xF;
	[tilespmem:$0x1FBF0] =	vst v57;
	v50 =	vmov s16;
	s16 =	sld [smem:$0x7DA]  }
0x1f2: {  	v61 =	vbroadcast v20, $0x0;
	[tilespmem:$0x1FC00] =	vst v58;
	[smem:$0x7B7] =	sst s3;
	p5 =	por p5, p0  }
0x1f3: {  	v63 =	vbroadcast v20, $0x1;
	[tilespmem:$0x1FC20] =	vst v60;
	p0 =	seq.s32 s5, $0x1;
	s5 =	sld [smem:$0x7D0];
	s3 =	simm.s32 @!p5 $0x0  }
0x1f4: {  	v4 =	vbroadcast v20, $0x2;
	[tilespmem:$0x1FC30] =	vst v61;
	s3 =	simm.s32 @p5 $0x1;
	p5 =	seq.s32 s4, $0x1;
	s4 =	sld [smem:$0x7CE]  }
0x1f5: {  	v6 =	vbroadcast v20, $0x3;
	[tilespmem:$0x1FC50] =	vst v63;
	[smem:$0x7BB] =	sst s3;
	p5 =	por p5, p0  }
0x1f6: {  	v7 =	vbroadcast v20, $0x4;
	[tilespmem:$0x1FC60] =	vst v4;
	p0 =	seq.s32 s8, $0x1;
	s8 =	sld [smem:$0x7D4];
	s3 =	simm.s32 @!p5 $0x0  }
0x1f7: {  	v17 =	vbroadcast v20, $0xA;
	[tilespmem:$0x1FC80] =	vst v6;
	s3 =	simm.s32 @p5 $0x1;
	p5 =	seq.s32 s7, $0x1;
	s7 =	sld [smem:$0x7D3]  }
0x1f8: {  	[tilespmem:$0x1FC90] =	vst v7;
	[smem:$0x7BE] =	sst s3  }
0x1f9: {  	v9 =	vbroadcast v20, $0x5;
	[tilespmem:$0x1FD20] =	vst v17;
	p5 =	por p5, p0;
	p0 =	seq.s32 s10, $0x1;
	s10 =	sld [smem:$0x7D6]  }
0x1fa: {  	v10 =	vbroadcast v20, $0x6;
	[tilespmem:$0x1FBB0] =	vst v53;
	v53 =	vmov s8;
	s8 =	sld [smem:$0x7E6];
	s3 =	simm.s32 @!p5 $0x0  }
0x1fb: {  	v13 =	vbroadcast v20, $0x7;
	[tilespmem:$0x1FCB0] =	vst v9;
	s3 =	simm.s32 @p5 $0x1;
	p5 =	seq.s32 s9, $0x1;
	s9 =	sld [smem:$0x7D5]  }
0x1fc: {  	v14 =	vbroadcast v20, $0x8;
	[tilespmem:$0x1FCC0] =	vst v10;
	v52 =	vmov s7;
	s7 =	sld [smem:$0x7E5];
	p5 =	por p5, p0  }
0x1fd: {  	v19 =	vbroadcast v20, $0xB;
	[tilespmem:$0x1FCE0] =	vst v13;
	[smem:$0x7C1] =	sst s3;
	s3 =	simm.s32 @!p5 $0x0  }
0x1fe: {  	v21 =	vbroadcast v20, $0xC;
	[tilespmem:$0x1FCF0] =	vst v14;
	p0 =	seq.s32 s15, $0x1;
	s3 =	simm.s32 @p5 $0x1;
	p5 =	seq.s32 s14, $0x1  }
0x1ff: {  	v23 =	vbroadcast v20, $0xD;
	[tilespmem:$0x1FD40] =	vst v19;
	s15 =	sld [smem:$0x7D9];
	p5 =	por p5, p0  }
0x200: {  	v24 =	vbroadcast v20, $0xE;
	[tilespmem:$0x1FD50] =	vst v21;
	[smem:$0x7C4] =	sst s3;
	s3 =	simm.s32 @!p5 $0x0  }
0x201: {  	v26 =	vbroadcast v20, $0xF;
	[tilespmem:$0x1FD70] =	vst v23;
	p0 =	seq.s32 s30, $0x1;
	s3 =	simm.s32 @p5 $0x1;
	p5 =	seq.s32 s22, $0x1  }
0x202: {  	v27 =	vbroadcast v12, $0x0;
	[tilespmem:$0x1FD80] =	vst v24;
	s14 =	sld [smem:$0x7D7];
	p5 =	por p5, p0  }
0x203: {  	v29 =	vbroadcast v12, $0x1;
	[tilespmem:$0x1FDA0] =	vst v26;
	[smem:$0x7C7] =	sst s3;
	s3 =	simm.s32 @!p5 $0x0  }
0x204: {  	v30 =	vbroadcast v12, $0x2;
	[tilespmem:$0x1FDB0] =	vst v27;
	p0 =	seq.s32 s4, $0x1;
	s3 =	simm.s32 @p5 $0x1;
	p5 =	seq.s32 s31, $0x1  }
0x205: {  	v32 =	vbroadcast v12, $0x3;
	[tilespmem:$0x1FDD0] =	vst v29;
	v54 =	vmov s9;
	s9 =	sld [smem:$0x7E8];
	p5 =	por p5, p0  }
0x206: {  	v33 =	vbroadcast v12, $0x4;
	[tilespmem:$0x1FDE0] =	vst v30;
	[smem:$0x7CC] =	sst s3;
	s3 =	simm.s32 @!p5 $0x0  }
0x207: {  	v35 =	vbroadcast v12, $0x5;
	[tilespmem:$0x1FE00] =	vst v32;
	p0 =	seq.s32 s6, $0x1;
	s3 =	simm.s32 @p5 $0x1;
	p5 =	seq.s32 s5, $0x1  }
0x208: {  	v36 =	vbroadcast v12, $0x6;
	[tilespmem:$0x1FE10] =	vst v33;
	s22 =	sld [smem:$0x7DD];
	p5 =	por p5, p0  }
0x209: {  	v38 =	vbroadcast v12, $0x7;
	[tilespmem:$0x1FE30] =	vst v35;
	[smem:$0x7CF] =	sst s3;
	s3 =	simm.s32 @!p5 $0x0  }
0x20a: {  	v39 =	vbroadcast v12, $0x8;
	[tilespmem:$0x1FE40] =	vst v36;
	p0 =	seq.s32 s14, $0x1;
	s3 =	simm.s32 @p5 $0x1;
	p5 =	seq.s32 s10, $0x1  }
0x20b: {  	v41 =	vbroadcast v12, $0x9;
	[tilespmem:$0x1FE60] =	vst v38;
	s6 =	sld [smem:$0x7E3];
	p5 =	por p5, p0  }
0x20c: {  	v42 =	vbroadcast v12, $0xA;
	[tilespmem:$0x1FE70] =	vst v39;
	[smem:$0x7D2] =	sst s3;
	s3 =	simm.s32 @!p5 $0x0  }
0x20d: {  	v44 =	vbroadcast v12, $0xB;
	[tilespmem:$0x1FE90] =	vst v41;
	p0 =	seq.s32 s16, $0x1;
	s3 =	simm.s32 @p5 $0x1;
	p5 =	seq.s32 s15, $0x1  }
0x20e: {  	v45 =	vbroadcast v12, $0xC;
	[tilespmem:$0x1FEA0] =	vst v42;
	s5 =	sld [smem:$0x7E2];
	p5 =	por p5, p0  }
0x20f: {  	v47 =	vbroadcast v12, $0xD;
	[tilespmem:$0x1FEC0] =	vst v44;
	[smem:$0x7D8] =	sst s3;
	s3 =	simm.s32 @!p5 $0x0  }
0x210: {  	v48 =	vbroadcast v12, $0xE;
	[tilespmem:$0x1FED0] =	vst v45;
	p0 =	seq.s32 s22, $0x1;
	s3 =	simm.s32 @p5 $0x1;
	p5 =	seq.s32 s17, $0x1  }
0x211: {  	v49 =	vbroadcast v12, $0xF;
	[tilespmem:$0x1FEF0] =	vst v47;
	s10 =	sld [smem:$0x7E9];
	p5 =	por p5, p0  }
0x212: {  	[tilespmem:$0x1FF00] =	vst v48;
	v16 =	vbroadcast v16, $0xF;
	[smem:$0x7DB] =	sst s3;
	s3 =	simm.s32 @!p5 $0x0  }
0x213: {  	[tilespmem:$0x1FF10] =	vst v49;
	p0 =	seq.s32 s6, $0x1;
	s3 =	simm.s32 @p5 $0x1;
	p5 =	seq.s32 s5, $0x1  }
0x214: {  	v60 =	vmov s12;
	[tilespmem:$0x1F990] =	vst v16;
	v16 =	vbroadcast v20, $0x9;
	s16 =	sld [smem:$0x7ED];
	p5 =	por p5, p0  }
0x215: {  	[tilespmem:$0x1FFC0] =	vst v60;
	[smem:$0x7DE] =	sst s3;
	s3 =	simm.s32 @!p5 $0x0  }
0x216: {  	[tilespmem:$0x1FD10] =	vst v16;
	v61 =	vmov s13;
	p0 =	seq.s32 s8, $0x1;
	s3 =	simm.s32 @p5 $0x1;
	p5 =	seq.s32 s7, $0x1  }
0x217: {  	[tilespmem:$0x1FFD0] =	vst v61;
	v63 =	vmov s2;
	s17 =	sld [smem:$0x7EE];
	p5 =	por p5, p0  }
0x218: {  	[tilespmem:$0x1FFF0] =	vst v63;
	[smem:$0x7E4] =	sst s3;
	s3 =	simm.s32 @!p5 $0x0  }
0x219: {  	[tilespmem:$0x1FBE0] =	vst v56;
	p0 =	seq.s32 s10, $0x1;
	s3 =	simm.s32 @p5 $0x1;
	p5 =	seq.s32 s9, $0x1  }
0x21a: {  	[tilespmem:$0x1FD90] =	vst v25;
	s30 =	sld [smem:$0x7DF];
	p5 =	por p5, p0  }
0x21b: {  	[tilespmem:$0x1FD60] =	vst v22;
	v15 =	vmov s23;
	[smem:$0x7E7] =	sst s3;
	s3 =	simm.s32 @!p5 $0x0  }
0x21c: {  	[tilespmem:$0x1FD00] =	vst v15;
	v11 =	vmov s20;
	p0 =	seq.s32 s16, $0x1;
	s3 =	simm.s32 @p5 $0x1;
	p5 =	seq.s32 s17, $0x1  }
0x21d: {  	[tilespmem:$0x1FCD0] =	vst v11;
	s22 =	sld [smem:$0x7F1];
	p5 =	por p0, p5  }
0x21e: {  	[tilespmem:$0x1FC10] =	vst v59;
	p6 =	sgt.f32 s19, $-1.000000000e+00;
	[smem:$0x7EA] =	sst s3;
	s3 =	simm.s32 @!p5 $0x0  }
0x21f: {  	[tilespmem:$0x1FD30] =	vst v18;
	v34 =	vmov s25;
	v55 =	vmov s30;
	s30 =	sld [smem:$0x7F4];
	s3 =	simm.s32 @p5 $0x1  }
0x220: {  	[tilespmem:$0x1FE20] =	vst v34;
	p5 =	seq.s32 s22, $0x1;
	[smem:$0x7EF] =	sst s3;
	s3 =	simm.s32 @!p6 $0x0  }
0x221: {  	[tilespmem:$0x1FDC0] =	vst v28;
	v8 =	vmov s18;
	s31 =	sld [smem:$0x7E0];
	p0 =	por p6, p5;
	s3 =	simm.s32 @p6 $0x1  }
0x222: {  	[tilespmem:$0x1FCA0] =	vst v8;
	[smem:$0x7F0] =	sst s3;
	s3 =	simm.s32 @!p0 $0x0  }
0x223: {  	[tilespmem:$0x1FC40] =	vst v62;
	v62 =	vmov s11;
	[smem:$0x7F8] =	sst s1;
	s3 =	simm.s32 @p0 $0x1  }
0x224: {  	[tilespmem:$0x1FFE0] =	vst v62;
	p5 =	seq.s32 s30, $0x1;
	[smem:$0x7F2] =	sst s3;
	s3 =	simm.s32 @!p1 $0x0  }
0x225: {  	[tilespmem:$0x1FDF0] =	vst v31;
	v56 =	vmov s31;
	s31 =	sld [smem:$0x7F8];
	p0 =	por p1, p5;
	s3 =	simm.s32 @p1 $0x1  }
0x226: {  	[tilespmem:$0x1FC70] =	vst v5;
	[smem:$0x7F3] =	sst s3;
	s3 =	simm.s32 @!p0 $0x0  }
0x227: {  	[tilespmem:$0x1FE50] =	vst v37;
	s3 =	simm.s32 @p0 $0x1  }
0x228: {  	[tilespmem:$0x1FE80] =	vst v40;
	p6 =	seq.s32 s31, $0x1;
	[smem:$0x7F5] =	sst s3;
	s3 =	simm.s32 @!p2 $0x0  }
0x229: {  	s2 =	sld [smem:$0x7F6];
	[tilespmem:$0x1FEB0] =	vst v43;
	p0 =	por p2, p6;
	s3 =	simm.s32 @p2 $0x1  }
0x22a: {  	[tilespmem:$0x1FEE0] =	vst v46;
	[smem:$0x7F7] =	sst s3;
	s3 =	simm.s32 @!p0 $0x0  }
0x22b: {  	s29 =	simm.s32 $0x20;
	[tilespmem:$0x1FF30] =	vst v51;
	s4 =	sld [smem:$0x7E1];
	s3 =	simm.s32 @p0 $0x1  }
0x22c: {  	s23 =	simm.s32 $0x3320;
	[tilespmem:$0x1FF20] =	vst v50;
	[smem:$0x7F9] =	sst s3;
	s3 =	simm.s32 @!p3 $0x0  }
0x22d: {  	s28 =	simm.s32 $0xA20;
	[tilespmem:$0x1FF50] =	vst v53;
	s14 =	sld [smem:$0x7EB];
	s3 =	simm.s32 @p3 $0x1  }
0x22e: {  	s20 =	simm.s32 $0x3D20;
	[tilespmem:$0x1FF40] =	vst v52;
	[smem:$0x7FA] =	sst s3;
	s3 =	simm.s32 @!p4 $0x0  }
0x22f: {  	[tilespmem:$0x1FF60] =	vst v54;
	s15 =	sld [smem:$0x7EC];
	p0 =	por p3, p4;
	s3 =	simm.s32 @p4 $0x1  }
0x230: {  	[tilespmem:$0x1FF70] =	vst v55;
	v57 =	vmov s4;
	p4 =	slt.f32 s2, $-1.000000000e+00;
	[smem:$0x7FB] =	sst s3;
	s3 =	simm.s32 @!p0 $0x0  }
0x231: {  	s25 =	simm.s32 $0x1E20;
	s18 =	simm.s32 $0x5120;
	[tilespmem:$0x1FF90] =	vst v57;
	s3 =	simm.s32 @p0 $0x1  }
0x232: {  	s19 =	simm.s32 $0x4720;
	[tilespmem:$0x1FF80] =	vst v56;
	v58 =	vmov s14;
	[smem:$0x7FC] =	sst s3;
	s3 =	simm.s32 @!p4 $0x0  }
0x233: {  	s0 =	simm.s32 $0xFFFFFFFC;
	s1 =	simm.s32 $0x5B20;
	[tilespmem:$0x1FFA0] =	vst v58;
	v59 =	vmov s15;
	s3 =	simm.s32 @p4 $0x1  }
0x234: {  	s24 =	simm.s32 $0x2920;
	s26 =	simm.s32 $0x1420;
	[tilespmem:$0x1FFB0] =	vst v59;
	[smem:$0x7FD] =	sst s3  }
.LBB2_2:
0x235: {  	v38 =	vld [tilespmem:s29+$0xFFFFFFE0]  }
0x236: {  	v34 =	vld [tilespmem:s28+$0xFFFFFFE0]  }
0x237: {  	v41 =	vld [tilespmem:s26+$0xFFFFFFE0]  }
0x238: {  	v35 =	vld [tilespmem:s25+$0xFFFFFFE0]  }
0x239: {  	v3 =	vld [tilespmem:$0x1F600]  }
0x23a: {  	v59 =	vld [tilespmem:$0x1F610]  }
0x23b: {  	v62 =	vld [tilespmem:$0x1F620]  }
0x23c: {  	v0 =	vld [tilespmem:$0x1F630]  }
0x23d: {  	v52 =	vld [tilespmem:$0x1F640]  }
0x23e: {  	v61 =	vld [tilespmem:$0x1F650]  }
0x23f: {  	v53 =	vld [tilespmem:$0x1F660]  }
0x240: {  	v63 =	vld [tilespmem:$0x1F670]  }
0x241: {  	v15 =	vld [tilespmem:$0x1F680]  }
0x242: {  	v16 =	vld [tilespmem:$0x1F690]  }
0x243: {  	v60 =	vld [tilespmem:$0x1F6A0]  }
0x244: {  	v17 =	vld [tilespmem:$0x1F6B0]  }
0x245: {  	v7 =	vld [tilespmem:$0x1F6C0]  }
0x246: {  	v5 =	vld [tilespmem:$0x1F6D0]  }
0x247: {  	v23 =	vld [tilespmem:$0x1F6E0]  }
0x248: {  	v25 =	vld [tilespmem:$0x1F6F0];
	v33 =	vsub.f32 v41, v38;
	v36 =	vsub.f32 v35, v34  }
0x249: {  	v49 =	vld [tilespmem:$0x1F700];
	v9 =	vmin.f32 v41, v3;
	v37 =	vmax.f32 v38, v59;
	v10 =	vmin.f32 v35, v62  }
0x24a: {  	v39 =	vmax.f32 v34, v0;
	v11 =	vmin.f32 v41, v52;
	v40 =	vmax.f32 v38, v61  }
0x24b: {  	v56 =	vld [tilespmem:$0x1F720];
	v12 =	vmin.f32 v35, v53;
	v42 =	vmax.f32 v34, v63;
	v43 =	vmin.f32 v41, v15  }
0x24c: {  	v44 =	vmax.f32 v38, v16;
	v45 =	vmin.f32 v35, v60;
	v46 =	vmax.f32 v34, v17  }
0x24d: {  	v31 =	vld [tilespmem:$0x1FBB0];
	v21 =	vmin.f32 v41, v7;
	v22 =	vmax.f32 v38, v5;
	v24 =	vmin.f32 v35, v23  }
0x24e: {  	v47 =	vmax.f32 v34, v25;
	v50 =	vmin.f32 v41, v49;
	v18 =	vsub.f32 v43, v44  }
0x24f: {  	v32 =	vld [tilespmem:$0x1FBE0];
	v33 =	vmul.f32 v36, v33;
	v36 =	vsub.f32 v9, v37;
	v37 =	vsub.f32 v10, v39  }
0x250: {  	v57 =	vmin.f32 v35, v56;
	v19 =	vsub.f32 v45, v46;
	v39 =	vsub.f32 v11, v40  }
0x251: {  	v40 =	vsub.f32 v12, v42;
	v36 =	vmax.f32 v36, $0.0e+00;
	v37 =	vmax.f32 v37, $0.0e+00  }
0x252: {  	v2 =	vld [tilespmem:$0x1FC10];
	v44 =	vsub.f32 v21, v22;
	v13 =	vadd.f32 v33, v31;
	v36 =	vmul.f32 v37, v36  }
0x253: {  	v26 =	vsub.f32 v24, v47;
	v47 =	vld [tilespmem:$0x1FC40];
	v39 =	vmax.f32 v39, $0.0e+00;
	v40 =	vmax.f32 v40, $0.0e+00  }
0x254: {  	v58 =	vld [tilespmem:$0x1F730];
	v14 =	vadd.f32 v33, v32;
	v39 =	vmul.f32 v40, v39;
	v37 =	vsub.f32 v13, v36  }
0x255: {  	v51 =	vld [tilespmem:$0x1F710];
	v43 =	vmax.f32 v19, $0.0e+00;
	v28 =	vmax.f32 v44, $0.0e+00;
	v29 =	vmax.f32 v26, $0.0e+00  }
0x256: {  	v6 =	vld [tilespmem:$0x1F740];
	v40 =	vmax.f32 v18, $0.0e+00;
	v42 =	vsub.f32 v14, v39;
	v37 =	vmax.f32 v37, $9.999999930e-09  }
0x257: {  	v9 =	vld [tilespmem:$0x1F750];
	v20 =	vadd.f32 v33, v2;
	v40 =	vmul.f32 v43, v40;
	(erf) = vrcp.f32 v37  }
0x258: {  	v11 =	vld [tilespmem:$0x1F760];
	v30 =	vmul.f32 v29, v28;
	v48 =	vadd.f32 v33, v47;
	v42 =	vmax.f32 v42, $9.999999930e-09  }
0x259: {  	v4 =	vmax.f32 v34, v58;
	v13 =	vld [tilespmem:$0x1F770];
	v27 =	vsub.f32 v20, v40;
	(erf) = vrcp.f32 v42  }
0x25a: {  	v54 =	vmax.f32 v38, v51;
	v15 =	vld [tilespmem:$0x1FC70];
	v44 =	vsub.f32 v57, v4;
	v43 =	vsub.f32 v48, v30  }
0x25b: {  	v8 =	vmin.f32 v41, v6;
	v55 =	vsub.f32 v50, v54;
	v19 =	vld [tilespmem:$0x1FCA0];
	v37 =	vmax.f32 v27, $9.999999930e-09  }
0x25c: {  	v26 =	vld [tilespmem:$0x1F780];
	v44 =	vmax.f32 v44, $0.0e+00;
	v43 =	vmax.f32 v43, $9.999999930e-09;
	(erf) = vrcp.f32 v37  }
0x25d: {  	v28 =	vld [tilespmem:$0x1F790];
	v10 =	vmax.f32 v38, v9;
	v12 =	vmin.f32 v35, v11;
	(erf) = vrcp.f32 v43  }
0x25e: {  	s3 =	sld [smem:$0x7FD];
	v45 =	vsub.f32 v8, v10;
	v37 =	vmax.f32 v55, $0.0e+00;
	v48 =	vmax.f32 v34, v13  }
0x25f: {  	v16 =	vadd.f32 v33, v15;
	v55 =	vld [tilespmem:$0x1F7B0];
	v14 =	vsub.f32 v12, v48;
	v37 =	vmul.f32 v44, v37  }
0x260: {  	p0 =	sgt.f32 s2, $-1.000000000e+00;
	v20 =	vadd.f32 v33, v19;
	v17 =	vmax.f32 v45, $0.0e+00;
	v21 =	vpop (erf)  }
0x261: {  	s5 =	sld [smem:$0x7FC];
	p4 =	seq.s32 s3, $0x1;
	v18 =	vmax.f32 v14, $0.0e+00;
	v44 =	vsub.f32 v16, v37;
	v36 =	vmul.f32 v21, v36  }
0x262: {  	p1 =	por p0, p4;
	v54 =	vld [tilespmem:$0x1F7A0];
	v29 =	vmax.f32 v38, v28;
	v27 =	vmin.f32 v41, v26;
	v43 =	vmul.f32 v18, v17;
	v22 =	vpop (erf)  }
0x263: {  	v44 =	vmax.f32 v44, $9.999999930e-09;
	v39 =	vmul.f32 v22, v39;
	v36 =	vpsel !p1, $0xBF800000, v36  }
0x264: {  	v1 =	vld [tilespmem:$0x1F7E0];
	p5 =	seq.s32 s5, $0x1;
	v48 =	vmax.f32 v34, v55;
	v45 =	vsub.f32 v20, v43;
	vm0 =	vgt.f32 v36, $-2.000000000e+00  }
0x265: {  	s6 =	sld [smem:$0x7F9];
	v58 =	vld [tilespmem:$0x1FCD0];
	(erf) = vrcp.f32 v44;
	v24 =	vpop (erf);
	v39 =	vpsel !p5, $0xBF800000, v39;
	v36 =	vnsel vm0, $0xC0000000, v36  }
0x266: {  	v19 =	vld [tilespmem:$0x1F810];
	v23 =	vmax.f32 v45, $9.999999930e-09;
	v40 =	vmul.f32 v24, v40;
	v25 =	vpop (erf);
	vm2 =	vgt.f32 v39, v36  }
0x267: {  	v28 =	vld [tilespmem:$0x1F800];
	v36 =	vsel vm2, v39, v36;
	v39 =	vmul.f32 v25, v30;
	v30 =	vmin.f32 v35, v54  }
0x268: {  	p2 =	seq.s32 s6, $0x1;
	v42 =	vsub.f32 v27, v29;
	v27 =	vld [tilespmem:$0x1F7F0];
	(erf) = vrcp.f32 v23;
	v49 =	vsub.f32 v30, v48  }
0x269: {  	v18 =	vld [tilespmem:$0x1F830];
	v40 =	vpsel !p2, $0xBF800000, v40  }
0x26a: {  	v51 =	vmax.f32 v42, $0.0e+00;
	v21 =	vld [tilespmem:$0x1F820];
	vm3 =	vgt.f32 v40, v36;
	v56 =	vmax.f32 v49, $0.0e+00  }
0x26b: {  	v4 =	vadd.f32 v33, v58;
	v36 =	vsel vm3, v40, v36;
	v40 =	vmul.f32 v56, v51  }
0x26c: {  	s7 =	sld [smem:$0x7F5];
	v29 =	vld [tilespmem:$0x1F840]  }
0x26d: {  	v11 =	vmin.f32 v35, v1;
	v23 =	vld [tilespmem:$0x1FD30];
	v42 =	vsub.f32 v4, v40  }
0x26e: {  	s8 =	sld [smem:$0x7F2];
	v13 =	vmin.f32 v41, v28;
	v14 =	vmax.f32 v38, v19;
	v12 =	vmax.f32 v34, v27;
	v24 =	vld [tilespmem:$0x1F850]  }
0x26f: {  	p6 =	seq.s32 s7, $0x1;
	v16 =	vmax.f32 v34, v18;
	v15 =	vmin.f32 v35, v21;
	v50 =	vpop (erf);
	v4 =	vld [tilespmem:$0x1F7D0];
	v8 =	vmax.f32 v42, $9.999999930e-09  }
0x270: {  	v39 =	vpsel !p6, $0xBF800000, v39;
	v37 =	vmul.f32 v50, v37;
	(erf) = vrcp.f32 v8;
	v8 =	vld [tilespmem:$0x1F7C0]  }
0x271: {  	p3 =	seq.s32 s8, $0x1;
	v22 =	vmin.f32 v41, v29;
	v44 =	vsub.f32 v15, v16;
	vm4 =	vgt.f32 v39, v36;
	v57 =	vpop (erf);
	v56 =	vld [tilespmem:$0x1F860]  }
0x272: {  	s9 =	sld [smem:$0x7EF];
	v36 =	vsel vm4, v39, v36;
	v37 =	vpsel !p3, $0xBF800000, v37;
	v6 =	vmul.f32 v57, v43;
	v57 =	vld [tilespmem:$0x1F870]  }
0x273: {  	v20 =	vadd.f32 v33, v23;
	v26 =	vmax.f32 v38, v24;
	vm1 =	vgt.f32 v37, v36  }
0x274: {  	v15 =	vld [tilespmem:$0x1FD00];
	v44 =	vmax.f32 v44, $0.0e+00;
	v43 =	vsub.f32 v13, v14;
	v36 =	vsel vm1, v37, v36  }
0x275: {  	p4 =	seq.s32 s9, $0x1;
	v42 =	vsub.f32 v11, v12;
	v12 =	vld [tilespmem:$0x1FD60];
	v10 =	vmax.f32 v38, v4;
	v9 =	vmin.f32 v41, v8  }
0x276: {  	v37 =	vpsel !p4, $0xBF800000, v6;
	v43 =	vmax.f32 v43, $0.0e+00;
	v39 =	vsub.f32 v9, v10  }
0x277: {  	v25 =	vld [tilespmem:$0x1F8B0];
	v43 =	vmul.f32 v44, v43;
	v30 =	vmin.f32 v35, v56;
	v49 =	vmax.f32 v34, v57  }
0x278: {  	v42 =	vmax.f32 v42, $0.0e+00;
	v6 =	vsub.f32 v30, v49;
	v30 =	vld [tilespmem:$0x1F8A0];
	v39 =	vmax.f32 v39, $0.0e+00  }
0x279: {  	v0 =	vsub.f32 v22, v26;
	v17 =	vadd.f32 v33, v15;
	v14 =	vld [tilespmem:$0x1F880];
	v39 =	vmul.f32 v42, v39  }
0x27a: {  	v13 =	vadd.f32 v33, v12;
	v12 =	vld [tilespmem:$0x1F8D0];
	v10 =	vsub.f32 v20, v43  }
0x27b: {  	v9 =	vsub.f32 v17, v39;
	v17 =	vld [tilespmem:$0x1F890]  }
0x27c: {  	v44 =	vmax.f32 v0, $0.0e+00;
	v11 =	vmax.f32 v6, $0.0e+00;
	v42 =	vmax.f32 v10, $9.999999930e-09;
	v10 =	vld [tilespmem:$0x1F8C0]  }
0x27d: {  	v26 =	vmax.f32 v34, v25;
	v6 =	vld [tilespmem:$0x1FD90];
	v44 =	vmul.f32 v11, v44;
	v22 =	vmin.f32 v35, v30  }
0x27e: {  	vm12 =	vgt.f32 v37, v36;
	v49 =	vsub.f32 v22, v26  }
0x27f: {  	v36 =	vsel vm12, v37, v36;
	v16 =	vmin.f32 v41, v14;
	v51 =	vsub.f32 v13, v44  }
0x280: {  	v25 =	vld [tilespmem:$0x1F8F0];
	v13 =	vmax.f32 v38, v12;
	v0 =	vmax.f32 v49, $0.0e+00;
	v20 =	vmax.f32 v38, v17  }
0x281: {  	v37 =	vmax.f32 v9, $9.999999930e-09;
	v11 =	vmin.f32 v41, v10;
	v46 =	vsub.f32 v16, v20;
	v16 =	vld [tilespmem:$0x1F8E0]  }
0x282: {  	v9 =	vadd.f32 v33, v6;
	(erf) = vrcp.f32 v37;
	v14 =	vsub.f32 v11, v13;
	v20 =	vld [tilespmem:$0x1F9B0]  }
0x283: {  	s10 =	sld [smem:$0x7EA];
	v37 =	vmax.f32 v51, $9.999999930e-09;
	(erf) = vrcp.f32 v42;
	v11 =	vld [tilespmem:$0x1F9C0];
	v58 =	vmax.f32 v46, $0.0e+00  }
0x284: {  	v50 =	vpop (erf);
	(erf) = vrcp.f32 v37;
	v37 =	vmax.f32 v14, $0.0e+00;
	v14 =	vld [tilespmem:$0x1FDC0];
	v42 =	vmul.f32 v0, v58  }
0x285: {  	v40 =	vmul.f32 v50, v40;
	v58 =	vld [tilespmem:$0x1F900]  }
0x286: {  	p6 =	seq.s32 s10, $0x1;
	v45 =	vsub.f32 v9, v42;
	v9 =	vld [tilespmem:$0x1F910]  }
0x287: {  	v40 =	vpsel !p6, $0xBF800000, v40;
	v17 =	vmin.f32 v35, v16;
	v22 =	vmax.f32 v34, v20  }
0x288: {  	v26 =	vmin.f32 v41, v25;
	vm5 =	vgt.f32 v40, v36;
	v46 =	vsub.f32 v17, v22  }
0x289: {  	v12 =	vmax.f32 v34, v11;
	v16 =	vadd.f32 v33, v14;
	v22 =	vld [tilespmem:$0x1FDF0];
	v45 =	vmax.f32 v45, $9.999999930e-09  }
0x28a: {  	v6 =	vmax.f32 v38, v58;
	v46 =	vmax.f32 v46, $0.0e+00;
	(erf) = vrcp.f32 v45  }
0x28b: {  	s11 =	sld [smem:$0x7E7];
	v47 =	vsub.f32 v26, v6;
	v37 =	vmul.f32 v46, v37;
	v10 =	vmin.f32 v35, v9  }
0x28c: {  	s12 =	sld [smem:$0x7E4];
	v36 =	vsel vm5, v40, v36;
	v26 =	vpop (erf);
	v13 =	vsub.f32 v10, v12  }
0x28d: {  	v39 =	vmul.f32 v26, v39;
	v50 =	vpop (erf);
	v17 =	vmax.f32 v47, $0.0e+00;
	v46 =	vsub.f32 v16, v37  }
0x28e: {  	p3 =	seq.s32 s11, $0x1;
	v25 =	vadd.f32 v33, v22;
	v40 =	vmul.f32 v50, v43;
	v22 =	vld [tilespmem:$0x1F940];
	v20 =	vmax.f32 v13, $0.0e+00  }
0x28f: {  	s13 =	sld [smem:$0x7DE];
	p4 =	seq.s32 s12, $0x1;
	v39 =	vpsel !p3, $0xBF800000, v39;
	v46 =	vmax.f32 v46, $9.999999930e-09;
	v45 =	vmul.f32 v20, v17;
	v20 =	vld [tilespmem:$0x1F9D0]  }
0x290: {  	v0 =	vpop (erf);
	vm6 =	vgt.f32 v39, v36;
	v58 =	vpsel !p4, $0xBF800000, v40;
	(erf) = vrcp.f32 v46  }
0x291: {  	v9 =	vld [tilespmem:$0x1F920];
	v40 =	vmul.f32 v0, v44;
	v36 =	vsel vm6, v39, v36;
	v47 =	vsub.f32 v25, v45  }
0x292: {  	p5 =	seq.s32 s13, $0x1;
	vm7 =	vgt.f32 v58, v36;
	v25 =	vld [tilespmem:$0x1F930]  }
0x293: {  	s14 =	sld [smem:$0x7DB];
	v40 =	vpsel !p5, $0xBF800000, v40;
	v36 =	vsel vm7, v58, v36;
	v51 =	vmax.f32 v47, $9.999999930e-09  }
0x294: {  	v12 =	vmin.f32 v35, v22;
	v6 =	vpop (erf);
	v47 =	vld [tilespmem:$0x1FE20];
	(erf) = vrcp.f32 v51;
	v13 =	vmax.f32 v34, v20  }
0x295: {  	vm8 =	vgt.f32 v40, v36;
	v39 =	vmul.f32 v6, v42;
	v14 =	vsub.f32 v12, v13;
	v12 =	vld [tilespmem:$0x1F9E0]  }
0x296: {  	v50 =	vimm.s32 $0x0;
	v10 =	vmin.f32 v41, v9;
	p5 =	seq.s32 s14, $0x1;
	v36 =	vsel vm8, v40, v36;
	v13 =	vld [tilespmem:$0x1F990]  }
0x297: {  	v39 =	vpsel !p5, $0xBF800000, v39;
	v11 =	vmax.f32 v38, v25;
	v26 =	vmax.f32 v14, $0.0e+00;
	v14 =	vld [tilespmem:$0x1F970]  }
0x298: {  	s15 =	sld [smem:$0x7D8];
	v51 =	vsel vm2, $0x1, v50;
	vm10 =	vgt.f32 v39, v36;
	v42 =	vsub.f32 v10, v11;
	v10 =	vld [tilespmem:$0x1F980]  }
0x299: {  	v43 =	vsel vm3, $0x2, v51;
	v51 =	vld [tilespmem:$0x1FE80];
	v36 =	vsel vm10, v39, v36;
	v16 =	vpop (erf)  }
0x29a: {  	v39 =	vsel vm4, $0x3, v43;
	v37 =	vmul.f32 v16, v37;
	v17 =	vmax.f32 v42, $0.0e+00;
	v16 =	vld [tilespmem:$0x1F950]  }
0x29b: {  	p5 =	seq.s32 s15, $0x1;
	v48 =	vadd.f32 v33, v47;
	v40 =	vmul.f32 v26, v17;
	v26 =	vld [tilespmem:$0x1F960];
	v9 =	vmax.f32 v34, v12  }
0x29c: {  	s16 =	sld [smem:$0x7D2];
	v47 =	vld [tilespmem:$0x1F9A0];
	v17 =	vmax.f32 v38, v13;
	v37 =	vpsel !p5, $0xBF800000, v37;
	v6 =	vmin.f32 v35, v14  }
0x29d: {  	v42 =	vsub.f32 v48, v40;
	v11 =	vmin.f32 v41, v10;
	v46 =	vpop (erf);
	v43 =	vsub.f32 v6, v9;
	v9 =	vld [tilespmem:$0x1FB00]  }
0x29e: {  	vm9 =	vgt.f32 v37, v36;
	v44 =	vsub.f32 v11, v17;
	v11 =	vld [tilespmem:$0x1FC30];
	v49 =	vmul.f32 v46, v45  }
0x29f: {  	p5 =	seq.s32 s16, $0x1;
	v36 =	vsel vm9, v37, v36;
	v42 =	vmax.f32 v42, $9.999999930e-09;
	v46 =	vadd.f32 v33, v51;
	v51 =	vld [tilespmem:$0x1FDB0]  }
0x2a0: {  	v58 =	vmin.f32 v41, v16;
	v0 =	vmax.f32 v38, v26;
	v37 =	vpsel !p5, $0xBF800000, v49;
	v49 =	vld [tilespmem:$0x1F9F0]  }
0x2a1: {  	(erf) = vrcp.f32 v42;
	v42 =	vsub.f32 v58, v0;
	v58 =	vld [tilespmem:$0x1FA00];
	_ =	sdelay $0x2  }
0x2a2: {  	v48 =	vmin.f32 v35, v47;
	v17 =	vld [tilespmem:$0x1FE50];
	v43 =	vmax.f32 v43, $0.0e+00  }
0x2a3: {  	v10 =	vmax.f32 v38, v9;
	v13 =	vmin.f32 v35, v11;
	v50 =	vmax.f32 v34, v49  }
0x2a4: {  	v6 =	vmin.f32 v41, v58;
	v58 =	vmax.f32 v34, v51;
	v45 =	vsub.f32 v48, v50  }
0x2a5: {  	v42 =	vmax.f32 v42, $0.0e+00;
	v0 =	vsub.f32 v6, v10;
	v6 =	vsub.f32 v13, v58;
	v10 =	vld [tilespmem:$0x1FEB0]  }
0x2a6: {  	v44 =	vmax.f32 v44, $0.0e+00;
	v42 =	vmul.f32 v43, v42  }
0x2a7: {  	v43 =	vadd.f32 v33, v17;
	v45 =	vmax.f32 v45, $0.0e+00;
	v9 =	vmax.f32 v6, $0.0e+00;
	v6 =	vld [tilespmem:$0x1FC50]  }
0x2a8: {  	vm13 =	vgt.f32 v37, v36;
	v11 =	vld [tilespmem:$0x1FA10];
	v44 =	vmul.f32 v45, v44  }
0x2a9: {  	v36 =	vsel vm13, v37, v36;
	v37 =	vsub.f32 v43, v42;
	v51 =	vld [tilespmem:$0x1FB10]  }
0x2aa: {  	v43 =	vsub.f32 v46, v44;
	v46 =	vadd.f32 v33, v10;
	v10 =	vld [tilespmem:$0x1FDD0]  }
0x2ab: {  	v45 =	vmax.f32 v0, $0.0e+00  }
0x2ac: {  	v45 =	vmul.f32 v9, v45;
	v9 =	vmin.f32 v35, v6;
	v6 =	vld [tilespmem:$0x1FEE0];
	_ =	sdelay $0x2  }
0x2ad: {  	v13 =	vmin.f32 v41, v11;
	v58 =	vmax.f32 v38, v51;
	v11 =	vmax.f32 v34, v10  }
0x2ae: {  	v37 =	vmax.f32 v37, $9.999999930e-09;
	v47 =	vsub.f32 v13, v58;
	v13 =	vsub.f32 v9, v11  }
0x2af: {  	(erf) = vrcp.f32 v37;
	v9 =	vadd.f32 v33, v6;
	v6 =	vld [tilespmem:$0x1FA20]  }
0x2b0: {  	v43 =	vmax.f32 v43, $9.999999930e-09;
	v58 =	vmax.f32 v47, $0.0e+00;
	v0 =	vmax.f32 v13, $0.0e+00  }
0x2b1: {  	(erf) = vrcp.f32 v43;
	v43 =	vmul.f32 v0, v58  }
0x2b2: {  	v51 =	vpop (erf);
	v11 =	vld [tilespmem:$0x1FB20]  }
0x2b3: {  	v40 =	vmul.f32 v51, v40;
	v51 =	vsub.f32 v46, v45;
	v46 =	vsub.f32 v9, v43;
	v9 =	vld [tilespmem:$0x1FC60]  }
0x2b4: {  	v10 =	vmin.f32 v41, v6;
	v6 =	vld [tilespmem:$0x1FDE0];
	_ =	sdelay $0x2  }
0x2b5: {  	v37 =	vmax.f32 v51, $9.999999930e-09;
	v51 =	vld [tilespmem:$0x1FB30]  }
0x2b6: {  	v13 =	vmax.f32 v38, v11;
	v11 =	vld [tilespmem:$0x1FA30]  }
0x2b7: {  	v58 =	vsub.f32 v10, v13;
	v0 =	vmin.f32 v35, v9;
	v10 =	vmax.f32 v34, v6  }
0x2b8: {  	v47 =	vsub.f32 v0, v10;
	v10 =	vld [tilespmem:$0x1FE00]  }
0x2b9: {  	v6 =	vld [tilespmem:$0x1FC80]  }
0x2ba: {  	(erf) = vrcp.f32 v37  }
0x2bb: {  	v37 =	vmax.f32 v58, $0.0e+00;
	v58 =	vmax.f32 v38, v51;
	v13 =	vmin.f32 v41, v11  }
0x2bc: {  	v48 =	vsub.f32 v13, v58;
	v58 =	vld [tilespmem:$0x1FF20]  }
0x2bd: {  	v11 =	vmax.f32 v34, v10;
	v10 =	vld [tilespmem:$0x1FF30]  }
0x2be: {  	v39 =	vsel vm1, $0x4, v39;
	v9 =	vmin.f32 v35, v6  }
0x2bf: {  	s17 =	sld [smem:$0x7CF];
	v46 =	vmax.f32 v46, $9.999999930e-09;
	v47 =	vmax.f32 v47, $0.0e+00;
	v13 =	vsub.f32 v9, v11  }
0x2c0: {  	v39 =	vsel vm12, $0x5, v39;
	(erf) = vrcp.f32 v46;
	v37 =	vmul.f32 v47, v37  }
0x2c1: {  	v0 =	vadd.f32 v33, v58;
	v6 =	vmax.f32 v48, $0.0e+00;
	v9 =	vmax.f32 v13, $0.0e+00  }
0x2c2: {  	s22 =	sld [smem:$0x7CC];
	v39 =	vsel vm5, $0x6, v39;
	p5 =	seq.s32 s17, $0x1;
	v49 =	vld [tilespmem:$0x1FE10];
	v46 =	vmul.f32 v9, v6;
	v11 =	vadd.f32 v33, v10  }
0x2c3: {  	v39 =	vsel vm6, $0x7, v39;
	v40 =	vpsel !p5, $0xBF800000, v40;
	v47 =	vsub.f32 v0, v37;
	v9 =	vld [tilespmem:$0x1FA40];
	v13 =	vpop (erf)  }
0x2c4: {  	s30 =	sld [smem:$0x7C7];
	vm14 =	vgt.f32 v40, v36;
	v42 =	vmul.f32 v13, v42;
	v48 =	vsub.f32 v11, v46;
	v11 =	vld [tilespmem:$0x1FB40]  }
0x2c5: {  	v39 =	vsel vm7, $0x8, v39;
	p5 =	seq.s32 s22, $0x1;
	v36 =	vsel vm14, v40, v36;
	v47 =	vmax.f32 v47, $9.999999930e-09;
	v51 =	vpop (erf)  }
0x2c6: {  	(erf) = vrcp.f32 v47;
	v47 =	vld [tilespmem:$0x1FC90];
	v40 =	vmul.f32 v51, v44;
	v42 =	vpsel !p5, $0xBF800000, v42  }
0x2c7: {  	v39 =	vsel vm8, $0x9, v39;
	p5 =	seq.s32 s30, $0x1;
	vm15 =	vgt.f32 v42, v36  }
0x2c8: {  	v50 =	vmax.f32 v34, v49;
	v0 =	vpop (erf);
	v40 =	vpsel !p5, $0xBF800000, v40;
	v36 =	vsel vm15, v42, v36  }
0x2c9: {  	s31 =	sld [smem:$0x7C4];
	v6 =	vpop (erf);
	v10 =	vmin.f32 v41, v9;
	vm8 =	vgt.f32 v40, v36;
	v13 =	vmax.f32 v38, v11  }
0x2ca: {  	v36 =	vsel vm8, v40, v36;
	v40 =	vmul.f32 v6, v43;
	v43 =	vsub.f32 v10, v13;
	v10 =	vld [tilespmem:$0x1FF40]  }
0x2cb: {  	s3 =	simm.s32 @!p0 $0x0;
	v58 =	vmax.f32 v48, $9.999999930e-09;
	v48 =	vmin.f32 v35, v47;
	v42 =	vmul.f32 v0, v45  }
0x2cc: {  	s3 =	simm.s32 @p0 $0x1;
	p0 =	seq.s32 s31, $0x1;
	(erf) = vrcp.f32 v58;
	v51 =	vsub.f32 v48, v50  }
0x2cd: {  	v39 =	vsel vm10, $0xA, v39;
	v42 =	vpsel !p0, $0xBF800000, v42  }
0x2ce: {  	v6 =	vmax.f32 v51, $0.0e+00;
	vm10 =	vgt.f32 v42, v36;
	v0 =	vmax.f32 v43, $0.0e+00  }
0x2cf: {  	v36 =	vsel vm10, v42, v36;
	v42 =	vmul.f32 v6, v0;
	v11 =	vadd.f32 v33, v10  }
0x2d0: {  	s4 =	sld [smem:$0x7C1];
	v45 =	vld [tilespmem:$0x1FA50]  }
0x2d1: {  	v43 =	vsub.f32 v11, v42;
	v11 =	vld [tilespmem:$0x1FB50]  }
0x2d2: {  	v50 =	vld [tilespmem:$0x1FA60];
	v58 =	vpop (erf)  }
0x2d3: {  	s5 =	sld [smem:$0x7BE];
	p0 =	seq.s32 s4, $0x1;
	v37 =	vmul.f32 v58, v37;
	v58 =	vld [tilespmem:$0x1FB60]  }
0x2d4: {  	v40 =	vpsel !p0, $0xBF800000, v40;
	v6 =	vld [tilespmem:$0x1FCC0]  }
0x2d5: {  	vm11 =	vgt.f32 v40, v36;
	v10 =	vld [tilespmem:$0x1FCB0];
	v9 =	vpop (erf)  }
0x2d6: {  	s6 =	sld [smem:$0x7BB];
	p0 =	seq.s32 s5, $0x1;
	v13 =	vmul.f32 v9, v46;
	v46 =	vmin.f32 v41, v45;
	v9 =	vld [tilespmem:$0x1FE30];
	v47 =	vmax.f32 v38, v11  }
0x2d7: {  	v36 =	vsel vm11, v40, v36;
	v37 =	vpsel !p0, $0xBF800000, v37;
	v40 =	vsub.f32 v46, v47;
	v47 =	vld [tilespmem:$0x1FE40]  }
0x2d8: {  	vm12 =	vgt.f32 v37, v36  }
0x2d9: {  	v51 =	vmin.f32 v41, v50;
	p0 =	seq.s32 s6, $0x1;
	v36 =	vsel vm12, v37, v36;
	v44 =	vmax.f32 v43, $9.999999930e-09  }
0x2da: {  	v0 =	vmax.f32 v38, v58;
	v58 =	vld [tilespmem:$0x1FE60];
	v37 =	vpsel !p0, $0xBF800000, v13;
	(erf) = vrcp.f32 v44  }
0x2db: {  	v48 =	vmin.f32 v35, v10;
	v44 =	vsub.f32 v51, v0;
	v0 =	vld [tilespmem:$0x1FA70];
	v49 =	vmax.f32 v34, v9  }
0x2dc: {  	v13 =	vmin.f32 v35, v6;
	v43 =	vsub.f32 v48, v49;
	v49 =	vld [tilespmem:$0x1FF50];
	v48 =	vmax.f32 v34, v47  }
0x2dd: {  	v45 =	vsub.f32 v13, v48;
	v13 =	vld [tilespmem:$0x1FB70]  }
0x2de: {  	v51 =	vld [tilespmem:$0x1FCE0];
	_ =	sdelay $0x1  }
0x2df: {  	v40 =	vmax.f32 v40, $0.0e+00;
	v43 =	vmax.f32 v43, $0.0e+00  }
0x2e0: {  	v40 =	vmul.f32 v43, v40  }
0x2e1: {  	v50 =	vld [tilespmem:$0x1FF60];
	v43 =	vadd.f32 v33, v49;
	v47 =	vmin.f32 v41, v0;
	v48 =	vmax.f32 v38, v13  }
0x2e2: {  	v49 =	vmin.f32 v35, v51;
	v51 =	vld [tilespmem:$0x1FCF0];
	v13 =	vmax.f32 v34, v58;
	v58 =	vsub.f32 v47, v48  }
0x2e3: {  	v44 =	vmax.f32 v44, $0.0e+00;
	v45 =	vmax.f32 v45, $0.0e+00;
	v6 =	vsub.f32 v49, v13;
	v49 =	vld [tilespmem:$0x1FA80]  }
0x2e4: {  	v44 =	vmul.f32 v45, v44;
	v45 =	vmax.f32 v58, $0.0e+00;
	v58 =	vld [tilespmem:$0x1FE70];
	_ =	sdelay $0x2  }
0x2e5: {  	v46 =	vadd.f32 v33, v50;
	v50 =	vld [tilespmem:$0x1FB80]  }
0x2e6: {  	v48 =	vld [tilespmem:$0x1FF70];
	v13 =	vmax.f32 v6, $0.0e+00  }
0x2e7: {  	v47 =	vmin.f32 v41, v49;
	v49 =	vmin.f32 v35, v51;
	v6 =	vmax.f32 v34, v58  }
0x2e8: {  	v39 =	vsel vm9, $0xB, v39;
	v58 =	vsub.f32 v49, v6  }
0x2e9: {  	v39 =	vsel vm13, $0xC, v39;
	vm13 =	vgt.f32 v37, v36;
	v51 =	vld [tilespmem:$0x1FA90]  }
0x2ea: {  	v36 =	vsel vm13, v37, v36;
	v37 =	vsub.f32 v43, v40;
	v49 =	vmax.f32 v58, $0.0e+00;
	v58 =	vld [tilespmem:$0x1FB90]  }
0x2eb: {  	v43 =	vsub.f32 v46, v44;
	v46 =	vadd.f32 v33, v48;
	v48 =	vmax.f32 v38, v50  }
0x2ec: {  	v37 =	vmax.f32 v37, $9.999999930e-09;
	v47 =	vsub.f32 v47, v48  }
0x2ed: {  	(erf) = vrcp.f32 v37;
	v43 =	vmax.f32 v43, $9.999999930e-09;
	v45 =	vmul.f32 v13, v45;
	v13 =	vpop (erf)  }
0x2ee: {  	v42 =	vmul.f32 v13, v42;
	v13 =	vmax.f32 v47, $0.0e+00;
	v47 =	vmin.f32 v41, v51;
	v51 =	vld [tilespmem:$0x1FD10]  }
0x2ef: {  	(erf) = vrcp.f32 v43;
	v43 =	vmul.f32 v49, v13;
	v13 =	vmax.f32 v38, v58;
	v58 =	vld [tilespmem:$0x1FE90]  }
0x2f0: {  	v6 =	vsub.f32 v46, v45;
	_ =	sdelay $0x1  }
0x2f1: {  	v37 =	vmax.f32 v6, $9.999999930e-09  }
0x2f2: {  	(erf) = vrcp.f32 v37;
	v37 =	vsub.f32 v47, v13;
	v47 =	vmin.f32 v35, v51;
	v51 =	vld [tilespmem:$0x1FBA0]  }
0x2f3: {  	v13 =	vmax.f32 v34, v58;
	v58 =	vld [tilespmem:$0x1FD20]  }
0x2f4: {  	v50 =	vld [tilespmem:$0x1FF80];
	_ =	sdelay $0x2  }
0x2f5: {  	v49 =	vmax.f32 v38, v51;
	v51 =	vld [tilespmem:$0x1FF90]  }
0x2f6: {  	v47 =	vsub.f32 v47, v13;
	v13 =	vmin.f32 v35, v58;
	v58 =	vld [tilespmem:$0x1FEA0]  }
0x2f7: {  	v46 =	vadd.f32 v33, v50;
	v50 =	vld [tilespmem:$0x1FAA0];
	_ =	sdelay $0x3  }
0x2f8: {  	v6 =	vmax.f32 v34, v58;
	v58 =	vadd.f32 v33, v51;
	v51 =	vld [tilespmem:$0x1FFA0]  }
0x2f9: {  	v46 =	vsub.f32 v46, v43;
	v48 =	vmin.f32 v41, v50;
	v37 =	vmax.f32 v37, $0.0e+00  }
0x2fa: {  	v48 =	vsub.f32 v48, v49;
	v47 =	vmax.f32 v47, $0.0e+00;
	v13 =	vsub.f32 v13, v6  }
0x2fb: {  	v46 =	vmax.f32 v46, $9.999999930e-09;
	v37 =	vmul.f32 v47, v37  }
0x2fc: {  	(erf) = vrcp.f32 v46;
	v6 =	vmax.f32 v48, $0.0e+00;
	v13 =	vmax.f32 v13, $0.0e+00  }
0x2fd: {  	v47 =	vsub.f32 v58, v37;
	v46 =	vmul.f32 v13, v6;
	v58 =	vadd.f32 v33, v51  }
0x2fe: {  	s7 =	sld [smem:$0x7B7]  }
0x2ff: {  	v48 =	vsub.f32 v58, v46;
	v58 =	vld [tilespmem:$0x1FAB0];
	_ =	sdelay $0x1  }
0x300: {  	s8 =	sld [smem:$0x7B4];
	p0 =	seq.s32 s7, $0x1  }
0x301: {  	s9 =	sld [smem:$0x7B1];
	v39 =	vsel vm14, $0xD, v39;
	v42 =	vpsel !p0, $0xBF800000, v42;
	v6 =	vpop (erf);
	v47 =	vmax.f32 v47, $9.999999930e-09  }
0x302: {  	vm14 =	vgt.f32 v42, v36;
	v40 =	vmul.f32 v6, v40;
	(erf) = vrcp.f32 v47;
	v13 =	vpop (erf)  }
0x303: {  	p0 =	seq.s32 s8, $0x1;
	v36 =	vsel vm14, v42, v36;
	v42 =	vmul.f32 v13, v44;
	v13 =	vmin.f32 v41, v58;
	v58 =	vld [tilespmem:$0x1FEC0]  }
0x304: {  	v40 =	vpsel !p0, $0xBF800000, v40;
	p0 =	seq.s32 s9, $0x1;
	v50 =	vpop (erf);
	v48 =	vmax.f32 v48, $9.999999930e-09  }
0x305: {  	v49 =	vpsel !p0, $0xBF800000, v42;
	v42 =	vmul.f32 v50, v45;
	v50 =	vld [tilespmem:$0x1FD40];
	(erf) = vrcp.f32 v48  }
0x306: {  	v48 =	vld [tilespmem:$0x1FBC0];
	_ =	sdelay $0x1  }
0x307: {  	v39 =	vsel vm15, $0xE, v39;
	vm15 =	vgt.f32 v40, v36;
	v6 =	vmax.f32 v34, v58;
	v58 =	vld [tilespmem:$0x1FFB0]  }
0x308: {  	v51 =	vpop (erf);
	v36 =	vsel vm15, v40, v36  }
0x309: {  	v40 =	vmul.f32 v51, v43;
	vm4 =	vgt.f32 v49, v36  }
0x30a: {  	v36 =	vsel vm4, v49, v36;
	v51 =	vmin.f32 v35, v50;
	v49 =	vmax.f32 v38, v48;
	v48 =	vpop (erf)  }
0x30b: {  	s10 =	sld [smem:$0x7AE];
	v43 =	vsub.f32 v13, v49;
	v37 =	vmul.f32 v48, v37;
	v48 =	vld [tilespmem:$0x1FBD0]  }
0x30c: {  	s11 =	sld [smem:$0x7AB];
	v13 =	vsub.f32 v51, v6;
	v6 =	vadd.f32 v33, v58;
	v58 =	vld [tilespmem:$0x1FED0]  }
0x30d: {  	v51 =	vpop (erf)  }
0x30e: {  	p0 =	seq.s32 s10, $0x1;
	v49 =	vmax.f32 v43, $0.0e+00;
	v50 =	vmax.f32 v13, $0.0e+00;
	v13 =	vmul.f32 v51, v46;
	v46 =	vld [tilespmem:$0x1FAC0]  }
0x30f: {  	s12 =	sld [smem:$0x7A8];
	v42 =	vpsel !p0, $0xBF800000, v42;
	p0 =	seq.s32 s11, $0x1;
	v43 =	vmul.f32 v50, v49;
	v50 =	vld [tilespmem:$0x1FD50]  }
0x310: {  	vm5 =	vgt.f32 v42, v36;
	v40 =	vpsel !p0, $0xBF800000, v40;
	v49 =	vmax.f32 v38, v48;
	v48 =	vld [tilespmem:$0x1FBF0]  }
0x311: {  	s13 =	sld [smem:$0x7A4];
	v36 =	vsel vm5, v42, v36;
	v42 =	vsub.f32 v6, v43;
	v6 =	vmax.f32 v34, v58;
	v58 =	vld [tilespmem:$0x1FAD0]  }
0x312: {  	p0 =	seq.s32 s12, $0x1;
	vm6 =	vgt.f32 v40, v36  }
0x313: {  	v39 =	vsel vm8, $0xF, v39;
	v36 =	vsel vm6, v40, v36;
	v37 =	vpsel !p0, $0xBF800000, v37  }
0x314: {  	v39 =	vsel vm10, $0x10, v39;
	p0 =	seq.s32 s13, $0x1;
	vm7 =	vgt.f32 v37, v36;
	v47 =	vmin.f32 v41, v46  }
0x315: {  	v36 =	vsel vm7, v37, v36;
	v37 =	vpsel !p0, $0xBF800000, v13;
	v40 =	vsub.f32 v47, v49  }
0x316: {  	v51 =	vmin.f32 v35, v50;
	v49 =	vmax.f32 v38, v48;
	v50 =	vld [tilespmem:$0x1FD70];
	v13 =	vmin.f32 v41, v58  }
0x317: {  	v45 =	vmax.f32 v42, $9.999999930e-09;
	v42 =	vsub.f32 v51, v6;
	v44 =	vsub.f32 v13, v49;
	v13 =	vld [tilespmem:$0x1FEF0]  }
0x318: {  	v39 =	vsel vm11, $0x11, v39;
	v47 =	vld [tilespmem:$0x1FFD0]  }
0x319: {  	v39 =	vsel vm12, $0x12, v39;
	v48 =	vld [tilespmem:$0x1FAE0];
	v40 =	vmax.f32 v40, $0.0e+00;
	v42 =	vmax.f32 v42, $0.0e+00  }
0x31a: {  	v39 =	vsel vm13, $0x13, v39;
	v46 =	vmul.f32 v42, v40;
	v42 =	vld [tilespmem:$0x1FFC0]  }
0x31b: {  	v39 =	vsel vm14, $0x14, v39;
	v51 =	vmin.f32 v35, v50;
	v50 =	vld [tilespmem:$0x1FD80]  }
0x31c: {  	v39 =	vsel vm15, $0x15, v39;
	v49 =	vld [tilespmem:$0x1FC00];
	v6 =	vmax.f32 v34, v13  }
0x31d: {  	v39 =	vsel vm4, $0x16, v39;
	(erf) = vrcp.f32 v45;
	v45 =	vsub.f32 v51, v6;
	v51 =	vld [tilespmem:$0x1FF00]  }
0x31e: {  	v39 =	vsel vm5, $0x17, v39  }
0x31f: {  	v39 =	vsel vm6, $0x18, v39  }
0x320: {  	v40 =	vadd.f32 v33, v42;
	v42 =	vmax.f32 v44, $0.0e+00;
	v44 =	vmax.f32 v45, $0.0e+00  }
0x321: {  	v45 =	vadd.f32 v33, v47;
	v47 =	vmin.f32 v41, v48;
	v48 =	vmax.f32 v38, v49  }
0x322: {  	v49 =	vmin.f32 v35, v50;
	v50 =	vmax.f32 v34, v51;
	v51 =	vsub.f32 v40, v46  }
0x323: {  	v39 =	vsel vm7, $0x19, v39;
	vm8 =	vgt.f32 v37, v36  }
0x324: {  	v6 =	vsub.f32 v47, v48;
	v48 =	vsel vm8, $0x1A, v39;
	v39 =	vmax.f32 v51, $9.999999930e-09;
	v51 =	vld [tilespmem:$0x1FFE0]  }
0x325: {  	v47 =	vsub.f32 v49, v50;
	_ =	sdelay $0x1  }
0x326: {  	v6 =	vmax.f32 v6, $0.0e+00;
	v50 =	vmax.f32 v47, $0.0e+00  }
0x327: {  	v44 =	vmul.f32 v44, v42;
	v42 =	vmul.f32 v50, v6;
	v50 =	vld [tilespmem:$0x1FAF0]  }
0x328: {  	v6 =	vadd.f32 v33, v51;
	v51 =	vld [tilespmem:$0x1FC20]  }
0x329: {  	v40 =	vld [tilespmem:s26+$0xFFFFFFF0]  }
0x32a: {  	v49 =	vsel vm8, v37, v36;
	v37 =	vld [tilespmem:s29+$0xFFFFFFF0];
	_ =	sdelay $0x1  }
0x32b: {  	v45 =	vsub.f32 v45, v44;
	v41 =	vmin.f32 v41, v50;
	v50 =	vld [tilespmem:$0x1FDA0]  }
0x32c: {  	v47 =	vpop (erf);
	v38 =	vmax.f32 v38, v51;
	v51 =	vld [tilespmem:$0x1FF10]  }
0x32d: {  	v36 =	vld [tilespmem:s28+$0xFFFFFFF0];
	v45 =	vmax.f32 v45, $9.999999930e-09;
	v43 =	vmul.f32 v47, v43;
	v47 =	vsub.f32 v6, v42  }
0x32e: {  	(erf) = vrcp.f32 v39;
	v39 =	vld [tilespmem:s25+$0xFFFFFFF0];
	v59 =	vmax.f32 v37, v59;
	v6 =	vmin.f32 v40, v3  }
0x32f: {  	(erf) = vrcp.f32 v45;
	v45 =	vmax.f32 v47, $9.999999930e-09;
	v47 =	vsub.f32 v6, v59;
	v59 =	vld [tilespmem:$0x1F630];
	_ =	sdelay $0x1  }
0x330: {  	v35 =	vmin.f32 v35, v50;
	v34 =	vmax.f32 v34, v51  }
0x331: {  	v38 =	vsub.f32 v41, v38;
	v34 =	vsub.f32 v35, v34  }
0x332: {  	v3 =	vmin.f32 v39, v62  }
0x333: {  	v38 =	vmax.f32 v38, $0.0e+00;
	v6 =	vmax.f32 v36, v59;
	v34 =	vmax.f32 v34, $0.0e+00  }
0x334: {  	v50 =	vsub.f32 v3, v6;
	v3 =	vmul.f32 v34, v38;
	v34 =	vld [tilespmem:$0x1FFF0];
	_ =	sdelay $0x1  }
0x335: {  	v41 =	vsub.f32 v39, v36;
	v35 =	vsub.f32 v40, v37;
	_ =	sdelay $0x1  }
0x336: {  	v41 =	vmul.f32 v41, v35  }
0x337: {  	v35 =	vmax.f32 v50, $0.0e+00;
	v50 =	vmin.f32 v40, v52;
	v33 =	vadd.f32 v33, v34  }
0x338: {  	v34 =	vmax.f32 v47, $0.0e+00;
	v47 =	vadd.f32 v41, v31;
	v31 =	vmax.f32 v37, v61  }
0x339: {  	v31 =	vsub.f32 v50, v31;
	_ =	sdelay $0x2  }
0x33a: {  	v6 =	vmax.f32 v36, v63;
	v52 =	vadd.f32 v41, v32;
	v32 =	vld [tilespmem:$0x1F680]  }
0x33b: {  	v61 =	vmin.f32 v39, v53;
	v34 =	vmul.f32 v35, v34;
	v35 =	vld [tilespmem:$0x1F690];
	v38 =	vmax.f32 v31, $0.0e+00;
	v31 =	vpop (erf)  }
0x33c: {  	v61 =	vsub.f32 v61, v6;
	v46 =	vmul.f32 v31, v46;
	v31 =	vld [tilespmem:$0x1F6B0]  }
0x33d: {  	v33 =	vsub.f32 v33, v3  }
0x33e: {  	[tilespmem:$0x1F560] =	vst v3;
	v3 =	vsub.f32 v47, v34;
	v6 =	vmax.f32 v61, $0.0e+00  }
0x33f: {  	(erf) = vrcp.f32 v45;
	v33 =	vmax.f32 v33, $9.999999930e-09;
	v47 =	vmul.f32 v6, v38  }
0x340: {  	v38 =	vmin.f32 v40, v32;
	(erf) = vrcp.f32 v33;
	v53 =	vmax.f32 v3, $9.999999930e-09  }
0x341: {  	v3 =	vmin.f32 v39, v60;
	v61 =	vmax.f32 v37, v35;
	v6 =	vmax.f32 v36, v31  }
0x342: {  	s14 =	sld [smem:$0x7A1];
	(erf) = vrcp.f32 v53;
	v38 =	vsub.f32 v38, v61;
	v53 =	vsub.f32 v3, v6;
	_ =	sdelay $0x1  }
0x343: {  	v60 =	vmax.f32 v38, $0.0e+00;
	v61 =	vmax.f32 v53, $0.0e+00  }
0x344: {  	p0 =	seq.s32 s14, $0x1;
	v45 =	vmul.f32 v61, v60;
	v60 =	vld [tilespmem:$0x1F6E0]  }
0x345: {  	v43 =	vpsel !p0, $0xBF800000, v43;
	v61 =	vld [tilespmem:$0x1F6F0]  }
0x346: {  	vm0 =	vgt.f32 v43, v49;
	v33 =	vsub.f32 v52, v47  }
0x347: {  	v5 =	vmax.f32 v37, v5;
	v49 =	vsel vm0, v43, v49;
	v3 =	vpop (erf)  }
0x348: {  	v2 =	vadd.f32 v41, v2;
	v50 =	vmin.f32 v40, v7;
	v33 =	vmax.f32 v33, $9.999999930e-09;
	v43 =	vpop (erf)  }
0x349: {  	v50 =	vsub.f32 v50, v5;
	(erf) = vrcp.f32 v33;
	v38 =	vpop (erf)  }
0x34a: {  	s15 =	sld [smem:$0x79D];
	v5 =	vpop (erf);
	v33 =	vsub.f32 v2, v45;
	v6 =	vmin.f32 v39, v60;
	v7 =	vmax.f32 v36, v61  }
0x34b: {  	v44 =	vmul.f32 v3, v44;
	v2 =	vld [tilespmem:$0x1F730];
	v3 =	vsub.f32 v6, v7;
	v6 =	vmul.f32 v5, v34  }
0x34c: {  	v33 =	vmax.f32 v33, $9.999999930e-09;
	v5 =	vld [tilespmem:$0x1F700]  }
0x34d: {  	p0 =	seq.s32 s15, $0x1;
	(erf) = vrcp.f32 v33;
	v33 =	vpsel !p1, $0xBF800000, v6;
	v6 =	vld [tilespmem:$0x1F720]  }
0x34e: {  	v48 =	vsel vm0, $0x1B, v48;
	v46 =	vpsel !p0, $0xBF800000, v46  }
0x34f: {  	vm0 =	vgt.f32 v46, v49;
	[tilespmem:$0x1F570] =	vst v38;
	v7 =	vmax.f32 v50, $0.0e+00;
	v38 =	vmax.f32 v3, $0.0e+00  }
0x350: {  	s16 =	sld [smem:$0x79A];
	v46 =	vsel vm0, v46, v49;
	v49 =	vmul.f32 v38, v7;
	v38 =	vld [tilespmem:$0x1FC40]  }
0x351: {  	v50 =	vmin.f32 v40, v5;
	v5 =	vld [tilespmem:$0x1F710]  }
0x352: {  	v34 =	vmax.f32 v36, v2;
	v3 =	vpop (erf);
	v7 =	vmin.f32 v39, v6  }
0x353: {  	p0 =	seq.s32 s16, $0x1;
	v47 =	vmul.f32 v3, v47;
	v3 =	vsub.f32 v7, v34  }
0x354: {  	v44 =	vpsel !p0, $0xBF800000, v44  }
0x355: {  	v48 =	vsel vm0, $0x1C, v48;
	vm0 =	vgt.f32 v44, v46  }
0x356: {  	v53 =	vsel vm0, $0x1D, v48;
	v52 =	vadd.f32 v41, v38;
	v51 =	vmax.f32 v37, v5  }
0x357: {  	[tilespmem:$0x1F590] =	vst v53;
	v53 =	vmax.f32 v3, $0.0e+00;
	v50 =	vsub.f32 v50, v51;
	v3 =	vpop (erf)  }
0x358: {  	v48 =	vsub.f32 v52, v49;
	v45 =	vmul.f32 v3, v45;
	v3 =	vld [tilespmem:$0x1F740]  }
0x359: {  	v51 =	vld [tilespmem:$0x1F750];
	v7 =	vmax.f32 v50, $0.0e+00  }
0x35a: {  	s17 =	sld [smem:$0x7FC];
	v6 =	vmax.f32 v48, $9.999999930e-09;
	v48 =	vmul.f32 v53, v7;
	v7 =	vld [tilespmem:$0x1FC70]  }
0x35b: {  	v53 =	vld [tilespmem:$0x1F760]  }
0x35c: {  	[smem:$0x74A] =	sst s3;
	s3 =	simm.s32 @!p1 $0x0  }
0x35d: {  	s3 =	simm.s32 @p1 $0x1;
	p1 =	seq.s32 s17, $0x1;
	vm9 =	vgt.f32 v33, $-2.000000000e+00;
	v34 =	vmin.f32 v40, v3;
	v3 =	vld [tilespmem:$0x1F770]  }
0x35e: {  	v47 =	vpsel !p1, $0xBF800000, v47;
	v52 =	vnsel vm9, $0xC0000000, v33;
	v33 =	vsel vm0, v44, v46  }
0x35f: {  	vm1 =	vgt.f32 v47, v52;
	(erf) = vrcp.f32 v6;
	v6 =	vadd.f32 v41, v7  }
0x360: {  	v44 =	vsel vm1, v47, v52;
	v52 =	vmax.f32 v37, v51;
	v50 =	vmin.f32 v39, v53;
	v53 =	vld [tilespmem:$0x1F780]  }
0x361: {  	v47 =	vsub.f32 v34, v52;
	v52 =	vld [tilespmem:$0x1FCA0];
	v46 =	vsub.f32 v6, v48  }
0x362: {  	v45 =	vpsel !p2, $0xBF800000, v45;
	v34 =	vmax.f32 v36, v3;
	v3 =	vld [tilespmem:$0x1F790]  }
0x363: {  	v42 =	vmul.f32 v43, v42;
	vm10 =	vgt.f32 v45, v44;
	v46 =	vmax.f32 v46, $9.999999930e-09  }
0x364: {  	v44 =	vsel vm10, v45, v44;
	v50 =	vsub.f32 v50, v34;
	(erf) = vrcp.f32 v46  }
0x365: {  	v46 =	vmax.f32 v47, $0.0e+00;
	v51 =	vmin.f32 v40, v53;
	v34 =	vmin.f32 v39, v54  }
0x366: {  	v54 =	vimm.s32 $0x0;
	v47 =	vmax.f32 v50, $0.0e+00;
	v50 =	vadd.f32 v41, v52  }
0x367: {  	v46 =	vmul.f32 v47, v46;
	v6 =	vmax.f32 v37, v3;
	v3 =	vmax.f32 v36, v55  }
0x368: {  	s22 =	sld [smem:$0x7F5];
	v52 =	vsel vm1, $0x1, v54;
	v55 =	vpop (erf);
	v6 =	vsub.f32 v51, v6;
	v34 =	vsub.f32 v34, v3  }
0x369: {  	v52 =	vsel vm10, $0x2, v52;
	v45 =	vmul.f32 v55, v49;
	v49 =	vsub.f32 v50, v46;
	v3 =	vld [tilespmem:$0x1FCD0]  }
0x36a: {  	v47 =	vmax.f32 v6, $0.0e+00;
	v55 =	vmax.f32 v34, $0.0e+00;
	v6 =	vmin.f32 v40, v8  }
0x36b: {  	p0 =	seq.s32 s22, $0x1;
	v8 =	vmax.f32 v37, v4;
	v34 =	vmin.f32 v39, v1;
	v1 =	vmax.f32 v36, v27  }
0x36c: {  	v45 =	vpsel !p0, $0xBF800000, v45;
	v49 =	vmax.f32 v49, $9.999999930e-09;
	v27 =	vadd.f32 v41, v15  }
0x36d: {  	v47 =	vmul.f32 v55, v47;
	v51 =	vsub.f32 v6, v8;
	vm11 =	vgt.f32 v45, v44  }
0x36e: {  	(erf) = vrcp.f32 v49;
	v50 =	vadd.f32 v41, v3;
	v3 =	vsub.f32 v34, v1;
	v8 =	vpop (erf)  }
0x36f: {  	v44 =	vsel vm11, v45, v44;
	v4 =	vmax.f32 v51, $0.0e+00;
	v34 =	vmul.f32 v8, v48  }
0x370: {  	v8 =	vmax.f32 v36, v18;
	v50 =	vsub.f32 v50, v47;
	v6 =	vmax.f32 v3, $0.0e+00  }
0x371: {  	s30 =	sld [smem:$0x7F2];
	v3 =	vmin.f32 v40, v28;
	v49 =	vmul.f32 v6, v4;
	v4 =	vmax.f32 v37, v19  }
0x372: {  	v6 =	vmin.f32 v39, v21;
	v19 =	vadd.f32 v41, v23;
	v21 =	vmin.f32 v40, v29  }
0x373: {  	v23 =	vmax.f32 v37, v24;
	v50 =	vmax.f32 v50, $9.999999930e-09;
	v51 =	vsub.f32 v6, v8  }
0x374: {  	p2 =	seq.s32 s30, $0x1;
	(erf) = vrcp.f32 v50;
	v1 =	vsub.f32 v27, v49;
	v50 =	vsub.f32 v3, v4  }
0x375: {  	v45 =	vpsel !p2, $0xBF800000, v34;
	v24 =	vmin.f32 v39, v56;
	v29 =	vsub.f32 v21, v23  }
0x376: {  	v8 =	vld [tilespmem:$0x1FD60];
	v18 =	vmax.f32 v51, $0.0e+00;
	v48 =	vmax.f32 v1, $9.999999930e-09;
	v15 =	vmax.f32 v50, $0.0e+00  }
0x377: {  	v23 =	vld [tilespmem:$0x1F890];
	v27 =	vmax.f32 v36, v57;
	v28 =	vpop (erf);
	(erf) = vrcp.f32 v48;
	v48 =	vmul.f32 v18, v15  }
0x378: {  	s31 =	sld [smem:$0x7EF];
	vm12 =	vgt.f32 v45, v44;
	v34 =	vsub.f32 v24, v27;
	v55 =	vmul.f32 v28, v46;
	v28 =	vld [tilespmem:$0x1F8B0]  }
0x379: {  	v44 =	vsel vm12, v45, v44;
	v4 =	vsel vm11, $0x3, v52;
	v56 =	vsub.f32 v19, v48;
	v19 =	vld [tilespmem:$0x1F880]  }
0x37a: {  	v27 =	vmin.f32 v39, v30;
	v50 =	vmax.f32 v29, $0.0e+00;
	v57 =	vmax.f32 v34, $0.0e+00  }
0x37b: {  	p1 =	seq.s32 s31, $0x1;
	v43 =	vsel vm12, $0x4, v4;
	v50 =	vmul.f32 v57, v50;
	v15 =	vadd.f32 v41, v8  }
0x37c: {  	v53 =	vld [tilespmem:$0x1FA30];
	v24 =	vmax.f32 v37, v23;
	v45 =	vpsel !p1, $0xBF800000, v55;
	v46 =	vmax.f32 v56, $9.999999930e-09  }
0x37d: {  	v4 =	vld [tilespmem:$0x1F8F0];
	vm13 =	vgt.f32 v45, v44;
	v18 =	vsub.f32 v15, v50;
	(erf) = vrcp.f32 v46;
	v1 =	vpop (erf)  }
0x37e: {  	v57 =	vld [tilespmem:$0x1FD90];
	v29 =	vmax.f32 v36, v28;
	v47 =	vmul.f32 v1, v47;
	v21 =	vmin.f32 v40, v19  }
0x37f: {  	v46 =	vmax.f32 v18, $9.999999930e-09;
	v30 =	vsub.f32 v27, v29;
	v51 =	vsub.f32 v21, v24;
	v21 =	vld [tilespmem:$0x1F8E0]  }
0x380: {  	v44 =	vsel vm13, v45, v44;
	(erf) = vrcp.f32 v46;
	v24 =	vld [tilespmem:$0x1F9B0];
	v34 =	vpsel !p6, $0xBF800000, v47;
	v54 =	vpop (erf)  }
0x381: {  	v56 =	vmax.f32 v30, $0.0e+00;
	v30 =	vld [tilespmem:$0x1F8C0];
	vm14 =	vgt.f32 v34, v44;
	v46 =	vmul.f32 v54, v49  }
0x382: {  	v6 =	vmin.f32 v40, v4;
	v44 =	vsel vm14, v34, v44;
	v34 =	vld [tilespmem:$0x1F8D0]  }
0x383: {  	v43 =	vsel vm13, $0x5, v43;
	v55 =	vmax.f32 v51, $0.0e+00;
	v8 =	vpsel !p3, $0xBF800000, v46  }
0x384: {  	v3 =	vadd.f32 v41, v57;
	v47 =	vmul.f32 v56, v55;
	vm15 =	vgt.f32 v8, v44  }
0x385: {  	v23 =	vmin.f32 v39, v21;
	v27 =	vmax.f32 v36, v24;
	v44 =	vsel vm15, v8, v44;
	v8 =	vld [tilespmem:$0x1FDC0]  }
0x386: {  	v54 =	vmin.f32 v40, v53;
	v15 =	vsub.f32 v3, v47;
	v28 =	vpop (erf);
	v29 =	vsub.f32 v23, v27;
	v23 =	vld [tilespmem:$0x1F9C0]  }
0x387: {  	v18 =	vmin.f32 v40, v30;
	v55 =	vmul.f32 v28, v48;
	v19 =	vmax.f32 v37, v34  }
0x388: {  	v43 =	vsel vm14, $0x6, v43;
	v46 =	vmax.f32 v15, $9.999999930e-09;
	v15 =	vld [tilespmem:$0x1F900];
	v49 =	vsub.f32 v18, v19  }
0x389: {  	v4 =	vld [tilespmem:$0x1F920];
	v43 =	vsel vm15, $0x7, v43;
	(erf) = vrcp.f32 v46;
	v45 =	vpsel !p4, $0xBF800000, v55  }
0x38a: {  	s4 =	sld [smem:$0x7DE];
	v1 =	vpop (erf);
	v57 =	vmax.f32 v29, $0.0e+00;
	v19 =	vld [tilespmem:$0x1F910];
	vm9 =	vgt.f32 v45, v44;
	v56 =	vmax.f32 v49, $0.0e+00  }
0x38b: {  	v3 =	vadd.f32 v41, v8;
	v49 =	vmul.f32 v1, v50;
	v24 =	vmax.f32 v36, v23  }
0x38c: {  	v44 =	vsel vm9, v45, v44;
	v43 =	vsel vm9, $0x8, v43;
	v46 =	vmul.f32 v57, v56  }
0x38d: {  	p6 =	seq.s32 s4, $0x1;
	v18 =	vmax.f32 v37, v15;
	v15 =	vmax.f32 v37, v25;
	v25 =	vmin.f32 v40, v16  }
0x38e: {  	v23 =	vld [tilespmem:$0x1FE20];
	v50 =	vsub.f32 v6, v18;
	v49 =	vpsel !p6, $0xBF800000, v49;
	v6 =	vmin.f32 v40, v4  }
0x38f: {  	v56 =	vld [tilespmem:$0x1FDF0];
	v18 =	vmin.f32 v39, v22;
	v48 =	vsub.f32 v3, v46;
	v21 =	vmin.f32 v39, v19  }
0x390: {  	v19 =	vmax.f32 v36, v20;
	vm10 =	vgt.f32 v49, v44;
	v28 =	vsub.f32 v21, v24  }
0x391: {  	v29 =	vmax.f32 v50, $0.0e+00;
	v21 =	vsub.f32 v6, v15;
	v22 =	vsub.f32 v18, v19  }
0x392: {  	v44 =	vsel vm10, v49, v44;
	v6 =	vadd.f32 v41, v17;
	v15 =	vld [tilespmem:$0x1F990];
	v27 =	vmax.f32 v48, $9.999999930e-09  }
0x393: {  	v17 =	vld [tilespmem:$0x1F9A0];
	v43 =	vsel vm10, $0x9, v43;
	v24 =	vadd.f32 v41, v23;
	(erf) = vrcp.f32 v27  }
0x394: {  	s5 =	sld [smem:$0x7DB];
	v19 =	vld [tilespmem:$0x1F9F0];
	v48 =	vmax.f32 v28, $0.0e+00;
	v57 =	vadd.f32 v41, v56;
	v51 =	vmax.f32 v22, $0.0e+00  }
0x395: {  	v20 =	vpop (erf);
	v27 =	vmax.f32 v37, v26;
	v28 =	vmin.f32 v39, v14;
	v45 =	vmul.f32 v48, v29  }
0x396: {  	v22 =	vld [tilespmem:$0x1FE80];
	v47 =	vmul.f32 v20, v47;
	v48 =	vmax.f32 v21, $0.0e+00;
	v29 =	vmax.f32 v36, v12  }
0x397: {  	p3 =	seq.s32 s5, $0x1;
	v26 =	vld [tilespmem:$0x1FB00];
	v48 =	vmul.f32 v51, v48;
	v1 =	vsub.f32 v28, v29;
	v50 =	vsub.f32 v57, v45  }
0x398: {  	v12 =	vld [tilespmem:$0x1F980];
	v57 =	vsub.f32 v25, v27;
	v47 =	vpsel !p3, $0xBF800000, v47;
	v16 =	vmax.f32 v37, v15  }
0x399: {  	v18 =	vmin.f32 v39, v17;
	v20 =	vmax.f32 v36, v19;
	v51 =	vsub.f32 v24, v48  }
0x39a: {  	v28 =	vld [tilespmem:$0x1FC30];
	v3 =	vmax.f32 v1, $0.0e+00;
	vm11 =	vgt.f32 v47, v44;
	v21 =	vsub.f32 v18, v20  }
0x39b: {  	v24 =	vld [tilespmem:$0x1FA00];
	v1 =	vmax.f32 v37, v11;
	v50 =	vmax.f32 v50, $9.999999930e-09;
	v49 =	vmax.f32 v57, $0.0e+00  }
0x39c: {  	v18 =	vld [tilespmem:$0x1FEB0];
	v44 =	vsel vm11, v47, v44;
	v23 =	vadd.f32 v41, v22;
	v27 =	vmax.f32 v37, v26  }
0x39d: {  	v57 =	vld [tilespmem:$0x1FDB0];
	(erf) = vrcp.f32 v50;
	v51 =	vmax.f32 v51, $9.999999930e-09;
	v14 =	vmin.f32 v40, v12  }
0x39e: {  	v26 =	vld [tilespmem:$0x1FC50];
	v49 =	vmul.f32 v3, v49;
	(erf) = vrcp.f32 v51;
	v51 =	vsub.f32 v14, v16  }
0x39f: {  	v22 =	vld [tilespmem:$0x1FA10];
	v43 =	vsel vm11, $0xA, v43;
	v47 =	vmax.f32 v21, $0.0e+00;
	v3 =	vmin.f32 v39, v10  }
0x3a0: {  	s6 =	sld [smem:$0x7D8];
	v29 =	vmin.f32 v39, v28;
	v28 =	vld [tilespmem:$0x1FDD0];
	v50 =	vsub.f32 v6, v49;
	v4 =	vpop (erf);
	v51 =	vmax.f32 v51, $0.0e+00  }
0x3a1: {  	v25 =	vmin.f32 v40, v24;
	v19 =	vadd.f32 v41, v18;
	v46 =	vmul.f32 v4, v46  }
0x3a2: {  	v50 =	vmax.f32 v50, $9.999999930e-09;
	v4 =	vmax.f32 v36, v57;
	v47 =	vmul.f32 v47, v51  }
0x3a3: {  	s9 =	sld [smem:$0x796];
	p4 =	seq.s32 s6, $0x1;
	v24 =	vld [tilespmem:$0x1FB10];
	v12 =	vsub.f32 v25, v27;
	v27 =	vmin.f32 v39, v26;
	v14 =	vsub.f32 v29, v4  }
0x3a4: {  	(erf) = vrcp.f32 v50;
	v46 =	vpsel !p4, $0xBF800000, v46;
	v15 =	vsub.f32 v23, v47  }
0x3a5: {  	v51 =	vmax.f32 v12, $0.0e+00;
	v23 =	vmin.f32 v40, v22;
	v29 =	vmax.f32 v36, v28  }
0x3a6: {  	v55 =	vld [tilespmem:$0x1FB30];
	p4 =	seq.s32 s9, $0x1;
	vm12 =	vgt.f32 v46, v44;
	v16 =	vmax.f32 v14, $0.0e+00;
	v56 =	vsub.f32 v27, v29  }
0x3a7: {  	v14 =	vld [tilespmem:$0x1FEE0];
	v42 =	vpsel !p4, $0xBF800000, v42;
	v44 =	vsel vm12, v46, v44;
	v51 =	vmul.f32 v16, v51  }
0x3a8: {  	s7 =	sld [smem:$0x7D2];
	v27 =	vld [tilespmem:$0x1FF20];
	v20 =	vmax.f32 v15, $9.999999930e-09;
	v25 =	vmax.f32 v37, v24;
	v43 =	vsel vm12, $0xB, v43  }
0x3a9: {  	s8 =	sld [smem:$0x7CF];
	vm4 =	vgt.f32 v42, v33;
	v6 =	vpop (erf);
	(erf) = vrcp.f32 v20;
	v50 =	vsub.f32 v23, v25  }
0x3aa: {  	v12 =	vmax.f32 v56, $0.0e+00;
	v23 =	vld [tilespmem:$0x1FDE0];
	v45 =	vmul.f32 v6, v45;
	v17 =	vpop (erf);
	v21 =	vsub.f32 v19, v51  }
0x3ab: {  	p6 =	seq.s32 s7, $0x1;
	v56 =	vmax.f32 v37, v55;
	v19 =	vld [tilespmem:$0x1FB20];
	v46 =	vmul.f32 v17, v48;
	v6 =	vmax.f32 v50, $0.0e+00  }
0x3ac: {  	p3 =	seq.s32 s8, $0x1;
	v17 =	vld [tilespmem:$0x1FA20];
	v45 =	vpsel !p6, $0xBF800000, v45;
	v4 =	vmax.f32 v21, $9.999999930e-09;
	v15 =	vadd.f32 v41, v14  }
0x3ad: {  	v21 =	vld [tilespmem:$0x1FC60];
	v28 =	vadd.f32 v41, v27;
	vm13 =	vgt.f32 v45, v44;
	v57 =	vpsel !p3, $0xBF800000, v46  }
0x3ae: {  	s10 =	sld [smem:$0x7CC];
	v14 =	vld [tilespmem:$0x1FA40];
	(erf) = vrcp.f32 v4;
	v46 =	vmul.f32 v12, v6;
	v44 =	vsel vm13, v45, v44  }
0x3af: {  	v6 =	vld [tilespmem:$0x1FE00];
	v16 =	vpop (erf);
	v24 =	vmax.f32 v36, v23;
	v43 =	vsel vm13, $0xC, v43;
	vm14 =	vgt.f32 v57, v44  }
0x3b0: {  	v45 =	vmul.f32 v16, v49;
	v48 =	vsub.f32 v15, v46;
	v20 =	vmax.f32 v37, v19  }
0x3b1: {  	p6 =	seq.s32 s10, $0x1;
	v16 =	vld [tilespmem:$0x1FB40];
	v44 =	vsel vm14, v57, v44;
	v18 =	vmin.f32 v40, v17;
	v43 =	vsel vm14, $0xD, v43  }
0x3b2: {  	v57 =	vld [tilespmem:$0x1FC80];
	v22 =	vmin.f32 v39, v21;
	v45 =	vpsel !p6, $0xBF800000, v45;
	v49 =	vsub.f32 v18, v20  }
0x3b3: {  	v48 =	vmax.f32 v48, $9.999999930e-09;
	v15 =	vmin.f32 v40, v14;
	v18 =	vld [tilespmem:$0x1FC90];
	v26 =	vsub.f32 v22, v24  }
0x3b4: {  	v20 =	vld [tilespmem:$0x1FE10];
	v25 =	vpop (erf);
	vm15 =	vgt.f32 v45, v44;
	(erf) = vrcp.f32 v48;
	v12 =	vmax.f32 v36, v6  }
0x3b5: {  	v14 =	vld [tilespmem:$0x1FA60];
	v47 =	vmul.f32 v25, v47;
	v49 =	vmax.f32 v49, $0.0e+00;
	v44 =	vsel vm15, v45, v44  }
0x3b6: {  	v24 =	vld [tilespmem:$0x1FF30];
	v45 =	vsub.f32 v54, v56;
	v43 =	vsel vm15, $0xE, v43;
	v50 =	vmax.f32 v26, $0.0e+00  }
0x3b7: {  	v56 =	vld [tilespmem:$0x1FA50];
	v17 =	vmax.f32 v37, v16;
	v48 =	vmul.f32 v50, v49;
	v29 =	vpsel !p5, $0xBF800000, v47  }
0x3b8: {  	v26 =	vld [tilespmem:$0x1FF40];
	v4 =	vmin.f32 v39, v57;
	v45 =	vmax.f32 v45, $0.0e+00;
	v50 =	vsub.f32 v15, v17  }
0x3b9: {  	s11 =	sld [smem:$0x7C4];
	v16 =	vld [tilespmem:$0x1FB60];
	v52 =	vpop (erf);
	vm8 =	vgt.f32 v29, v44;
	v19 =	vmin.f32 v39, v18;
	v21 =	vmax.f32 v36, v20  }
0x3ba: {  	v15 =	vmin.f32 v40, v14;
	v47 =	vmul.f32 v52, v51;
	v49 =	vsub.f32 v28, v48  }
0x3bb: {  	v11 =	vld [tilespmem:$0x1FF50];
	v44 =	vsel vm8, v29, v44;
	v22 =	vsub.f32 v19, v21;
	v25 =	vadd.f32 v41, v24  }
0x3bc: {  	p6 =	seq.s32 s11, $0x1;
	v50 =	vmax.f32 v50, $0.0e+00;
	v43 =	vsel vm8, $0xF, v43;
	v57 =	vmin.f32 v40, v56  }
0x3bd: {  	v18 =	vld [tilespmem:$0x1FCC0];
	v47 =	vpsel !p6, $0xBF800000, v47;
	v49 =	vmax.f32 v49, $9.999999930e-09;
	v51 =	vmax.f32 v22, $0.0e+00  }
0x3be: {  	v20 =	vld [tilespmem:$0x1FE40];
	v27 =	vadd.f32 v41, v26;
	v17 =	vmax.f32 v37, v16;
	(erf) = vrcp.f32 v49  }
0x3bf: {  	v49 =	vsub.f32 v4, v12;
	vm9 =	vgt.f32 v47, v44;
	v50 =	vmul.f32 v51, v50  }
0x3c0: {  	v4 =	vmax.f32 v36, v9;
	v9 =	vsub.f32 v57, v1;
	v12 =	vadd.f32 v41, v11  }
0x3c1: {  	v26 =	vld [tilespmem:$0x1FF60];
	v22 =	vsub.f32 v15, v17;
	v57 =	vmin.f32 v40, v0;
	v49 =	vmax.f32 v49, $0.0e+00  }
0x3c2: {  	s12 =	sld [smem:$0x7C1];
	v23 =	vpop (erf);
	v44 =	vsel vm9, v47, v44;
	v10 =	vsub.f32 v3, v4;
	v45 =	vmul.f32 v49, v45  }
0x3c3: {  	v19 =	vmin.f32 v39, v18;
	v21 =	vmax.f32 v36, v20;
	v46 =	vmul.f32 v23, v46  }
0x3c4: {  	v47 =	vmax.f32 v9, $0.0e+00;
	v51 =	vmax.f32 v10, $0.0e+00;
	v49 =	vsub.f32 v25, v45  }
0x3c5: {  	p4 =	seq.s32 s12, $0x1;
	v11 =	vld [tilespmem:$0x1FE60];
	v29 =	vsub.f32 v27, v50;
	v23 =	vsub.f32 v19, v21;
	v47 =	vmul.f32 v51, v47  }
0x3c6: {  	v4 =	vld [tilespmem:$0x1FB70];
	v46 =	vpsel !p4, $0xBF800000, v46;
	v27 =	vadd.f32 v41, v26;
	v28 =	vmax.f32 v49, $9.999999930e-09  }
0x3c7: {  	v9 =	vld [tilespmem:$0x1FCE0];
	v24 =	vsub.f32 v12, v47;
	v49 =	vmax.f32 v29, $9.999999930e-09;
	(erf) = vrcp.f32 v28  }
0x3c8: {  	v18 =	vld [tilespmem:$0x1FF70];
	vm10 =	vgt.f32 v46, v44;
	v25 =	vmax.f32 v23, $0.0e+00;
	(erf) = vrcp.f32 v49  }
0x3c9: {  	v44 =	vsel vm10, v46, v44;
	v46 =	vmax.f32 v24, $9.999999930e-09;
	v49 =	vmax.f32 v22, $0.0e+00  }
0x3ca: {  	s13 =	sld [smem:$0x7BE];
	v56 =	vld [tilespmem:$0x1FE70];
	v23 =	vsel vm9, $0x10, v43;
	v49 =	vmul.f32 v25, v49;
	(erf) = vrcp.f32 v46  }
0x3cb: {  	v12 =	vmax.f32 v36, v11;
	v6 =	vpop (erf);
	v22 =	vsel vm4, v42, v33;
	v42 =	vsel vm10, $0x11, v23;
	v23 =	vld [tilespmem:$0x1FB90]  }
0x3cc: {  	v10 =	vmin.f32 v39, v9;
	v48 =	vmul.f32 v6, v48;
	v25 =	vld [tilespmem:$0x1FA80];
	v29 =	vsub.f32 v27, v49  }
0x3cd: {  	p1 =	seq.s32 s13, $0x1;
	v19 =	vadd.f32 v41, v18;
	v14 =	vsub.f32 v10, v12;
	v6 =	vmax.f32 v37, v4;
	v27 =	vld [tilespmem:$0x1FB80]  }
0x3ce: {  	v51 =	vsub.f32 v57, v6;
	v48 =	vpsel !p1, $0xBF800000, v48;
	v46 =	vmax.f32 v29, $9.999999930e-09;
	v29 =	vld [tilespmem:$0x1FCF0]  }
0x3cf: {  	v17 =	vmax.f32 v14, $0.0e+00;
	v57 =	vmax.f32 v36, v56;
	vm11 =	vgt.f32 v48, v44  }
0x3d0: {  	s14 =	sld [smem:$0x7BB];
	[tilespmem:$0x1F5E0] =	vst v22;
	v22 =	vld [tilespmem:$0x1FBA0];
	v16 =	vmax.f32 v51, $0.0e+00;
	v44 =	vsel vm11, v48, v44;
	(erf) = vrcp.f32 v46;
	v28 =	vpop (erf)  }
0x3d1: {  	v48 =	vsel vm11, $0x12, v42;
	v26 =	vmin.f32 v40, v25;
	v25 =	vld [tilespmem:$0x1FAA0];
	v45 =	vmul.f32 v28, v45;
	v15 =	vpop (erf)  }
0x3d2: {  	s15 =	sld [smem:$0x7B7];
	v28 =	vmax.f32 v37, v27;
	v46 =	vmul.f32 v15, v50;
	v50 =	vmul.f32 v17, v16  }
0x3d3: {  	s16 =	sld [smem:$0x7B4];
	p5 =	seq.s32 s14, $0x1;
	v12 =	vmax.f32 v37, v23;
	v27 =	vld [tilespmem:$0x1FE90];
	v24 =	vpop (erf);
	v33 =	vmin.f32 v39, v29;
	v0 =	vsub.f32 v26, v28  }
0x3d4: {  	v45 =	vpsel !p5, $0xBF800000, v45;
	v43 =	vmul.f32 v24, v47;
	v21 =	vsub.f32 v19, v50  }
0x3d5: {  	p3 =	seq.s32 s15, $0x1;
	v28 =	vld [tilespmem:$0x1FD10];
	v1 =	vsub.f32 v33, v57;
	v24 =	vmax.f32 v37, v22;
	vm12 =	vgt.f32 v45, v44  }
0x3d6: {  	v20 =	vpsel !p3, $0xBF800000, v46;
	p3 =	seq.s32 s16, $0x1;
	v19 =	vmin.f32 v40, v25;
	v46 =	vmax.f32 v21, $9.999999930e-09;
	v21 =	vld [tilespmem:$0x1FA90]  }
0x3d7: {  	v44 =	vsel vm12, v45, v44;
	v43 =	vpsel !p3, $0xBF800000, v43;
	v47 =	vmax.f32 v1, $0.0e+00  }
0x3d8: {  	s17 =	sld [smem:$0x7B1];
	v33 =	vld [tilespmem:$0x1FF80];
	v26 =	vsub.f32 v19, v24;
	vm13 =	vgt.f32 v20, v44;
	v15 =	vmax.f32 v36, v27  }
0x3d9: {  	(erf) = vrcp.f32 v46;
	v44 =	vsel vm13, v20, v44;
	v3 =	vpop (erf);
	v46 =	vmax.f32 v0, $0.0e+00  }
0x3da: {  	v57 =	vld [tilespmem:$0x1FBC0];
	v14 =	vmin.f32 v39, v28;
	v45 =	vmul.f32 v3, v49;
	vm14 =	vgt.f32 v43, v44  }
0x3db: {  	p3 =	seq.s32 s17, $0x1;
	v24 =	vld [tilespmem:$0x1FAB0];
	v46 =	vmul.f32 v47, v46;
	v47 =	vsub.f32 v14, v15;
	v11 =	vmin.f32 v40, v21  }
0x3dc: {  	v20 =	vld [tilespmem:$0x1FEA0];
	v6 =	vsel vm14, v43, v44;
	v9 =	vpsel !p3, $0xBF800000, v45;
	v45 =	vsub.f32 v11, v12  }
0x3dd: {  	v4 =	vadd.f32 v41, v33;
	v43 =	vmax.f32 v26, $0.0e+00;
	v26 =	vld [tilespmem:$0x1FD40];
	vm6 =	vgt.f32 v9, v6  }
0x3de: {  	v18 =	vmax.f32 v47, $0.0e+00;
	v42 =	vsel vm6, v9, v6;
	v9 =	vld [tilespmem:$0x1FEC0];
	v16 =	vmax.f32 v45, $0.0e+00  }
0x3df: {  	v10 =	vsub.f32 v4, v46;
	v52 =	vmul.f32 v18, v16;
	v16 =	vld [tilespmem:$0x1FD20]  }
0x3e0: {  	v19 =	vld [tilespmem:$0x1FF90]  }
0x3e1: {  	v15 =	vld [tilespmem:$0x1FFA0];
	v44 =	vmax.f32 v10, $9.999999930e-09  }
0x3e2: {  	v56 =	vmin.f32 v40, v24;
	v4 =	vmax.f32 v37, v57;
	(erf) = vrcp.f32 v44  }
0x3e3: {  	v49 =	vsub.f32 v56, v4;
	v55 =	vmax.f32 v36, v20  }
0x3e4: {  	v57 =	vld [tilespmem:$0x1FBD0];
	v6 =	vmin.f32 v39, v26;
	v10 =	vmax.f32 v36, v9;
	v54 =	vmin.f32 v39, v16  }
0x3e5: {  	v12 =	vld [tilespmem:$0x1FD70];
	v17 =	vpop (erf);
	v11 =	vsub.f32 v6, v10;
	v47 =	vsub.f32 v54, v55  }
0x3e6: {  	s22 =	sld [smem:$0x7AE];
	v29 =	vadd.f32 v41, v19;
	v14 =	vadd.f32 v41, v15;
	v44 =	vmul.f32 v17, v50;
	v10 =	vld [tilespmem:$0x1FBF0]  }
0x3e7: {  	v17 =	vmax.f32 v49, $0.0e+00;
	v18 =	vmax.f32 v11, $0.0e+00;
	v11 =	vld [tilespmem:$0x1FFB0];
	v47 =	vmax.f32 v47, $0.0e+00  }
0x3e8: {  	v45 =	vsub.f32 v29, v52;
	v50 =	vmul.f32 v18, v17;
	v17 =	vld [tilespmem:$0x1FD50];
	v53 =	vmul.f32 v47, v43  }
0x3e9: {  	p3 =	seq.s32 s22, $0x1;
	v4 =	vmin.f32 v40, v58;
	v0 =	vmax.f32 v37, v57;
	v18 =	vld [tilespmem:$0x1FED0]  }
0x3ea: {  	s30 =	sld [smem:$0x7AB];
	v44 =	vpsel !p3, $0xBF800000, v44;
	v45 =	vmax.f32 v45, $9.999999930e-09;
	v43 =	vsub.f32 v14, v53;
	v14 =	vld [tilespmem:$0x1FAC0]  }
0x3eb: {  	v9 =	vmin.f32 v39, v12;
	vm5 =	vgt.f32 v44, v42;
	(erf) = vrcp.f32 v45;
	v29 =	vpop (erf)  }
0x3ec: {  	v46 =	vmul.f32 v29, v46;
	v6 =	vmax.f32 v37, v10;
	v29 =	vmax.f32 v36, v13  }
0x3ed: {  	p3 =	seq.s32 s30, $0x1;
	v47 =	vsel vm5, v44, v42;
	v45 =	vsub.f32 v4, v6;
	v49 =	vadd.f32 v41, v11  }
0x3ee: {  	v57 =	vld [tilespmem:$0x1FFD0];
	v54 =	vpsel !p3, $0xBF800000, v46;
	v46 =	vsub.f32 v9, v29;
	v1 =	vmin.f32 v39, v17  }
0x3ef: {  	v4 =	vld [tilespmem:$0x1FF00];
	v3 =	vmax.f32 v36, v18;
	v43 =	vmax.f32 v43, $9.999999930e-09;
	v56 =	vmin.f32 v40, v14  }
0x3f0: {  	v9 =	vld [tilespmem:$0x1FAE0];
	v44 =	vsub.f32 v1, v3;
	(erf) = vrcp.f32 v43;
	v43 =	vsub.f32 v56, v0  }
0x3f1: {  	v29 =	vld [tilespmem:$0x1FD80];
	v51 =	vsub.f32 v49, v50  }
0x3f2: {  	v58 =	vld [tilespmem:$0x1FC00];
	v44 =	vmax.f32 v44, $0.0e+00;
	v43 =	vmax.f32 v43, $0.0e+00  }
0x3f3: {  	v42 =	vmax.f32 v51, $9.999999930e-09;
	v51 =	vmul.f32 v44, v43;
	v44 =	vld [tilespmem:$0x1FFC0]  }
0x3f4: {  	v6 =	vmax.f32 v36, v4;
	v4 =	vld [tilespmem:$0x1FFE0]  }
0x3f5: {  	v49 =	vmax.f32 v46, $0.0e+00  }
0x3f6: {  	v46 =	vadd.f32 v41, v57;
	v55 =	vmin.f32 v40, v9;
	v57 =	vmin.f32 v39, v29  }
0x3f7: {  	(erf) = vrcp.f32 v42;
	v42 =	vld [tilespmem:s29+$0x0];
	v1 =	vsub.f32 v57, v6;
	v56 =	vmax.f32 v37, v58  }
0x3f8: {  	v58 =	vld [tilespmem:$0x1FC20];
	v0 =	vsub.f32 v55, v56;
	v43 =	vadd.f32 v41, v44;
	v44 =	vmax.f32 v45, $0.0e+00  }
0x3f9: {  	v6 =	vadd.f32 v41, v4;
	v4 =	vld [tilespmem:$0x1F610];
	v49 =	vmul.f32 v49, v44  }
0x3fa: {  	v3 =	vmax.f32 v0, $0.0e+00;
	v0 =	vld [tilespmem:$0x1F600];
	v45 =	vmax.f32 v1, $0.0e+00;
	v43 =	vsub.f32 v43, v51  }
0x3fb: {  	v1 =	vld [tilespmem:$0x1FF10];
	v55 =	vsub.f32 v46, v49;
	v46 =	vmul.f32 v45, v3  }
0x3fc: {  	v3 =	vld [tilespmem:$0x1FDA0];
	v56 =	vmax.f32 v43, $9.999999930e-09  }
0x3fd: {  	(erf) = vrcp.f32 v56;
	v56 =	vsub.f32 v6, v46;
	v6 =	vld [tilespmem:$0x1FAF0]  }
0x3fe: {  	v43 =	vld [tilespmem:s26+$0x0]  }
0x3ff: {  	vm7 =	vgt.f32 v54, v47;
	v45 =	vld [tilespmem:s25+$0x0]  }
0x400: {  	v54 =	vsel vm7, v54, v47;
	v44 =	vld [tilespmem:s28+$0x0]  }
0x401: {  	v37 =	vmax.f32 v37, v58;
	v47 =	vmax.f32 v55, $9.999999930e-09;
	v36 =	vmax.f32 v36, v1;
	v55 =	vpop (erf)  }
0x402: {  	v52 =	vmul.f32 v55, v52;
	v39 =	vmin.f32 v39, v3;
	v40 =	vmin.f32 v40, v6  }
0x403: {  	v36 =	vsub.f32 v39, v36;
	v55 =	vmin.f32 v43, v0;
	v37 =	vsub.f32 v40, v37  }
0x404: {  	v0 =	vmin.f32 v45, v62;
	v40 =	vmax.f32 v56, $9.999999930e-09;
	v56 =	vmax.f32 v42, v4  }
0x405: {  	v4 =	vmax.f32 v44, v59;
	v36 =	vmax.f32 v36, $0.0e+00;
	v37 =	vmax.f32 v37, $0.0e+00  }
0x406: {  	v55 =	vsub.f32 v55, v56;
	v56 =	vsub.f32 v0, v4;
	v0 =	vmul.f32 v36, v37  }
0x407: {  	v57 =	vld [tilespmem:$0x1FBB0]  }
0x408: {  	[smem:$0x74B] =	sst s3;
	(erf) = vrcp.f32 v47;
	v4 =	vld [tilespmem:$0x1FFF0];
	[tilespmem:$0x1F5A0] =	vst v0  }
0x409: {  	v58 =	vld [tilespmem:$0x1F640]  }
0x40a: {  	v47 =	vsub.f32 v45, v44;
	v39 =	vsub.f32 v43, v42;
	v59 =	vld [tilespmem:$0x1F650]  }
0x40b: {  	v62 =	vld [tilespmem:$0x1F660]  }
0x40c: {  	v47 =	vmul.f32 v47, v39  }
0x40d: {  	v63 =	vmax.f32 v44, v63;
	v37 =	vadd.f32 v41, v4  }
0x40e: {  	v39 =	vmax.f32 v56, $0.0e+00;
	v41 =	vmax.f32 v55, $0.0e+00;
	v55 =	vadd.f32 v47, v57  }
0x40f: {  	v37 =	vsub.f32 v37, v0;
	v0 =	vld [tilespmem:$0x1F6A0];
	v56 =	vmin.f32 v43, v58;
	v57 =	vmax.f32 v42, v59  }
0x410: {  	v41 =	vmul.f32 v39, v41;
	v58 =	vmin.f32 v45, v62;
	v62 =	vsub.f32 v56, v57  }
0x411: {  	(erf) = vrcp.f32 v40;
	v37 =	vmax.f32 v37, $9.999999930e-09;
	v63 =	vsub.f32 v58, v63  }
0x412: {  	v40 =	vsub.f32 v55, v41;
	(erf) = vrcp.f32 v37;
	v39 =	vmax.f32 v62, $0.0e+00  }
0x413: {  	v59 =	vld [tilespmem:$0x1FBE0];
	v58 =	vmax.f32 v63, $0.0e+00;
	v62 =	vmin.f32 v43, v32;
	v63 =	vmax.f32 v42, v35  }
0x414: {  	v32 =	vmin.f32 v45, v0;
	v35 =	vmax.f32 v44, v31;
	v0 =	vmax.f32 v40, $9.999999930e-09  }
0x415: {  	v56 =	vsub.f32 v62, v63;
	v62 =	vsub.f32 v32, v35;
	(erf) = vrcp.f32 v0;
	v0 =	vld [tilespmem:$0x1F6D0];
	_ =	sdelay $0x1  }
0x416: {  	v32 =	vmax.f32 v62, $0.0e+00;
	v62 =	vld [tilespmem:$0x1F6C0]  }
0x417: {  	v55 =	vmul.f32 v58, v39;
	v39 =	vadd.f32 v47, v59  }
0x418: {  	v31 =	vmax.f32 v56, $0.0e+00  }
0x419: {  	v63 =	vsub.f32 v39, v55;
	v40 =	vmul.f32 v32, v31;
	v32 =	vmax.f32 v42, v0;
	v0 =	vld [tilespmem:$0x1F700]  }
0x41a: {  	v59 =	vld [tilespmem:$0x1FC10]  }
0x41b: {  	s31 =	sld [smem:$0x7A8];
	v35 =	vpop (erf);
	v37 =	vmax.f32 v63, $9.999999930e-09;
	v63 =	vmin.f32 v43, v62  }
0x41c: {  	v53 =	vmul.f32 v35, v53;
	v35 =	vsub.f32 v63, v32;
	_ =	sdelay $0x1  }
0x41d: {  	p3 =	seq.s32 s31, $0x1;
	(erf) = vrcp.f32 v37;
	v37 =	vmax.f32 v35, $0.0e+00;
	v35 =	vmin.f32 v43, v0;
	v0 =	vld [tilespmem:$0x1F720]  }
0x41e: {  	v52 =	vpsel !p3, $0xBF800000, v52;
	v56 =	vadd.f32 v47, v59  }
0x41f: {  	v48 =	vsel vm12, $0x13, v48;
	vm9 =	vgt.f32 v52, v54  }
0x420: {  	v62 =	vmin.f32 v45, v60;
	v39 =	vsub.f32 v56, v40;
	v63 =	vmax.f32 v44, v61  }
0x421: {  	v36 =	vmax.f32 v42, v5;
	v52 =	vsel vm9, v52, v54;
	v56 =	vsub.f32 v62, v63  }
0x422: {  	s4 =	sld [smem:$0x7A4];
	v31 =	vmax.f32 v44, v2;
	v39 =	vmax.f32 v39, $9.999999930e-09;
	v5 =	vmin.f32 v45, v0  }
0x423: {  	v56 =	vmax.f32 v56, $0.0e+00;
	v57 =	vsub.f32 v35, v36;
	v32 =	vsub.f32 v5, v31  }
0x424: {  	v35 =	vadd.f32 v47, v38;
	(erf) = vrcp.f32 v39;
	v37 =	vmul.f32 v56, v37  }
0x425: {  	p3 =	seq.s32 s4, $0x1;
	v59 =	vpop (erf);
	v0 =	vmax.f32 v57, $0.0e+00;
	v5 =	vadd.f32 v47, v7;
	v7 =	vld [tilespmem:$0x1F560];
	v2 =	vmax.f32 v32, $0.0e+00  }
0x426: {  	v53 =	vpsel !p3, $0xBF800000, v53;
	v60 =	vpop (erf);
	v56 =	vsub.f32 v35, v37;
	v31 =	vld [tilespmem:$0x1F570];
	v57 =	vmul.f32 v2, v0  }
0x427: {  	v48 =	vsel vm13, $0x14, v48;
	s5 =	sld [smem:$0x7A1];
	vm8 =	vgt.f32 v53, v52;
	v58 =	vpop (erf)  }
0x428: {  	v50 =	vmul.f32 v59, v50;
	v59 =	vld [tilespmem:$0x1F770];
	v39 =	vpop (erf);
	v35 =	vmax.f32 v56, $9.999999930e-09;
	v36 =	vsub.f32 v5, v57  }
0x429: {  	v52 =	vsel vm8, v53, v52;
	v51 =	vmul.f32 v60, v51;
	v32 =	vpop (erf);
	(erf) = vrcp.f32 v35  }
0x42a: {  	s6 =	sld [smem:$0x74B];
	p3 =	seq.s32 s5, $0x1;
	v62 =	vsel vm14, $0x15, v48;
	v49 =	vmul.f32 v58, v49;
	v35 =	vld [tilespmem:$0x1F750];
	v61 =	vmax.f32 v36, $9.999999930e-09  }
0x42b: {  	s7 =	sld [smem:$0x79D];
	v50 =	vpsel !p3, $0xBF800000, v50;
	v2 =	vmul.f32 v31, v7;
	v38 =	vpop (erf);
	v31 =	vld [tilespmem:$0x1F740];
	(erf) = vrcp.f32 v61  }
0x42c: {  	s8 =	sld [smem:$0x7FC];
	vm15 =	vgt.f32 v50, v52;
	v5 =	vimm.s32 $0x0;
	v41 =	vmul.f32 v38, v41;
	v63 =	vpop (erf);
	v38 =	vld [tilespmem:$0x1F760]  }
0x42d: {  	p3 =	seq.s32 s6, $0x1;
	v50 =	vsel vm15, v50, v52;
	v60 =	vmax.f32 v44, v59;
	v0 =	vsel vm15, $0xFFFFFFFF, v5;
	v7 =	vpop (erf)  }
0x42e: {  	s9 =	sld [smem:$0x7F9];
	v53 =	vmul.f32 v63, v55;
	v41 =	vpsel !p3, $0xBF800000, v41;
	p3 =	seq.s32 s7, $0x1;
	v40 =	vmul.f32 v7, v40  }
0x42f: {  	v58 =	vld [tilespmem:$0x1F7C0];
	vm10 =	vgt.f32 v41, $-2.000000000e+00;
	v51 =	vpsel !p3, $0xBF800000, v51;
	p3 =	seq.s32 s8, $0x1;
	v36 =	vmax.f32 v42, v35  }
0x430: {  	[tilespmem:$0x1F5B0] =	vst v32;
	v35 =	vld [tilespmem:$0x1F790];
	v41 =	vnsel vm10, $0xC0000000, v41;
	v53 =	vpsel !p3, $0xBF800000, v53;
	v32 =	vmin.f32 v43, v31  }
0x431: {  	p3 =	seq.s32 s9, $0x1;
	v31 =	vld [tilespmem:$0x1F780];
	v48 =	vmin.f32 v45, v38;
	vm0 =	vgt.f32 v53, v41;
	v52 =	vsub.f32 v32, v36  }
0x432: {  	[tilespmem:$0x1F580] =	vst v62;
	v40 =	vpsel !p3, $0xBF800000, v40;
	v61 =	vsub.f32 v48, v60;
	v41 =	vsel vm0, v53, v41;
	v48 =	vld [tilespmem:$0x1FCA0];
	v62 =	vpop (erf)  }
0x433: {  	v56 =	vld [tilespmem:$0x1F7B0];
	vm3 =	vgt.f32 v40, v41;
	v37 =	vmul.f32 v62, v37  }
0x434: {  	s10 =	sld [smem:$0x79A];
	[tilespmem:$0x1F5C0] =	vst v0;
	v60 =	vld [tilespmem:$0x1F7D0];
	v52 =	vmax.f32 v52, $0.0e+00;
	v63 =	vmax.f32 v61, $0.0e+00;
	v40 =	vsel vm3, v40, v41;
	v0 =	vpop (erf)  }
0x435: {  	v36 =	vmax.f32 v42, v35;
	v62 =	vld [tilespmem:$0x1F7E0];
	v37 =	vpsel !p0, $0xBF800000, v37;
	v5 =	vmul.f32 v0, v57  }
0x436: {  	v52 =	vmul.f32 v63, v52;
	v32 =	vmin.f32 v43, v31;
	v31 =	vld [tilespmem:$0x1F7A0];
	vm10 =	vgt.f32 v37, v40  }
0x437: {  	[tilespmem:$0x1F5D0] =	vst v2;
	p3 =	seq.s32 s10, $0x1;
	v2 =	vadd.f32 v47, v48;
	v37 =	vsel vm10, v37, v40;
	v40 =	vpsel !p2, $0xBF800000, v5;
	v5 =	vld [tilespmem:$0x1F7F0]  }
0x438: {  	v41 =	vpsel !p3, $0xBF800000, v49;
	v49 =	vsub.f32 v32, v36;
	v32 =	vld [tilespmem:$0x1FCD0]  }
0x439: {  	v36 =	vld [tilespmem:$0x1F800];
	v53 =	vsub.f32 v2, v52  }
0x43a: {  	vm1 =	vgt.f32 v51, v50;
	v61 =	vmax.f32 v42, v60;
	v60 =	vld [tilespmem:$0x1F810]  }
0x43b: {  	v57 =	vmax.f32 v44, v56;
	v63 =	vmin.f32 v45, v62;
	v62 =	vld [tilespmem:$0x1F820];
	v7 =	vmax.f32 v53, $9.999999930e-09  }
0x43c: {  	v38 =	vmin.f32 v45, v31;
	(erf) = vrcp.f32 v7;
	v7 =	vmax.f32 v44, v5;
	v5 =	vld [tilespmem:$0x1F830]  }
0x43d: {  	v59 =	vmin.f32 v43, v58;
	v50 =	vsel vm1, v51, v50;
	v35 =	vld [tilespmem:$0x1FD00];
	v51 =	vsub.f32 v38, v57  }
0x43e: {  	v49 =	vmax.f32 v49, $0.0e+00;
	v53 =	vsub.f32 v59, v61  }
0x43f: {  	v38 =	vmin.f32 v43, v36;
	v61 =	vmax.f32 v42, v60;
	v51 =	vmax.f32 v51, $0.0e+00  }
0x440: {  	v49 =	vmul.f32 v51, v49;
	v51 =	vadd.f32 v47, v32;
	v32 =	vsub.f32 v38, v61  }
0x441: {  	v61 =	vld [tilespmem:$0x1F840];
	v54 =	vsub.f32 v63, v7;
	v63 =	vmin.f32 v45, v62;
	v7 =	vmax.f32 v44, v5  }
0x442: {  	v55 =	vadd.f32 v47, v35;
	v35 =	vsub.f32 v63, v7;
	v63 =	vld [tilespmem:$0x1F860]  }
0x443: {  	v7 =	vld [tilespmem:$0x1F870]  }
0x444: {  	v62 =	vld [tilespmem:$0x1F850]  }
0x445: {  	vm11 =	vgt.f32 v40, v37;
	v36 =	vld [tilespmem:$0x1F880];
	v53 =	vmax.f32 v53, $0.0e+00;
	v54 =	vmax.f32 v54, $0.0e+00  }
0x446: {  	v40 =	vsel vm11, v40, v37;
	v60 =	vld [tilespmem:$0x1FD30];
	v37 =	vsub.f32 v51, v49;
	v53 =	vmul.f32 v54, v53  }
0x447: {  	v54 =	vmax.f32 v32, $0.0e+00;
	v56 =	vmin.f32 v43, v61;
	v59 =	vmax.f32 v35, $0.0e+00  }
0x448: {  	v54 =	vmul.f32 v59, v54;
	v59 =	vld [tilespmem:$0x1F890];
	v5 =	vmin.f32 v45, v63;
	v32 =	vmax.f32 v44, v7  }
0x449: {  	v51 =	vsub.f32 v55, v53;
	v57 =	vmax.f32 v42, v62;
	v0 =	vsub.f32 v5, v32;
	v32 =	vld [tilespmem:$0x1FD60]  }
0x44a: {  	v38 =	vmin.f32 v43, v36;
	v37 =	vmax.f32 v37, $9.999999930e-09;
	v56 =	vsub.f32 v56, v57  }
0x44b: {  	v36 =	vld [tilespmem:$0x1F9B0];
	(erf) = vrcp.f32 v37;
	v55 =	vadd.f32 v47, v60;
	v51 =	vmax.f32 v51, $9.999999930e-09  }
0x44c: {  	v62 =	vld [tilespmem:$0x1F8A0];
	(erf) = vrcp.f32 v51;
	v35 =	vpop (erf);
	v5 =	vmax.f32 v56, $0.0e+00;
	v7 =	vmax.f32 v0, $0.0e+00  }
0x44d: {  	v52 =	vmul.f32 v35, v52;
	v2 =	vsub.f32 v55, v54;
	v51 =	vmul.f32 v7, v5;
	v5 =	vld [tilespmem:$0x1F8B0]  }
0x44e: {  	v60 =	vmax.f32 v42, v59;
	v35 =	vadd.f32 v47, v32;
	v32 =	vmax.f32 v42, v34;
	v34 =	vld [tilespmem:$0x1F8E0]  }
0x44f: {  	v61 =	vsub.f32 v38, v60  }
0x450: {  	v30 =	vmin.f32 v43, v30;
	v37 =	vmax.f32 v2, $9.999999930e-09  }
0x451: {  	v63 =	vmin.f32 v45, v62;
	(erf) = vrcp.f32 v37;
	v37 =	vmax.f32 v61, $0.0e+00;
	v61 =	vld [tilespmem:$0x1FD90]  }
0x452: {  	v38 =	vmax.f32 v44, v36;
	v57 =	vsub.f32 v30, v32;
	v7 =	vmax.f32 v44, v5  }
0x453: {  	v55 =	vsub.f32 v35, v51;
	v56 =	vsub.f32 v63, v7;
	v35 =	vmin.f32 v45, v34  }
0x454: {  	v60 =	vsub.f32 v35, v38  }
0x455: {  	v55 =	vmax.f32 v55, $9.999999930e-09;
	v63 =	vmax.f32 v57, $0.0e+00;
	v56 =	vmax.f32 v56, $0.0e+00  }
0x456: {  	s11 =	sld [smem:$0x7EF];
	v62 =	vadd.f32 v47, v61;
	v56 =	vmul.f32 v56, v37;
	v0 =	vmax.f32 v60, $0.0e+00  }
0x457: {  	v59 =	vld [tilespmem:$0x1F900];
	v5 =	vadd.f32 v47, v8;
	(erf) = vrcp.f32 v55;
	v55 =	vmul.f32 v0, v63  }
0x458: {  	v57 =	vld [tilespmem:$0x1F8F0];
	v2 =	vsub.f32 v62, v56  }
0x459: {  	s12 =	sld [smem:$0x796];
	v39 =	vmul.f32 v39, v46;
	p3 =	seq.s32 s11, $0x1;
	vm2 =	vgt.f32 v41, v50;
	v61 =	vld [tilespmem:$0x1F910];
	v30 =	vsub.f32 v5, v55  }
0x45a: {  	s13 =	sld [smem:$0x7EA];
	v52 =	vpsel !p3, $0xBF800000, v52;
	v7 =	vpop (erf);
	v37 =	vsel vm2, v41, v50;
	v63 =	vld [tilespmem:$0x1F9C0];
	v8 =	vmax.f32 v2, $9.999999930e-09  }
0x45b: {  	v41 =	vmul.f32 v7, v49;
	(erf) = vrcp.f32 v8;
	v49 =	vmax.f32 v30, $9.999999930e-09  }
0x45c: {  	p2 =	seq.s32 s12, $0x1;
	vm13 =	vgt.f32 v52, v40;
	(erf) = vrcp.f32 v49  }
0x45d: {  	v39 =	vpsel !p2, $0xBF800000, v39;
	p2 =	seq.s32 s13, $0x1;
	v40 =	vsel vm13, v52, v40;
	v35 =	vimm.s32 $0x0;
	v32 =	vpop (erf)  }
0x45e: {  	v34 =	vmul.f32 v32, v53;
	v60 =	vmax.f32 v42, v59;
	v32 =	vld [tilespmem:$0x1FDF0];
	v41 =	vpsel !p2, $0xBF800000, v41  }
0x45f: {  	s14 =	sld [smem:$0x7E7];
	v58 =	vmin.f32 v43, v57;
	v62 =	vmin.f32 v45, v61;
	v5 =	vmax.f32 v44, v63  }
0x460: {  	v53 =	vpop (erf);
	vm12 =	vgt.f32 v41, v40;
	v50 =	vsub.f32 v58, v60;
	v7 =	vsub.f32 v62, v5;
	v62 =	vld [tilespmem:$0x1F950]  }
0x461: {  	s15 =	sld [smem:$0x7E4];
	v36 =	vsel vm0, $0x1, v35;
	v46 =	vmul.f32 v53, v54;
	v40 =	vsel vm12, v41, v40;
	v54 =	vpop (erf);
	v5 =	vld [tilespmem:$0x1F960]  }
0x462: {  	p2 =	seq.s32 s14, $0x1;
	v50 =	vmax.f32 v50, $0.0e+00;
	v41 =	vmul.f32 v54, v51;
	v51 =	vmax.f32 v7, $0.0e+00  }
0x463: {  	v57 =	vld [tilespmem:$0x1F930];
	v52 =	vpsel !p2, $0xBF800000, v34;
	v34 =	vadd.f32 v47, v32;
	v50 =	vmul.f32 v51, v50  }
0x464: {  	s16 =	sld [smem:$0x7DE];
	v38 =	vsel vm3, $0x2, v36;
	p2 =	seq.s32 s15, $0x1;
	v60 =	vld [tilespmem:$0x1F9D0];
	vm14 =	vgt.f32 v52, v40;
	v8 =	vpop (erf)  }
0x465: {  	v46 =	vpsel !p2, $0xBF800000, v46;
	v40 =	vsel vm14, v52, v40;
	v51 =	vsub.f32 v34, v50;
	v34 =	vld [tilespmem:$0x1F9E0];
	v30 =	vpop (erf)  }
0x466: {  	s17 =	sld [smem:$0x7DB];
	v63 =	vmin.f32 v43, v62;
	v7 =	vmax.f32 v42, v5;
	v36 =	vmul.f32 v30, v55;
	v30 =	vld [tilespmem:$0x1F940]  }
0x467: {  	p2 =	seq.s32 s16, $0x1;
	v49 =	vsel vm10, $0x3, v38;
	vm0 =	vgt.f32 v46, v40;
	v53 =	vsub.f32 v63, v7;
	v63 =	vld [tilespmem:$0x1F9A0]  }
0x468: {  	v40 =	vsel vm0, v46, v40;
	v41 =	vpsel !p2, $0xBF800000, v41;
	v46 =	vmul.f32 v8, v56;
	v8 =	vld [tilespmem:$0x1F970]  }
0x469: {  	s22 =	sld [smem:$0x7D8];
	v58 =	vmax.f32 v42, v57;
	v49 =	vsel vm11, $0x4, v49;
	p2 =	seq.s32 s17, $0x1;
	vm10 =	vgt.f32 v41, v40;
	v55 =	vld [tilespmem:$0x1F920]  }
0x46a: {  	v61 =	vmax.f32 v44, v60;
	v40 =	vsel vm10, v41, v40;
	v7 =	vld [tilespmem:$0x1F9F0];
	v35 =	vpsel !p2, $0xBF800000, v46  }
0x46b: {  	v57 =	vld [tilespmem:$0x1F980];
	v38 =	vmax.f32 v51, $9.999999930e-09;
	vm11 =	vgt.f32 v35, v40;
	v59 =	vmin.f32 v45, v30  }
0x46c: {  	(erf) = vrcp.f32 v38;
	p2 =	seq.s32 s22, $0x1;
	v40 =	vsel vm11, v35, v40;
	v52 =	vsub.f32 v59, v61;
	v59 =	vld [tilespmem:$0x1F990]  }
0x46d: {  	v41 =	vpsel !p2, $0xBF800000, v36;
	v35 =	vmax.f32 v44, v34;
	v32 =	vmin.f32 v45, v8  }
0x46e: {  	v62 =	vld [tilespmem:$0x1FE50];
	v36 =	vmax.f32 v53, $0.0e+00;
	v54 =	vsub.f32 v32, v35;
	v56 =	vmin.f32 v43, v55  }
0x46f: {  	v5 =	vmin.f32 v45, v63;
	v8 =	vmax.f32 v44, v7;
	v35 =	vld [tilespmem:$0x1FE20];
	v51 =	vsub.f32 v56, v58  }
0x470: {  	v32 =	vld [tilespmem:$0x1FA00];
	v38 =	vmax.f32 v54, $0.0e+00;
	v58 =	vmin.f32 v43, v57;
	v54 =	vsub.f32 v5, v8  }
0x471: {  	v5 =	vld [tilespmem:$0x1FE80];
	v51 =	vmax.f32 v51, $0.0e+00;
	v52 =	vmax.f32 v52, $0.0e+00;
	v60 =	vmax.f32 v42, v59  }
0x472: {  	v46 =	vmul.f32 v52, v51;
	v51 =	vmul.f32 v38, v36;
	v36 =	vld [tilespmem:$0x1FB00];
	v61 =	vsub.f32 v58, v60  }
0x473: {  	v59 =	vld [tilespmem:$0x1FC30]  }
0x474: {  	v52 =	vmax.f32 v61, $0.0e+00;
	v61 =	vld [tilespmem:$0x1FDB0];
	_ =	sdelay $0x2  }
0x475: {  	v53 =	vadd.f32 v47, v62;
	v8 =	vld [tilespmem:$0x1FEB0]  }
0x476: {  	v55 =	vadd.f32 v47, v35;
	v34 =	vmin.f32 v43, v32;
	v7 =	vadd.f32 v47, v5;
	v5 =	vld [tilespmem:$0x1FDD0]  }
0x477: {  	v38 =	vmax.f32 v42, v36;
	v36 =	vld [tilespmem:$0x1FA10];
	v60 =	vmin.f32 v45, v59;
	v62 =	vmax.f32 v44, v61  }
0x478: {  	v56 =	vsub.f32 v34, v38;
	v63 =	vsub.f32 v60, v62;
	v62 =	vld [tilespmem:$0x1FC50]  }
0x479: {  	v54 =	vmax.f32 v54, $0.0e+00;
	v55 =	vsub.f32 v55, v46  }
0x47a: {  	v52 =	vmul.f32 v54, v52;
	v56 =	vmax.f32 v56, $0.0e+00;
	v57 =	vmax.f32 v63, $0.0e+00  }
0x47b: {  	v53 =	vsub.f32 v53, v51;
	v32 =	vadd.f32 v47, v8;
	v60 =	vld [tilespmem:$0x1FB10];
	v56 =	vmul.f32 v57, v56  }
0x47c: {  	v55 =	vmax.f32 v55, $9.999999930e-09;
	v54 =	vsub.f32 v7, v52;
	v7 =	vmax.f32 v44, v5  }
0x47d: {  	v38 =	vmin.f32 v43, v36;
	v36 =	vld [tilespmem:$0x1FA20];
	v34 =	vsub.f32 v32, v56;
	v63 =	vmin.f32 v45, v62  }
0x47e: {  	v53 =	vmax.f32 v53, $9.999999930e-09;
	(erf) = vrcp.f32 v55;
	v32 =	vsub.f32 v63, v7;
	v7 =	vld [tilespmem:$0x1FC60]  }
0x47f: {  	(erf) = vrcp.f32 v53;
	v53 =	vmax.f32 v34, $9.999999930e-09;
	v34 =	vld [tilespmem:$0x1FEE0]  }
0x480: {  	v8 =	vmax.f32 v54, $9.999999930e-09;
	v61 =	vmax.f32 v42, v60;
	v54 =	vmax.f32 v32, $0.0e+00;
	v32 =	vld [tilespmem:$0x1FDE0]  }
0x481: {  	v49 =	vsel vm13, $0x5, v49;
	v57 =	vsub.f32 v38, v61  }
0x482: {  	vm3 =	vgt.f32 v39, v37;
	v49 =	vsel vm12, $0x6, v49;
	v38 =	vmin.f32 v43, v36;
	v63 =	vld [tilespmem:$0x1FB20];
	v36 =	vpop (erf)  }
0x483: {  	s30 =	sld [smem:$0x7D2];
	(erf) = vrcp.f32 v8;
	v50 =	vmul.f32 v36, v50;
	v55 =	vmax.f32 v57, $0.0e+00  }
0x484: {  	vm12 =	vgt.f32 v41, v40;
	(erf) = vrcp.f32 v53;
	v54 =	vmul.f32 v54, v55  }
0x485: {  	v8 =	vmin.f32 v45, v7;
	v57 =	vadd.f32 v47, v34;
	v34 =	vmax.f32 v44, v32  }
0x486: {  	v49 =	vsel vm14, $0x7, v49;
	p2 =	seq.s32 s30, $0x1;
	v40 =	vsel vm12, v41, v40;
	v61 =	vsub.f32 v8, v34;
	v8 =	vld [tilespmem:$0x1FF20]  }
0x487: {  	s31 =	sld [smem:$0x7CF];
	v50 =	vpsel !p2, $0xBF800000, v50;
	v5 =	vmax.f32 v42, v63;
	v63 =	vsub.f32 v57, v54  }
0x488: {  	v62 =	vsel vm3, v39, v37;
	v37 =	vld [tilespmem:$0x1FC80];
	vm13 =	vgt.f32 v50, v40;
	v7 =	vpop (erf);
	v38 =	vsub.f32 v38, v5  }
0x489: {  	v53 =	vld [tilespmem:$0x1FE00];
	v40 =	vsel vm13, v50, v40;
	v41 =	vmul.f32 v7, v46;
	v34 =	vmax.f32 v63, $9.999999930e-09  }
0x48a: {  	s4 =	sld [smem:$0x7CC];
	p2 =	seq.s32 s31, $0x1;
	v55 =	vmax.f32 v38, $0.0e+00;
	v5 =	vmax.f32 v61, $0.0e+00;
	(erf) = vrcp.f32 v34;
	v34 =	vld [tilespmem:$0x1FB30]  }
0x48b: {  	v36 =	vpop (erf);
	v41 =	vpsel !p2, $0xBF800000, v41;
	v55 =	vmul.f32 v5, v55;
	v32 =	vadd.f32 v47, v8;
	v8 =	vld [tilespmem:$0x1FA30]  }
0x48c: {  	v49 =	vsel vm0, $0x8, v49;
	v59 =	vpop (erf);
	v57 =	vmul.f32 v36, v51;
	vm0 =	vgt.f32 v41, v40  }
0x48d: {  	v60 =	vsel vm10, $0x9, v49;
	p2 =	seq.s32 s4, $0x1;
	v40 =	vsel vm0, v41, v40;
	v5 =	vpop (erf);
	v38 =	vsub.f32 v32, v55  }
0x48e: {  	v58 =	vpsel !p2, $0xBF800000, v57;
	v61 =	vmul.f32 v59, v52;
	v41 =	vmul.f32 v5, v56  }
0x48f: {  	s5 =	sld [smem:$0x7C7];
	v59 =	vld [tilespmem:$0x1FF30];
	v56 =	vmax.f32 v44, v53;
	v36 =	vmax.f32 v42, v34;
	v46 =	vmax.f32 v38, $9.999999930e-09  }
0x490: {  	v5 =	vld [tilespmem:$0x1FB40];
	v38 =	vmin.f32 v45, v37;
	(erf) = vrcp.f32 v46;
	v32 =	vmin.f32 v43, v8  }
0x491: {  	vm14 =	vgt.f32 v58, v40;
	v37 =	vld [tilespmem:$0x1FC90];
	v57 =	vsub.f32 v38, v56;
	v49 =	vsub.f32 v32, v36  }
0x492: {  	v63 =	vsel vm11, $0xA, v60;
	p2 =	seq.s32 s5, $0x1;
	v40 =	vsel vm14, v58, v40;
	v36 =	vld [tilespmem:$0x1FE10]  }
0x493: {  	v7 =	vpsel !p2, $0xBF800000, v61;
	v58 =	vpop (erf);
	v50 =	vmax.f32 v57, $0.0e+00;
	v49 =	vmax.f32 v49, $0.0e+00  }
0x494: {  	v60 =	vadd.f32 v47, v59;
	v46 =	vmul.f32 v58, v54;
	v58 =	vld [tilespmem:$0x1FA50];
	v51 =	vmul.f32 v50, v49  }
0x495: {  	vm11 =	vgt.f32 v7, v40;
	v38 =	vld [tilespmem:$0x1FA40]  }
0x496: {  	v40 =	vsel vm11, v7, v40;
	v41 =	vpsel !p6, $0xBF800000, v41;
	v49 =	vsub.f32 v60, v51;
	v60 =	vld [tilespmem:$0x1FB50]  }
0x497: {  	v7 =	vmax.f32 v42, v5;
	v5 =	vld [tilespmem:$0x1FE30];
	v8 =	vmin.f32 v45, v37;
	v32 =	vmax.f32 v44, v36  }
0x498: {  	v39 =	vsel vm12, $0xB, v63;
	vm10 =	vgt.f32 v41, v40;
	v34 =	vsub.f32 v8, v32;
	v8 =	vld [tilespmem:$0x1FA60]  }
0x499: {  	[tilespmem:$0x1F5F0] =	vst v62;
	v40 =	vsel vm10, v41, v40;
	v61 =	vpsel !p4, $0xBF800000, v46;
	v59 =	vmin.f32 v43, v58;
	v58 =	vld [tilespmem:$0x1FCC0];
	v62 =	vpop (erf)  }
0x49a: {  	v63 =	vmin.f32 v43, v38;
	vm12 =	vgt.f32 v61, v40;
	v46 =	vmul.f32 v62, v55;
	v62 =	vld [tilespmem:$0x1FCB0]  }
0x49b: {  	v50 =	vsub.f32 v63, v7;
	v40 =	vsel vm12, v61, v40;
	v61 =	vmax.f32 v42, v60;
	v60 =	vld [tilespmem:$0x1FE40]  }
0x49c: {  	v7 =	vmax.f32 v44, v5;
	v5 =	vld [tilespmem:$0x1FB70]  }
0x49d: {  	v56 =	vmax.f32 v50, $0.0e+00;
	v57 =	vmax.f32 v34, $0.0e+00;
	v34 =	vld [tilespmem:$0x1FF40]  }
0x49e: {  	v50 =	vmul.f32 v57, v56;
	v56 =	vld [tilespmem:$0x1FB60]  }
0x49f: {  	v55 =	vmax.f32 v49, $9.999999930e-09;
	v49 =	vsub.f32 v59, v61;
	v32 =	vmin.f32 v43, v8;
	v8 =	vld [tilespmem:$0x1FCE0]  }
0x4a0: {  	v59 =	vmin.f32 v45, v58;
	v63 =	vmin.f32 v45, v62;
	v62 =	vld [tilespmem:$0x1FA70];
	v61 =	vmax.f32 v44, v60  }
0x4a1: {  	(erf) = vrcp.f32 v55;
	v54 =	vsub.f32 v59, v61;
	v59 =	vld [tilespmem:$0x1FE60]  }
0x4a2: {  	v1 =	vmax.f32 v44, v1;
	v39 =	vsel vm13, $0xC, v39;
	v41 =	vpsel !p1, $0xBF800000, v46  }
0x4a3: {  	v15 =	vadd.f32 v47, v15;
	v39 =	vsel vm0, $0xD, v39;
	vm13 =	vgt.f32 v41, v40  }
0x4a4: {  	v46 =	vadd.f32 v47, v34;
	v57 =	vmax.f32 v42, v56;
	v52 =	vsub.f32 v63, v7  }
0x4a5: {  	v53 =	vsub.f32 v32, v57;
	v7 =	vmax.f32 v42, v5;
	v57 =	vld [tilespmem:$0x1FE70];
	v63 =	vmin.f32 v43, v62  }
0x4a6: {  	v32 =	vmin.f32 v45, v8;
	v55 =	vsub.f32 v63, v7;
	v63 =	vld [tilespmem:$0x1FF60];
	v60 =	vmax.f32 v44, v59  }
0x4a7: {  	v49 =	vmax.f32 v49, $0.0e+00;
	v46 =	vsub.f32 v46, v50;
	v61 =	vsub.f32 v32, v60;
	v32 =	vld [tilespmem:$0x1FF50]  }
0x4a8: {  	v40 =	vsel vm13, v41, v40;
	v52 =	vmax.f32 v52, $0.0e+00;
	v7 =	vmax.f32 v55, $0.0e+00;
	v55 =	vld [tilespmem:$0x1FCF0]  }
0x4a9: {  	v53 =	vmax.f32 v53, $0.0e+00;
	v46 =	vmax.f32 v46, $9.999999930e-09;
	v54 =	vmax.f32 v54, $0.0e+00  }
0x4aa: {  	v49 =	vmul.f32 v52, v49;
	v58 =	vmul.f32 v54, v53;
	v8 =	vmax.f32 v61, $0.0e+00;
	v60 =	vpop (erf);
	v61 =	vld [tilespmem:$0x1FF70]  }
0x4ab: {  	v5 =	vadd.f32 v47, v63;
	v59 =	vmul.f32 v8, v7;
	v51 =	vmul.f32 v60, v51;
	v7 =	vld [tilespmem:$0x1FA80]  }
0x4ac: {  	(erf) = vrcp.f32 v46;
	v60 =	vmax.f32 v44, v57;
	v62 =	vadd.f32 v47, v32  }
0x4ad: {  	v53 =	vsub.f32 v5, v58;
	v46 =	vpsel !p5, $0xBF800000, v51;
	v56 =	vmin.f32 v45, v55  }
0x4ae: {  	v51 =	vsub.f32 v56, v60;
	vm0 =	vgt.f32 v46, v40;
	v52 =	vsub.f32 v62, v49  }
0x4af: {  	v62 =	vadd.f32 v47, v61;
	v2 =	vmax.f32 v53, $9.999999930e-09;
	v61 =	vmin.f32 v43, v21  }
0x4b0: {  	v53 =	vld [tilespmem:$0x1FB80];
	v8 =	vmin.f32 v43, v7;
	v51 =	vmax.f32 v51, $0.0e+00;
	v63 =	vmax.f32 v52, $9.999999930e-09  }
0x4b1: {  	v0 =	vsub.f32 v62, v59;
	v62 =	vmax.f32 v42, v23;
	v23 =	vmax.f32 v42, v22  }
0x4b2: {  	(erf) = vrcp.f32 v63;
	v52 =	vsub.f32 v61, v62;
	v63 =	vmin.f32 v45, v28  }
0x4b3: {  	v28 =	vadd.f32 v47, v19;
	v61 =	vmax.f32 v44, v18;
	(erf) = vrcp.f32 v2  }
0x4b4: {  	v5 =	vmax.f32 v0, $9.999999930e-09;
	v0 =	vmax.f32 v44, v27;
	v2 =	vadd.f32 v47, v33  }
0x4b5: {  	(erf) = vrcp.f32 v5;
	v54 =	vmax.f32 v42, v53;
	v53 =	vsub.f32 v63, v0  }
0x4b6: {  	v5 =	vmax.f32 v52, $0.0e+00;
	v63 =	vmin.f32 v45, v16;
	v0 =	vmax.f32 v44, v20  }
0x4b7: {  	v21 =	vmovc v33;
	v33 =	vld [tilespmem:$0x1FBC0];
	v20 =	vadd.f32 v47, v11;
	v41 =	vsub.f32 v8, v54;
	v8 =	vmin.f32 v43, v25  }
0x4b8: {  	v7 =	vmax.f32 v53, $0.0e+00;
	v27 =	vsub.f32 v8, v23;
	v53 =	vsub.f32 v63, v0;
	v23 =	vld [tilespmem:$0x1FEC0]  }
0x4b9: {  	v63 =	vmax.f32 v42, v10;
	v41 =	vmax.f32 v41, $0.0e+00;
	v56 =	vmul.f32 v7, v5  }
0x4ba: {  	v57 =	vmul.f32 v51, v41;
	v51 =	vmax.f32 v27, $0.0e+00;
	v53 =	vmax.f32 v53, $0.0e+00  }
0x4bb: {  	v0 =	vmin.f32 v45, v12;
	v7 =	vmin.f32 v45, v26;
	v55 =	vmul.f32 v53, v51  }
0x4bc: {  	v5 =	vmax.f32 v42, v33;
	v52 =	vsub.f32 v28, v56;
	v41 =	vsub.f32 v2, v57  }
0x4bd: {  	v2 =	vmin.f32 v43, v24;
	v8 =	vmax.f32 v44, v23;
	v51 =	vsub.f32 v15, v55  }
0x4be: {  	v54 =	vsub.f32 v2, v5;
	v22 =	vmax.f32 v52, $9.999999930e-09;
	v52 =	vsel vm0, v46, v40  }
0x4bf: {  	v15 =	vld [tilespmem:$0x1FBD0];
	v60 =	vsub.f32 v7, v8;
	v41 =	vmax.f32 v41, $9.999999930e-09;
	v24 =	vmax.f32 v51, $9.999999930e-09  }
0x4c0: {  	v46 =	vmin.f32 v43, v14;
	v2 =	vmax.f32 v44, v13;
	(erf) = vrcp.f32 v41  }
0x4c1: {  	v16 =	vmax.f32 v54, $0.0e+00;
	v19 =	vmax.f32 v60, $0.0e+00;
	(erf) = vrcp.f32 v22;
	v22 =	vld [tilespmem:$0x1FFC0]  }
0x4c2: {  	v54 =	vmin.f32 v45, v17;
	v53 =	vmul.f32 v19, v16;
	(erf) = vrcp.f32 v24;
	v24 =	vmovc v14;
	v14 =	vld [tilespmem:$0x1FAD0]  }
0x4c3: {  	v13 =	vmin.f32 v45, v29;
	v8 =	vmin.f32 v43, v9;
	v41 =	vsub.f32 v54, v61;
	v16 =	vld [tilespmem:$0x1FF00]  }
0x4c4: {  	v45 =	vmin.f32 v45, v3;
	v51 =	vmax.f32 v42, v15;
	v27 =	vsub.f32 v20, v53;
	v20 =	vld [tilespmem:$0x1FFD0]  }
0x4c5: {  	v60 =	vsel vm14, $0xE, v39;
	v19 =	vld [tilespmem:$0x1FC20];
	v41 =	vmax.f32 v41, $0.0e+00;
	v40 =	vsub.f32 v46, v51  }
0x4c6: {  	v51 =	vsub.f32 v0, v2;
	v0 =	vmin.f32 v43, v6;
	v28 =	vmax.f32 v27, $9.999999930e-09;
	v27 =	vld [tilespmem:$0x1FC00]  }
0x4c7: {  	v40 =	vmax.f32 v40, $0.0e+00;
	v10 =	vadd.f32 v47, v22;
	v62 =	vmin.f32 v43, v14  }
0x4c8: {  	(erf) = vrcp.f32 v28;
	v41 =	vmul.f32 v41, v40;
	v43 =	vld [tilespmem:s29+$0x10];
	v46 =	vsub.f32 v62, v63  }
0x4c9: {  	v12 =	vadd.f32 v47, v20;
	v28 =	vmovc v29;
	v29 =	vmax.f32 v44, v16;
	v44 =	vld [tilespmem:s28+$0x10];
	v62 =	vsub.f32 v45, v1  }
0x4ca: {  	v7 =	vmax.f32 v51, $0.0e+00;
	v54 =	vsub.f32 v10, v41;
	v51 =	vsub.f32 v13, v29;
	v13 =	vld [tilespmem:$0x1FFE0]  }
0x4cb: {  	v45 =	vld [tilespmem:s26+$0x10];
	v5 =	vmax.f32 v46, $0.0e+00;
	v9 =	vmax.f32 v42, v27;
	v42 =	vmax.f32 v42, v19  }
0x4cc: {  	v63 =	vld [tilespmem:$0x1F610];
	v54 =	vmax.f32 v54, $9.999999930e-09;
	v40 =	vmul.f32 v7, v5;
	v11 =	vsub.f32 v8, v9;
	v29 =	vmovc v6  }
0x4cd: {  	v46 =	vld [tilespmem:s25+$0x10];
	v51 =	vmax.f32 v51, $0.0e+00;
	v61 =	vsub.f32 v0, v42;
	v6 =	vmax.f32 v62, $0.0e+00;
	v7 =	vpop (erf)  }
0x4ce: {  	(erf) = vrcp.f32 v54;
	v50 =	vmul.f32 v7, v50;
	v39 =	vmax.f32 v11, $0.0e+00;
	v11 =	vld [tilespmem:$0x1F600]  }
0x4cf: {  	v5 =	vmax.f32 v61, $0.0e+00;
	v42 =	vmul.f32 v51, v39;
	v3 =	vadd.f32 v47, v13  }
0x4d0: {  	v2 =	vsub.f32 v12, v40;
	v39 =	vmul.f32 v6, v5;
	v47 =	vadd.f32 v47, v4;
	v5 =	vld [tilespmem:$0x1F620]  }
0x4d1: {  	v7 =	vld [tilespmem:$0x1F630];
	v9 =	vsub.f32 v45, v43;
	v4 =	vmax.f32 v43, v63;
	v51 =	vsub.f32 v3, v42  }
0x4d2: {  	v63 =	vld [tilespmem:$0x1F660];
	v8 =	vmax.f32 v2, $9.999999930e-09;
	v10 =	vsub.f32 v46, v44;
	v47 =	vsub.f32 v47, v39  }
0x4d3: {  	(erf) = vrcp.f32 v8;
	v51 =	vmax.f32 v51, $9.999999930e-09;
	v12 =	vmin.f32 v45, v11;
	v11 =	vld [tilespmem:$0x1F650]  }
0x4d4: {  	(erf) = vrcp.f32 v51;
	v51 =	vmax.f32 v47, $9.999999930e-09;
	v47 =	vmul.f32 v10, v9;
	v9 =	vld [tilespmem:$0x1F640]  }
0x4d5: {  	v6 =	vmin.f32 v46, v5;
	v5 =	vld [tilespmem:$0x1F670];
	_ =	sdelay $0x2  }
0x4d6: {  	v8 =	vmax.f32 v44, v7;
	v7 =	vld [tilespmem:$0x1FBE0];
	v54 =	vsub.f32 v12, v4  }
0x4d7: {  	v4 =	vmin.f32 v46, v63;
	v12 =	vmax.f32 v43, v11;
	v11 =	vld [tilespmem:$0x1F6A0];
	v10 =	vmin.f32 v45, v9  }
0x4d8: {  	v61 =	vsub.f32 v6, v8;
	v0 =	vmax.f32 v44, v5;
	v62 =	vsub.f32 v10, v12;
	v12 =	vld [tilespmem:$0x1F6B0]  }
0x4d9: {  	v0 =	vsub.f32 v4, v0  }
0x4da: {  	v54 =	vmax.f32 v54, $0.0e+00;
	v61 =	vmax.f32 v61, $0.0e+00  }
0x4db: {  	v63 =	vmul.f32 v61, v54;
	v61 =	vmax.f32 v62, $0.0e+00;
	v0 =	vmax.f32 v0, $0.0e+00  }
0x4dc: {  	v8 =	vadd.f32 v47, v7;
	v0 =	vmul.f32 v0, v61  }
0x4dd: {  	v9 =	vld [tilespmem:$0x1F680];
	v3 =	vmin.f32 v46, v11;
	v4 =	vmax.f32 v44, v12  }
0x4de: {  	v61 =	vsub.f32 v3, v4;
	v4 =	vsub.f32 v8, v0;
	v8 =	vld [tilespmem:$0x1F6C0]  }
0x4df: {  	v6 =	vld [tilespmem:$0x1FBB0]  }
0x4e0: {  	v10 =	vld [tilespmem:$0x1F690]  }
0x4e1: {  	s6 =	sld [smem:$0x7B7];
	v11 =	vld [tilespmem:$0x1F6E0]  }
0x4e2: {  	v1 =	vmin.f32 v45, v9;
	v9 =	vld [tilespmem:$0x1F6D0]  }
0x4e3: {  	(erf) = vrcp.f32 v51;
	v51 =	vmin.f32 v45, v8;
	v8 =	vld [tilespmem:$0x1F6F0]  }
0x4e4: {  	p4 =	seq.s32 s6, $0x1  }
0x4e5: {  	v50 =	vpsel !p4, $0xBF800000, v50;
	v54 =	vadd.f32 v47, v6  }
0x4e6: {  	vm14 =	vgt.f32 v50, v52;
	v2 =	vmax.f32 v43, v10  }
0x4e7: {  	v62 =	vsel vm14, v50, v52;
	v1 =	vsub.f32 v1, v2;
	v3 =	vsub.f32 v54, v63;
	v54 =	vld [tilespmem:$0x1FC40]  }
0x4e8: {  	v12 =	vmin.f32 v46, v11;
	v10 =	vmax.f32 v43, v9;
	v9 =	vmax.f32 v44, v8  }
0x4e9: {  	v7 =	vld [tilespmem:$0x1FC10];
	v3 =	vmax.f32 v3, $9.999999930e-09;
	v51 =	vsub.f32 v51, v10;
	v10 =	vsub.f32 v12, v9  }
0x4ea: {  	v1 =	vmax.f32 v1, $0.0e+00;
	v2 =	vmax.f32 v61, $0.0e+00;
	v4 =	vmax.f32 v4, $9.999999930e-09  }
0x4eb: {  	v52 =	vld [tilespmem:$0x1F720];
	(erf) = vrcp.f32 v3;
	v11 =	vmax.f32 v51, $0.0e+00;
	v12 =	vmax.f32 v10, $0.0e+00  }
0x4ec: {  	v3 =	vpop (erf);
	(erf) = vrcp.f32 v4;
	v61 =	vadd.f32 v47, v54;
	v9 =	vld [tilespmem:$0x1F700];
	v4 =	vmul.f32 v12, v11  }
0x4ed: {  	v1 =	vmul.f32 v2, v1;
	v11 =	vld [tilespmem:$0x1F710]  }
0x4ee: {  	v2 =	vadd.f32 v47, v7;
	v3 =	vmul.f32 v3, v49;
	v49 =	vsub.f32 v61, v4;
	v61 =	vld [tilespmem:$0x1F730];
	_ =	sdelay $0x1  }
0x4ef: {  	v2 =	vsub.f32 v2, v1  }
0x4f0: {  	v54 =	vmin.f32 v46, v52  }
0x4f1: {  	v5 =	vpop (erf);
	v2 =	vmax.f32 v2, $9.999999930e-09;
	v10 =	vmin.f32 v45, v9;
	v12 =	vmax.f32 v43, v11  }
0x4f2: {  	v52 =	vld [tilespmem:$0x1F750];
	v6 =	vpop (erf);
	(erf) = vrcp.f32 v2;
	v2 =	vsub.f32 v10, v12;
	v12 =	vmax.f32 v44, v61  }
0x4f3: {  	v51 =	vld [tilespmem:$0x1F740];
	v50 =	vsub.f32 v54, v12  }
0x4f4: {  	v54 =	vld [tilespmem:$0x1F760]  }
0x4f5: {  	s7 =	sld [smem:$0x7B4];
	v2 =	vmax.f32 v2, $0.0e+00;
	v12 =	vld [tilespmem:$0x1F770];
	v50 =	vmax.f32 v50, $0.0e+00  }
0x4f6: {  	v2 =	vmul.f32 v50, v2;
	v50 =	vld [tilespmem:$0x1FC70]  }
0x4f7: {  	v7 =	vpop (erf)  }
0x4f8: {  	s9 =	sld [smem:$0x7B1];
	p6 =	seq.s32 s7, $0x1;
	v8 =	vpop (erf);
	v52 =	vmax.f32 v43, v52  }
0x4f9: {  	v5 =	vmul.f32 v5, v58;
	v3 =	vpsel !p6, $0xBF800000, v3;
	v51 =	vmin.f32 v45, v51;
	v61 =	vpop (erf)  }
0x4fa: {  	v11 =	vsub.f32 v51, v52;
	v9 =	vmin.f32 v46, v54;
	v10 =	vmax.f32 v44, v12;
	v54 =	vpop (erf)  }
0x4fb: {  	p0 =	seq.s32 s9, $0x1;
	v6 =	vmul.f32 v6, v59;
	v9 =	vsub.f32 v9, v10;
	v52 =	vpop (erf);
	v12 =	vadd.f32 v47, v50  }
0x4fc: {  	vm15 =	vgt.f32 v3, v62;
	v5 =	vpsel !p0, $0xBF800000, v5;
	v11 =	vmax.f32 v11, $0.0e+00;
	v51 =	vpop (erf)  }
0x4fd: {  	s15 =	sld [smem:$0x7AB];
	v10 =	vmax.f32 v49, $9.999999930e-09;
	v9 =	vmax.f32 v9, $0.0e+00;
	v50 =	vpop (erf);
	v12 =	vsub.f32 v12, v2  }
0x4fe: {  	(erf) = vrcp.f32 v10;
	v10 =	vadd.f32 v47, v48;
	v9 =	vmul.f32 v9, v11;
	v49 =	vpop (erf)  }
0x4ff: {  	s8 =	sld [smem:$0x74B];
	v7 =	vmul.f32 v7, v57;
	v48 =	vsel vm11, $0xF, v60;
	v60 =	vpop (erf);
	v12 =	vmax.f32 v12, $9.999999930e-09  }
0x500: {  	s10 =	sld [smem:$0x7FC];
	p2 =	seq.s32 s15, $0x1;
	v3 =	vsel vm15, v3, v62;
	v10 =	vsub.f32 v10, v9;
	v62 =	vpop (erf);
	(erf) = vrcp.f32 v12  }
0x501: {  	v7 =	vpsel !p2, $0xBF800000, v7;
	v58 =	vmul.f32 v60, v63;
	v0 =	vmul.f32 v62, v0;
	v63 =	vpop (erf)  }
0x502: {  	s11 =	sld [smem:$0x7AE];
	p5 =	seq.s32 s8, $0x1;
	v10 =	vmax.f32 v10, $9.999999930e-09;
	v1 =	vmul.f32 v63, v1;
	v12 =	vsel vm10, $0x10, v48  }
0x503: {  	s12 =	sld [smem:$0x7F9];
	p1 =	seq.s32 s10, $0x1;
	v59 =	vpsel !p5, $0xBF800000, v58;
	(erf) = vrcp.f32 v10;
	v10 =	vsel vm12, $0x11, v12  }
0x504: {  	v48 =	vld [tilespmem:$0x1F580];
	vm11 =	vgt.f32 v59, $-2.000000000e+00;
	vm12 =	vgt.f32 v5, v3;
	v0 =	vpsel !p1, $0xBF800000, v0  }
0x505: {  	v57 =	vld [tilespmem:$0x1F7E0];
	p1 =	seq.s32 s11, $0x1;
	v10 =	vsel vm13, $0x12, v10;
	v12 =	vnsel vm11, $0xC0000000, v59;
	v3 =	vsel vm12, v5, v3  }
0x506: {  	p5 =	seq.s32 s12, $0x1;
	v60 =	vpsel !p1, $0xBF800000, v6;
	vm11 =	vgt.f32 v0, v12;
	v6 =	vsel vm0, $0x13, v10;
	v10 =	vld [tilespmem:$0x1F780]  }
0x507: {  	s13 =	sld [smem:$0x7F5];
	v1 =	vpsel !p5, $0xBF800000, v1;
	v62 =	vpop (erf);
	vm13 =	vgt.f32 v60, v3;
	v0 =	vsel vm11, v0, v12;
	v12 =	vld [tilespmem:$0x1F790]  }
0x508: {  	v4 =	vmul.f32 v62, v4;
	v3 =	vsel vm13, v60, v3;
	v60 =	vmin.f32 v46, v31;
	v62 =	vld [tilespmem:$0x1F7B0]  }
0x509: {  	v31 =	vld [tilespmem:$0x1F7C0];
	v6 =	vsel vm14, $0x14, v6;
	v11 =	vsel vm6, $0x16, v48;
	vm10 =	vgt.f32 v1, v0;
	v48 =	vpop (erf)  }
0x50a: {  	p5 =	seq.s32 s13, $0x1;
	v6 =	vsel vm15, $0x15, v6;
	vm15 =	vgt.f32 v7, v3;
	v2 =	vmul.f32 v48, v2;
	v48 =	vld [tilespmem:$0x1F7D0]  }
0x50b: {  	v59 =	vld [tilespmem:$0x1F7F0];
	v0 =	vsel vm10, v1, v0;
	v63 =	vpsel !p5, $0xBF800000, v4;
	v11 =	vsel vm5, $0x17, v11  }
0x50c: {  	v3 =	vsel vm15, v7, v3;
	v7 =	vmul.f32 v8, v56;
	vm6 =	vgt.f32 v63, v0  }
0x50d: {  	v4 =	vmin.f32 v45, v10;
	v5 =	vmax.f32 v43, v12;
	v12 =	vmax.f32 v44, v62  }
0x50e: {  	s14 =	sld [smem:$0x7F2];
	v0 =	vsel vm6, v63, v0;
	v62 =	vld [tilespmem:$0x1FCD0];
	v4 =	vsub.f32 v4, v5;
	v63 =	vpop (erf);
	v5 =	vsub.f32 v60, v12  }
0x50f: {  	v56 =	vld [tilespmem:$0x1F860];
	v1 =	vmul.f32 v63, v9;
	v9 =	vmin.f32 v45, v31;
	v10 =	vmax.f32 v43, v48  }
0x510: {  	v12 =	vmax.f32 v44, v59;
	v31 =	vld [tilespmem:$0x1F800];
	v9 =	vsub.f32 v9, v10;
	v10 =	vmin.f32 v46, v57  }
0x511: {  	p5 =	seq.s32 s14, $0x1;
	v4 =	vmax.f32 v4, $0.0e+00;
	v5 =	vmax.f32 v5, $0.0e+00;
	v48 =	vld [tilespmem:$0x1F810];
	v60 =	vsub.f32 v10, v12  }
0x512: {  	v11 =	vsel vm7, $0x18, v11;
	v2 =	vpsel !p5, $0xBF800000, v2;
	v4 =	vmul.f32 v5, v4;
	v57 =	vld [tilespmem:$0x1F820]  }
0x513: {  	vm7 =	vgt.f32 v2, v0;
	v10 =	vadd.f32 v47, v62;
	v5 =	vmax.f32 v60, $0.0e+00;
	v60 =	vld [tilespmem:$0x1F830]  }
0x514: {  	v0 =	vsel vm7, v2, v0;
	v62 =	vld [tilespmem:$0x1FD00];
	v12 =	vmax.f32 v9, $0.0e+00  }
0x515: {  	v10 =	vsub.f32 v10, v4;
	v2 =	vmul.f32 v5, v12;
	v5 =	vmin.f32 v45, v31;
	v31 =	vld [tilespmem:$0x1F840]  }
0x516: {  	v9 =	vmax.f32 v43, v48;
	v48 =	vld [tilespmem:$0x1F850]  }
0x517: {  	v63 =	vld [tilespmem:$0x1F590];
	v10 =	vmax.f32 v10, $9.999999930e-09;
	v5 =	vsub.f32 v5, v9  }
0x518: {  	v9 =	vmin.f32 v46, v57;
	v57 =	vld [tilespmem:$0x1F870];
	(erf) = vrcp.f32 v10;
	v10 =	vmax.f32 v44, v60  }
0x519: {  	v9 =	vsub.f32 v9, v10;
	v10 =	vadd.f32 v47, v62;
	v62 =	vld [tilespmem:$0x1FD30]  }
0x51a: {  	v1 =	vpsel !p3, $0xBF800000, v1;
	v8 =	vmin.f32 v45, v31;
	v31 =	vld [tilespmem:$0x1F890]  }
0x51b: {  	v5 =	vmax.f32 v5, $0.0e+00;
	v12 =	vmax.f32 v9, $0.0e+00;
	v9 =	vmax.f32 v43, v48;
	v48 =	vld [tilespmem:$0x1F8A0]  }
0x51c: {  	v59 =	vsel vm4, $0x1E, v63;
	v63 =	vsub.f32 v10, v2;
	v5 =	vmul.f32 v12, v5;
	v12 =	vld [tilespmem:$0x1F880]  }
0x51d: {  	v10 =	vmax.f32 v44, v57;
	v8 =	vsub.f32 v8, v9;
	v9 =	vmin.f32 v46, v56;
	v56 =	vld [tilespmem:$0x1F8B0]  }
0x51e: {  	vm4 =	vgt.f32 v1, v0;
	v57 =	vld [tilespmem:$0x1FD60];
	v9 =	vsub.f32 v9, v10;
	v10 =	vadd.f32 v47, v62  }
0x51f: {  	v0 =	vsel vm4, v1, v0;
	v1 =	vmax.f32 v63, $9.999999930e-09  }
0x520: {  	v8 =	vmax.f32 v8, $0.0e+00;
	v9 =	vmax.f32 v9, $0.0e+00;
	v63 =	vsub.f32 v10, v5  }
0x521: {  	v8 =	vmul.f32 v9, v8;
	v10 =	vmax.f32 v43, v31;
	v9 =	vmin.f32 v45, v12  }
0x522: {  	v12 =	vmax.f32 v44, v56;
	v9 =	vsub.f32 v9, v10;
	v10 =	vmin.f32 v46, v48  }
0x523: {  	v31 =	vld [tilespmem:$0x1FD90];
	v10 =	vsub.f32 v10, v12;
	v12 =	vadd.f32 v47, v57  }
0x524: {  	v60 =	vpop (erf);
	v56 =	vld [tilespmem:$0x1F8C0]  }
0x525: {  	s16 =	sld [smem:$0x7A8];
	v11 =	vsel vm9, $0x19, v11;
	v4 =	vmul.f32 v60, v4;
	v57 =	vld [tilespmem:$0x1F8D0];
	v60 =	vsub.f32 v12, v8  }
0x526: {  	(erf) = vrcp.f32 v1;
	v48 =	vsel vm8, $0x1A, v11;
	v11 =	vmul.f32 v61, v55;
	v61 =	vld [tilespmem:$0x1F9B0]  }
0x527: {  	v6 =	vsel vm12, $0x16, v6;
	v12 =	vmax.f32 v60, $9.999999930e-09;
	v60 =	vld [tilespmem:$0x1F8E0]  }
0x528: {  	v6 =	vsel vm13, $0x17, v6;
	p3 =	seq.s32 s16, $0x1;
	v1 =	vmax.f32 v63, $9.999999930e-09  }
0x529: {  	v7 =	vpsel !p3, $0xBF800000, v7;
	(erf) = vrcp.f32 v1;
	v62 =	vmax.f32 v9, $0.0e+00  }
0x52a: {  	s17 =	sld [smem:$0x7EA];
	v63 =	vmax.f32 v10, $0.0e+00;
	(erf) = vrcp.f32 v12;
	v12 =	vmax.f32 v43, v57;
	v57 =	vld [tilespmem:$0x1F900]  }
0x52b: {  	v9 =	vadd.f32 v47, v31;
	v1 =	vmul.f32 v63, v62;
	v10 =	vmin.f32 v45, v56;
	v56 =	vld [tilespmem:$0x1F8F0]  }
0x52c: {  	v55 =	vmax.f32 v44, v61;
	v61 =	vld [tilespmem:$0x1F9C0];
	v10 =	vsub.f32 v10, v12;
	v12 =	vmin.f32 v46, v60  }
0x52d: {  	v6 =	vsel vm15, $0x18, v6;
	p5 =	seq.s32 s17, $0x1;
	vm5 =	vgt.f32 v7, v3;
	v60 =	vld [tilespmem:$0x1F910];
	v12 =	vsub.f32 v12, v55  }
0x52e: {  	v3 =	vsel vm5, v7, v3;
	v4 =	vpsel !p5, $0xBF800000, v4;
	v9 =	vsub.f32 v9, v1  }
0x52f: {  	s22 =	sld [smem:$0x7E7];
	vm9 =	vgt.f32 v4, v0;
	v62 =	vpop (erf);
	v63 =	vmax.f32 v12, $0.0e+00;
	v12 =	vmax.f32 v43, v57;
	v57 =	vld [tilespmem:$0x1FDC0]  }
0x530: {  	v0 =	vsel vm9, v4, v0;
	v2 =	vmul.f32 v62, v2;
	v9 =	vmax.f32 v9, $9.999999930e-09  }
0x531: {  	s30 =	sld [smem:$0x7E4];
	v4 =	vmax.f32 v10, $0.0e+00;
	v10 =	vmin.f32 v45, v56;
	v62 =	vmax.f32 v44, v61  }
0x532: {  	p5 =	seq.s32 s22, $0x1;
	v10 =	vsub.f32 v10, v12;
	v4 =	vmul.f32 v63, v4;
	v12 =	vmin.f32 v46, v60;
	v63 =	vpop (erf)  }
0x533: {  	v2 =	vpsel !p5, $0xBF800000, v2;
	v12 =	vsub.f32 v12, v62;
	v62 =	vld [tilespmem:$0x1FDF0];
	v5 =	vmul.f32 v63, v5  }
0x534: {  	s31 =	sld [smem:$0x7A4];
	p5 =	seq.s32 s30, $0x1;
	(erf) = vrcp.f32 v9;
	vm15 =	vgt.f32 v2, v0;
	v60 =	vadd.f32 v47, v57  }
0x535: {  	s4 =	sld [smem:$0x7DE];
	v0 =	vsel vm15, v2, v0;
	v10 =	vmax.f32 v10, $0.0e+00;
	v63 =	vpsel !p5, $0xBF800000, v5  }
0x536: {  	v31 =	vpop (erf);
	v12 =	vmax.f32 v12, $0.0e+00;
	v61 =	vsub.f32 v60, v4;
	vm13 =	vgt.f32 v63, v0;
	v60 =	vld [tilespmem:$0x1F920]  }
0x537: {  	v10 =	vmul.f32 v12, v10;
	v5 =	vmul.f32 v31, v8;
	p5 =	seq.s32 s31, $0x1;
	v0 =	vsel vm13, v63, v0;
	v63 =	vld [tilespmem:$0x1F9D0]  }
0x538: {  	v7 =	vpsel !p5, $0xBF800000, v11;
	p5 =	seq.s32 s4, $0x1;
	v12 =	vadd.f32 v47, v62;
	v9 =	vmax.f32 v61, $9.999999930e-09;
	v61 =	vld [tilespmem:$0x1F930]  }
0x539: {  	v56 =	vpsel !p5, $0xBF800000, v5  }
0x53a: {  	vm12 =	vgt.f32 v56, v0;
	(erf) = vrcp.f32 v9;
	v55 =	vsub.f32 v12, v10  }
0x53b: {  	v0 =	vsel vm12, v56, v0;
	v56 =	vld [tilespmem:$0x1F950]  }
0x53c: {  	v62 =	vmin.f32 v46, v30;
	v8 =	vmax.f32 v55, $9.999999930e-09;
	v5 =	vmin.f32 v45, v60;
	v60 =	vld [tilespmem:$0x1F960]  }
0x53d: {  	(erf) = vrcp.f32 v8;
	v11 =	vmax.f32 v44, v63;
	v8 =	vmax.f32 v43, v61;
	v61 =	vld [tilespmem:$0x1F970]  }
0x53e: {  	v12 =	vsub.f32 v62, v11;
	v62 =	vld [tilespmem:$0x1F9E0];
	_ =	sdelay $0x1  }
0x53f: {  	v35 =	vadd.f32 v47, v35;
	v57 =	vpop (erf);
	v5 =	vsub.f32 v5, v8  }
0x540: {  	s5 =	sld [smem:$0x7DB];
	v58 =	vimm.s32 $0x0;
	v1 =	vmul.f32 v57, v1;
	v8 =	vmin.f32 v45, v56  }
0x541: {  	v31 =	vmax.f32 v12, $0.0e+00;
	v30 =	vmax.f32 v5, $0.0e+00;
	v12 =	vmin.f32 v46, v61;
	v61 =	vld [tilespmem:$0x1F980]  }
0x542: {  	v11 =	vmax.f32 v43, v60;
	v2 =	vmul.f32 v31, v30;
	v57 =	vpop (erf);
	v63 =	vmax.f32 v44, v62;
	v62 =	vld [tilespmem:$0x1F990]  }
0x543: {  	s6 =	sld [smem:$0x7D8];
	p5 =	seq.s32 s5, $0x1;
	v8 =	vsub.f32 v8, v11;
	v4 =	vmul.f32 v57, v4;
	v12 =	vsub.f32 v12, v63;
	v57 =	vld [tilespmem:$0x1FE50]  }
0x544: {  	v6 =	vsel vm5, $0x19, v6;
	vm8 =	vgt.f32 v7, v3;
	v1 =	vpsel !p5, $0xBF800000, v1;
	v63 =	vld [tilespmem:$0x1F9A0]  }
0x545: {  	v30 =	vsub.f32 v35, v2;
	v31 =	vmax.f32 v8, $0.0e+00;
	v35 =	vmax.f32 v12, $0.0e+00;
	v12 =	vld [tilespmem:$0x1F9F0]  }
0x546: {  	p5 =	seq.s32 s6, $0x1;
	vm14 =	vgt.f32 v1, v0;
	v55 =	vsel vm8, $0x1A, v6;
	v56 =	vpop (erf);
	v5 =	vmul.f32 v35, v31;
	v31 =	vld [tilespmem:$0x1FB00]  }
0x547: {  	v0 =	vsel vm14, v1, v0;
	v4 =	vpsel !p5, $0xBF800000, v4;
	v8 =	vmul.f32 v56, v10;
	v56 =	vld [tilespmem:$0x1FDB0]  }
0x548: {  	s7 =	sld [smem:$0x7D2];
	v1 =	vmax.f32 v30, $9.999999930e-09;
	v30 =	vld [tilespmem:$0x1FA00];
	vm0 =	vgt.f32 v4, v0;
	v6 =	vadd.f32 v47, v57  }
0x549: {  	(erf) = vrcp.f32 v1;
	v35 =	vld [tilespmem:$0x1FC30];
	v9 =	vmax.f32 v43, v62;
	v0 =	vsel vm0, v4, v0  }
0x54a: {  	v60 =	vsub.f32 v6, v5;
	v6 =	vmin.f32 v45, v61;
	v10 =	vmax.f32 v44, v12  }
0x54b: {  	p5 =	seq.s32 s7, $0x1;
	v6 =	vsub.f32 v6, v9;
	v9 =	vmin.f32 v46, v63;
	v11 =	vmax.f32 v43, v31  }
0x54c: {  	v57 =	vld [tilespmem:$0x1FE80];
	v12 =	vmax.f32 v44, v56;
	v63 =	vpsel !p5, $0xBF800000, v8;
	v8 =	vsel vm11, $0x1, v58  }
0x54d: {  	v9 =	vsub.f32 v9, v10;
	v10 =	vmin.f32 v45, v30;
	v1 =	vmax.f32 v60, $9.999999930e-09  }
0x54e: {  	v62 =	vld [tilespmem:$0x1FEB0];
	vm11 =	vgt.f32 v63, v0;
	v10 =	vsub.f32 v10, v11;
	v11 =	vmin.f32 v46, v35  }
0x54f: {  	v58 =	vld [tilespmem:$0x1FB10];
	v6 =	vmax.f32 v6, $0.0e+00;
	v9 =	vmax.f32 v9, $0.0e+00;
	v11 =	vsub.f32 v11, v12  }
0x550: {  	(erf) = vrcp.f32 v1;
	v0 =	vsel vm11, v63, v0;
	v35 =	vld [tilespmem:$0x1FA10];
	v6 =	vmul.f32 v9, v6  }
0x551: {  	v63 =	vld [tilespmem:$0x1FB20];
	v9 =	vadd.f32 v47, v57;
	v60 =	vmax.f32 v10, $0.0e+00;
	v61 =	vmax.f32 v11, $0.0e+00  }
0x552: {  	v1 =	vmul.f32 v61, v60;
	v60 =	vld [tilespmem:$0x1FC50]  }
0x553: {  	v10 =	vadd.f32 v47, v62;
	v9 =	vsub.f32 v9, v6;
	v61 =	vld [tilespmem:$0x1FDD0]  }
0x554: {  	s8 =	sld [smem:$0x7CF];
	v38 =	vmin.f32 v45, v38;
	v56 =	vsel vm8, v7, v3  }
0x555: {  	v62 =	vld [tilespmem:$0x1FA20];
	v4 =	vmax.f32 v43, v58;
	v11 =	vpop (erf);
	v12 =	vmax.f32 v9, $9.999999930e-09;
	v30 =	vsub.f32 v10, v1  }
0x556: {  	v3 =	vmin.f32 v45, v35;
	v2 =	vmul.f32 v11, v2;
	(erf) = vrcp.f32 v12;
	v12 =	vld [tilespmem:$0x1FC60]  }
0x557: {  	p5 =	seq.s32 s8, $0x1;
	v3 =	vsub.f32 v3, v4;
	v9 =	vmax.f32 v43, v63;
	v31 =	vmax.f32 v30, $9.999999930e-09;
	v30 =	vld [tilespmem:$0x1FDE0]  }
0x558: {  	v35 =	vld [tilespmem:$0x1FEE0];
	v2 =	vpsel !p5, $0xBF800000, v2;
	v4 =	vmin.f32 v46, v60;
	v7 =	vmax.f32 v44, v61  }
0x559: {  	s9 =	sld [smem:$0x7CC];
	v3 =	vmax.f32 v3, $0.0e+00;
	vm5 =	vgt.f32 v2, v0;
	v4 =	vsub.f32 v4, v7  }
0x55a: {  	(erf) = vrcp.f32 v31;
	v7 =	vmin.f32 v45, v62;
	v0 =	vsel vm5, v2, v0;
	v31 =	vpop (erf)  }
0x55b: {  	v60 =	vld [tilespmem:$0x1FF20];
	v7 =	vsub.f32 v7, v9;
	v4 =	vmax.f32 v4, $0.0e+00;
	v5 =	vmul.f32 v31, v5  }
0x55c: {  	p5 =	seq.s32 s9, $0x1;
	v9 =	vmin.f32 v46, v12;
	v10 =	vmax.f32 v44, v30;
	v3 =	vmul.f32 v4, v3  }
0x55d: {  	v4 =	vadd.f32 v47, v35;
	v9 =	vsub.f32 v9, v10;
	v5 =	vpsel !p5, $0xBF800000, v5  }
0x55e: {  	v61 =	vsel vm10, $0x2, v8;
	v7 =	vmax.f32 v7, $0.0e+00;
	vm8 =	vgt.f32 v5, v0  }
0x55f: {  	v10 =	vld [tilespmem:$0x1FB30];
	v4 =	vsub.f32 v4, v3;
	v9 =	vmax.f32 v9, $0.0e+00;
	v58 =	vpop (erf);
	v0 =	vsel vm8, v5, v0  }
0x560: {  	s10 =	sld [smem:$0x7C7];
	v11 =	vld [tilespmem:$0x1FC80];
	v7 =	vmul.f32 v9, v7;
	v9 =	vadd.f32 v47, v60;
	v2 =	vmul.f32 v58, v6  }
0x561: {  	v12 =	vld [tilespmem:$0x1FE00];
	v4 =	vmax.f32 v4, $9.999999930e-09;
	v6 =	vsel vm6, $0x3, v61;
	v60 =	vmin.f32 v46, v37  }
0x562: {  	v61 =	vmax.f32 v44, v36;
	v37 =	vadd.f32 v47, v34;
	v62 =	vsub.f32 v9, v7;
	v9 =	vld [tilespmem:$0x1FA30]  }
0x563: {  	p5 =	seq.s32 s10, $0x1;
	v58 =	vld [tilespmem:$0x1FB40];
	v34 =	vadd.f32 v47, v32;
	v63 =	vpop (erf);
	(erf) = vrcp.f32 v4;
	v6 =	vsel vm7, $0x4, v6  }
0x564: {  	v2 =	vpsel !p5, $0xBF800000, v2;
	v1 =	vmul.f32 v63, v1;
	v5 =	vmax.f32 v43, v10  }
0x565: {  	s11 =	sld [smem:$0x7C4];
	v63 =	vsub.f32 v60, v61;
	v6 =	vsel vm4, $0x5, v6;
	v8 =	vmax.f32 v62, $9.999999930e-09  }
0x566: {  	v35 =	vld [tilespmem:$0x1FF30];
	vm6 =	vgt.f32 v2, v0;
	v6 =	vsel vm9, $0x6, v6;
	(erf) = vrcp.f32 v8  }
0x567: {  	v60 =	vld [tilespmem:$0x1FB50];
	v0 =	vsel vm6, v2, v0;
	v8 =	vmax.f32 v44, v12;
	v4 =	vmin.f32 v45, v9  }
0x568: {  	p5 =	seq.s32 s11, $0x1;
	v9 =	vmax.f32 v43, v58;
	v58 =	vld [tilespmem:$0x1FA50];
	v4 =	vsub.f32 v4, v5;
	v5 =	vmin.f32 v46, v11  }
0x569: {  	v61 =	vld [tilespmem:$0x1FCB0];
	v1 =	vpsel !p5, $0xBF800000, v1;
	v62 =	vsub.f32 v38, v9;
	v5 =	vsub.f32 v5, v8  }
0x56a: {  	v6 =	vsel vm15, $0x7, v6;
	v12 =	vld [tilespmem:$0x1F5A0];
	vm7 =	vgt.f32 v1, v0;
	v8 =	vmax.f32 v63, $0.0e+00  }
0x56b: {  	v30 =	vmax.f32 v4, $0.0e+00;
	v4 =	vmax.f32 v62, $0.0e+00;
	v62 =	vld [tilespmem:$0x1FE30];
	v31 =	vmax.f32 v5, $0.0e+00  }
0x56c: {  	v6 =	vsel vm13, $0x8, v6;
	v4 =	vmul.f32 v8, v4;
	v2 =	vmul.f32 v31, v30;
	v30 =	vld [tilespmem:$0x1F5B0]  }
0x56d: {  	v9 =	vmax.f32 v43, v60;
	v5 =	vadd.f32 v47, v35;
	v8 =	vmin.f32 v45, v58  }
0x56e: {  	s12 =	sld [smem:$0x7C1];
	v0 =	vsel vm7, v1, v0;
	v63 =	vld [tilespmem:$0x1FA60];
	v38 =	vsub.f32 v37, v4;
	v8 =	vsub.f32 v8, v9;
	v31 =	vpop (erf)  }
0x56f: {  	v58 =	vld [tilespmem:$0x1FF60];
	v9 =	vmin.f32 v46, v61;
	v5 =	vsub.f32 v5, v2;
	v35 =	vpop (erf);
	v3 =	vmul.f32 v31, v3  }
0x570: {  	s13 =	sld [smem:$0x7BE];
	v10 =	vmax.f32 v44, v62;
	v31 =	vld [tilespmem:$0x1FE40];
	v8 =	vmax.f32 v8, $0.0e+00;
	v1 =	vmul.f32 v35, v7  }
0x571: {  	p5 =	seq.s32 s12, $0x1;
	v5 =	vmax.f32 v5, $9.999999930e-09;
	v9 =	vsub.f32 v9, v10;
	v36 =	vmul.f32 v30, v12;
	v12 =	vld [tilespmem:$0x1FB60]  }
0x572: {  	v7 =	vmax.f32 v38, $9.999999930e-09;
	v30 =	vld [tilespmem:$0x1FCC0];
	(erf) = vrcp.f32 v5;
	v3 =	vpsel !p5, $0xBF800000, v3  }
0x573: {  	p5 =	seq.s32 s13, $0x1;
	v9 =	vmax.f32 v9, $0.0e+00;
	(erf) = vrcp.f32 v7;
	vm4 =	vgt.f32 v3, v0  }
0x574: {  	v60 =	vld [tilespmem:$0x1FA70];
	v1 =	vpsel !p5, $0xBF800000, v1;
	v5 =	vmul.f32 v9, v8;
	v0 =	vsel vm4, v3, v0  }
0x575: {  	v61 =	vld [tilespmem:$0x1FB70];
	v10 =	vmin.f32 v45, v63;
	v9 =	vadd.f32 v47, v58;
	vm9 =	vgt.f32 v1, v0  }
0x576: {  	v63 =	vld [tilespmem:$0x1FE60];
	v38 =	vsub.f32 v34, v5;
	v0 =	vsel vm9, v1, v0;
	v11 =	vmax.f32 v43, v12  }
0x577: {  	v62 =	vld [tilespmem:$0x1FCE0];
	v12 =	vmax.f32 v44, v31;
	v10 =	vsub.f32 v10, v11;
	v11 =	vmin.f32 v46, v30  }
0x578: {  	v7 =	vmax.f32 v38, $9.999999930e-09;
	v38 =	vmul.f32 v54, v53;
	v11 =	vsub.f32 v11, v12  }
0x579: {  	v32 =	vld [tilespmem:$0x1FF70];
	v53 =	vsel vm12, $0x9, v6;
	(erf) = vrcp.f32 v7;
	v35 =	vmax.f32 v10, $0.0e+00  }
0x57a: {  	s14 =	sld [smem:$0x7BB];
	v10 =	vmin.f32 v45, v60;
	v37 =	vmax.f32 v11, $0.0e+00;
	v11 =	vmax.f32 v43, v61  }
0x57b: {  	v12 =	vmax.f32 v44, v63;
	v34 =	vpop (erf);
	v61 =	vld [tilespmem:$0x1FB80];
	v8 =	vmul.f32 v37, v35;
	v10 =	vsub.f32 v10, v11  }
0x57c: {  	v11 =	vmin.f32 v46, v62;
	v2 =	vmul.f32 v34, v2;
	v62 =	vld [tilespmem:$0x1FCF0];
	v34 =	vadd.f32 v47, v21  }
0x57d: {  	p5 =	seq.s32 s14, $0x1;
	v63 =	vld [tilespmem:$0x1FE70];
	v58 =	vpop (erf);
	v11 =	vsub.f32 v11, v12;
	v9 =	vsub.f32 v9, v8;
	v30 =	vmax.f32 v10, $0.0e+00  }
0x57e: {  	v10 =	vadd.f32 v47, v32;
	v54 =	vpsel !p5, $0xBF800000, v2;
	v2 =	vmul.f32 v58, v4  }
0x57f: {  	v31 =	vmax.f32 v11, $0.0e+00;
	vm10 =	vgt.f32 v54, v0;
	v9 =	vmax.f32 v9, $9.999999930e-09  }
0x580: {  	v60 =	vld [tilespmem:$0x1FA80];
	v7 =	vmul.f32 v31, v30;
	v4 =	vmax.f32 v43, v61;
	v0 =	vsel vm10, v54, v0  }
0x581: {  	v30 =	vpsel !p4, $0xBF800000, v2;
	(erf) = vrcp.f32 v9;
	v9 =	vmin.f32 v46, v62  }
0x582: {  	v61 =	vld [tilespmem:$0x1FB90];
	vm13 =	vgt.f32 v30, v0;
	v35 =	vsub.f32 v10, v7;
	v10 =	vmax.f32 v44, v63  }
0x583: {  	v11 =	vmin.f32 v45, v25;
	v31 =	vpop (erf);
	v0 =	vsel vm13, v30, v0;
	v12 =	vsub.f32 v9, v10  }
0x584: {  	v2 =	vmul.f32 v31, v5;
	v5 =	vsel vm14, $0xA, v53;
	v3 =	vmax.f32 v35, $9.999999930e-09  }
0x585: {  	v31 =	vmax.f32 v43, v33;
	(erf) = vrcp.f32 v3;
	v3 =	vmin.f32 v45, v60  }
0x586: {  	v35 =	vpsel !p6, $0xBF800000, v2;
	v2 =	vsel vm0, $0xB, v5;
	v3 =	vsub.f32 v3, v4  }
0x587: {  	v63 =	vld [tilespmem:$0x1FE90];
	v33 =	vmax.f32 v44, v23;
	v6 =	vmax.f32 v43, v61;
	v2 =	vsel vm11, $0xC, v2  }
0x588: {  	v4 =	vmax.f32 v12, $0.0e+00;
	v2 =	vsel vm5, $0xD, v2;
	v3 =	vmax.f32 v3, $0.0e+00  }
0x589: {  	vm12 =	vgt.f32 v35, v0;
	v2 =	vsel vm8, $0xE, v2;
	v3 =	vmul.f32 v4, v3  }
0x58a: {  	v61 =	vmax.f32 v43, v15;
	v0 =	vsel vm12, v35, v0;
	v2 =	vsel vm6, $0xF, v2;
	v32 =	vpop (erf)  }
0x58b: {  	v2 =	vsel vm7, $0x10, v2;
	v37 =	vmul.f32 v32, v8;
	v4 =	vsub.f32 v34, v3  }
0x58c: {  	v60 =	vld [tilespmem:$0x1FA90];
	v8 =	vmax.f32 v44, v63;
	v32 =	vmin.f32 v46, v26;
	v63 =	vmax.f32 v44, v18  }
0x58d: {  	v62 =	vld [tilespmem:$0x1FD10];
	v26 =	vmax.f32 v43, v27;
	v27 =	vmin.f32 v46, v28;
	v28 =	vmax.f32 v44, v16  }
0x58e: {  	v2 =	vsel vm4, $0x11, v2;
	v34 =	vsub.f32 v32, v33;
	v33 =	vadd.f32 v47, v20  }
0x58f: {  	v12 =	vld [tilespmem:$0x1FBA0];
	v2 =	vsel vm9, $0x12, v2;
	v54 =	vpsel !p0, $0xBF800000, v37;
	v4 =	vmax.f32 v4, $9.999999930e-09  }
0x590: {  	v2 =	vsel vm10, $0x13, v2;
	vm0 =	vgt.f32 v54, v0;
	(erf) = vrcp.f32 v4  }
0x591: {  	v58 =	vpop (erf);
	v4 =	vmin.f32 v45, v60;
	v60 =	vmin.f32 v45, v24;
	v2 =	vsel vm13, $0x14, v2  }
0x592: {  	v25 =	vld [tilespmem:$0x1FEA0];
	v5 =	vmul.f32 v58, v7;
	v7 =	vmin.f32 v46, v62;
	v0 =	vsel vm0, v54, v0  }
0x593: {  	v37 =	vld [tilespmem:$0x1FF90];
	v9 =	vsub.f32 v4, v6;
	v62 =	vmin.f32 v46, v17;
	v17 =	vadd.f32 v47, v22  }
0x594: {  	v21 =	vld [tilespmem:$0x1FD20];
	v2 =	vsel vm12, $0x15, v2;
	v10 =	vsub.f32 v7, v8;
	v7 =	vmax.f32 v43, v12  }
0x595: {  	v8 =	vmax.f32 v34, $0.0e+00;
	v34 =	vadd.f32 v47, v13;
	v2 =	vsel vm0, $0x16, v2  }
0x596: {  	v30 =	vld [tilespmem:$0x1FAB0];
	v5 =	vpsel !p1, $0xBF800000, v5;
	v1 =	vmax.f32 v9, $0.0e+00;
	v6 =	vsub.f32 v11, v7  }
0x597: {  	v7 =	vmax.f32 v44, v25;
	v11 =	vsub.f32 v62, v63;
	v4 =	vmax.f32 v10, $0.0e+00  }
0x598: {  	v10 =	vadd.f32 v47, v37;
	vm14 =	vgt.f32 v5, v0;
	v1 =	vmul.f32 v4, v1  }
0x599: {  	v53 =	vld [tilespmem:$0x1FFA0];
	v4 =	vmin.f32 v46, v21;
	v6 =	vmax.f32 v6, $0.0e+00;
	v15 =	vmax.f32 v11, $0.0e+00  }
0x59a: {  	v24 =	vld [tilespmem:$0x1FEF0];
	v0 =	vsel vm14, v5, v0;
	v21 =	vmin.f32 v45, v14;
	v11 =	vsub.f32 v27, v28  }
0x59b: {  	v27 =	vmul.f32 v50, v42;
	v4 =	vsub.f32 v4, v7;
	v7 =	vmin.f32 v45, v30  }
0x59c: {  	v58 =	vld [tilespmem:$0x1FFB0];
	v2 =	vsel vm14, $0x17, v2;
	v7 =	vsub.f32 v7, v31;
	v54 =	vsub.f32 v10, v1  }
0x59d: {  	v10 =	vsub.f32 v60, v61;
	v31 =	vmax.f32 v11, $0.0e+00;
	v4 =	vmax.f32 v4, $0.0e+00  }
0x59e: {  	s30 =	sld [smem:$0x796];
	v22 =	vld [tilespmem:$0x1FBF0];
	v4 =	vmul.f32 v4, v6;
	v6 =	vadd.f32 v47, v53;
	v7 =	vmax.f32 v7, $0.0e+00  }
0x59f: {  	v60 =	vld [tilespmem:$0x1FF10];
	v9 =	vmax.f32 v54, $9.999999930e-09;
	v12 =	vmax.f32 v10, $0.0e+00;
	v10 =	vmax.f32 v44, v24  }
0x5a0: {  	v53 =	vmin.f32 v45, v29;
	v54 =	vmax.f32 v43, v19;
	v19 =	vmul.f32 v52, v41  }
0x5a1: {  	p5 =	seq.s32 s30, $0x1;
	v35 =	vpop (erf);
	v24 =	vmul.f32 v51, v40;
	v7 =	vmul.f32 v8, v7;
	v8 =	vadd.f32 v47, v58  }
0x5a2: {  	s15 =	sld [smem:$0x7A1];
	v23 =	vld [tilespmem:$0x1FD70];
	v29 =	vpsel !p5, $0xBF800000, v27;
	v3 =	vmul.f32 v35, v3;
	v6 =	vsub.f32 v6, v4  }
0x5a3: {  	(erf) = vrcp.f32 v9;
	v9 =	vmax.f32 v43, v22;
	v58 =	vld [tilespmem:$0x1FDA0];
	v8 =	vsub.f32 v8, v7  }
0x5a4: {  	v25 =	vld [tilespmem:$0x1FAE0];
	v3 =	vpsel !p2, $0xBF800000, v3;
	v61 =	vmax.f32 v44, v60;
	v6 =	vmax.f32 v6, $9.999999930e-09  }
0x5a5: {  	p6 =	seq.s32 s15, $0x1;
	vm11 =	vgt.f32 v3, v0;
	(erf) = vrcp.f32 v6;
	v8 =	vmax.f32 v8, $9.999999930e-09  }
0x5a6: {  	v6 =	vmul.f32 v15, v12;
	v0 =	vsel vm11, v3, v0;
	v15 =	vpsel !p6, $0xBF800000, v38  }
0x5a7: {  	v2 =	vsel vm11, $0x18, v2;
	(erf) = vrcp.f32 v8;
	v8 =	vsub.f32 v21, v9  }
0x5a8: {  	v9 =	vmin.f32 v46, v23;
	v12 =	vmin.f32 v46, v58;
	v18 =	vsub.f32 v17, v6  }
0x5a9: {  	v9 =	vsub.f32 v9, v10;
	v10 =	vmin.f32 v45, v25;
	v62 =	vsub.f32 v12, v61  }
0x5aa: {  	v16 =	vld [tilespmem:$0x1FFF0];
	vm15 =	vgt.f32 v15, v56;
	v10 =	vsub.f32 v10, v26;
	v8 =	vmax.f32 v8, $0.0e+00  }
0x5ab: {  	v5 =	vmax.f32 v18, $9.999999930e-09;
	v9 =	vmax.f32 v9, $0.0e+00;
	v14 =	vmax.f32 v62, $0.0e+00  }
0x5ac: {  	v8 =	vmul.f32 v9, v8;
	v30 =	vmax.f32 v10, $0.0e+00;
	(erf) = vrcp.f32 v5  }
0x5ad: {  	s17 =	sld [smem:$0x79D];
	v32 =	vpop (erf);
	v10 =	vsub.f32 v53, v54;
	v5 =	vsel vm15, v15, v56;
	v9 =	vmul.f32 v31, v30  }
0x5ae: {  	v1 =	vmul.f32 v32, v1;
	v32 =	vmul.f32 v49, v39;
	v35 =	vsub.f32 v33, v8  }
0x5af: {  	v13 =	vmax.f32 v10, $0.0e+00;
	v10 =	vadd.f32 v47, v16;
	v37 =	vsub.f32 v34, v9  }
0x5b0: {  	s16 =	sld [smem:$0x7A4];
	v33 =	vld [tilespmem:$0x1F5C0];
	v1 =	vpsel !p3, $0xBF800000, v1;
	p3 =	seq.s32 s17, $0x1;
	v34 =	vsel vm15, $0x1B, v55;
	v3 =	vmax.f32 v35, $9.999999930e-09  }
0x5b1: {  	v63 =	vpop (erf);
	vm5 =	vgt.f32 v1, v0;
	v23 =	vpsel !p3, $0xBF800000, v19;
	(erf) = vrcp.f32 v3  }
0x5b2: {  	v35 =	vld [tilespmem:$0x1F5D0];
	v4 =	vmul.f32 v63, v4;
	v12 =	vmax.f32 v37, $9.999999930e-09;
	v3 =	vmul.f32 v14, v13  }
0x5b3: {  	s31 =	sld [smem:$0x793];
	p2 =	seq.s32 s16, $0x1;
	v0 =	vsel vm5, v1, v0;
	v20 =	vpop (erf);
	vm7 =	vgt.f32 v23, v5;
	(erf) = vrcp.f32 v12  }
0x5b4: {  	v21 =	vmul.f32 v20, v7;
	v17 =	vpsel !p2, $0xBF800000, v4;
	v18 =	vsub.f32 v10, v3  }
0x5b5: {  	s22 =	sld [smem:$0x79A];
	v2 =	vsel vm5, $0x19, v2;
	vm13 =	vnez.u8 v33;
	vm6 =	vgt.f32 v17, v0  }
0x5b6: {  	v1 =	vpsel !p6, $0xBF800000, v21;
	p6 =	seq.s32 s31, $0x1;
	v0 =	vsel vm6, v17, v0;
	v4 =	vmax.f32 v18, $9.999999930e-09  }
0x5b7: {  	v22 =	vpop (erf);
	v2 =	vsel vm6, $0x1A, v2;
	v7 =	vpsel !p6, $0xBF800000, v35;
	v37 =	vpsel !p6, $0xBF800000, v36  }
0x5b8: {  	p4 =	seq.s32 s22, $0x1;
	v6 =	vmul.f32 v22, v6;
	(erf) = vrcp.f32 v4;
	vm4 =	vgt.f32 v1, v0  }
0x5b9: {  	v4 =	vsel vm7, v23, v5;
	v5 =	vpsel !p4, $0xBF800000, v24;
	v0 =	vsel vm4, v1, v0  }
0x5ba: {  	vm10 =	vgt.f32 v5, v4;
	v2 =	vsel vm4, $0x1B, v2;
	v6 =	vpsel !p3, $0xBF800000, v6;
	v25 =	vpop (erf)  }
0x5bb: {  	v38 =	vld [tilespmem:$0x1F5E0];
	v4 =	vsel vm10, v5, v4;
	v5 =	vsel vm7, $0x1C, v34;
	v1 =	vmul.f32 v25, v8  }
0x5bc: {  	v39 =	vld [tilespmem:$0x1F5F0];
	vm8 =	vgt.f32 v6, v0;
	vm12 =	vgt.f32 v29, v4;
	v5 =	vsel vm10, $0x1D, v5;
	v26 =	vpop (erf)  }
0x5bd: {  	v0 =	vsel vm8, v6, v0;
	v28 =	vmul.f32 v26, v9;
	v1 =	vpsel !p4, $0xBF800000, v1  }
0x5be: {  	v5 =	vsel vm12, $0x1E, v5;
	v2 =	vsel vm8, $0x1C, v2;
	vm9 =	vgt.f32 v1, v0  }
0x5bf: {  	v6 =	vpsel !p6, $0xBF800000, v32;
	v30 =	vpsel !p5, $0xBF800000, v28;
	v0 =	vsel vm9, v1, v0  }
0x5c0: {  	v1 =	vsel vm12, v29, v4;
	v4 =	vsel vm13, $0x1B, v48;
	vm12 =	vgt.f32 v7, v38  }
0x5c1: {  	v31 =	vpop (erf);
	vm13 =	vgt.f32 v37, v39;
	v2 =	vsel vm9, $0x1D, v2;
	vm0 =	vgt.f32 v30, v0  }
0x5c2: {  	v3 =	vmul.f32 v31, v3;
	v4 =	vsel vm1, $0x1C, v4;
	v40 =	vsel vm12, $0x1F, v59  }
0x5c3: {  	vm14 =	vgt.f32 v6, v1;
	v0 =	vsel vm0, v30, v0;
	v4 =	vsel vm2, $0x1D, v4  }
0x5c4: {  	v5 =	vsel vm14, $0x1F, v5;
	v4 =	vsel vm3, $0x1E, v4;
	v3 =	vpsel !p6, $0xBF800000, v3  }
0x5c5: {  	v2 =	vsel vm0, $0x1E, v2;
	v4 =	vsel vm13, $0x1F, v4;
	vm15 =	vgt.f32 v3, v0  }
0x5c6: {  	v7 =	vsel vm12, v7, v38;
	v2 =	vsel vm15, $0x1F, v2  }
0x5c7: {  	[tilespmem:s24+$0xFFFFFFE0] =	vst v7;
	v1 =	vsel vm14, v6, v1  }
0x5c8: {  	v8 =	vsel vm13, v37, v39;
	[tilespmem:s24+$0x0] =	vst v1;
	v41 =	vld.idx.msk [tilespmem:v40+s21+$0x0], $0xffff  }
0x5c9: {  	[tilespmem:s24+$0xFFFFFFF0] =	vst v8;
	v42 =	vadd.s32 $0x20, v40;
	v0 =	vsel vm15, v3, v0;
	v44 =	vld.idx.msk [tilespmem:v5+s21+$0x0], $0xffff  }
0x5ca: {  	v45 =	vadd.s32 $0x20, v5;
	[tilespmem:s24+$0x10] =	vst v0;
	v8 =	vld.idx.msk [tilespmem:v4+s21+$0x0], $0xffff  }
0x5cb: {  	v43 =	vadd.s32 $0x20, v4;
	v46 =	vld.idx.msk [tilespmem:v2+s21+$0x0], $0xffff  }
0x5cc: {  	v47 =	vadd.s32 $0x20, v2  }
0x5cd: {  	[tilespmem:s23+$0xFFFFFFE0] =	vst v41  }
0x5ce: {  	v6 =	vld.idx.msk [tilespmem:v42+s21+$0x0], $0xffff;
	[tilespmem:s23+$0x0] =	vst v44  }
0x5cf: {  	v48 =	vadd.s32 $0x40, v40;
	v0 =	vld.idx.msk [tilespmem:v45+s21+$0x0], $0xffff;
	[tilespmem:s23+$0xFFFFFFF0] =	vst v8  }
0x5d0: {  	v50 =	vadd.s32 $0x40, v5;
	v1 =	vld.idx.msk [tilespmem:v43+s21+$0x0], $0xffff;
	[tilespmem:s23+$0x10] =	vst v46  }
0x5d1: {  	v49 =	vadd.s32 $0x40, v4;
	v10 =	vld.idx.msk [tilespmem:v47+s21+$0x0], $0xffff  }
0x5d2: {  	v51 =	vadd.s32 $0x40, v2  }
0x5d3: {  	[tilespmem:s20+$0xFFFFFFE0] =	vst v6  }
0x5d4: {  	v6 =	vld.idx.msk [tilespmem:v48+s21+$0x0], $0xffff;
	[tilespmem:s20+$0x0] =	vst v0  }
0x5d5: {  	v52 =	vadd.s32 $0x60, v40;
	v54 =	vld.idx.msk [tilespmem:v50+s21+$0x0], $0xffff;
	[tilespmem:s20+$0xFFFFFFF0] =	vst v1  }
0x5d6: {  	v55 =	vadd.s32 $0x60, v5;
	v3 =	vld.idx.msk [tilespmem:v49+s21+$0x0], $0xffff;
	[tilespmem:s20+$0x10] =	vst v10  }
0x5d7: {  	v53 =	vadd.s32 $0x60, v4;
	v10 =	vld.idx.msk [tilespmem:v51+s21+$0x0], $0xffff  }
0x5d8: {  	v56 =	vadd.s32 $0x60, v2  }
0x5d9: {  	[tilespmem:s19+$0xFFFFFFE0] =	vst v6  }
0x5da: {  	v1 =	vld.idx.msk [tilespmem:v52+s21+$0x0], $0xffff;
	[tilespmem:s19+$0x0] =	vst v54  }
0x5db: {  	v58 =	vor.u32 $0x80, v40;
	v59 =	vld.idx.msk [tilespmem:v55+s21+$0x0], $0xffff;
	[tilespmem:s19+$0xFFFFFFF0] =	vst v3  }
0x5dc: {  	v5 =	vor.u32 $0x80, v5;
	v0 =	vld.idx.msk [tilespmem:v53+s21+$0x0], $0xffff;
	[tilespmem:s19+$0x10] =	vst v10  }
0x5dd: {  	v4 =	vor.u32 $0x80, v4;
	v60 =	vld.idx.msk [tilespmem:v56+s21+$0x0], $0xffff  }
0x5de: {  	v2 =	vor.u32 $0x80, v2  }
0x5df: {  	[tilespmem:s18+$0xFFFFFFE0] =	vst v1  }
0x5e0: {  	v61 =	vld.idx.msk [tilespmem:v58+s21+$0x0], $0xffff;
	[tilespmem:s18+$0x0] =	vst v59  }
0x5e1: {  	v63 =	vld.idx.msk [tilespmem:v5+s21+$0x0], $0xffff;
	[tilespmem:s18+$0xFFFFFFF0] =	vst v0  }
0x5e2: {  	s0 =	sadd.s32 $0x4, s0;
	v62 =	vld.idx.msk [tilespmem:v4+s21+$0x0], $0xffff;
	[tilespmem:s18+$0x10] =	vst v60  }
0x5e3: {  	p4 =	slt.u32 s0, $0x98;
	v2 =	vld.idx.msk [tilespmem:v2+s21+$0x0], $0xffff  }
.Ltmp0:
0x5e4: {  	_ = 	snop;
	(pc) =	sbr.rel @p4 .LBB2_2-.Ltmp0, $4  }
0x5e5: {  	s29 =	sadd.s32 $0x40, s29;
	[tilespmem:s1+$0xFFFFFFE0] =	vst v61  }
0x5e6: {  	s26 =	sadd.s32 $0x40, s26;
	s28 =	sadd.s32 $0x40, s28;
	s25 =	sadd.s32 $0x40, s25;
	[tilespmem:s1+$0x0] =	vst v63  }
0x5e7: {  	s24 =	sadd.s32 $0x40, s24;
	s23 =	sadd.s32 $0x40, s23;
	s20 =	sadd.s32 $0x40, s20;
	[tilespmem:s1+$0xFFFFFFF0] =	vst v62  }
0x5e8: {  	v57 =	vimm.s32 $0x0;
	s19 =	sadd.s32 $0x40, s19;
	s18 =	sadd.s32 $0x40, s18;
	[tilespmem:s1+$0x10] =	vst v2;
	s1 =	sadd.s32 $0x40, s1  }
0x5e9: {  	v34 =	vld [tilespmem:$0x9C0]  }
0x5ea: {  	v33 =	vld [tilespmem:$0x13C0]  }
0x5eb: {  	v36 =	vld [tilespmem:$0x1DC0]  }
0x5ec: {  	v35 =	vld [tilespmem:$0x27C0]  }
0x5ed: {  	v0 =	vld [tilespmem:$0x1F600]  }
0x5ee: {  	v1 =	vld [tilespmem:$0x1F610]  }
0x5ef: {  	v2 =	vld [tilespmem:$0x1F620]  }
0x5f0: {  	v3 =	vld [tilespmem:$0x1F630]  }
0x5f1: {  	v23 =	vld [tilespmem:$0x1F640]  }
0x5f2: {  	v4 =	vld [tilespmem:$0x1F650]  }
0x5f3: {  	v24 =	vld [tilespmem:$0x1F660]  }
0x5f4: {  	v5 =	vld [tilespmem:$0x1F670]  }
0x5f5: {  	v6 =	vld [tilespmem:$0x1F690]  }
0x5f6: {  	v7 =	vld [tilespmem:$0x1F6A0]  }
0x5f7: {  	v8 =	vld [tilespmem:$0x1F6B0]  }
0x5f8: {  	v43 =	vld [tilespmem:$0x1F6E0]  }
0x5f9: {  	v9 =	vld [tilespmem:$0x1F720]  }
0x5fa: {  	v10 =	vld [tilespmem:$0x1F730]  }
0x5fb: {  	v11 =	vld [tilespmem:$0x1F7B0];
	v0 =	vmin.f32 v36, v0  }
0x5fc: {  	v44 =	vld [tilespmem:$0x1F6F0];
	v1 =	vmax.f32 v34, v1;
	v2 =	vmin.f32 v35, v2;
	v3 =	vmax.f32 v33, v3  }
0x5fd: {  	v13 =	vld [tilespmem:$0x1F790];
	v20 =	vsub.f32 v36, v34;
	v21 =	vsub.f32 v35, v33;
	v4 =	vmax.f32 v34, v4  }
0x5fe: {  	v48 =	vld [tilespmem:$0x1F700];
	v5 =	vmax.f32 v33, v5;
	v6 =	vmax.f32 v34, v6;
	v7 =	vmin.f32 v35, v7  }
0x5ff: {  	v49 =	vld [tilespmem:$0x1F710];
	v8 =	vmax.f32 v33, v8;
	v9 =	vmin.f32 v35, v9;
	v10 =	vmax.f32 v33, v10  }
0x600: {  	v22 =	vld [tilespmem:$0x1FBB0];
	v11 =	vmax.f32 v33, v11;
	v1 =	vsub.f32 v0, v1;
	v2 =	vsub.f32 v2, v3  }
0x601: {  	v25 =	vld [tilespmem:$0x1F680];
	v3 =	vmin.f32 v36, v23;
	v26 =	vsub.f32 v7, v8;
	v7 =	vmin.f32 v35, v43  }
0x602: {  	v59 =	vld [tilespmem:$0x1F750];
	v8 =	vmax.f32 v33, v44;
	v9 =	vsub.f32 v9, v10;
	v10 =	vmax.f32 v34, v13  }
0x603: {  	v42 =	vld [tilespmem:$0x1F6D0];
	v0 =	vmul.f32 v21, v20;
	v3 =	vsub.f32 v3, v4;
	v4 =	vmin.f32 v35, v24  }
0x604: {  	v52 =	vld [tilespmem:$0x1FC40];
	v46 =	vsub.f32 v7, v8;
	v7 =	vmin.f32 v36, v48;
	v8 =	vmax.f32 v34, v49  }
0x605: {  	v41 =	vld [tilespmem:$0x1F6C0];
	v1 =	vmax.f32 v1, $0.0e+00;
	v2 =	vmax.f32 v2, $0.0e+00;
	v4 =	vsub.f32 v4, v5  }
0x606: {  	v47 =	vld [tilespmem:$0x1FBE0];
	v5 =	vmin.f32 v36, v25;
	v40 =	vmax.f32 v26, $0.0e+00;
	v7 =	vsub.f32 v7, v8  }
0x607: {  	v56 =	vld [tilespmem:$0x1FC70];
	v54 =	vmax.f32 v9, $0.0e+00;
	v9 =	vmax.f32 v34, v59;
	v1 =	vmul.f32 v2, v1  }
0x608: {  	v51 =	vld [tilespmem:$0x1FC10];
	v2 =	vadd.f32 v0, v22;
	v5 =	vsub.f32 v5, v6;
	v3 =	vmax.f32 v3, $0.0e+00  }
0x609: {  	v58 =	vld [tilespmem:$0x1F740];
	v6 =	vmax.f32 v34, v42;
	v8 =	vadd.f32 v0, v52;
	v4 =	vmax.f32 v4, $0.0e+00  }
0x60a: {  	v13 =	vld [tilespmem:$0x1F7D0];
	v7 =	vmax.f32 v7, $0.0e+00;
	v2 =	vsub.f32 v2, v1;
	v27 =	vmul.f32 v4, v3  }
0x60b: {  	v21 =	vld [tilespmem:$0x1F8B0];
	v39 =	vmax.f32 v5, $0.0e+00;
	v5 =	vmin.f32 v36, v41;
	v55 =	vmul.f32 v54, v7  }
0x60c: {  	v62 =	vld [tilespmem:$0x1F760];
	v7 =	vadd.f32 v0, v56;
	v3 =	vmul.f32 v40, v39;
	v45 =	vsub.f32 v5, v6  }
0x60d: {  	v63 =	vld [tilespmem:$0x1F770];
	v6 =	vadd.f32 v0, v47;
	v5 =	vmax.f32 v46, $0.0e+00;
	v2 =	vmax.f32 v2, $9.999999930e-09  }
0x60e: {  	v12 =	vld [tilespmem:$0x1F780];
	v7 =	vsub.f32 v7, v55;
	(erf) = vrcp.f32 v2;
	v4 =	vmax.f32 v45, $0.0e+00  }
0x60f: {  	v14 =	vld [tilespmem:$0x1F7A0];
	v50 =	vsub.f32 v6, v27;
	v6 =	vadd.f32 v0, v51;
	v4 =	vmul.f32 v5, v4  }
0x610: {  	v17 =	vld [tilespmem:$0x1F7E0];
	v13 =	vmax.f32 v34, v13;
	v22 =	vmax.f32 v33, v21;
	v7 =	vmax.f32 v7, $9.999999930e-09  }
0x611: {  	v18 =	vld [tilespmem:$0x1F7F0];
	v6 =	vsub.f32 v6, v3;
	v53 =	vsub.f32 v8, v4;
	v8 =	vmin.f32 v36, v58  }
0x612: {  	v29 =	vld [tilespmem:$0x1FCA0];
	v61 =	vsub.f32 v8, v9;
	v8 =	vmin.f32 v35, v62;
	v9 =	vmax.f32 v33, v63  }
0x613: {  	v5 =	vmax.f32 v50, $9.999999930e-09;
	v8 =	vsub.f32 v8, v9;
	v9 =	vmin.f32 v36, v12;
	v12 =	vld [tilespmem:$0x1F7C0]  }
0x614: {  	(erf) = vrcp.f32 v5;
	v6 =	vmax.f32 v6, $9.999999930e-09;
	v5 =	vmax.f32 v53, $9.999999930e-09;
	v53 =	vld [tilespmem:$0x1FD60]  }
0x615: {  	v30 =	vld [tilespmem:$0x1FCD0];
	(erf) = vrcp.f32 v6;
	v9 =	vsub.f32 v9, v10;
	v10 =	vmin.f32 v35, v14  }
0x616: {  	v31 =	vld [tilespmem:$0x1F800];
	v15 =	vsub.f32 v10, v11;
	v8 =	vmax.f32 v8, $0.0e+00;
	v11 =	vmin.f32 v35, v17  }
0x617: {  	v32 =	vld [tilespmem:$0x1F810];
	v9 =	vmax.f32 v9, $0.0e+00;
	v60 =	vpop (erf);
	(erf) = vrcp.f32 v5;
	v5 =	vmax.f32 v61, $0.0e+00  }
0x618: {  	v38 =	vld [tilespmem:$0x1F820];
	s0 =	sld [smem:$0x7FD];
	v1 =	vmul.f32 v60, v1;
	v12 =	vmin.f32 v36, v12;
	(erf) = vrcp.f32 v7  }
0x619: {  	v39 =	vld [tilespmem:$0x1F830];
	v7 =	vmax.f32 v15, $0.0e+00;
	v54 =	vadd.f32 v0, v53;
	v16 =	vsub.f32 v12, v13  }
0x61a: {  	v12 =	vmax.f32 v33, v18;
	v19 =	vmul.f32 v7, v9;
	v7 =	vadd.f32 v0, v29  }
0x61b: {  	p0 =	seq.s32 s0, $0x1;
	v40 =	vld [tilespmem:$0x1FD00];
	v8 =	vmul.f32 v8, v5;
	v9 =	vadd.f32 v0, v30;
	v28 =	vsub.f32 v11, v12  }
0x61c: {  	v48 =	vld [tilespmem:$0x1F850];
	v11 =	vmin.f32 v36, v31;
	v12 =	vmax.f32 v34, v32;
	v14 =	vpsel !p0, $0xBF800000, v1  }
0x61d: {  	v15 =	vld [tilespmem:$0x1F870];
	v10 =	vmax.f32 v16, $0.0e+00;
	v37 =	vsub.f32 v11, v12;
	v7 =	vsub.f32 v7, v8  }
0x61e: {  	s13 =	sld [smem:$0x7FB];
	v47 =	vld [tilespmem:$0x1F840];
	v43 =	vpop (erf);
	v9 =	vsub.f32 v9, v19;
	v11 =	vmin.f32 v35, v38;
	v12 =	vmax.f32 v33, v39  }
0x61f: {  	v44 =	vld [tilespmem:$0x1FD30];
	v2 =	vmul.f32 v43, v27;
	v5 =	vmax.f32 v28, $0.0e+00;
	v11 =	vsub.f32 v11, v12  }
0x620: {  	v49 =	vld [tilespmem:$0x1F860];
	v12 =	vadd.f32 v0, v40;
	v45 =	vpop (erf);
	v10 =	vmul.f32 v5, v10;
	v7 =	vmax.f32 v7, $9.999999930e-09  }
0x621: {  	s12 =	sld [smem:$0x74A];
	p5 =	seq.s32 s13, $0x1;
	v39 =	vld [tilespmem:$0x1F8E0];
	v41 =	vmax.f32 v9, $9.999999930e-09;
	v5 =	vmax.f32 v37, $0.0e+00;
	v3 =	vmul.f32 v45, v3  }
0x622: {  	s14 =	sld [smem:$0x7F8];
	v43 =	vld [tilespmem:$0x1F8F0];
	v9 =	vmax.f32 v34, v48;
	v24 =	vmax.f32 v33, v15;
	v50 =	vpsel !p5, $0xBF800000, v2  }
0x623: {  	(erf) = vrcp.f32 v7;
	v11 =	vmax.f32 v11, $0.0e+00;
	v7 =	vmin.f32 v36, v47  }
0x624: {  	v42 =	vsub.f32 v12, v10;
	(erf) = vrcp.f32 v41;
	v11 =	vmul.f32 v11, v5  }
0x625: {  	s15 =	sld [smem:$0x7FA];
	p4 =	seq.s32 s12, $0x1;
	p6 =	seq.s32 s14, $0x1;
	v45 =	vld [tilespmem:$0x1F900];
	v5 =	vadd.f32 v0, v44;
	v12 =	vmin.f32 v35, v49;
	v9 =	vsub.f32 v7, v9  }
0x626: {  	s16 =	sld [smem:$0x7F7];
	v17 =	vld [tilespmem:$0x1F890];
	v7 =	vpsel p4, v1, v14;
	v51 =	vpsel !p6, $0xBF800000, v3;
	v12 =	vsub.f32 v12, v24  }
0x627: {  	s17 =	sld [smem:$0x7F4];
	v47 =	vld [tilespmem:$0x1F910];
	v40 =	vmin.f32 v35, v39;
	v44 =	vmin.f32 v36, v43;
	vm0 =	vgt.f32 v7, $-2.000000000e+00  }
0x628: {  	s18 =	sld [smem:$0x7F3];
	v16 =	vld [tilespmem:$0x1F880];
	v52 =	vpop (erf);
	v46 =	vmax.f32 v42, $9.999999930e-09;
	v5 =	vsub.f32 v5, v11;
	v9 =	vmax.f32 v9, $0.0e+00  }
0x629: {  	s19 =	sld [smem:$0x7F1];
	v49 =	vld [tilespmem:$0x1F9C0];
	v4 =	vmul.f32 v52, v4;
	v23 =	vpop (erf);
	(erf) = vrcp.f32 v46;
	v12 =	vmax.f32 v12, $0.0e+00  }
0x62a: {  	p1 =	seq.s32 s15, $0x1;
	p3 =	seq.s32 s17, $0x1;
	v41 =	vld [tilespmem:$0x1F9B0];
	v55 =	vmul.f32 v23, v55;
	v46 =	vmax.f32 v34, v45;
	v5 =	vmax.f32 v5, $9.999999930e-09  }
0x62b: {  	s20 =	sld [smem:$0x7F0];
	v53 =	vld [tilespmem:$0x1F920];
	v12 =	vmul.f32 v12, v9;
	v9 =	vpsel p1, v2, v50;
	v58 =	vpsel !p3, $0xBF800000, v4  }
0x62c: {  	p2 =	seq.s32 s16, $0x1;
	v18 =	vld [tilespmem:$0x1F8A0];
	p5 =	seq.s32 s19, $0x1;
	p4 =	seq.s32 s18, $0x1;
	v48 =	vmin.f32 v35, v47;
	v23 =	vsub.f32 v44, v46;
	(erf) = vrcp.f32 v5  }
0x62d: {  	v32 =	vld [tilespmem:$0x1FD90];
	v5 =	vpsel p2, v3, v51;
	v6 =	vpsel p4, v4, v58;
	v60 =	vpsel !p5, $0xBF800000, v55  }
0x62e: {  	p6 =	seq.s32 s20, $0x1;
	v3 =	vmin.f32 v36, v16;
	v26 =	vmax.f32 v33, v49;
	v58 =	vld [tilespmem:$0x1F940];
	v14 =	vsub.f32 v54, v12  }
0x62f: {  	v38 =	vld [tilespmem:$0x1F8D0];
	v42 =	vmax.f32 v33, v41;
	v2 =	vpsel p6, v55, v60;
	v50 =	vsub.f32 v48, v26  }
0x630: {  	s22 =	sld [smem:$0x7EE];
	v21 =	vmax.f32 v23, $0.0e+00;
	v54 =	vmin.f32 v36, v53;
	v55 =	vld [tilespmem:$0x1F930];
	v56 =	vpop (erf);
	v63 =	vmax.f32 v14, $9.999999930e-09  }
0x631: {  	s23 =	sld [smem:$0x7E9];
	v37 =	vld [tilespmem:$0x1F8C0];
	v14 =	vmax.f32 v34, v17;
	v52 =	vmax.f32 v50, $0.0e+00;
	v8 =	vmul.f32 v56, v8  }
0x632: {  	s24 =	sld [smem:$0x7ED];
	v60 =	vld [tilespmem:$0x1F9D0];
	v59 =	vpop (erf);
	(erf) = vrcp.f32 v63;
	v3 =	vsub.f32 v3, v14;
	v21 =	vmul.f32 v52, v21  }
0x633: {  	s25 =	sld [smem:$0x7E8];
	p1 =	seq.s32 s22, $0x1;
	v50 =	vld [tilespmem:$0x1FE20];
	v61 =	vmul.f32 v59, v19;
	v19 =	vmin.f32 v35, v18;
	v59 =	vmin.f32 v35, v58  }
0x634: {  	v39 =	vld [tilespmem:$0x1F970];
	p2 =	seq.s32 s23, $0x1;
	v62 =	vpsel !p1, $0xBF800000, v8;
	v28 =	vsub.f32 v19, v22;
	v31 =	vmax.f32 v3, $0.0e+00  }
0x635: {  	s26 =	sld [smem:$0x7E6];
	p3 =	seq.s32 s24, $0x1;
	v51 =	vld [tilespmem:$0x1FDC0];
	v22 =	vmax.f32 v34, v38;
	v56 =	vmax.f32 v34, v55;
	v13 =	vpsel !p2, $0xBF800000, v61;
	v25 =	vpop (erf)  }
0x636: {  	s28 =	sld [smem:$0x7E5];
	p4 =	seq.s32 s25, $0x1;
	v41 =	vld [tilespmem:$0x1F9E0];
	v8 =	vpsel p3, v8, v62;
	v62 =	vsub.f32 v54, v56;
	v10 =	vmul.f32 v25, v10  }
0x637: {  	v54 =	vld [tilespmem:$0x1F980];
	v4 =	vpsel p4, v61, v13;
	v13 =	vadd.f32 v0, v32;
	v61 =	vmax.f32 v33, v60  }
0x638: {  	s29 =	sld [smem:$0x7E3];
	p5 =	seq.s32 s26, $0x1;
	v56 =	vld [tilespmem:$0x1F990];
	v14 =	vmax.f32 v28, $0.0e+00;
	v18 =	vadd.f32 v0, v50;
	v29 =	vpop (erf);
	v63 =	vsub.f32 v59, v61  }
0x639: {  	p6 =	seq.s32 s28, $0x1;
	v25 =	vld [tilespmem:$0x1FDB0];
	v45 =	vmax.f32 v62, $0.0e+00;
	v1 =	vmul.f32 v29, v11;
	v30 =	vpsel !p5, $0xBF800000, v10  }
0x63a: {  	v59 =	vld [tilespmem:$0x1F9A0];
	v11 =	vmul.f32 v14, v31;
	v14 =	vmin.f32 v36, v37;
	v3 =	vpsel p6, v10, v30  }
0x63b: {  	s31 =	sld [smem:$0x7E2];
	p1 =	seq.s32 s29, $0x1;
	v61 =	vld [tilespmem:$0x1F9F0];
	v14 =	vsub.f32 v14, v22;
	v22 =	vsub.f32 v40, v42;
	v40 =	vmin.f32 v35, v39  }
0x63c: {  	v31 =	vld [tilespmem:$0x1F950];
	v42 =	vmax.f32 v33, v41;
	v46 =	vmax.f32 v63, $0.0e+00;
	v10 =	vpsel !p1, $0xBF800000, v1  }
0x63d: {  	v37 =	vld [tilespmem:$0x1F960];
	v13 =	vsub.f32 v13, v11;
	v43 =	vsub.f32 v40, v42;
	v55 =	vmin.f32 v36, v54  }
0x63e: {  	p3 =	seq.s32 s31, $0x1;
	v30 =	vld [tilespmem:$0x1FDF0];
	v58 =	vmax.f32 v34, v56;
	v27 =	vpop (erf);
	v14 =	vmax.f32 v14, $0.0e+00;
	v22 =	vmax.f32 v22, $0.0e+00  }
0x63f: {  	v29 =	vld [tilespmem:$0x1FB10];
	v10 =	vpsel p3, v1, v10;
	v12 =	vmul.f32 v27, v12;
	v13 =	vmax.f32 v13, $9.999999930e-09  }
0x640: {  	s30 =	sld [smem:$0x7DD];
	v41 =	vld [tilespmem:$0x1FA20];
	v48 =	vmax.f32 v43, $0.0e+00;
	v60 =	vmin.f32 v35, v59;
	v62 =	vmax.f32 v33, v61  }
0x641: {  	s1 =	sld [smem:$0x7DC];
	v43 =	vld [tilespmem:$0x1FB20];
	(erf) = vrcp.f32 v13;
	v13 =	vmul.f32 v22, v14;
	v14 =	vadd.f32 v0, v51  }
0x642: {  	v32 =	vmin.f32 v36, v31;
	v38 =	vmax.f32 v34, v37;
	v51 =	vld [tilespmem:$0x1FE50];
	v63 =	vsub.f32 v60, v62  }
0x643: {  	p2 =	seq.s32 s30, $0x1;
	v26 =	vmax.f32 v33, v25;
	v31 =	vld [tilespmem:$0x1FC50];
	v20 =	vadd.f32 v0, v30;
	v24 =	vsub.f32 v32, v38  }
0x644: {  	p4 =	seq.s32 s1, $0x1;
	v37 =	vld [tilespmem:$0x1FDD0];
	v49 =	vpsel !p2, $0xBF800000, v12;
	v30 =	vmax.f32 v34, v29;
	v14 =	vsub.f32 v14, v13  }
0x645: {  	v23 =	vld [tilespmem:$0x1FB00];
	v42 =	vmin.f32 v36, v41;
	v1 =	vpsel p4, v12, v49;
	v44 =	vsub.f32 v20, v21  }
0x646: {  	v27 =	vld [tilespmem:$0x1FA10];
	v47 =	vmax.f32 v24, $0.0e+00;
	v20 =	vmul.f32 v46, v45;
	v14 =	vmax.f32 v14, $9.999999930e-09  }
0x647: {  	v22 =	vmul.f32 v48, v47;
	(erf) = vrcp.f32 v14;
	v19 =	vadd.f32 v0, v51  }
0x648: {  	v14 =	vmax.f32 v44, $9.999999930e-09;
	v52 =	vsub.f32 v18, v20;
	v18 =	vsub.f32 v55, v58  }
0x649: {  	v46 =	vld [tilespmem:$0x1FEB0];
	v32 =	vmin.f32 v35, v31;
	v38 =	vmax.f32 v33, v37;
	v44 =	vmax.f32 v34, v43  }
0x64a: {  	v48 =	vld [tilespmem:$0x1FDE0];
	(erf) = vrcp.f32 v14;
	v14 =	vmax.f32 v34, v23;
	v23 =	vsub.f32 v32, v38  }
0x64b: {  	v28 =	vmin.f32 v36, v27;
	v45 =	vsub.f32 v42, v44;
	v53 =	vsub.f32 v19, v22;
	v19 =	vld [tilespmem:$0x1FA00]  }
0x64c: {  	v24 =	vld [tilespmem:$0x1FC30];
	v42 =	vnsel vm0, $0xC0000000, v7;
	v12 =	vmax.f32 v52, $9.999999930e-09;
	v17 =	vmax.f32 v18, $0.0e+00  }
0x64d: {  	s2 =	sld [smem:$0x7DA];
	v18 =	vmax.f32 v63, $0.0e+00;
	v63 =	vld [tilespmem:$0x1FE00];
	(erf) = vrcp.f32 v12;
	v16 =	vmax.f32 v53, $9.999999930e-09  }
0x64e: {  	vm6 =	vgt.f32 v9, v42;
	v18 =	vmul.f32 v18, v17;
	v15 =	vpop (erf);
	(erf) = vrcp.f32 v16;
	v16 =	vld [tilespmem:$0x1FC60]  }
0x64f: {  	v50 =	vld [tilespmem:$0x1FEE0];
	v17 =	vmax.f32 v23, $0.0e+00;
	v49 =	vmax.f32 v33, v48;
	v11 =	vmul.f32 v15, v11  }
0x650: {  	p5 =	seq.s32 s2, $0x1;
	v39 =	vld [tilespmem:$0x1FE80];
	v15 =	vadd.f32 v0, v46;
	v12 =	vmin.f32 v36, v19;
	v19 =	vsub.f32 v28, v30  }
0x651: {  	v51 =	vpsel !p5, $0xBF800000, v11;
	v12 =	vsub.f32 v12, v14;
	v14 =	vmin.f32 v35, v24  }
0x652: {  	s4 =	sld [smem:$0x7D7];
	v25 =	vmax.f32 v33, v63;
	v30 =	vld [tilespmem:$0x1FF30];
	v14 =	vsub.f32 v14, v26;
	v40 =	vmax.f32 v19, $0.0e+00  }
0x653: {  	v62 =	vld [tilespmem:$0x1FC80];
	v56 =	vpop (erf);
	v12 =	vmax.f32 v12, $0.0e+00;
	v17 =	vmul.f32 v17, v40;
	v47 =	vmin.f32 v35, v16  }
0x654: {  	v55 =	vld [tilespmem:$0x1FF20];
	v16 =	vadd.f32 v0, v50;
	v13 =	vmul.f32 v56, v13;
	v14 =	vmax.f32 v14, $0.0e+00  }
0x655: {  	p1 =	seq.s32 s4, $0x1;
	v61 =	vld [tilespmem:$0x1FB30];
	v19 =	vsub.f32 v47, v49;
	v24 =	vmul.f32 v14, v12;
	v12 =	vadd.f32 v0, v39  }
0x656: {  	v28 =	vpop (erf);
	v53 =	vsub.f32 v16, v17;
	v14 =	vmax.f32 v45, $0.0e+00;
	v27 =	vpsel !p1, $0xBF800000, v13  }
0x657: {  	v60 =	vld [tilespmem:$0x1FA30];
	v29 =	vpop (erf);
	v31 =	vadd.f32 v0, v30;
	v45 =	vsel vm6, v9, v42;
	v54 =	vmax.f32 v19, $0.0e+00  }
0x658: {  	v19 =	vmin.f32 v35, v62;
	v20 =	vmul.f32 v29, v20;
	v12 =	vsub.f32 v12, v18  }
0x659: {  	v52 =	vsub.f32 v15, v24;
	v16 =	vmul.f32 v54, v14;
	v14 =	vadd.f32 v0, v55  }
0x65a: {  	s8 =	sld [smem:$0x7CE];
	v58 =	vmax.f32 v53, $9.999999930e-09;
	v15 =	vmax.f32 v34, v61;
	v12 =	vmax.f32 v12, $9.999999930e-09  }
0x65b: {  	s3 =	sld [smem:$0x7D9];
	v19 =	vsub.f32 v19, v25;
	v53 =	vld [tilespmem:$0x1FC90];
	(erf) = vrcp.f32 v12;
	v12 =	vmax.f32 v52, $9.999999930e-09  }
0x65c: {  	s10 =	sld [smem:$0x7CB];
	v32 =	vpop (erf);
	v54 =	vld [tilespmem:$0x1FE10];
	v59 =	vsub.f32 v14, v16;
	v14 =	vmin.f32 v36, v60;
	(erf) = vrcp.f32 v12  }
0x65d: {  	s5 =	sld [smem:$0x7D6];
	p5 =	seq.s32 s8, $0x1;
	vm7 =	vgt.f32 v5, v45;
	v38 =	vmul.f32 v32, v22;
	v15 =	vsub.f32 v14, v15  }
0x65e: {  	s9 =	sld [smem:$0x7CD];
	p6 =	seq.s32 s3, $0x1;
	v62 =	vld [tilespmem:$0x1FCB0];
	v39 =	vpsel !p5, $0xBF800000, v20;
	v19 =	vmax.f32 v19, $0.0e+00;
	(erf) = vrcp.f32 v58  }
0x65f: {  	s11 =	sld [smem:$0x7CA];
	p1 =	seq.s32 s10, $0x1;
	v14 =	vpsel p6, v11, v51;
	v12 =	vmax.f32 v59, $9.999999930e-09;
	v15 =	vmax.f32 v15, $0.0e+00  }
0x660: {  	s6 =	sld [smem:$0x7D1];
	v40 =	vpsel !p1, $0xBF800000, v38;
	(erf) = vrcp.f32 v12;
	v19 =	vmul.f32 v19, v15  }
0x661: {  	s7 =	sld [smem:$0x7D0];
	p2 =	seq.s32 s5, $0x1;
	v51 =	vld [tilespmem:$0x1FA40];
	v22 =	vmin.f32 v35, v53;
	v23 =	vmax.f32 v33, v54;
	v12 =	vmul.f32 v28, v21  }
0x662: {  	s12 =	sld [smem:$0x7C6];
	p6 =	seq.s32 s9, $0x1;
	v52 =	vld [tilespmem:$0x1FB40];
	v15 =	vpsel p2, v13, v27;
	p2 =	seq.s32 s11, $0x1;
	v22 =	vsub.f32 v22, v23;
	v21 =	vsub.f32 v31, v19  }
0x663: {  	s13 =	sld [smem:$0x7C5];
	p3 =	seq.s32 s6, $0x1;
	v11 =	vpsel p6, v20, v39;
	v20 =	vmin.f32 v35, v62;
	v7 =	vpsel p2, v38, v40  }
0x664: {  	s14 =	sld [smem:$0x7C3];
	p4 =	seq.s32 s7, $0x1;
	v37 =	vpsel !p3, $0xBF800000, v12;
	v56 =	vmax.f32 v22, $0.0e+00;
	v21 =	vmax.f32 v21, $9.999999930e-09;
	v41 =	vpop (erf)  }
0x665: {  	s15 =	sld [smem:$0x7C2];
	v12 =	vpsel p4, v12, v37;
	(erf) = vrcp.f32 v21;
	v21 =	vsel vm7, v5, v45;
	v43 =	vpop (erf)  }
0x666: {  	s16 =	sld [smem:$0x7C0];
	v63 =	vld [tilespmem:$0x1FE30];
	v18 =	vmul.f32 v41, v18;
	vm4 =	vgt.f32 v6, v21;
	v13 =	vmul.f32 v43, v24  }
0x667: {  	s17 =	sld [smem:$0x7BD];
	v30 =	vld [tilespmem:$0x1FB60];
	p3 =	seq.s32 s12, $0x1;
	v46 =	vpop (erf);
	v50 =	vsel vm4, v6, v21;
	v6 =	vmin.f32 v36, v51;
	v21 =	vmax.f32 v34, v52  }
0x668: {  	s18 =	sld [smem:$0x7BF];
	p5 =	seq.s32 s14, $0x1;
	v59 =	vld [tilespmem:$0x1FF40];
	p4 =	seq.s32 s13, $0x1;
	v44 =	vpsel !p3, $0xBF800000, v18;
	v17 =	vmul.f32 v46, v17;
	v21 =	vsub.f32 v6, v21  }
0x669: {  	v42 =	vld [tilespmem:$0x1FE60];
	p6 =	seq.s32 s15, $0x1;
	v47 =	vpop (erf);
	vm5 =	vgt.f32 v2, v50;
	v9 =	vpsel p4, v18, v44;
	v48 =	vpsel !p5, $0xBF800000, v13  }
0x66a: {  	v29 =	vld [tilespmem:$0x1FA60];
	p1 =	seq.s32 s16, $0x1;
	v16 =	vmul.f32 v47, v16;
	v2 =	vsel vm5, v2, v50;
	v5 =	vpsel p6, v13, v48  }
0x66b: {  	s19 =	sld [smem:$0x7BC];
	v60 =	vld [tilespmem:$0x1FA50];
	p2 =	seq.s32 s17, $0x1;
	p3 =	seq.s32 s18, $0x1;
	v49 =	vpsel !p1, $0xBF800000, v17;
	vm1 =	vgt.f32 v8, v2;
	v55 =	vmax.f32 v21, $0.0e+00  }
0x66c: {  	v61 =	vld [tilespmem:$0x1FB50];
	v21 =	vmax.f32 v33, v63;
	v18 =	vpsel !p2, $0xBF800000, v16;
	v13 =	vpsel p3, v17, v49  }
0x66d: {  	v44 =	vld [tilespmem:$0x1FB80];
	v2 =	vsel vm1, v8, v2;
	v17 =	vadd.f32 v0, v59;
	v23 =	vsub.f32 v20, v21  }
0x66e: {  	v28 =	vld [tilespmem:$0x1FF50];
	p4 =	seq.s32 s19, $0x1;
	v20 =	vmax.f32 v34, v30;
	v21 =	vmax.f32 v33, v42;
	vm0 =	vgt.f32 v4, v2  }
0x66f: {  	v38 =	vld [tilespmem:$0x1FE40];
	v6 =	vpsel p4, v16, v18;
	v16 =	vmul.f32 v56, v55;
	v2 =	vsel vm0, v4, v2  }
0x670: {  	s20 =	sld [smem:$0x7BA];
	v40 =	vld [tilespmem:$0x1FB70];
	v18 =	vmin.f32 v36, v60;
	v26 =	vmax.f32 v23, $0.0e+00;
	v58 =	vpop (erf);
	vm2 =	vgt.f32 v3, v2  }
0x671: {  	v43 =	vld [tilespmem:$0x1FA80];
	v17 =	vsub.f32 v17, v16;
	v8 =	vmul.f32 v58, v19;
	v19 =	vmax.f32 v34, v61  }
0x672: {  	v23 =	vmax.f32 v34, v44;
	v2 =	vsel vm2, v3, v2;
	v22 =	vsub.f32 v18, v19  }
0x673: {  	s22 =	sld [smem:$0x7B9];
	v53 =	vld [tilespmem:$0x1FB90];
	p5 =	seq.s32 s20, $0x1;
	vm3 =	vgt.f32 v10, v2;
	v27 =	vmax.f32 v17, $9.999999930e-09;
	v17 =	vadd.f32 v0, v28  }
0x674: {  	v48 =	vld [tilespmem:$0x1FE70];
	v18 =	vmin.f32 v36, v29;
	v24 =	vpsel !p5, $0xBF800000, v8;
	v2 =	vsel vm3, v10, v2  }
0x675: {  	v37 =	vld [tilespmem:$0x1FCC0];
	(erf) = vrcp.f32 v27;
	v31 =	vsub.f32 v18, v20;
	v18 =	vmax.f32 v33, v38  }
0x676: {  	v39 =	vld [tilespmem:$0x1FA70];
	p6 =	seq.s32 s22, $0x1;
	v20 =	vmax.f32 v34, v40;
	v25 =	vmax.f32 v22, $0.0e+00;
	v22 =	vmin.f32 v36, v43  }
0x677: {  	v41 =	vld [tilespmem:$0x1FCE0];
	vm8 =	vgt.f32 v1, v2;
	v8 =	vpsel p6, v8, v24;
	v3 =	vmul.f32 v26, v25  }
0x678: {  	v51 =	vld [tilespmem:$0x1FF70];
	v46 =	vsub.f32 v22, v23;
	v4 =	vmax.f32 v31, $0.0e+00;
	v1 =	vsel vm8, v1, v2  }
0x679: {  	v47 =	vld [tilespmem:$0x1FCF0];
	v22 =	vmax.f32 v33, v48;
	v23 =	vmax.f32 v34, v53;
	vm9 =	vgt.f32 v14, v1  }
0x67a: {  	v26 =	vld [tilespmem:$0x1FBA0];
	v32 =	vsub.f32 v17, v3;
	v17 =	vmin.f32 v35, v37;
	v1 =	vsel vm9, v14, v1  }
0x67b: {  	v52 =	vld [tilespmem:$0x1FA90];
	v17 =	vsub.f32 v17, v18;
	v18 =	vmin.f32 v36, v39;
	vm10 =	vgt.f32 v15, v1  }
0x67c: {  	v55 =	vld [tilespmem:$0x1FD10];
	v18 =	vsub.f32 v18, v20;
	v10 =	vmax.f32 v32, $9.999999930e-09;
	v20 =	vmin.f32 v35, v41  }
0x67d: {  	v56 =	vld [tilespmem:$0x1FE90];
	v1 =	vsel vm10, v15, v1;
	(erf) = vrcp.f32 v10;
	v45 =	vsub.f32 v20, v21  }
0x67e: {  	v50 =	vld [tilespmem:$0x1FF60];
	v17 =	vmax.f32 v17, $0.0e+00;
	v21 =	vmin.f32 v35, v47;
	v20 =	vmax.f32 v46, $0.0e+00  }
0x67f: {  	v58 =	vld [tilespmem:$0x1FF80];
	v19 =	vmax.f32 v34, v26;
	vm11 =	vgt.f32 v12, v1;
	v18 =	vmax.f32 v18, $0.0e+00  }
0x680: {  	v38 =	vld [tilespmem:$0x1FFA0];
	v4 =	vmul.f32 v17, v4;
	v49 =	vsub.f32 v21, v22;
	v21 =	vadd.f32 v0, v51  }
0x681: {  	v22 =	vmin.f32 v36, v52;
	v1 =	vsel vm11, v12, v1;
	v10 =	vmax.f32 v45, $0.0e+00  }
0x682: {  	v54 =	vsub.f32 v22, v23;
	v22 =	vmin.f32 v35, v55;
	v23 =	vmax.f32 v33, v56  }
0x683: {  	vm12 =	vgt.f32 v11, v1;
	v10 =	vmul.f32 v10, v18;
	v18 =	vadd.f32 v0, v50  }
0x684: {  	v63 =	vld [tilespmem:$0x1FF90];
	v29 =	vpop (erf);
	v17 =	vmax.f32 v49, $0.0e+00;
	v22 =	vsub.f32 v22, v23;
	v23 =	vadd.f32 v0, v58  }
0x685: {  	v28 =	vld [tilespmem:$0x1FEA0];
	v30 =	vmul.f32 v29, v16;
	v16 =	vadd.f32 v0, v38;
	v1 =	vsel vm12, v11, v1  }
0x686: {  	v25 =	vld [tilespmem:$0x1FAA0];
	v49 =	vsel vm6, $0x1, v57;
	v17 =	vmul.f32 v17, v20;
	v20 =	vmax.f32 v54, $0.0e+00  }
0x687: {  	v27 =	vld [tilespmem:$0x1FD20];
	vm13 =	vgt.f32 v7, v1;
	v51 =	vsel vm7, $0x2, v49;
	v18 =	vsub.f32 v18, v4  }
0x688: {  	v21 =	vsub.f32 v21, v10;
	v22 =	vmax.f32 v22, $0.0e+00;
	v1 =	vsel vm13, v7, v1  }
0x689: {  	v60 =	vsub.f32 v23, v17;
	v61 =	vmul.f32 v22, v20;
	v20 =	vadd.f32 v0, v63  }
0x68a: {  	s23 =	sld [smem:$0x7B6];
	vm14 =	vgt.f32 v9, v1;
	v18 =	vmax.f32 v18, $9.999999930e-09;
	v59 =	vmax.f32 v21, $9.999999930e-09  }
0x68b: {  	(erf) = vrcp.f32 v18;
	v24 =	vsub.f32 v20, v61;
	v18 =	vmin.f32 v36, v25  }
0x68c: {  	v20 =	vmax.f32 v33, v28;
	v18 =	vsub.f32 v18, v19;
	v19 =	vmin.f32 v35, v27  }
0x68d: {  	s24 =	sld [smem:$0x7B5];
	p1 =	seq.s32 s23, $0x1;
	v58 =	vld [tilespmem:$0x1FBD0];
	v62 =	vmax.f32 v60, $9.999999930e-09;
	(erf) = vrcp.f32 v59;
	v19 =	vsub.f32 v19, v20  }
0x68e: {  	v57 =	vld [tilespmem:$0x1FAC0];
	v39 =	vpsel !p1, $0xBF800000, v30;
	v1 =	vsel vm14, v9, v1;
	(erf) = vrcp.f32 v62  }
0x68f: {  	s25 =	sld [smem:$0x7B3];
	v52 =	vld [tilespmem:$0x1FAB0];
	v14 =	vmax.f32 v24, $9.999999930e-09;
	v31 =	vmax.f32 v18, $0.0e+00;
	v32 =	vmax.f32 v19, $0.0e+00  }
0x690: {  	p2 =	seq.s32 s24, $0x1;
	v21 =	vld [tilespmem:$0x1FAD0];
	vm15 =	vgt.f32 v5, v1;
	v37 =	vpop (erf);
	(erf) = vrcp.f32 v14;
	v14 =	vmul.f32 v32, v31  }
0x691: {  	s28 =	sld [smem:$0x7B2];
	v42 =	vpsel p2, v30, v39;
	v60 =	vld [tilespmem:$0x1FED0];
	v1 =	vsel vm15, v5, v1;
	v3 =	vmul.f32 v37, v3  }
0x692: {  	s26 =	sld [smem:$0x7B0];
	p3 =	seq.s32 s25, $0x1;
	v15 =	vmax.f32 v34, v58;
	v27 =	vld [tilespmem:$0x1FD80];
	vm6 =	vgt.f32 v13, v1;
	v41 =	vsub.f32 v16, v14  }
0x693: {  	s29 =	sld [smem:$0x7AF];
	v55 =	vld [tilespmem:$0x1FEC0];
	v1 =	vsel vm6, v13, v1;
	v13 =	vmin.f32 v36, v57;
	v43 =	vpsel !p3, $0xBF800000, v3  }
0x694: {  	s30 =	sld [smem:$0x7AD];
	p5 =	seq.s32 s28, $0x1;
	v28 =	vld [tilespmem:$0x1FF00];
	vm7 =	vgt.f32 v6, v1;
	v13 =	vsub.f32 v13, v15;
	v11 =	vmax.f32 v41, $9.999999930e-09  }
0x695: {  	s31 =	sld [smem:$0x7AC];
	v12 =	vmin.f32 v36, v21;
	v3 =	vpsel p5, v3, v43;
	v40 =	vpop (erf);
	(erf) = vrcp.f32 v11  }
0x696: {  	s1 =	sld [smem:$0x7AA];
	v39 =	vld [tilespmem:$0x1FF10];
	v1 =	vsel vm7, v6, v1;
	v6 =	vmin.f32 v36, v52;
	v4 =	vmul.f32 v40, v4  }
0x697: {  	s2 =	sld [smem:$0x7A9];
	p4 =	seq.s32 s26, $0x1;
	v53 =	vld [tilespmem:$0x1FBC0];
	v15 =	vmax.f32 v33, v60;
	v13 =	vmax.f32 v13, $0.0e+00;
	v16 =	vmin.f32 v35, v27;
	v45 =	vpop (erf)  }
0x698: {  	s3 =	sld [smem:$0x7A7];
	p6 =	seq.s32 s29, $0x1;
	v54 =	vld [tilespmem:$0x1FD40];
	v11 =	vmax.f32 v33, v55;
	v7 =	vmul.f32 v45, v10;
	v46 =	vpop (erf);
	v44 =	vpsel !p4, $0xBF800000, v4  }
0x699: {  	p1 =	seq.s32 s30, $0x1;
	v9 =	vmul.f32 v46, v17;
	v47 =	vpop (erf);
	v17 =	vmax.f32 v33, v28;
	v4 =	vpsel p6, v4, v44  }
0x69a: {  	s4 =	sld [smem:$0x7A6];
	p2 =	seq.s32 s31, $0x1;
	v59 =	vld [tilespmem:$0x1FD50];
	p3 =	seq.s32 s1, $0x1;
	v10 =	vpsel !p1, $0xBF800000, v7;
	v2 =	vmul.f32 v47, v61;
	v30 =	vsub.f32 v16, v17  }
0x69b: {  	p5 =	seq.s32 s3, $0x1;
	p4 =	seq.s32 s2, $0x1;
	v16 =	vmax.f32 v33, v39;
	v7 =	vpsel p2, v7, v10;
	v48 =	vpsel !p3, $0xBF800000, v9  }
0x69c: {  	v10 =	vmax.f32 v34, v53;
	v5 =	vpsel p4, v9, v48;
	v50 =	vpsel !p5, $0xBF800000, v2  }
0x69d: {  	v22 =	vld [tilespmem:$0x1FBF0];
	p6 =	seq.s32 s4, $0x1;
	v6 =	vsub.f32 v6, v10;
	v10 =	vmin.f32 v35, v54;
	v9 =	vsel vm4, $0x3, v51  }
0x69e: {  	v19 =	vld [tilespmem:$0x1FFC0];
	vm4 =	vgt.f32 v8, v1;
	v2 =	vpsel p6, v2, v50;
	v10 =	vsub.f32 v10, v11;
	v56 =	vpop (erf)  }
0x69f: {  	v61 =	vld [tilespmem:$0x1FFB0];
	v1 =	vsel vm4, v8, v1;
	v11 =	vmul.f32 v56, v14;
	v14 =	vmin.f32 v35, v59  }
0x6a0: {  	v23 =	vld [tilespmem:$0x1FD70];
	v9 =	vsel vm5, $0x4, v9;
	v6 =	vmax.f32 v6, $0.0e+00;
	v14 =	vsub.f32 v14, v15  }
0x6a1: {  	v24 =	vld [tilespmem:$0x1FEF0];
	vm5 =	vgt.f32 v42, v1;
	v9 =	vsel vm1, $0x5, v9;
	v10 =	vmax.f32 v10, $0.0e+00  }
0x6a2: {  	v1 =	vsel vm5, v42, v1;
	v9 =	vsel vm0, $0x6, v9;
	v14 =	vmax.f32 v14, $0.0e+00  }
0x6a3: {  	v26 =	vld [tilespmem:$0x1FC00];
	v6 =	vmul.f32 v10, v6;
	v63 =	vmul.f32 v14, v13;
	v13 =	vadd.f32 v0, v19  }
0x6a4: {  	v25 =	vld [tilespmem:$0x1FAE0];
	v10 =	vadd.f32 v0, v61;
	vm1 =	vgt.f32 v3, v1;
	v9 =	vsel vm2, $0x7, v9  }
0x6a5: {  	v32 =	vld [tilespmem:$0x1FAF0];
	v1 =	vsel vm1, v3, v1;
	v20 =	vsub.f32 v13, v63;
	v13 =	vmax.f32 v34, v22  }
0x6a6: {  	v14 =	vmax.f32 v33, v24;
	v12 =	vsub.f32 v12, v13;
	v13 =	vmin.f32 v35, v23  }
0x6a7: {  	v9 =	vsel vm3, $0x8, v9;
	v10 =	vsub.f32 v10, v6;
	v13 =	vsub.f32 v13, v14  }
0x6a8: {  	v38 =	vld [tilespmem:$0x1FDA0];
	v15 =	vmax.f32 v34, v26;
	v9 =	vsel vm8, $0x9, v9;
	vm0 =	vgt.f32 v4, v1  }
0x6a9: {  	v37 =	vld [tilespmem:$0x1FC20];
	v42 =	vsel vm9, $0xA, v9;
	v12 =	vmax.f32 v12, $0.0e+00;
	v13 =	vmax.f32 v13, $0.0e+00  }
0x6aa: {  	v14 =	vmin.f32 v36, v25;
	v31 =	vmul.f32 v13, v12;
	v12 =	vmin.f32 v36, v32;
	v36 =	vld [tilespmem:$0x1FFD0]  }
0x6ab: {  	v41 =	vld [tilespmem:$0x1FFE0];
	v1 =	vsel vm0, v4, v1;
	v10 =	vmax.f32 v10, $9.999999930e-09;
	v4 =	vsel vm10, $0xB, v42  }
0x6ac: {  	(erf) = vrcp.f32 v10;
	v10 =	vmax.f32 v20, $9.999999930e-09;
	v29 =	vsub.f32 v14, v15  }
0x6ad: {  	s5 =	sld [smem:$0x7A3];
	v4 =	vsel vm11, $0xC, v4;
	(erf) = vrcp.f32 v10;
	v15 =	vmin.f32 v35, v38  }
0x6ae: {  	v45 =	vld [tilespmem:$0x1FFF0];
	v14 =	vmax.f32 v30, $0.0e+00;
	v40 =	vsub.f32 v15, v16;
	v10 =	vmax.f32 v29, $0.0e+00  }
0x6af: {  	v10 =	vmul.f32 v14, v10;
	v14 =	vmax.f32 v34, v37;
	v13 =	vadd.f32 v0, v36  }
0x6b0: {  	p1 =	seq.s32 s5, $0x1;
	v4 =	vsel vm12, $0xD, v4;
	v15 =	vadd.f32 v0, v41;
	v12 =	vsub.f32 v12, v14  }
0x6b1: {  	v62 =	vpsel !p1, $0xBF800000, v11;
	v4 =	vsel vm13, $0xE, v4;
	v13 =	vsub.f32 v13, v31  }
0x6b2: {  	v44 =	vmax.f32 v40, $0.0e+00;
	v43 =	vsub.f32 v15, v10;
	v12 =	vmax.f32 v12, $0.0e+00  }
0x6b3: {  	v12 =	vmul.f32 v44, v12;
	v0 =	vadd.f32 v0, v45;
	v13 =	vmax.f32 v13, $9.999999930e-09  }
0x6b4: {  	vm13 =	vgt.f32 v7, v1;
	v4 =	vsel vm14, $0xF, v4;
	(erf) = vrcp.f32 v13  }
0x6b5: {  	s6 =	sld [smem:$0x7A2];
	v4 =	vsel vm15, $0x10, v4;
	v9 =	vmax.f32 v43, $9.999999930e-09;
	v0 =	vsub.f32 v0, v12  }
0x6b6: {  	v1 =	vsel vm13, v7, v1;
	v4 =	vsel vm6, $0x11, v4;
	(erf) = vrcp.f32 v9  }
0x6b7: {  	vm15 =	vgt.f32 v5, v1;
	v4 =	vsel vm7, $0x12, v4;
	v0 =	vmax.f32 v0, $9.999999930e-09  }
0x6b8: {  	s7 =	sld [smem:$0x7A0];
	p2 =	seq.s32 s6, $0x1;
	v1 =	vsel vm15, v5, v1;
	v4 =	vsel vm4, $0x13, v4;
	v46 =	vpop (erf);
	(erf) = vrcp.f32 v0  }
0x6b9: {  	s8 =	sld [smem:$0x79F];
	v11 =	vpsel p2, v11, v62;
	vm9 =	vgt.f32 v2, v1;
	v52 =	vsel vm5, $0x14, v4  }
0x6ba: {  	s9 =	sld [smem:$0x79C];
	v1 =	vsel vm9, v2, v1;
	v3 =	vsel vm1, $0x15, v52;
	v6 =	vmul.f32 v46, v6  }
0x6bb: {  	s10 =	sld [smem:$0x79B];
	p3 =	seq.s32 s7, $0x1;
	vm10 =	vgt.f32 v11, v1;
	v3 =	vsel vm0, $0x16, v3;
	v48 =	vpop (erf)  }
0x6bc: {  	s11 =	sld [smem:$0x799];
	p4 =	seq.s32 s8, $0x1;
	v3 =	vsel vm13, $0x17, v3;
	v47 =	vpsel !p3, $0xBF800000, v6;
	v0 =	vmul.f32 v48, v63  }
0x6bd: {  	s12 =	sld [smem:$0x798];
	p5 =	seq.s32 s9, $0x1;
	v1 =	vsel vm10, v11, v1;
	v3 =	vsel vm15, $0x18, v3;
	v49 =	vpsel p4, v6, v47;
	v51 =	vpop (erf)  }
0x6be: {  	s13 =	sld [smem:$0x795];
	p6 =	seq.s32 s10, $0x1;
	vm11 =	vgt.f32 v49, v1;
	v50 =	vpsel !p5, $0xBF800000, v0;
	v2 =	vmul.f32 v51, v31  }
0x6bf: {  	s14 =	sld [smem:$0x794];
	p1 =	seq.s32 s11, $0x1;
	v3 =	vsel vm9, $0x19, v3;
	v1 =	vsel vm11, v49, v1;
	v0 =	vpsel p6, v0, v50;
	v54 =	vpop (erf)  }
0x6c0: {  	s15 =	sld [smem:$0x792];
	p2 =	seq.s32 s12, $0x1;
	vm12 =	vgt.f32 v0, v1;
	v55 =	vmul.f32 v54, v10;
	v53 =	vpsel !p1, $0xBF800000, v2  }
0x6c1: {  	s16 =	sld [smem:$0x791];
	p3 =	seq.s32 s13, $0x1;
	v3 =	vsel vm10, $0x1A, v3;
	v0 =	vsel vm12, v0, v1;
	v57 =	vpop (erf);
	v2 =	vpsel p2, v2, v53  }
0x6c2: {  	p4 =	seq.s32 s14, $0x1;
	v1 =	vmul.f32 v57, v12;
	v56 =	vpsel !p3, $0xBF800000, v55;
	vm13 =	vgt.f32 v2, v0  }
0x6c3: {  	v3 =	vsel vm11, $0x1B, v3;
	p5 =	seq.s32 s15, $0x1;
	v4 =	vpsel p4, v55, v56;
	v0 =	vsel vm13, v2, v0  }
0x6c4: {  	p6 =	seq.s32 s16, $0x1;
	v3 =	vsel vm12, $0x1C, v3;
	v58 =	vpsel !p5, $0xBF800000, v1;
	vm14 =	vgt.f32 v4, v0  }
0x6c5: {  	v1 =	vpsel p6, v1, v58;
	v59 =	vsel vm13, $0x1D, v3;
	v0 =	vsel vm14, v4, v0  }
0x6c6: {  	v2 =	vsel vm14, $0x1E, v59;
	vm15 =	vgt.f32 v1, v0  }
0x6c7: {  	v2 =	vsel vm15, $0x1F, v2;
	_ =	sdelay $0x2  }
0x6c8: {  	v0 =	vsel vm15, v1, v0  }
0x6c9: {  	[tilespmem:$0x32C0] =	vst v0  }
0x6ca: {  	v0 =	vld.idx.msk [tilespmem:v2+s21+$0x0], $0xffff  }
0x6cb: {  	v60 =	vadd.s32 $0x20, v2;
	_ =	sdelay $0x3  }
0x6cc: {  	[tilespmem:$0x3CC0] =	vst v0  }
0x6cd: {  	v0 =	vld.idx.msk [tilespmem:v60+s21+$0x0], $0xffff  }
0x6ce: {  	v61 =	vadd.s32 $0x40, v2;
	_ =	sdelay $0x3  }
0x6cf: {  	[tilespmem:$0x46C0] =	vst v0  }
0x6d0: {  	v0 =	vld.idx.msk [tilespmem:v61+s21+$0x0], $0xffff  }
0x6d1: {  	v62 =	vadd.s32 $0x60, v2;
	_ =	sdelay $0x3  }
0x6d2: {  	[tilespmem:$0x50C0] =	vst v0  }
0x6d3: {  	v0 =	vld.idx.msk [tilespmem:v62+s21+$0x0], $0xffff  }
0x6d4: {  	v63 =	vor.u32 $0x80, v2;
	_ =	sdelay $0x3  }
0x6d5: {  	[tilespmem:$0x5AC0] =	vst v0  }
0x6d6: {  	v0 =	vld.idx.msk [tilespmem:v63+s21+$0x0], $0xffff;
	_ =	sdelay $0x3  }
0x6d7: {  	s17 =	rddreg [dreg:$0x7];
	s1 =	simm.s32 $0x400  }
0x6d8: {  	s3 =	simm.s32 $0x2900;
	s2 =	simm.s32 $0x80;
	s4 =	simm.s32 $0x1;
	[tilespmem:$0x64C0] =	vst v0  }
0x6d9: {  	[hbm4b:s17+s2] =	stream.strided.scatter [tilespmem:s3], [sflag:$0x1], $0xA00, s1, s2, $0x38;
	[tilespmem:$0x6500] =	vst v63  }
0x6da: {  	_ =	swait.ge [sflag:s4], $0xA00  }
0x6db: {  	[sflag:s4] =	ssyncset.done $0x0  }
0x6dc: {  	s19 =	simm.s32 $0x3300;
	s18 =	rddreg [dreg:$0x8];
	[sflag:s4] =	ssyncadd.s32 $0xFFFFF600  }
0x6dd: {  	[hbm4b:s18+s2] =	stream.strided.scatter [tilespmem:s19], [sflag:$0x1], $0xA00, s1, s2, $0x38;
	[tilespmem:$0x6500] =	vst v63  }
0x6de: {  	_ =	swait.ge [sflag:s4], $0xA00  }
0x6df: {  	[sflag:s4] =	ssyncset.done $0x0  }
0x6e0: {  	s22 =	simm.s32 $0x3D00;
	s20 =	rddreg [dreg:$0x9];
	[sflag:s4] =	ssyncadd.s32 $0xFFFFF600  }
0x6e1: {  	[hbm4b:s20+s2] =	stream.strided.scatter [tilespmem:s22], [sflag:$0x1], $0xA00, s1, s2, $0x38;
	[tilespmem:$0x6500] =	vst v63  }
0x6e2: {  	_ =	swait.ge [sflag:s4], $0xA00  }
0x6e3: {  	[sflag:s4] =	ssyncset.done $0x0  }
0x6e4: {  	s24 =	simm.s32 $0x4700;
	s23 =	rddreg [dreg:$0xa];
	[sflag:s4] =	ssyncadd.s32 $0xFFFFF600  }
0x6e5: {  	[hbm4b:s23+s2] =	stream.strided.scatter [tilespmem:s24], [sflag:$0x1], $0xA00, s1, s2, $0x38;
	[tilespmem:$0x6500] =	vst v63  }
0x6e6: {  	_ =	swait.ge [sflag:s4], $0xA00  }
0x6e7: {  	[sflag:s4] =	ssyncset.done $0x0  }
0x6e8: {  	s26 =	simm.s32 $0x5100;
	s25 =	rddreg [dreg:$0xb];
	[sflag:s4] =	ssyncadd.s32 $0xFFFFF600  }
0x6e9: {  	[hbm4b:s25+s2] =	stream.strided.scatter [tilespmem:s26], [sflag:$0x1], $0xA00, s1, s2, $0x38;
	[tilespmem:$0x6500] =	vst v63  }
0x6ea: {  	_ =	swait.ge [sflag:s4], $0xA00  }
0x6eb: {  	[sflag:s4] =	ssyncset.done $0x0  }
0x6ec: {  	s29 =	simm.s32 $0x5B00;
	s28 =	rddreg [dreg:$0xc];
	[sflag:s4] =	ssyncadd.s32 $0xFFFFF600  }
0x6ed: {  	[hbm4b:s28+s2] =	stream.strided.scatter [tilespmem:s29], [sflag:$0x1], $0xA00, s1, s2, $0x38;
	[tilespmem:$0x6500] =	vst v63  }
0x6ee: {  	_ =	swait.ge [sflag:s4], $0xA00  }
0x6ef: {  	s30 =	rddreg [dreg:$0xe]  }
0x6f0: {  	s31 =	rddreg [dreg:$0xd];
	s1 =	sadd.s32 $0x1, s30  }
0x6f1: {  	p0 =	sne.s32 s1, s31  }
.Ltmp1:
0x6f2: {  	_ = 	snop;
	(pc) =	sbr.rel @p0 .LBB2_1-.Ltmp1, $3  }
0x6f3: {  	_ =	sdelay $0x1  }
0x6f4: {  	[sflag:s4] =	ssyncset.done $0x0  }
0x6f5: {  	[sflag:s4] =	ssyncadd.s32 $0xFFFFF600  }
0x6f6: {  	_ =	sfence.sel $0x180000  }
0x6f7: {  	[bflag:$0x0] =	sbarrier.arrive $0xFFFF  }
0x6f8: {  	_ =	strace $0x90000047  }
0x6f9: {  	s0 =	stileid.u32;
	[bflag:$0x2] =	sbarrier.arrive $0xFFFF  }
0x6fa: {  	p0 =	sne.s32 s0, $0x0;
	s0 =	rddreg [dreg:$0x1]  }
0x6fb: {  	s0 =	sadd.s32 @!p0 $0x100000, s0  }
0x6fc: {  	[sflag:s0] =	ssyncadd.tile.s32 @!p0 $0x1;
	_ =	shalt  }
.Lfunc_end2:
_tile_overlayer_lowered:
.L_overlay_start_2:
0x6fd: {  	(tag) =	ssettag $0x2  }
0x6fe: {  	s0 =	rddreg [dreg:$0x0];
	s2 =	stileid.u32  }
0x6ff: {  	s1 =	rddreg [dreg:$0x1];
	p0 =	sne.s32 s2, $0x0  }
0x700: {  	s3 =	rddreg [dreg:$0x2];
	[bflag:$0x3] =	sbarrier.arrive $0xFFFF;
	s2 =	simm.s32 @!p0 $0x1C01  }
0x701: {  	[timem:s3], [sflag:s2] =	dma.local @!p0 [hbm:s0], s1  }
0x702: {  	s0 =	simm.s32 @!p0 $0x1  }
0x703: {  	_ =	swait.ge @!p0 [sflag:s0], s1  }
0x704: {  	s1 =	ssub.s32 @!p0 $0x0, s1;
	[sflag:s0] =	ssyncset.done @!p0 $0x0  }
0x705: {  	[sflag:s0] =	ssyncadd.s32 @!p0 s1  }
0x706: {  	[bflag:$0x3] =	sbarrier.arrive $0xFFFF  }
0x707: {  	_ =	shalt  }

</sc_bundles>
